<compile_context>
chip_gen: v7x
topology: tpu7x:2x2x1
jax: 0.10.2.dev20260603
libtpu: 0.0.44.dev20260713+nightly
codegen_flags: <defaults>
</compile_context>

<pallas_src>
import functools

import jax
import jax.numpy as jnp
from jax import lax
from jax.experimental import pallas as pl
from jax.experimental.pallas import tpu as pltpu
from jax.experimental.pallas import tpu_sc as plsc

DIAM = 512
EDIM = 64
TSTRIDE = 65


def _renorm_body(t_ref, o_ref):
    t = t_ref[...]
    norms = jnp.max(jnp.abs(t), axis=1, keepdims=True)
    scale = jnp.where(norms > 1.0, 1.0 / (norms + 1e-7), 1.0)
    o_ref[...] = t * scale


def _renorm(table):
    return pl.pallas_call(
        _renorm_body,
        out_shape=jax.ShapeDtypeStruct(table.shape, table.dtype),
    )(table)


def _sc_gather_t(x, table):
    NB_, T = x.shape
    V = table.shape[0]
    NW = 32
    BPW = NB_ // NW
    NB = 2
    n_tg = T // NB
    assert BPW * NW == NB_ and n_tg * NB == T

    mesh = plsc.VectorSubcoreMesh(core_axis_name="c", subcore_axis_name="s")

    @functools.partial(
        pl.kernel,
        mesh=mesh,
        compiler_params=pltpu.CompilerParams(needs_layout_passes=False),
        out_type=jax.ShapeDtypeStruct((T, EDIM, NB_), jnp.float32),
        scratch_types=[
            pltpu.VMEM((2, 64, EDIM), jnp.float32),
            pltpu.VMEM((V * TSTRIDE,), jnp.float32),
            pltpu.VMEM((BPW, T), jnp.int32),
            pltpu.VMEM((T, BPW), jnp.int32),
            pltpu.VMEM((NB, EDIM, BPW), jnp.float32),
            pltpu.SemaphoreType.DMA((2,)),
            pltpu.SemaphoreType.DMA,
            pltpu.SemaphoreType.DMA((NB,)),
        ],
    )
    def k(x_hbm, tbl_hbm, out_hbm, stg_v, tbl_v, idx_v, idxt_v, tiles_v,
          sem_t, sem_i, sem_s):
        wid = lax.axis_index("s") * 2 + lax.axis_index("c")
        b0 = wid * BPW
        lanes = lax.broadcasted_iota(jnp.int32, (16,), 0)


        copy_i = pltpu.make_async_copy(x_hbm.at[pl.ds(b0, BPW)], idx_v, sem_i)
        copy_i.start()

        def stage_copy(s):
            r0, nr = (s * 64, 64) if s < 8 else (512, 1)
            return pltpu.make_async_copy(
                tbl_hbm.at[pl.ds(r0, nr)],
                stg_v.at[s % 2].at[pl.ds(0, nr)], sem_t.at[s % 2])

        stage_copy(0).start()
        for s in range(9):
            if s < 8:
                stage_copy(s + 1).start()
            stage_copy(s).wait()
            r0, nr = (s * 64, 64) if s < 8 else (512, 1)
            sb = s % 2

            @plsc.parallel_loop(0, nr, unroll=4 if nr > 1 else 1)
            def repack(r):
                base = (r0 + r) * TSTRIDE
                for kk in range(EDIM // 16):
                    v = stg_v[sb, r, pl.ds(kk * 16, 16)]
                    plsc.store_scatter(
                        tbl_v, [base + kk * 16 + lanes], v)

        copy_i.wait()

        @plsc.parallel_loop(0, T, unroll=4)
        def tr_row(t):
            tvec = jnp.full((16,), t, dtype=jnp.int32)
            for g in range(BPW // 16):
                v = plsc.load_gather(idx_v, [g * 16 + lanes, tvec])
                idxt_v[t, pl.ds(g * 16, 16)] = v

        def wait_store(nb):
            pltpu.make_async_copy(
                tiles_v.at[nb], out_hbm.at[0, :, pl.ds(0, BPW)],
                sem_s.at[nb]).wait()

        def fill_tile(t, nb):
            @plsc.parallel_loop(0, BPW // 16, unroll=4)
            def grp(g):
                iv = jnp.minimum(idxt_v[t, pl.ds(g * 16, 16)], DIAM)
                a = iv * TSTRIDE
                for d in range(EDIM):
                    v = plsc.load_gather(tbl_v, [a + d])
                    tiles_v[nb, d, pl.ds(g * 16, 16)] = v

        def tgroup(tg, c):
            t0 = tg * NB
            for nb in range(NB):
                t = t0 + nb

                @pl.when(t >= NB)
                def _():
                    wait_store(nb)

                fill_tile(t, nb)
                pltpu.make_async_copy(
                    tiles_v.at[nb], out_hbm.at[t, :, pl.ds(b0, BPW)],
                    sem_s.at[nb]).start()
            return c

        lax.fori_loop(0, n_tg, tgroup, 0)

        for nb in range(NB):
            wait_store(nb)

    return k(x, table)


def kernel(x, table):
    renormed = _renorm(table)
    out_t = _sc_gather_t(x, renormed)
    return jnp.transpose(out_t, (2, 0, 1))

# --- scband reference (transcript-rebuilt; emitter-appended) ---
"""Pipeline reference for scband-distance-embedding-61572651155888 (READ-ONLY COPY).

The authoritative reference and input builder live on the scoring server;
editing this copy changes nothing except your own understanding.
"""

import jax, jax.numpy as jnp
import numpy as np

DIAMETER = 512
EMBED_DIM = 64


def setup_inputs(seed: int = 0) -> dict:
    key = jax.random.key(seed)
    k1, k2 = jax.random.split(key)
    x = jax.random.randint(k1, (4096, 200), 0, 600, dtype=jnp.int32)
    table = jax.random.normal(k2, (DIAMETER + 1, EMBED_DIM), dtype=jnp.float32)
    return {"x": x, "table": table}


def reference(x, table):
    # x = x.clamp_max(diameter)
    xc = jnp.minimum(x, DIAMETER)
    # torch Embedding(max_norm=1.0, norm_type=inf): rows with inf-norm > 1 are
    # renormalized to max_norm before lookup. Renormalizing the full table is
    # output-equivalent to torch's per-used-row renorm.
    norms = jnp.max(jnp.abs(table), axis=1, keepdims=True)  # L-inf norm per row
    scale = jnp.where(norms > 1.0, 1.0 / (norms + 1e-7), 1.0)
    renormed = table * scale
    # embedding lookup -> gather
    return jnp.take(renormed, xc, axis=0)

if __name__ == "__main__":
    import jax
    _d = setup_inputs()
    print(jax.jit(kernel)(*tuple(_d.values())))

</pallas_src>

<mosaic_0001>
#map = affine_map<(d0, d1) -> (0, 0)>
#map1 = affine_map<(d0, d1) -> (0, 0, 0)>
module attributes {stable_mosaic.version = 14 : i64} {
  func.func @k(%arg0: i32, %arg1: i32, %arg2: memref<4096x200xi32, #tpu.memory_space<hbm>>, %arg3: memref<513x64xf32, #tpu.memory_space<hbm>>, %arg4: memref<200x64x4096xf32, #tpu.memory_space<hbm>>, %arg5: memref<2x64x64xf32, #tpu.memory_space<vmem>>, %arg6: memref<33345xf32, #tpu.memory_space<vmem>>, %arg7: memref<128x200xi32, #tpu.memory_space<vmem>>, %arg8: memref<200x128xi32, #tpu.memory_space<vmem>>, %arg9: memref<2x64x128xf32, #tpu.memory_space<vmem>>, %arg10: memref<2x!tpu.dma_semaphore, #tpu.memory_space<semaphore_mem>>, %arg11: memref<!tpu.dma_semaphore, #tpu.memory_space<semaphore_mem>>, %arg12: memref<2x!tpu.dma_semaphore, #tpu.memory_space<semaphore_mem>>) attributes {dimension_semantics = [#tpu.dimension_semantics<core_parallel>, #tpu.dimension_semantics<subcore_parallel>], iteration_bounds = array<i64: 2, 16>, scalar_prefetch = 0 : i64, scratch_operands = 8 : i64, tpu.core_type = #tpu.core_type<sc_vector_subcore>, window_params = [{transform_indices = #map}, {transform_indices = #map}, {transform_indices = #map1}]} {
    %mul3A = arith.constant 2 : i32
    %mul3A_0 = arith.muli %arg1, %mul3A : i32
    %add3A = arith.addi %mul3A_0, %arg0 : i32
    %mul3A_1 = arith.constant 128 : i32
    %mul3A_2 = arith.muli %add3A, %mul3A_1 : i32
    %iota3A = tpu.iota {dimensions = array<i32: 0>} : vector<16xi32>
    %dma_start3A = arith.constant 0 : i32
    %dma_start3A_3 = tpu.memref_slice %arg2[%mul3A_2, %dma_start3A] : memref<4096x200xi32, #tpu.memory_space<hbm>> -> memref<128x200xi32, #tpu.memory_space<hbm>>
    %dma_start3A_4 = arith.constant 0 : i32
    %dma_start3A_5 = tpu.memref_slice %arg2[%mul3A_2, %dma_start3A_4] : memref<4096x200xi32, #tpu.memory_space<hbm>> -> memref<128x200xi32, #tpu.memory_space<hbm>>
    tpu.enqueue_dma source(%dma_start3A_5 : memref<128x200xi32, #tpu.memory_space<hbm>>) target(%arg7 : memref<128x200xi32, #tpu.memory_space<vmem>>) target_semaphore(%arg11 : memref<!tpu.dma_semaphore, #tpu.memory_space<semaphore_mem>>)
    %dma_start3A_6 = arith.constant 0 : i32
    %dma_start3A_7 = arith.constant 0 : i32
    %dma_start3A_8 = arith.constant 0 : i32
    %dma_start3A_9 = arith.constant 0 : i32
    %dma_start3A_10 = tpu.memref_slice %arg5[%dma_start3A_6, %dma_start3A_8, %dma_start3A_9] : memref<2x64x64xf32, #tpu.memory_space<vmem>> -> memref<1x64x64xf32, #tpu.memory_space<vmem>>
    %dma_start3A_11 = tpu.memref_squeeze %dma_start3A_10 : memref<1x64x64xf32, #tpu.memory_space<vmem>> -> memref<64x64xf32, #tpu.memory_space<vmem>>
    %dma_start3A_12 = arith.constant 0 : i32
    %dma_start3A_13 = arith.constant 0 : i32
    %dma_start3A_14 = tpu.memref_slice %dma_start3A_11[%dma_start3A_12, %dma_start3A_13] : memref<64x64xf32, #tpu.memory_space<vmem>> -> memref<64x64xf32, #tpu.memory_space<vmem>>
    %dma_start3A_15 = arith.constant 0 : i32
    %dma_start3A_16 = arith.constant 0 : i32
    %dma_start3A_17 = tpu.memref_slice %arg3[%dma_start3A_15, %dma_start3A_16] : memref<513x64xf32, #tpu.memory_space<hbm>> -> memref<64x64xf32, #tpu.memory_space<hbm>>
    %dma_start3A_18 = tpu.memref_slice %arg10[%dma_start3A_7] : memref<2x!tpu.dma_semaphore, #tpu.memory_space<semaphore_mem>> -> memref<1x!tpu.dma_semaphore, #tpu.memory_space<semaphore_mem>>
    %dma_start3A_19 = tpu.memref_squeeze %dma_start3A_18 : memref<1x!tpu.dma_semaphore, #tpu.memory_space<semaphore_mem>> -> memref<!tpu.dma_semaphore, #tpu.memory_space<semaphore_mem>>
    %dma_start3A_20 = arith.constant 0 : i32
    %dma_start3A_21 = arith.constant 0 : i32
    %dma_start3A_22 = tpu.memref_slice %arg5[%dma_start3A_6, %dma_start3A_20, %dma_start3A_21] : memref<2x64x64xf32, #tpu.memory_space<vmem>> -> memref<1x64x64xf32, #tpu.memory_space<vmem>>
    %dma_start3A_23 = tpu.memref_squeeze %dma_start3A_22 : memref<1x64x64xf32, #tpu.memory_space<vmem>> -> memref<64x64xf32, #tpu.memory_space<vmem>>
    %dma_start3A_24 = arith.constant 0 : i32
    %dma_start3A_25 = arith.constant 0 : i32
    %dma_start3A_26 = tpu.memref_slice %dma_start3A_23[%dma_start3A_24, %dma_start3A_25] : memref<64x64xf32, #tpu.memory_space<vmem>> -> memref<64x64xf32, #tpu.memory_space<vmem>>
    %dma_start3A_27 = arith.constant 0 : i32
    %dma_start3A_28 = arith.constant 0 : i32
    %dma_start3A_29 = tpu.memref_slice %arg3[%dma_start3A_27, %dma_start3A_28] : memref<513x64xf32, #tpu.memory_space<hbm>> -> memref<64x64xf32, #tpu.memory_space<hbm>>
    tpu.enqueue_dma source(%dma_start3A_29 : memref<64x64xf32, #tpu.memory_space<hbm>>) target(%dma_start3A_26 : memref<64x64xf32, #tpu.memory_space<vmem>>) target_semaphore(%dma_start3A_19 : memref<!tpu.dma_semaphore, #tpu.memory_space<semaphore_mem>>)
    %dma_start3A_30 = arith.constant 1 : i32
    %dma_start3A_31 = arith.constant 1 : i32
    %dma_start3A_32 = arith.constant 0 : i32
    %dma_start3A_33 = arith.constant 0 : i32
    %dma_start3A_34 = tpu.memref_slice %arg5[%dma_start3A_30, %dma_start3A_32, %dma_start3A_33] : memref<2x64x64xf32, #tpu.memory_space<vmem>> -> memref<1x64x64xf32, #tpu.memory_space<vmem>>
    %dma_start3A_35 = tpu.memref_squeeze %dma_start3A_34 : memref<1x64x64xf32, #tpu.memory_space<vmem>> -> memref<64x64xf32, #tpu.memory_space<vmem>>
    %dma_start3A_36 = arith.constant 0 : i32
    %dma_start3A_37 = arith.constant 0 : i32
    %dma_start3A_38 = tpu.memref_slice %dma_start3A_35[%dma_start3A_36, %dma_start3A_37] : memref<64x64xf32, #tpu.memory_space<vmem>> -> memref<64x64xf32, #tpu.memory_space<vmem>>
    %dma_start3A_39 = arith.constant 64 : i32
    %dma_start3A_40 = arith.constant 0 : i32
    %dma_start3A_41 = tpu.memref_slice %arg3[%dma_start3A_39, %dma_start3A_40] : memref<513x64xf32, #tpu.memory_space<hbm>> -> memref<64x64xf32, #tpu.memory_space<hbm>>
    %dma_start3A_42 = tpu.memref_slice %arg10[%dma_start3A_31] : memref<2x!tpu.dma_semaphore, #tpu.memory_space<semaphore_mem>> -> memref<1x!tpu.dma_semaphore, #tpu.memory_space<semaphore_mem>>
    %dma_start3A_43 = tpu.memref_squeeze %dma_start3A_42 : memref<1x!tpu.dma_semaphore, #tpu.memory_space<semaphore_mem>> -> memref<!tpu.dma_semaphore, #tpu.memory_space<semaphore_mem>>
    %dma_start3A_44 = arith.constant 0 : i32
    %dma_start3A_45 = arith.constant 0 : i32
    %dma_start3A_46 = tpu.memref_slice %arg5[%dma_start3A_30, %dma_start3A_44, %dma_start3A_45] : memref<2x64x64xf32, #tpu.memory_space<vmem>> -> memref<1x64x64xf32, #tpu.memory_space<vmem>>
    %dma_start3A_47 = tpu.memref_squeeze %dma_start3A_46 : memref<1x64x64xf32, #tpu.memory_space<vmem>> -> memref<64x64xf32, #tpu.memory_space<vmem>>
    %dma_start3A_48 = arith.constant 0 : i32
    %dma_start3A_49 = arith.constant 0 : i32
    %dma_start3A_50 = tpu.memref_slice %dma_start3A_47[%dma_start3A_48, %dma_start3A_49] : memref<64x64xf32, #tpu.memory_space<vmem>> -> memref<64x64xf32, #tpu.memory_space<vmem>>
    %dma_start3A_51 = arith.constant 64 : i32
    %dma_start3A_52 = arith.constant 0 : i32
    %dma_start3A_53 = tpu.memref_slice %arg3[%dma_start3A_51, %dma_start3A_52] : memref<513x64xf32, #tpu.memory_space<hbm>> -> memref<64x64xf32, #tpu.memory_space<hbm>>
    tpu.enqueue_dma source(%dma_start3A_53 : memref<64x64xf32, #tpu.memory_space<hbm>>) target(%dma_start3A_50 : memref<64x64xf32, #tpu.memory_space<vmem>>) target_semaphore(%dma_start3A_43 : memref<!tpu.dma_semaphore, #tpu.memory_space<semaphore_mem>>)
    %dma_wait3A = arith.constant 0 : i32
    %dma_wait3A_54 = arith.constant 0 : i32
    %dma_wait3A_55 = arith.constant 0 : i32
    %dma_wait3A_56 = arith.constant 0 : i32
    %dma_wait3A_57 = tpu.memref_slice %arg5[%dma_wait3A, %dma_wait3A_55, %dma_wait3A_56] : memref<2x64x64xf32, #tpu.memory_space<vmem>> -> memref<1x64x64xf32, #tpu.memory_space<vmem>>
    %dma_wait3A_58 = tpu.memref_squeeze %dma_wait3A_57 : memref<1x64x64xf32, #tpu.memory_space<vmem>> -> memref<64x64xf32, #tpu.memory_space<vmem>>
    %dma_wait3A_59 = arith.constant 0 : i32
    %dma_wait3A_60 = arith.constant 0 : i32
    %dma_wait3A_61 = tpu.memref_slice %dma_wait3A_58[%dma_wait3A_59, %dma_wait3A_60] : memref<64x64xf32, #tpu.memory_space<vmem>> -> memref<64x64xf32, #tpu.memory_space<vmem>>
    %dma_wait3A_62 = arith.constant 0 : i32
    %dma_wait3A_63 = arith.constant 0 : i32
    %dma_wait3A_64 = tpu.memref_slice %arg3[%dma_wait3A_62, %dma_wait3A_63] : memref<513x64xf32, #tpu.memory_space<hbm>> -> memref<64x64xf32, #tpu.memory_space<hbm>>
    %dma_wait3A_65 = tpu.memref_slice %arg10[%dma_wait3A_54] : memref<2x!tpu.dma_semaphore, #tpu.memory_space<semaphore_mem>> -> memref<1x!tpu.dma_semaphore, #tpu.memory_space<semaphore_mem>>
    %dma_wait3A_66 = tpu.memref_squeeze %dma_wait3A_65 : memref<1x!tpu.dma_semaphore, #tpu.memory_space<semaphore_mem>> -> memref<!tpu.dma_semaphore, #tpu.memory_space<semaphore_mem>>
    %dma_wait3A_67 = arith.constant 0 : i32
    %dma_wait3A_68 = arith.constant 0 : i32
    %dma_wait3A_69 = tpu.memref_slice %arg5[%dma_wait3A, %dma_wait3A_67, %dma_wait3A_68] : memref<2x64x64xf32, #tpu.memory_space<vmem>> -> memref<1x64x64xf32, #tpu.memory_space<vmem>>
    %dma_wait3A_70 = tpu.memref_squeeze %dma_wait3A_69 : memref<1x64x64xf32, #tpu.memory_space<vmem>> -> memref<64x64xf32, #tpu.memory_space<vmem>>
    %dma_wait3A_71 = arith.constant 0 : i32
    %dma_wait3A_72 = arith.constant 0 : i32
    %dma_wait3A_73 = tpu.memref_slice %dma_wait3A_70[%dma_wait3A_71, %dma_wait3A_72] : memref<64x64xf32, #tpu.memory_space<vmem>> -> memref<64x64xf32, #tpu.memory_space<vmem>>
    %dma_wait3A_74 = arith.constant 0 : i32
    %dma_wait3A_75 = arith.constant 0 : i32
    %dma_wait3A_76 = tpu.memref_slice %arg3[%dma_wait3A_74, %dma_wait3A_75] : memref<513x64xf32, #tpu.memory_space<hbm>> -> memref<64x64xf32, #tpu.memory_space<hbm>>
    tpu.wait_dma2 semaphore(%dma_wait3A_66 : memref<!tpu.dma_semaphore, #tpu.memory_space<semaphore_mem>>) src(%dma_wait3A_76 : memref<64x64xf32, #tpu.memory_space<hbm>>) dst(%dma_wait3A_73 : memref<64x64xf32, #tpu.memory_space<vmem>>)
    %parallel_loop3A = arith.constant 0 : i32
    %parallel_loop3A_77 = arith.constant 64 : i32
    %parallel_loop3A_78 = arith.constant 1 : i32
    scf.for %parallel_loop3A_517 = %parallel_loop3A to %parallel_loop3A_77 step %parallel_loop3A_78  : i32 {
      %parallel_loop3A_518 = arith.constant 0 : i32
      %parallel_loop3A_519 = arith.addi %parallel_loop3A_518, %parallel_loop3A_517 : i32
      %parallel_loop3A_520 = arith.constant 65 : i32
      %parallel_loop3A_521 = arith.muli %parallel_loop3A_519, %parallel_loop3A_520 : i32
      %parallel_loop3A_522 = arith.constant 0 : i32
      %parallel_loop3A_523 = arith.index_cast %parallel_loop3A_522 : i32 to index
      %parallel_loop3A_524 = arith.index_cast %parallel_loop3A_517 : i32 to index
      %parallel_loop3A_525 = arith.constant 0 : index
      %parallel_loop3A_526 = tpu.vector_load %arg5[%parallel_loop3A_523, %parallel_loop3A_524, %parallel_loop3A_525] {strides = array<i32>} : memref<2x64x64xf32, #tpu.memory_space<vmem>>, vector<16xf32>,
      %parallel_loop3A_527 = arith.constant 0 : i32
      %parallel_loop3A_528 = arith.addi %parallel_loop3A_521, %parallel_loop3A_527 : i32
      %parallel_loop3A_529 = vector.broadcast %parallel_loop3A_528 : i32 to vector<16xi32>
      %parallel_loop3A_530 = arith.addi %parallel_loop3A_529, %iota3A : vector<16xi32>
      tpu.vector_store_idx %arg6[%parallel_loop3A_530], %parallel_loop3A_526 : memref<33345xf32, #tpu.memory_space<vmem>>[vector<16xi32>], vector<16xf32>,
      %parallel_loop3A_531 = arith.constant 0 : i32
      %parallel_loop3A_532 = arith.index_cast %parallel_loop3A_531 : i32 to index
      %parallel_loop3A_533 = arith.index_cast %parallel_loop3A_517 : i32 to index
      %parallel_loop3A_534 = arith.constant 16 : index
      %parallel_loop3A_535 = tpu.vector_load %arg5[%parallel_loop3A_532, %parallel_loop3A_533, %parallel_loop3A_534] {strides = array<i32>} : memref<2x64x64xf32, #tpu.memory_space<vmem>>, vector<16xf32>,
      %parallel_loop3A_536 = arith.constant 16 : i32
      %parallel_loop3A_537 = arith.addi %parallel_loop3A_521, %parallel_loop3A_536 : i32
      %parallel_loop3A_538 = vector.broadcast %parallel_loop3A_537 : i32 to vector<16xi32>
      %parallel_loop3A_539 = arith.addi %parallel_loop3A_538, %iota3A : vector<16xi32>
      tpu.vector_store_idx %arg6[%parallel_loop3A_539], %parallel_loop3A_535 : memref<33345xf32, #tpu.memory_space<vmem>>[vector<16xi32>], vector<16xf32>,
      %parallel_loop3A_540 = arith.constant 0 : i32
      %parallel_loop3A_541 = arith.index_cast %parallel_loop3A_540 : i32 to index
      %parallel_loop3A_542 = arith.index_cast %parallel_loop3A_517 : i32 to index
      %parallel_loop3A_543 = arith.constant 32 : index
      %parallel_loop3A_544 = tpu.vector_load %arg5[%parallel_loop3A_541, %parallel_loop3A_542, %parallel_loop3A_543] {strides = array<i32>} : memref<2x64x64xf32, #tpu.memory_space<vmem>>, vector<16xf32>,
      %parallel_loop3A_545 = arith.constant 32 : i32
      %parallel_loop3A_546 = arith.addi %parallel_loop3A_521, %parallel_loop3A_545 : i32
      %parallel_loop3A_547 = vector.broadcast %parallel_loop3A_546 : i32 to vector<16xi32>
      %parallel_loop3A_548 = arith.addi %parallel_loop3A_547, %iota3A : vector<16xi32>
      tpu.vector_store_idx %arg6[%parallel_loop3A_548], %parallel_loop3A_544 : memref<33345xf32, #tpu.memory_space<vmem>>[vector<16xi32>], vector<16xf32>,
      %parallel_loop3A_549 = arith.constant 0 : i32
      %parallel_loop3A_550 = arith.index_cast %parallel_loop3A_549 : i32 to index
      %parallel_loop3A_551 = arith.index_cast %parallel_loop3A_517 : i32 to index
      %parallel_loop3A_552 = arith.constant 48 : index
      %parallel_loop3A_553 = tpu.vector_load %arg5[%parallel_loop3A_550, %parallel_loop3A_551, %parallel_loop3A_552] {strides = array<i32>} : memref<2x64x64xf32, #tpu.memory_space<vmem>>, vector<16xf32>,
      %parallel_loop3A_554 = arith.constant 48 : i32
      %parallel_loop3A_555 = arith.addi %parallel_loop3A_521, %parallel_loop3A_554 : i32
      %parallel_loop3A_556 = vector.broadcast %parallel_loop3A_555 : i32 to vector<16xi32>
      %parallel_loop3A_557 = arith.addi %parallel_loop3A_556, %iota3A : vector<16xi32>
      tpu.vector_store_idx %arg6[%parallel_loop3A_557], %parallel_loop3A_553 : memref<33345xf32, #tpu.memory_space<vmem>>[vector<16xi32>], vector<16xf32>,
    } {sc.loop_unroll_factor = 4 : i64, sc.parallel_access}
    %dma_start3A_79 = arith.constant 0 : i32
    %dma_start3A_80 = arith.constant 0 : i32
    %dma_start3A_81 = arith.constant 0 : i32
    %dma_start3A_82 = arith.constant 0 : i32
    %dma_start3A_83 = tpu.memref_slice %arg5[%dma_start3A_79, %dma_start3A_81, %dma_start3A_82] : memref<2x64x64xf32, #tpu.memory_space<vmem>> -> memref<1x64x64xf32, #tpu.memory_space<vmem>>
    %dma_start3A_84 = tpu.memref_squeeze %dma_start3A_83 : memref<1x64x64xf32, #tpu.memory_space<vmem>> -> memref<64x64xf32, #tpu.memory_space<vmem>>
    %dma_start3A_85 = arith.constant 0 : i32
    %dma_start3A_86 = arith.constant 0 : i32
    %dma_start3A_87 = tpu.memref_slice %dma_start3A_84[%dma_start3A_85, %dma_start3A_86] : memref<64x64xf32, #tpu.memory_space<vmem>> -> memref<64x64xf32, #tpu.memory_space<vmem>>
    %dma_start3A_88 = arith.constant 128 : i32
    %dma_start3A_89 = arith.constant 0 : i32
    %dma_start3A_90 = tpu.memref_slice %arg3[%dma_start3A_88, %dma_start3A_89] : memref<513x64xf32, #tpu.memory_space<hbm>> -> memref<64x64xf32, #tpu.memory_space<hbm>>
    %dma_start3A_91 = tpu.memref_slice %arg10[%dma_start3A_80] : memref<2x!tpu.dma_semaphore, #tpu.memory_space<semaphore_mem>> -> memref<1x!tpu.dma_semaphore, #tpu.memory_space<semaphore_mem>>
    %dma_start3A_92 = tpu.memref_squeeze %dma_start3A_91 : memref<1x!tpu.dma_semaphore, #tpu.memory_space<semaphore_mem>> -> memref<!tpu.dma_semaphore, #tpu.memory_space<semaphore_mem>>
    %dma_start3A_93 = arith.constant 0 : i32
    %dma_start3A_94 = arith.constant 0 : i32
    %dma_start3A_95 = tpu.memref_slice %arg5[%dma_start3A_79, %dma_start3A_93, %dma_start3A_94] : memref<2x64x64xf32, #tpu.memory_space<vmem>> -> memref<1x64x64xf32, #tpu.memory_space<vmem>>
    %dma_start3A_96 = tpu.memref_squeeze %dma_start3A_95 : memref<1x64x64xf32, #tpu.memory_space<vmem>> -> memref<64x64xf32, #tpu.memory_space<vmem>>
    %dma_start3A_97 = arith.constant 0 : i32
    %dma_start3A_98 = arith.constant 0 : i32
    %dma_start3A_99 = tpu.memref_slice %dma_start3A_96[%dma_start3A_97, %dma_start3A_98] : memref<64x64xf32, #tpu.memory_space<vmem>> -> memref<64x64xf32, #tpu.memory_space<vmem>>
    %dma_start3A_100 = arith.constant 128 : i32
    %dma_start3A_101 = arith.constant 0 : i32
    %dma_start3A_102 = tpu.memref_slice %arg3[%dma_start3A_100, %dma_start3A_101] : memref<513x64xf32, #tpu.memory_space<hbm>> -> memref<64x64xf32, #tpu.memory_space<hbm>>
    tpu.enqueue_dma source(%dma_start3A_102 : memref<64x64xf32, #tpu.memory_space<hbm>>) target(%dma_start3A_99 : memref<64x64xf32, #tpu.memory_space<vmem>>) target_semaphore(%dma_start3A_92 : memref<!tpu.dma_semaphore, #tpu.memory_space<semaphore_mem>>)
    %dma_wait3A_103 = arith.constant 1 : i32
    %dma_wait3A_104 = arith.constant 1 : i32
    %dma_wait3A_105 = arith.constant 0 : i32
    %dma_wait3A_106 = arith.constant 0 : i32
    %dma_wait3A_107 = tpu.memref_slice %arg5[%dma_wait3A_103, %dma_wait3A_105, %dma_wait3A_106] : memref<2x64x64xf32, #tpu.memory_space<vmem>> -> memref<1x64x64xf32, #tpu.memory_space<vmem>>
    %dma_wait3A_108 = tpu.memref_squeeze %dma_wait3A_107 : memref<1x64x64xf32, #tpu.memory_space<vmem>> -> memref<64x64xf32, #tpu.memory_space<vmem>>
    %dma_wait3A_109 = arith.constant 0 : i32
    %dma_wait3A_110 = arith.constant 0 : i32
    %dma_wait3A_111 = tpu.memref_slice %dma_wait3A_108[%dma_wait3A_109, %dma_wait3A_110] : memref<64x64xf32, #tpu.memory_space<vmem>> -> memref<64x64xf32, #tpu.memory_space<vmem>>
    %dma_wait3A_112 = arith.constant 64 : i32
    %dma_wait3A_113 = arith.constant 0 : i32
    %dma_wait3A_114 = tpu.memref_slice %arg3[%dma_wait3A_112, %dma_wait3A_113] : memref<513x64xf32, #tpu.memory_space<hbm>> -> memref<64x64xf32, #tpu.memory_space<hbm>>
    %dma_wait3A_115 = tpu.memref_slice %arg10[%dma_wait3A_104] : memref<2x!tpu.dma_semaphore, #tpu.memory_space<semaphore_mem>> -> memref<1x!tpu.dma_semaphore, #tpu.memory_space<semaphore_mem>>
    %dma_wait3A_116 = tpu.memref_squeeze %dma_wait3A_115 : memref<1x!tpu.dma_semaphore, #tpu.memory_space<semaphore_mem>> -> memref<!tpu.dma_semaphore, #tpu.memory_space<semaphore_mem>>
    %dma_wait3A_117 = arith.constant 0 : i32
    %dma_wait3A_118 = arith.constant 0 : i32
    %dma_wait3A_119 = tpu.memref_slice %arg5[%dma_wait3A_103, %dma_wait3A_117, %dma_wait3A_118] : memref<2x64x64xf32, #tpu.memory_space<vmem>> -> memref<1x64x64xf32, #tpu.memory_space<vmem>>
    %dma_wait3A_120 = tpu.memref_squeeze %dma_wait3A_119 : memref<1x64x64xf32, #tpu.memory_space<vmem>> -> memref<64x64xf32, #tpu.memory_space<vmem>>
    %dma_wait3A_121 = arith.constant 0 : i32
    %dma_wait3A_122 = arith.constant 0 : i32
    %dma_wait3A_123 = tpu.memref_slice %dma_wait3A_120[%dma_wait3A_121, %dma_wait3A_122] : memref<64x64xf32, #tpu.memory_space<vmem>> -> memref<64x64xf32, #tpu.memory_space<vmem>>
    %dma_wait3A_124 = arith.constant 64 : i32
    %dma_wait3A_125 = arith.constant 0 : i32
    %dma_wait3A_126 = tpu.memref_slice %arg3[%dma_wait3A_124, %dma_wait3A_125] : memref<513x64xf32, #tpu.memory_space<hbm>> -> memref<64x64xf32, #tpu.memory_space<hbm>>
    tpu.wait_dma2 semaphore(%dma_wait3A_116 : memref<!tpu.dma_semaphore, #tpu.memory_space<semaphore_mem>>) src(%dma_wait3A_126 : memref<64x64xf32, #tpu.memory_space<hbm>>) dst(%dma_wait3A_123 : memref<64x64xf32, #tpu.memory_space<vmem>>)
    %parallel_loop3A_127 = arith.constant 0 : i32
    %parallel_loop3A_128 = arith.constant 64 : i32
    %parallel_loop3A_129 = arith.constant 1 : i32
    scf.for %parallel_loop3A_517 = %parallel_loop3A_127 to %parallel_loop3A_128 step %parallel_loop3A_129  : i32 {
      %parallel_loop3A_518 = arith.constant 64 : i32
      %parallel_loop3A_519 = arith.addi %parallel_loop3A_518, %parallel_loop3A_517 : i32
      %parallel_loop3A_520 = arith.constant 65 : i32
      %parallel_loop3A_521 = arith.muli %parallel_loop3A_519, %parallel_loop3A_520 : i32
      %parallel_loop3A_522 = arith.constant 1 : i32
      %parallel_loop3A_523 = arith.index_cast %parallel_loop3A_522 : i32 to index
      %parallel_loop3A_524 = arith.index_cast %parallel_loop3A_517 : i32 to index
      %parallel_loop3A_525 = arith.constant 0 : index
      %parallel_loop3A_526 = tpu.vector_load %arg5[%parallel_loop3A_523, %parallel_loop3A_524, %parallel_loop3A_525] {strides = array<i32>} : memref<2x64x64xf32, #tpu.memory_space<vmem>>, vector<16xf32>,
      %parallel_loop3A_527 = arith.constant 0 : i32
      %parallel_loop3A_528 = arith.addi %parallel_loop3A_521, %parallel_loop3A_527 : i32
      %parallel_loop3A_529 = vector.broadcast %parallel_loop3A_528 : i32 to vector<16xi32>
      %parallel_loop3A_530 = arith.addi %parallel_loop3A_529, %iota3A : vector<16xi32>
      tpu.vector_store_idx %arg6[%parallel_loop3A_530], %parallel_loop3A_526 : memref<33345xf32, #tpu.memory_space<vmem>>[vector<16xi32>], vector<16xf32>,
      %parallel_loop3A_531 = arith.constant 1 : i32
      %parallel_loop3A_532 = arith.index_cast %parallel_loop3A_531 : i32 to index
      %parallel_loop3A_533 = arith.index_cast %parallel_loop3A_517 : i32 to index
      %parallel_loop3A_534 = arith.constant 16 : index
      %parallel_loop3A_535 = tpu.vector_load %arg5[%parallel_loop3A_532, %parallel_loop3A_533, %parallel_loop3A_534] {strides = array<i32>} : memref<2x64x64xf32, #tpu.memory_space<vmem>>, vector<16xf32>,
      %parallel_loop3A_536 = arith.constant 16 : i32
      %parallel_loop3A_537 = arith.addi %parallel_loop3A_521, %parallel_loop3A_536 : i32
      %parallel_loop3A_538 = vector.broadcast %parallel_loop3A_537 : i32 to vector<16xi32>
      %parallel_loop3A_539 = arith.addi %parallel_loop3A_538, %iota3A : vector<16xi32>
      tpu.vector_store_idx %arg6[%parallel_loop3A_539], %parallel_loop3A_535 : memref<33345xf32, #tpu.memory_space<vmem>>[vector<16xi32>], vector<16xf32>,
      %parallel_loop3A_540 = arith.constant 1 : i32
      %parallel_loop3A_541 = arith.index_cast %parallel_loop3A_540 : i32 to index
      %parallel_loop3A_542 = arith.index_cast %parallel_loop3A_517 : i32 to index
      %parallel_loop3A_543 = arith.constant 32 : index
      %parallel_loop3A_544 = tpu.vector_load %arg5[%parallel_loop3A_541, %parallel_loop3A_542, %parallel_loop3A_543] {strides = array<i32>} : memref<2x64x64xf32, #tpu.memory_space<vmem>>, vector<16xf32>,
      %parallel_loop3A_545 = arith.constant 32 : i32
      %parallel_loop3A_546 = arith.addi %parallel_loop3A_521, %parallel_loop3A_545 : i32
      %parallel_loop3A_547 = vector.broadcast %parallel_loop3A_546 : i32 to vector<16xi32>
      %parallel_loop3A_548 = arith.addi %parallel_loop3A_547, %iota3A : vector<16xi32>
      tpu.vector_store_idx %arg6[%parallel_loop3A_548], %parallel_loop3A_544 : memref<33345xf32, #tpu.memory_space<vmem>>[vector<16xi32>], vector<16xf32>,
      %parallel_loop3A_549 = arith.constant 1 : i32
      %parallel_loop3A_550 = arith.index_cast %parallel_loop3A_549 : i32 to index
      %parallel_loop3A_551 = arith.index_cast %parallel_loop3A_517 : i32 to index
      %parallel_loop3A_552 = arith.constant 48 : index
      %parallel_loop3A_553 = tpu.vector_load %arg5[%parallel_loop3A_550, %parallel_loop3A_551, %parallel_loop3A_552] {strides = array<i32>} : memref<2x64x64xf32, #tpu.memory_space<vmem>>, vector<16xf32>,
      %parallel_loop3A_554 = arith.constant 48 : i32
      %parallel_loop3A_555 = arith.addi %parallel_loop3A_521, %parallel_loop3A_554 : i32
      %parallel_loop3A_556 = vector.broadcast %parallel_loop3A_555 : i32 to vector<16xi32>
      %parallel_loop3A_557 = arith.addi %parallel_loop3A_556, %iota3A : vector<16xi32>
      tpu.vector_store_idx %arg6[%parallel_loop3A_557], %parallel_loop3A_553 : memref<33345xf32, #tpu.memory_space<vmem>>[vector<16xi32>], vector<16xf32>,
    } {sc.loop_unroll_factor = 4 : i64, sc.parallel_access}
    %dma_start3A_130 = arith.constant 1 : i32
    %dma_start3A_131 = arith.constant 1 : i32
    %dma_start3A_132 = arith.constant 0 : i32
    %dma_start3A_133 = arith.constant 0 : i32
    %dma_start3A_134 = tpu.memref_slice %arg5[%dma_start3A_130, %dma_start3A_132, %dma_start3A_133] : memref<2x64x64xf32, #tpu.memory_space<vmem>> -> memref<1x64x64xf32, #tpu.memory_space<vmem>>
    %dma_start3A_135 = tpu.memref_squeeze %dma_start3A_134 : memref<1x64x64xf32, #tpu.memory_space<vmem>> -> memref<64x64xf32, #tpu.memory_space<vmem>>
    %dma_start3A_136 = arith.constant 0 : i32
    %dma_start3A_137 = arith.constant 0 : i32
    %dma_start3A_138 = tpu.memref_slice %dma_start3A_135[%dma_start3A_136, %dma_start3A_137] : memref<64x64xf32, #tpu.memory_space<vmem>> -> memref<64x64xf32, #tpu.memory_space<vmem>>
    %dma_start3A_139 = arith.constant 192 : i32
    %dma_start3A_140 = arith.constant 0 : i32
    %dma_start3A_141 = tpu.memref_slice %arg3[%dma_start3A_139, %dma_start3A_140] : memref<513x64xf32, #tpu.memory_space<hbm>> -> memref<64x64xf32, #tpu.memory_space<hbm>>
    %dma_start3A_142 = tpu.memref_slice %arg10[%dma_start3A_131] : memref<2x!tpu.dma_semaphore, #tpu.memory_space<semaphore_mem>> -> memref<1x!tpu.dma_semaphore, #tpu.memory_space<semaphore_mem>>
    %dma_start3A_143 = tpu.memref_squeeze %dma_start3A_142 : memref<1x!tpu.dma_semaphore, #tpu.memory_space<semaphore_mem>> -> memref<!tpu.dma_semaphore, #tpu.memory_space<semaphore_mem>>
    %dma_start3A_144 = arith.constant 0 : i32
    %dma_start3A_145 = arith.constant 0 : i32
    %dma_start3A_146 = tpu.memref_slice %arg5[%dma_start3A_130, %dma_start3A_144, %dma_start3A_145] : memref<2x64x64xf32, #tpu.memory_space<vmem>> -> memref<1x64x64xf32, #tpu.memory_space<vmem>>
    %dma_start3A_147 = tpu.memref_squeeze %dma_start3A_146 : memref<1x64x64xf32, #tpu.memory_space<vmem>> -> memref<64x64xf32, #tpu.memory_space<vmem>>
    %dma_start3A_148 = arith.constant 0 : i32
    %dma_start3A_149 = arith.constant 0 : i32
    %dma_start3A_150 = tpu.memref_slice %dma_start3A_147[%dma_start3A_148, %dma_start3A_149] : memref<64x64xf32, #tpu.memory_space<vmem>> -> memref<64x64xf32, #tpu.memory_space<vmem>>
    %dma_start3A_151 = arith.constant 192 : i32
    %dma_start3A_152 = arith.constant 0 : i32
    %dma_start3A_153 = tpu.memref_slice %arg3[%dma_start3A_151, %dma_start3A_152] : memref<513x64xf32, #tpu.memory_space<hbm>> -> memref<64x64xf32, #tpu.memory_space<hbm>>
    tpu.enqueue_dma source(%dma_start3A_153 : memref<64x64xf32, #tpu.memory_space<hbm>>) target(%dma_start3A_150 : memref<64x64xf32, #tpu.memory_space<vmem>>) target_semaphore(%dma_start3A_143 : memref<!tpu.dma_semaphore, #tpu.memory_space<semaphore_mem>>)
    %dma_wait3A_154 = arith.constant 0 : i32
    %dma_wait3A_155 = arith.constant 0 : i32
    %dma_wait3A_156 = arith.constant 0 : i32
    %dma_wait3A_157 = arith.constant 0 : i32
    %dma_wait3A_158 = tpu.memref_slice %arg5[%dma_wait3A_154, %dma_wait3A_156, %dma_wait3A_157] : memref<2x64x64xf32, #tpu.memory_space<vmem>> -> memref<1x64x64xf32, #tpu.memory_space<vmem>>
    %dma_wait3A_159 = tpu.memref_squeeze %dma_wait3A_158 : memref<1x64x64xf32, #tpu.memory_space<vmem>> -> memref<64x64xf32, #tpu.memory_space<vmem>>
    %dma_wait3A_160 = arith.constant 0 : i32
    %dma_wait3A_161 = arith.constant 0 : i32
    %dma_wait3A_162 = tpu.memref_slice %dma_wait3A_159[%dma_wait3A_160, %dma_wait3A_161] : memref<64x64xf32, #tpu.memory_space<vmem>> -> memref<64x64xf32, #tpu.memory_space<vmem>>
    %dma_wait3A_163 = arith.constant 128 : i32
    %dma_wait3A_164 = arith.constant 0 : i32
    %dma_wait3A_165 = tpu.memref_slice %arg3[%dma_wait3A_163, %dma_wait3A_164] : memref<513x64xf32, #tpu.memory_space<hbm>> -> memref<64x64xf32, #tpu.memory_space<hbm>>
    %dma_wait3A_166 = tpu.memref_slice %arg10[%dma_wait3A_155] : memref<2x!tpu.dma_semaphore, #tpu.memory_space<semaphore_mem>> -> memref<1x!tpu.dma_semaphore, #tpu.memory_space<semaphore_mem>>
    %dma_wait3A_167 = tpu.memref_squeeze %dma_wait3A_166 : memref<1x!tpu.dma_semaphore, #tpu.memory_space<semaphore_mem>> -> memref<!tpu.dma_semaphore, #tpu.memory_space<semaphore_mem>>
    %dma_wait3A_168 = arith.constant 0 : i32
    %dma_wait3A_169 = arith.constant 0 : i32
    %dma_wait3A_170 = tpu.memref_slice %arg5[%dma_wait3A_154, %dma_wait3A_168, %dma_wait3A_169] : memref<2x64x64xf32, #tpu.memory_space<vmem>> -> memref<1x64x64xf32, #tpu.memory_space<vmem>>
    %dma_wait3A_171 = tpu.memref_squeeze %dma_wait3A_170 : memref<1x64x64xf32, #tpu.memory_space<vmem>> -> memref<64x64xf32, #tpu.memory_space<vmem>>
    %dma_wait3A_172 = arith.constant 0 : i32
    %dma_wait3A_173 = arith.constant 0 : i32
    %dma_wait3A_174 = tpu.memref_slice %dma_wait3A_171[%dma_wait3A_172, %dma_wait3A_173] : memref<64x64xf32, #tpu.memory_space<vmem>> -> memref<64x64xf32, #tpu.memory_space<vmem>>
    %dma_wait3A_175 = arith.constant 128 : i32
    %dma_wait3A_176 = arith.constant 0 : i32
    %dma_wait3A_177 = tpu.memref_slice %arg3[%dma_wait3A_175, %dma_wait3A_176] : memref<513x64xf32, #tpu.memory_space<hbm>> -> memref<64x64xf32, #tpu.memory_space<hbm>>
    tpu.wait_dma2 semaphore(%dma_wait3A_167 : memref<!tpu.dma_semaphore, #tpu.memory_space<semaphore_mem>>) src(%dma_wait3A_177 : memref<64x64xf32, #tpu.memory_space<hbm>>) dst(%dma_wait3A_174 : memref<64x64xf32, #tpu.memory_space<vmem>>)
    %parallel_loop3A_178 = arith.constant 0 : i32
    %parallel_loop3A_179 = arith.constant 64 : i32
    %parallel_loop3A_180 = arith.constant 1 : i32
    scf.for %parallel_loop3A_517 = %parallel_loop3A_178 to %parallel_loop3A_179 step %parallel_loop3A_180  : i32 {
      %parallel_loop3A_518 = arith.constant 128 : i32
      %parallel_loop3A_519 = arith.addi %parallel_loop3A_518, %parallel_loop3A_517 : i32
      %parallel_loop3A_520 = arith.constant 65 : i32
      %parallel_loop3A_521 = arith.muli %parallel_loop3A_519, %parallel_loop3A_520 : i32
      %parallel_loop3A_522 = arith.constant 0 : i32
      %parallel_loop3A_523 = arith.index_cast %parallel_loop3A_522 : i32 to index
      %parallel_loop3A_524 = arith.index_cast %parallel_loop3A_517 : i32 to index
      %parallel_loop3A_525 = arith.constant 0 : index
      %parallel_loop3A_526 = tpu.vector_load %arg5[%parallel_loop3A_523, %parallel_loop3A_524, %parallel_loop3A_525] {strides = array<i32>} : memref<2x64x64xf32, #tpu.memory_space<vmem>>, vector<16xf32>,
      %parallel_loop3A_527 = arith.constant 0 : i32
      %parallel_loop3A_528 = arith.addi %parallel_loop3A_521, %parallel_loop3A_527 : i32
      %parallel_loop3A_529 = vector.broadcast %parallel_loop3A_528 : i32 to vector<16xi32>
      %parallel_loop3A_530 = arith.addi %parallel_loop3A_529, %iota3A : vector<16xi32>
      tpu.vector_store_idx %arg6[%parallel_loop3A_530], %parallel_loop3A_526 : memref<33345xf32, #tpu.memory_space<vmem>>[vector<16xi32>], vector<16xf32>,
      %parallel_loop3A_531 = arith.constant 0 : i32
      %parallel_loop3A_532 = arith.index_cast %parallel_loop3A_531 : i32 to index
      %parallel_loop3A_533 = arith.index_cast %parallel_loop3A_517 : i32 to index
      %parallel_loop3A_534 = arith.constant 16 : index
      %parallel_loop3A_535 = tpu.vector_load %arg5[%parallel_loop3A_532, %parallel_loop3A_533, %parallel_loop3A_534] {strides = array<i32>} : memref<2x64x64xf32, #tpu.memory_space<vmem>>, vector<16xf32>,
      %parallel_loop3A_536 = arith.constant 16 : i32
      %parallel_loop3A_537 = arith.addi %parallel_loop3A_521, %parallel_loop3A_536 : i32
      %parallel_loop3A_538 = vector.broadcast %parallel_loop3A_537 : i32 to vector<16xi32>
      %parallel_loop3A_539 = arith.addi %parallel_loop3A_538, %iota3A : vector<16xi32>
      tpu.vector_store_idx %arg6[%parallel_loop3A_539], %parallel_loop3A_535 : memref<33345xf32, #tpu.memory_space<vmem>>[vector<16xi32>], vector<16xf32>,
      %parallel_loop3A_540 = arith.constant 0 : i32
      %parallel_loop3A_541 = arith.index_cast %parallel_loop3A_540 : i32 to index
      %parallel_loop3A_542 = arith.index_cast %parallel_loop3A_517 : i32 to index
      %parallel_loop3A_543 = arith.constant 32 : index
      %parallel_loop3A_544 = tpu.vector_load %arg5[%parallel_loop3A_541, %parallel_loop3A_542, %parallel_loop3A_543] {strides = array<i32>} : memref<2x64x64xf32, #tpu.memory_space<vmem>>, vector<16xf32>,
      %parallel_loop3A_545 = arith.constant 32 : i32
      %parallel_loop3A_546 = arith.addi %parallel_loop3A_521, %parallel_loop3A_545 : i32
      %parallel_loop3A_547 = vector.broadcast %parallel_loop3A_546 : i32 to vector<16xi32>
      %parallel_loop3A_548 = arith.addi %parallel_loop3A_547, %iota3A : vector<16xi32>
      tpu.vector_store_idx %arg6[%parallel_loop3A_548], %parallel_loop3A_544 : memref<33345xf32, #tpu.memory_space<vmem>>[vector<16xi32>], vector<16xf32>,
      %parallel_loop3A_549 = arith.constant 0 : i32
      %parallel_loop3A_550 = arith.index_cast %parallel_loop3A_549 : i32 to index
      %parallel_loop3A_551 = arith.index_cast %parallel_loop3A_517 : i32 to index
      %parallel_loop3A_552 = arith.constant 48 : index
      %parallel_loop3A_553 = tpu.vector_load %arg5[%parallel_loop3A_550, %parallel_loop3A_551, %parallel_loop3A_552] {strides = array<i32>} : memref<2x64x64xf32, #tpu.memory_space<vmem>>, vector<16xf32>,
      %parallel_loop3A_554 = arith.constant 48 : i32
      %parallel_loop3A_555 = arith.addi %parallel_loop3A_521, %parallel_loop3A_554 : i32
      %parallel_loop3A_556 = vector.broadcast %parallel_loop3A_555 : i32 to vector<16xi32>
      %parallel_loop3A_557 = arith.addi %parallel_loop3A_556, %iota3A : vector<16xi32>
      tpu.vector_store_idx %arg6[%parallel_loop3A_557], %parallel_loop3A_553 : memref<33345xf32, #tpu.memory_space<vmem>>[vector<16xi32>], vector<16xf32>,
    } {sc.loop_unroll_factor = 4 : i64, sc.parallel_access}
    %dma_start3A_181 = arith.constant 0 : i32
    %dma_start3A_182 = arith.constant 0 : i32
    %dma_start3A_183 = arith.constant 0 : i32
    %dma_start3A_184 = arith.constant 0 : i32
    %dma_start3A_185 = tpu.memref_slice %arg5[%dma_start3A_181, %dma_start3A_183, %dma_start3A_184] : memref<2x64x64xf32, #tpu.memory_space<vmem>> -> memref<1x64x64xf32, #tpu.memory_space<vmem>>
    %dma_start3A_186 = tpu.memref_squeeze %dma_start3A_185 : memref<1x64x64xf32, #tpu.memory_space<vmem>> -> memref<64x64xf32, #tpu.memory_space<vmem>>
    %dma_start3A_187 = arith.constant 0 : i32
    %dma_start3A_188 = arith.constant 0 : i32
    %dma_start3A_189 = tpu.memref_slice %dma_start3A_186[%dma_start3A_187, %dma_start3A_188] : memref<64x64xf32, #tpu.memory_space<vmem>> -> memref<64x64xf32, #tpu.memory_space<vmem>>
    %dma_start3A_190 = arith.constant 256 : i32
    %dma_start3A_191 = arith.constant 0 : i32
    %dma_start3A_192 = tpu.memref_slice %arg3[%dma_start3A_190, %dma_start3A_191] : memref<513x64xf32, #tpu.memory_space<hbm>> -> memref<64x64xf32, #tpu.memory_space<hbm>>
    %dma_start3A_193 = tpu.memref_slice %arg10[%dma_start3A_182] : memref<2x!tpu.dma_semaphore, #tpu.memory_space<semaphore_mem>> -> memref<1x!tpu.dma_semaphore, #tpu.memory_space<semaphore_mem>>
    %dma_start3A_194 = tpu.memref_squeeze %dma_start3A_193 : memref<1x!tpu.dma_semaphore, #tpu.memory_space<semaphore_mem>> -> memref<!tpu.dma_semaphore, #tpu.memory_space<semaphore_mem>>
    %dma_start3A_195 = arith.constant 0 : i32
    %dma_start3A_196 = arith.constant 0 : i32
    %dma_start3A_197 = tpu.memref_slice %arg5[%dma_start3A_181, %dma_start3A_195, %dma_start3A_196] : memref<2x64x64xf32, #tpu.memory_space<vmem>> -> memref<1x64x64xf32, #tpu.memory_space<vmem>>
    %dma_start3A_198 = tpu.memref_squeeze %dma_start3A_197 : memref<1x64x64xf32, #tpu.memory_space<vmem>> -> memref<64x64xf32, #tpu.memory_space<vmem>>
    %dma_start3A_199 = arith.constant 0 : i32
    %dma_start3A_200 = arith.constant 0 : i32
    %dma_start3A_201 = tpu.memref_slice %dma_start3A_198[%dma_start3A_199, %dma_start3A_200] : memref<64x64xf32, #tpu.memory_space<vmem>> -> memref<64x64xf32, #tpu.memory_space<vmem>>
    %dma_start3A_202 = arith.constant 256 : i32
    %dma_start3A_203 = arith.constant 0 : i32
    %dma_start3A_204 = tpu.memref_slice %arg3[%dma_start3A_202, %dma_start3A_203] : memref<513x64xf32, #tpu.memory_space<hbm>> -> memref<64x64xf32, #tpu.memory_space<hbm>>
    tpu.enqueue_dma source(%dma_start3A_204 : memref<64x64xf32, #tpu.memory_space<hbm>>) target(%dma_start3A_201 : memref<64x64xf32, #tpu.memory_space<vmem>>) target_semaphore(%dma_start3A_194 : memref<!tpu.dma_semaphore, #tpu.memory_space<semaphore_mem>>)
    %dma_wait3A_205 = arith.constant 1 : i32
    %dma_wait3A_206 = arith.constant 1 : i32
    %dma_wait3A_207 = arith.constant 0 : i32
    %dma_wait3A_208 = arith.constant 0 : i32
    %dma_wait3A_209 = tpu.memref_slice %arg5[%dma_wait3A_205, %dma_wait3A_207, %dma_wait3A_208] : memref<2x64x64xf32, #tpu.memory_space<vmem>> -> memref<1x64x64xf32, #tpu.memory_space<vmem>>
    %dma_wait3A_210 = tpu.memref_squeeze %dma_wait3A_209 : memref<1x64x64xf32, #tpu.memory_space<vmem>> -> memref<64x64xf32, #tpu.memory_space<vmem>>
    %dma_wait3A_211 = arith.constant 0 : i32
    %dma_wait3A_212 = arith.constant 0 : i32
    %dma_wait3A_213 = tpu.memref_slice %dma_wait3A_210[%dma_wait3A_211, %dma_wait3A_212] : memref<64x64xf32, #tpu.memory_space<vmem>> -> memref<64x64xf32, #tpu.memory_space<vmem>>
    %dma_wait3A_214 = arith.constant 192 : i32
    %dma_wait3A_215 = arith.constant 0 : i32
    %dma_wait3A_216 = tpu.memref_slice %arg3[%dma_wait3A_214, %dma_wait3A_215] : memref<513x64xf32, #tpu.memory_space<hbm>> -> memref<64x64xf32, #tpu.memory_space<hbm>>
    %dma_wait3A_217 = tpu.memref_slice %arg10[%dma_wait3A_206] : memref<2x!tpu.dma_semaphore, #tpu.memory_space<semaphore_mem>> -> memref<1x!tpu.dma_semaphore, #tpu.memory_space<semaphore_mem>>
    %dma_wait3A_218 = tpu.memref_squeeze %dma_wait3A_217 : memref<1x!tpu.dma_semaphore, #tpu.memory_space<semaphore_mem>> -> memref<!tpu.dma_semaphore, #tpu.memory_space<semaphore_mem>>
    %dma_wait3A_219 = arith.constant 0 : i32
    %dma_wait3A_220 = arith.constant 0 : i32
    %dma_wait3A_221 = tpu.memref_slice %arg5[%dma_wait3A_205, %dma_wait3A_219, %dma_wait3A_220] : memref<2x64x64xf32, #tpu.memory_space<vmem>> -> memref<1x64x64xf32, #tpu.memory_space<vmem>>
    %dma_wait3A_222 = tpu.memref_squeeze %dma_wait3A_221 : memref<1x64x64xf32, #tpu.memory_space<vmem>> -> memref<64x64xf32, #tpu.memory_space<vmem>>
    %dma_wait3A_223 = arith.constant 0 : i32
    %dma_wait3A_224 = arith.constant 0 : i32
    %dma_wait3A_225 = tpu.memref_slice %dma_wait3A_222[%dma_wait3A_223, %dma_wait3A_224] : memref<64x64xf32, #tpu.memory_space<vmem>> -> memref<64x64xf32, #tpu.memory_space<vmem>>
    %dma_wait3A_226 = arith.constant 192 : i32
    %dma_wait3A_227 = arith.constant 0 : i32
    %dma_wait3A_228 = tpu.memref_slice %arg3[%dma_wait3A_226, %dma_wait3A_227] : memref<513x64xf32, #tpu.memory_space<hbm>> -> memref<64x64xf32, #tpu.memory_space<hbm>>
    tpu.wait_dma2 semaphore(%dma_wait3A_218 : memref<!tpu.dma_semaphore, #tpu.memory_space<semaphore_mem>>) src(%dma_wait3A_228 : memref<64x64xf32, #tpu.memory_space<hbm>>) dst(%dma_wait3A_225 : memref<64x64xf32, #tpu.memory_space<vmem>>)
    %parallel_loop3A_229 = arith.constant 0 : i32
    %parallel_loop3A_230 = arith.constant 64 : i32
    %parallel_loop3A_231 = arith.constant 1 : i32
    scf.for %parallel_loop3A_517 = %parallel_loop3A_229 to %parallel_loop3A_230 step %parallel_loop3A_231  : i32 {
      %parallel_loop3A_518 = arith.constant 192 : i32
      %parallel_loop3A_519 = arith.addi %parallel_loop3A_518, %parallel_loop3A_517 : i32
      %parallel_loop3A_520 = arith.constant 65 : i32
      %parallel_loop3A_521 = arith.muli %parallel_loop3A_519, %parallel_loop3A_520 : i32
      %parallel_loop3A_522 = arith.constant 1 : i32
      %parallel_loop3A_523 = arith.index_cast %parallel_loop3A_522 : i32 to index
      %parallel_loop3A_524 = arith.index_cast %parallel_loop3A_517 : i32 to index
      %parallel_loop3A_525 = arith.constant 0 : index
      %parallel_loop3A_526 = tpu.vector_load %arg5[%parallel_loop3A_523, %parallel_loop3A_524, %parallel_loop3A_525] {strides = array<i32>} : memref<2x64x64xf32, #tpu.memory_space<vmem>>, vector<16xf32>,
      %parallel_loop3A_527 = arith.constant 0 : i32
      %parallel_loop3A_528 = arith.addi %parallel_loop3A_521, %parallel_loop3A_527 : i32
      %parallel_loop3A_529 = vector.broadcast %parallel_loop3A_528 : i32 to vector<16xi32>
      %parallel_loop3A_530 = arith.addi %parallel_loop3A_529, %iota3A : vector<16xi32>
      tpu.vector_store_idx %arg6[%parallel_loop3A_530], %parallel_loop3A_526 : memref<33345xf32, #tpu.memory_space<vmem>>[vector<16xi32>], vector<16xf32>,
      %parallel_loop3A_531 = arith.constant 1 : i32
      %parallel_loop3A_532 = arith.index_cast %parallel_loop3A_531 : i32 to index
      %parallel_loop3A_533 = arith.index_cast %parallel_loop3A_517 : i32 to index
      %parallel_loop3A_534 = arith.constant 16 : index
      %parallel_loop3A_535 = tpu.vector_load %arg5[%parallel_loop3A_532, %parallel_loop3A_533, %parallel_loop3A_534] {strides = array<i32>} : memref<2x64x64xf32, #tpu.memory_space<vmem>>, vector<16xf32>,
      %parallel_loop3A_536 = arith.constant 16 : i32
      %parallel_loop3A_537 = arith.addi %parallel_loop3A_521, %parallel_loop3A_536 : i32
      %parallel_loop3A_538 = vector.broadcast %parallel_loop3A_537 : i32 to vector<16xi32>
      %parallel_loop3A_539 = arith.addi %parallel_loop3A_538, %iota3A : vector<16xi32>
      tpu.vector_store_idx %arg6[%parallel_loop3A_539], %parallel_loop3A_535 : memref<33345xf32, #tpu.memory_space<vmem>>[vector<16xi32>], vector<16xf32>,
      %parallel_loop3A_540 = arith.constant 1 : i32
      %parallel_loop3A_541 = arith.index_cast %parallel_loop3A_540 : i32 to index
      %parallel_loop3A_542 = arith.index_cast %parallel_loop3A_517 : i32 to index
      %parallel_loop3A_543 = arith.constant 32 : index
      %parallel_loop3A_544 = tpu.vector_load %arg5[%parallel_loop3A_541, %parallel_loop3A_542, %parallel_loop3A_543] {strides = array<i32>} : memref<2x64x64xf32, #tpu.memory_space<vmem>>, vector<16xf32>,
      %parallel_loop3A_545 = arith.constant 32 : i32
      %parallel_loop3A_546 = arith.addi %parallel_loop3A_521, %parallel_loop3A_545 : i32
      %parallel_loop3A_547 = vector.broadcast %parallel_loop3A_546 : i32 to vector<16xi32>
      %parallel_loop3A_548 = arith.addi %parallel_loop3A_547, %iota3A : vector<16xi32>
      tpu.vector_store_idx %arg6[%parallel_loop3A_548], %parallel_loop3A_544 : memref<33345xf32, #tpu.memory_space<vmem>>[vector<16xi32>], vector<16xf32>,
      %parallel_loop3A_549 = arith.constant 1 : i32
      %parallel_loop3A_550 = arith.index_cast %parallel_loop3A_549 : i32 to index
      %parallel_loop3A_551 = arith.index_cast %parallel_loop3A_517 : i32 to index
      %parallel_loop3A_552 = arith.constant 48 : index
      %parallel_loop3A_553 = tpu.vector_load %arg5[%parallel_loop3A_550, %parallel_loop3A_551, %parallel_loop3A_552] {strides = array<i32>} : memref<2x64x64xf32, #tpu.memory_space<vmem>>, vector<16xf32>,
      %parallel_loop3A_554 = arith.constant 48 : i32
      %parallel_loop3A_555 = arith.addi %parallel_loop3A_521, %parallel_loop3A_554 : i32
      %parallel_loop3A_556 = vector.broadcast %parallel_loop3A_555 : i32 to vector<16xi32>
      %parallel_loop3A_557 = arith.addi %parallel_loop3A_556, %iota3A : vector<16xi32>
      tpu.vector_store_idx %arg6[%parallel_loop3A_557], %parallel_loop3A_553 : memref<33345xf32, #tpu.memory_space<vmem>>[vector<16xi32>], vector<16xf32>,
    } {sc.loop_unroll_factor = 4 : i64, sc.parallel_access}
    %dma_start3A_232 = arith.constant 1 : i32
    %dma_start3A_233 = arith.constant 1 : i32
    %dma_start3A_234 = arith.constant 0 : i32
    %dma_start3A_235 = arith.constant 0 : i32
    %dma_start3A_236 = tpu.memref_slice %arg5[%dma_start3A_232, %dma_start3A_234, %dma_start3A_235] : memref<2x64x64xf32, #tpu.memory_space<vmem>> -> memref<1x64x64xf32, #tpu.memory_space<vmem>>
    %dma_start3A_237 = tpu.memref_squeeze %dma_start3A_236 : memref<1x64x64xf32, #tpu.memory_space<vmem>> -> memref<64x64xf32, #tpu.memory_space<vmem>>
    %dma_start3A_238 = arith.constant 0 : i32
    %dma_start3A_239 = arith.constant 0 : i32
    %dma_start3A_240 = tpu.memref_slice %dma_start3A_237[%dma_start3A_238, %dma_start3A_239] : memref<64x64xf32, #tpu.memory_space<vmem>> -> memref<64x64xf32, #tpu.memory_space<vmem>>
    %dma_start3A_241 = arith.constant 320 : i32
    %dma_start3A_242 = arith.constant 0 : i32
    %dma_start3A_243 = tpu.memref_slice %arg3[%dma_start3A_241, %dma_start3A_242] : memref<513x64xf32, #tpu.memory_space<hbm>> -> memref<64x64xf32, #tpu.memory_space<hbm>>
    %dma_start3A_244 = tpu.memref_slice %arg10[%dma_start3A_233] : memref<2x!tpu.dma_semaphore, #tpu.memory_space<semaphore_mem>> -> memref<1x!tpu.dma_semaphore, #tpu.memory_space<semaphore_mem>>
    %dma_start3A_245 = tpu.memref_squeeze %dma_start3A_244 : memref<1x!tpu.dma_semaphore, #tpu.memory_space<semaphore_mem>> -> memref<!tpu.dma_semaphore, #tpu.memory_space<semaphore_mem>>
    %dma_start3A_246 = arith.constant 0 : i32
    %dma_start3A_247 = arith.constant 0 : i32
    %dma_start3A_248 = tpu.memref_slice %arg5[%dma_start3A_232, %dma_start3A_246, %dma_start3A_247] : memref<2x64x64xf32, #tpu.memory_space<vmem>> -> memref<1x64x64xf32, #tpu.memory_space<vmem>>
    %dma_start3A_249 = tpu.memref_squeeze %dma_start3A_248 : memref<1x64x64xf32, #tpu.memory_space<vmem>> -> memref<64x64xf32, #tpu.memory_space<vmem>>
    %dma_start3A_250 = arith.constant 0 : i32
    %dma_start3A_251 = arith.constant 0 : i32
    %dma_start3A_252 = tpu.memref_slice %dma_start3A_249[%dma_start3A_250, %dma_start3A_251] : memref<64x64xf32, #tpu.memory_space<vmem>> -> memref<64x64xf32, #tpu.memory_space<vmem>>
    %dma_start3A_253 = arith.constant 320 : i32
    %dma_start3A_254 = arith.constant 0 : i32
    %dma_start3A_255 = tpu.memref_slice %arg3[%dma_start3A_253, %dma_start3A_254] : memref<513x64xf32, #tpu.memory_space<hbm>> -> memref<64x64xf32, #tpu.memory_space<hbm>>
    tpu.enqueue_dma source(%dma_start3A_255 : memref<64x64xf32, #tpu.memory_space<hbm>>) target(%dma_start3A_252 : memref<64x64xf32, #tpu.memory_space<vmem>>) target_semaphore(%dma_start3A_245 : memref<!tpu.dma_semaphore, #tpu.memory_space<semaphore_mem>>)
    %dma_wait3A_256 = arith.constant 0 : i32
    %dma_wait3A_257 = arith.constant 0 : i32
    %dma_wait3A_258 = arith.constant 0 : i32
    %dma_wait3A_259 = arith.constant 0 : i32
    %dma_wait3A_260 = tpu.memref_slice %arg5[%dma_wait3A_256, %dma_wait3A_258, %dma_wait3A_259] : memref<2x64x64xf32, #tpu.memory_space<vmem>> -> memref<1x64x64xf32, #tpu.memory_space<vmem>>
    %dma_wait3A_261 = tpu.memref_squeeze %dma_wait3A_260 : memref<1x64x64xf32, #tpu.memory_space<vmem>> -> memref<64x64xf32, #tpu.memory_space<vmem>>
    %dma_wait3A_262 = arith.constant 0 : i32
    %dma_wait3A_263 = arith.constant 0 : i32
    %dma_wait3A_264 = tpu.memref_slice %dma_wait3A_261[%dma_wait3A_262, %dma_wait3A_263] : memref<64x64xf32, #tpu.memory_space<vmem>> -> memref<64x64xf32, #tpu.memory_space<vmem>>
    %dma_wait3A_265 = arith.constant 256 : i32
    %dma_wait3A_266 = arith.constant 0 : i32
    %dma_wait3A_267 = tpu.memref_slice %arg3[%dma_wait3A_265, %dma_wait3A_266] : memref<513x64xf32, #tpu.memory_space<hbm>> -> memref<64x64xf32, #tpu.memory_space<hbm>>
    %dma_wait3A_268 = tpu.memref_slice %arg10[%dma_wait3A_257] : memref<2x!tpu.dma_semaphore, #tpu.memory_space<semaphore_mem>> -> memref<1x!tpu.dma_semaphore, #tpu.memory_space<semaphore_mem>>
    %dma_wait3A_269 = tpu.memref_squeeze %dma_wait3A_268 : memref<1x!tpu.dma_semaphore, #tpu.memory_space<semaphore_mem>> -> memref<!tpu.dma_semaphore, #tpu.memory_space<semaphore_mem>>
    %dma_wait3A_270 = arith.constant 0 : i32
    %dma_wait3A_271 = arith.constant 0 : i32
    %dma_wait3A_272 = tpu.memref_slice %arg5[%dma_wait3A_256, %dma_wait3A_270, %dma_wait3A_271] : memref<2x64x64xf32, #tpu.memory_space<vmem>> -> memref<1x64x64xf32, #tpu.memory_space<vmem>>
    %dma_wait3A_273 = tpu.memref_squeeze %dma_wait3A_272 : memref<1x64x64xf32, #tpu.memory_space<vmem>> -> memref<64x64xf32, #tpu.memory_space<vmem>>
    %dma_wait3A_274 = arith.constant 0 : i32
    %dma_wait3A_275 = arith.constant 0 : i32
    %dma_wait3A_276 = tpu.memref_slice %dma_wait3A_273[%dma_wait3A_274, %dma_wait3A_275] : memref<64x64xf32, #tpu.memory_space<vmem>> -> memref<64x64xf32, #tpu.memory_space<vmem>>
    %dma_wait3A_277 = arith.constant 256 : i32
    %dma_wait3A_278 = arith.constant 0 : i32
    %dma_wait3A_279 = tpu.memref_slice %arg3[%dma_wait3A_277, %dma_wait3A_278] : memref<513x64xf32, #tpu.memory_space<hbm>> -> memref<64x64xf32, #tpu.memory_space<hbm>>
    tpu.wait_dma2 semaphore(%dma_wait3A_269 : memref<!tpu.dma_semaphore, #tpu.memory_space<semaphore_mem>>) src(%dma_wait3A_279 : memref<64x64xf32, #tpu.memory_space<hbm>>) dst(%dma_wait3A_276 : memref<64x64xf32, #tpu.memory_space<vmem>>)
    %parallel_loop3A_280 = arith.constant 0 : i32
    %parallel_loop3A_281 = arith.constant 64 : i32
    %parallel_loop3A_282 = arith.constant 1 : i32
    scf.for %parallel_loop3A_517 = %parallel_loop3A_280 to %parallel_loop3A_281 step %parallel_loop3A_282  : i32 {
      %parallel_loop3A_518 = arith.constant 256 : i32
      %parallel_loop3A_519 = arith.addi %parallel_loop3A_518, %parallel_loop3A_517 : i32
      %parallel_loop3A_520 = arith.constant 65 : i32
      %parallel_loop3A_521 = arith.muli %parallel_loop3A_519, %parallel_loop3A_520 : i32
      %parallel_loop3A_522 = arith.constant 0 : i32
      %parallel_loop3A_523 = arith.index_cast %parallel_loop3A_522 : i32 to index
      %parallel_loop3A_524 = arith.index_cast %parallel_loop3A_517 : i32 to index
      %parallel_loop3A_525 = arith.constant 0 : index
      %parallel_loop3A_526 = tpu.vector_load %arg5[%parallel_loop3A_523, %parallel_loop3A_524, %parallel_loop3A_525] {strides = array<i32>} : memref<2x64x64xf32, #tpu.memory_space<vmem>>, vector<16xf32>,
      %parallel_loop3A_527 = arith.constant 0 : i32
      %parallel_loop3A_528 = arith.addi %parallel_loop3A_521, %parallel_loop3A_527 : i32
      %parallel_loop3A_529 = vector.broadcast %parallel_loop3A_528 : i32 to vector<16xi32>
      %parallel_loop3A_530 = arith.addi %parallel_loop3A_529, %iota3A : vector<16xi32>
      tpu.vector_store_idx %arg6[%parallel_loop3A_530], %parallel_loop3A_526 : memref<33345xf32, #tpu.memory_space<vmem>>[vector<16xi32>], vector<16xf32>,
      %parallel_loop3A_531 = arith.constant 0 : i32
      %parallel_loop3A_532 = arith.index_cast %parallel_loop3A_531 : i32 to index
      %parallel_loop3A_533 = arith.index_cast %parallel_loop3A_517 : i32 to index
      %parallel_loop3A_534 = arith.constant 16 : index
      %parallel_loop3A_535 = tpu.vector_load %arg5[%parallel_loop3A_532, %parallel_loop3A_533, %parallel_loop3A_534] {strides = array<i32>} : memref<2x64x64xf32, #tpu.memory_space<vmem>>, vector<16xf32>,
      %parallel_loop3A_536 = arith.constant 16 : i32
      %parallel_loop3A_537 = arith.addi %parallel_loop3A_521, %parallel_loop3A_536 : i32
      %parallel_loop3A_538 = vector.broadcast %parallel_loop3A_537 : i32 to vector<16xi32>
      %parallel_loop3A_539 = arith.addi %parallel_loop3A_538, %iota3A : vector<16xi32>
      tpu.vector_store_idx %arg6[%parallel_loop3A_539], %parallel_loop3A_535 : memref<33345xf32, #tpu.memory_space<vmem>>[vector<16xi32>], vector<16xf32>,
      %parallel_loop3A_540 = arith.constant 0 : i32
      %parallel_loop3A_541 = arith.index_cast %parallel_loop3A_540 : i32 to index
      %parallel_loop3A_542 = arith.index_cast %parallel_loop3A_517 : i32 to index
      %parallel_loop3A_543 = arith.constant 32 : index
      %parallel_loop3A_544 = tpu.vector_load %arg5[%parallel_loop3A_541, %parallel_loop3A_542, %parallel_loop3A_543] {strides = array<i32>} : memref<2x64x64xf32, #tpu.memory_space<vmem>>, vector<16xf32>,
      %parallel_loop3A_545 = arith.constant 32 : i32
      %parallel_loop3A_546 = arith.addi %parallel_loop3A_521, %parallel_loop3A_545 : i32
      %parallel_loop3A_547 = vector.broadcast %parallel_loop3A_546 : i32 to vector<16xi32>
      %parallel_loop3A_548 = arith.addi %parallel_loop3A_547, %iota3A : vector<16xi32>
      tpu.vector_store_idx %arg6[%parallel_loop3A_548], %parallel_loop3A_544 : memref<33345xf32, #tpu.memory_space<vmem>>[vector<16xi32>], vector<16xf32>,
      %parallel_loop3A_549 = arith.constant 0 : i32
      %parallel_loop3A_550 = arith.index_cast %parallel_loop3A_549 : i32 to index
      %parallel_loop3A_551 = arith.index_cast %parallel_loop3A_517 : i32 to index
      %parallel_loop3A_552 = arith.constant 48 : index
      %parallel_loop3A_553 = tpu.vector_load %arg5[%parallel_loop3A_550, %parallel_loop3A_551, %parallel_loop3A_552] {strides = array<i32>} : memref<2x64x64xf32, #tpu.memory_space<vmem>>, vector<16xf32>,
      %parallel_loop3A_554 = arith.constant 48 : i32
      %parallel_loop3A_555 = arith.addi %parallel_loop3A_521, %parallel_loop3A_554 : i32
      %parallel_loop3A_556 = vector.broadcast %parallel_loop3A_555 : i32 to vector<16xi32>
      %parallel_loop3A_557 = arith.addi %parallel_loop3A_556, %iota3A : vector<16xi32>
      tpu.vector_store_idx %arg6[%parallel_loop3A_557], %parallel_loop3A_553 : memref<33345xf32, #tpu.memory_space<vmem>>[vector<16xi32>], vector<16xf32>,
    } {sc.loop_unroll_factor = 4 : i64, sc.parallel_access}
    %dma_start3A_283 = arith.constant 0 : i32
    %dma_start3A_284 = arith.constant 0 : i32
    %dma_start3A_285 = arith.constant 0 : i32
    %dma_start3A_286 = arith.constant 0 : i32
    %dma_start3A_287 = tpu.memref_slice %arg5[%dma_start3A_283, %dma_start3A_285, %dma_start3A_286] : memref<2x64x64xf32, #tpu.memory_space<vmem>> -> memref<1x64x64xf32, #tpu.memory_space<vmem>>
    %dma_start3A_288 = tpu.memref_squeeze %dma_start3A_287 : memref<1x64x64xf32, #tpu.memory_space<vmem>> -> memref<64x64xf32, #tpu.memory_space<vmem>>
    %dma_start3A_289 = arith.constant 0 : i32
    %dma_start3A_290 = arith.constant 0 : i32
    %dma_start3A_291 = tpu.memref_slice %dma_start3A_288[%dma_start3A_289, %dma_start3A_290] : memref<64x64xf32, #tpu.memory_space<vmem>> -> memref<64x64xf32, #tpu.memory_space<vmem>>
    %dma_start3A_292 = arith.constant 384 : i32
    %dma_start3A_293 = arith.constant 0 : i32
    %dma_start3A_294 = tpu.memref_slice %arg3[%dma_start3A_292, %dma_start3A_293] : memref<513x64xf32, #tpu.memory_space<hbm>> -> memref<64x64xf32, #tpu.memory_space<hbm>>
    %dma_start3A_295 = tpu.memref_slice %arg10[%dma_start3A_284] : memref<2x!tpu.dma_semaphore, #tpu.memory_space<semaphore_mem>> -> memref<1x!tpu.dma_semaphore, #tpu.memory_space<semaphore_mem>>
    %dma_start3A_296 = tpu.memref_squeeze %dma_start3A_295 : memref<1x!tpu.dma_semaphore, #tpu.memory_space<semaphore_mem>> -> memref<!tpu.dma_semaphore, #tpu.memory_space<semaphore_mem>>
    %dma_start3A_297 = arith.constant 0 : i32
    %dma_start3A_298 = arith.constant 0 : i32
    %dma_start3A_299 = tpu.memref_slice %arg5[%dma_start3A_283, %dma_start3A_297, %dma_start3A_298] : memref<2x64x64xf32, #tpu.memory_space<vmem>> -> memref<1x64x64xf32, #tpu.memory_space<vmem>>
    %dma_start3A_300 = tpu.memref_squeeze %dma_start3A_299 : memref<1x64x64xf32, #tpu.memory_space<vmem>> -> memref<64x64xf32, #tpu.memory_space<vmem>>
    %dma_start3A_301 = arith.constant 0 : i32
    %dma_start3A_302 = arith.constant 0 : i32
    %dma_start3A_303 = tpu.memref_slice %dma_start3A_300[%dma_start3A_301, %dma_start3A_302] : memref<64x64xf32, #tpu.memory_space<vmem>> -> memref<64x64xf32, #tpu.memory_space<vmem>>
    %dma_start3A_304 = arith.constant 384 : i32
    %dma_start3A_305 = arith.constant 0 : i32
    %dma_start3A_306 = tpu.memref_slice %arg3[%dma_start3A_304, %dma_start3A_305] : memref<513x64xf32, #tpu.memory_space<hbm>> -> memref<64x64xf32, #tpu.memory_space<hbm>>
    tpu.enqueue_dma source(%dma_start3A_306 : memref<64x64xf32, #tpu.memory_space<hbm>>) target(%dma_start3A_303 : memref<64x64xf32, #tpu.memory_space<vmem>>) target_semaphore(%dma_start3A_296 : memref<!tpu.dma_semaphore, #tpu.memory_space<semaphore_mem>>)
    %dma_wait3A_307 = arith.constant 1 : i32
    %dma_wait3A_308 = arith.constant 1 : i32
    %dma_wait3A_309 = arith.constant 0 : i32
    %dma_wait3A_310 = arith.constant 0 : i32
    %dma_wait3A_311 = tpu.memref_slice %arg5[%dma_wait3A_307, %dma_wait3A_309, %dma_wait3A_310] : memref<2x64x64xf32, #tpu.memory_space<vmem>> -> memref<1x64x64xf32, #tpu.memory_space<vmem>>
    %dma_wait3A_312 = tpu.memref_squeeze %dma_wait3A_311 : memref<1x64x64xf32, #tpu.memory_space<vmem>> -> memref<64x64xf32, #tpu.memory_space<vmem>>
    %dma_wait3A_313 = arith.constant 0 : i32
    %dma_wait3A_314 = arith.constant 0 : i32
    %dma_wait3A_315 = tpu.memref_slice %dma_wait3A_312[%dma_wait3A_313, %dma_wait3A_314] : memref<64x64xf32, #tpu.memory_space<vmem>> -> memref<64x64xf32, #tpu.memory_space<vmem>>
    %dma_wait3A_316 = arith.constant 320 : i32
    %dma_wait3A_317 = arith.constant 0 : i32
    %dma_wait3A_318 = tpu.memref_slice %arg3[%dma_wait3A_316, %dma_wait3A_317] : memref<513x64xf32, #tpu.memory_space<hbm>> -> memref<64x64xf32, #tpu.memory_space<hbm>>
    %dma_wait3A_319 = tpu.memref_slice %arg10[%dma_wait3A_308] : memref<2x!tpu.dma_semaphore, #tpu.memory_space<semaphore_mem>> -> memref<1x!tpu.dma_semaphore, #tpu.memory_space<semaphore_mem>>
    %dma_wait3A_320 = tpu.memref_squeeze %dma_wait3A_319 : memref<1x!tpu.dma_semaphore, #tpu.memory_space<semaphore_mem>> -> memref<!tpu.dma_semaphore, #tpu.memory_space<semaphore_mem>>
    %dma_wait3A_321 = arith.constant 0 : i32
    %dma_wait3A_322 = arith.constant 0 : i32
    %dma_wait3A_323 = tpu.memref_slice %arg5[%dma_wait3A_307, %dma_wait3A_321, %dma_wait3A_322] : memref<2x64x64xf32, #tpu.memory_space<vmem>> -> memref<1x64x64xf32, #tpu.memory_space<vmem>>
    %dma_wait3A_324 = tpu.memref_squeeze %dma_wait3A_323 : memref<1x64x64xf32, #tpu.memory_space<vmem>> -> memref<64x64xf32, #tpu.memory_space<vmem>>
    %dma_wait3A_325 = arith.constant 0 : i32
    %dma_wait3A_326 = arith.constant 0 : i32
    %dma_wait3A_327 = tpu.memref_slice %dma_wait3A_324[%dma_wait3A_325, %dma_wait3A_326] : memref<64x64xf32, #tpu.memory_space<vmem>> -> memref<64x64xf32, #tpu.memory_space<vmem>>
    %dma_wait3A_328 = arith.constant 320 : i32
    %dma_wait3A_329 = arith.constant 0 : i32
    %dma_wait3A_330 = tpu.memref_slice %arg3[%dma_wait3A_328, %dma_wait3A_329] : memref<513x64xf32, #tpu.memory_space<hbm>> -> memref<64x64xf32, #tpu.memory_space<hbm>>
    tpu.wait_dma2 semaphore(%dma_wait3A_320 : memref<!tpu.dma_semaphore, #tpu.memory_space<semaphore_mem>>) src(%dma_wait3A_330 : memref<64x64xf32, #tpu.memory_space<hbm>>) dst(%dma_wait3A_327 : memref<64x64xf32, #tpu.memory_space<vmem>>)
    %parallel_loop3A_331 = arith.constant 0 : i32
    %parallel_loop3A_332 = arith.constant 64 : i32
    %parallel_loop3A_333 = arith.constant 1 : i32
    scf.for %parallel_loop3A_517 = %parallel_loop3A_331 to %parallel_loop3A_332 step %parallel_loop3A_333  : i32 {
      %parallel_loop3A_518 = arith.constant 320 : i32
      %parallel_loop3A_519 = arith.addi %parallel_loop3A_518, %parallel_loop3A_517 : i32
      %parallel_loop3A_520 = arith.constant 65 : i32
      %parallel_loop3A_521 = arith.muli %parallel_loop3A_519, %parallel_loop3A_520 : i32
      %parallel_loop3A_522 = arith.constant 1 : i32
      %parallel_loop3A_523 = arith.index_cast %parallel_loop3A_522 : i32 to index
      %parallel_loop3A_524 = arith.index_cast %parallel_loop3A_517 : i32 to index
      %parallel_loop3A_525 = arith.constant 0 : index
      %parallel_loop3A_526 = tpu.vector_load %arg5[%parallel_loop3A_523, %parallel_loop3A_524, %parallel_loop3A_525] {strides = array<i32>} : memref<2x64x64xf32, #tpu.memory_space<vmem>>, vector<16xf32>,
      %parallel_loop3A_527 = arith.constant 0 : i32
      %parallel_loop3A_528 = arith.addi %parallel_loop3A_521, %parallel_loop3A_527 : i32
      %parallel_loop3A_529 = vector.broadcast %parallel_loop3A_528 : i32 to vector<16xi32>
      %parallel_loop3A_530 = arith.addi %parallel_loop3A_529, %iota3A : vector<16xi32>
      tpu.vector_store_idx %arg6[%parallel_loop3A_530], %parallel_loop3A_526 : memref<33345xf32, #tpu.memory_space<vmem>>[vector<16xi32>], vector<16xf32>,
      %parallel_loop3A_531 = arith.constant 1 : i32
      %parallel_loop3A_532 = arith.index_cast %parallel_loop3A_531 : i32 to index
      %parallel_loop3A_533 = arith.index_cast %parallel_loop3A_517 : i32 to index
      %parallel_loop3A_534 = arith.constant 16 : index
      %parallel_loop3A_535 = tpu.vector_load %arg5[%parallel_loop3A_532, %parallel_loop3A_533, %parallel_loop3A_534] {strides = array<i32>} : memref<2x64x64xf32, #tpu.memory_space<vmem>>, vector<16xf32>,
      %parallel_loop3A_536 = arith.constant 16 : i32
      %parallel_loop3A_537 = arith.addi %parallel_loop3A_521, %parallel_loop3A_536 : i32
      %parallel_loop3A_538 = vector.broadcast %parallel_loop3A_537 : i32 to vector<16xi32>
      %parallel_loop3A_539 = arith.addi %parallel_loop3A_538, %iota3A : vector<16xi32>
      tpu.vector_store_idx %arg6[%parallel_loop3A_539], %parallel_loop3A_535 : memref<33345xf32, #tpu.memory_space<vmem>>[vector<16xi32>], vector<16xf32>,
      %parallel_loop3A_540 = arith.constant 1 : i32
      %parallel_loop3A_541 = arith.index_cast %parallel_loop3A_540 : i32 to index
      %parallel_loop3A_542 = arith.index_cast %parallel_loop3A_517 : i32 to index
      %parallel_loop3A_543 = arith.constant 32 : index
      %parallel_loop3A_544 = tpu.vector_load %arg5[%parallel_loop3A_541, %parallel_loop3A_542, %parallel_loop3A_543] {strides = array<i32>} : memref<2x64x64xf32, #tpu.memory_space<vmem>>, vector<16xf32>,
      %parallel_loop3A_545 = arith.constant 32 : i32
      %parallel_loop3A_546 = arith.addi %parallel_loop3A_521, %parallel_loop3A_545 : i32
      %parallel_loop3A_547 = vector.broadcast %parallel_loop3A_546 : i32 to vector<16xi32>
      %parallel_loop3A_548 = arith.addi %parallel_loop3A_547, %iota3A : vector<16xi32>
      tpu.vector_store_idx %arg6[%parallel_loop3A_548], %parallel_loop3A_544 : memref<33345xf32, #tpu.memory_space<vmem>>[vector<16xi32>], vector<16xf32>,
      %parallel_loop3A_549 = arith.constant 1 : i32
      %parallel_loop3A_550 = arith.index_cast %parallel_loop3A_549 : i32 to index
      %parallel_loop3A_551 = arith.index_cast %parallel_loop3A_517 : i32 to index
      %parallel_loop3A_552 = arith.constant 48 : index
      %parallel_loop3A_553 = tpu.vector_load %arg5[%parallel_loop3A_550, %parallel_loop3A_551, %parallel_loop3A_552] {strides = array<i32>} : memref<2x64x64xf32, #tpu.memory_space<vmem>>, vector<16xf32>,
      %parallel_loop3A_554 = arith.constant 48 : i32
      %parallel_loop3A_555 = arith.addi %parallel_loop3A_521, %parallel_loop3A_554 : i32
      %parallel_loop3A_556 = vector.broadcast %parallel_loop3A_555 : i32 to vector<16xi32>
      %parallel_loop3A_557 = arith.addi %parallel_loop3A_556, %iota3A : vector<16xi32>
      tpu.vector_store_idx %arg6[%parallel_loop3A_557], %parallel_loop3A_553 : memref<33345xf32, #tpu.memory_space<vmem>>[vector<16xi32>], vector<16xf32>,
    } {sc.loop_unroll_factor = 4 : i64, sc.parallel_access}
    %dma_start3A_334 = arith.constant 1 : i32
    %dma_start3A_335 = arith.constant 1 : i32
    %dma_start3A_336 = arith.constant 0 : i32
    %dma_start3A_337 = arith.constant 0 : i32
    %dma_start3A_338 = tpu.memref_slice %arg5[%dma_start3A_334, %dma_start3A_336, %dma_start3A_337] : memref<2x64x64xf32, #tpu.memory_space<vmem>> -> memref<1x64x64xf32, #tpu.memory_space<vmem>>
    %dma_start3A_339 = tpu.memref_squeeze %dma_start3A_338 : memref<1x64x64xf32, #tpu.memory_space<vmem>> -> memref<64x64xf32, #tpu.memory_space<vmem>>
    %dma_start3A_340 = arith.constant 0 : i32
    %dma_start3A_341 = arith.constant 0 : i32
    %dma_start3A_342 = tpu.memref_slice %dma_start3A_339[%dma_start3A_340, %dma_start3A_341] : memref<64x64xf32, #tpu.memory_space<vmem>> -> memref<64x64xf32, #tpu.memory_space<vmem>>
    %dma_start3A_343 = arith.constant 448 : i32
    %dma_start3A_344 = arith.constant 0 : i32
    %dma_start3A_345 = tpu.memref_slice %arg3[%dma_start3A_343, %dma_start3A_344] : memref<513x64xf32, #tpu.memory_space<hbm>> -> memref<64x64xf32, #tpu.memory_space<hbm>>
    %dma_start3A_346 = tpu.memref_slice %arg10[%dma_start3A_335] : memref<2x!tpu.dma_semaphore, #tpu.memory_space<semaphore_mem>> -> memref<1x!tpu.dma_semaphore, #tpu.memory_space<semaphore_mem>>
    %dma_start3A_347 = tpu.memref_squeeze %dma_start3A_346 : memref<1x!tpu.dma_semaphore, #tpu.memory_space<semaphore_mem>> -> memref<!tpu.dma_semaphore, #tpu.memory_space<semaphore_mem>>
    %dma_start3A_348 = arith.constant 0 : i32
    %dma_start3A_349 = arith.constant 0 : i32
    %dma_start3A_350 = tpu.memref_slice %arg5[%dma_start3A_334, %dma_start3A_348, %dma_start3A_349] : memref<2x64x64xf32, #tpu.memory_space<vmem>> -> memref<1x64x64xf32, #tpu.memory_space<vmem>>
    %dma_start3A_351 = tpu.memref_squeeze %dma_start3A_350 : memref<1x64x64xf32, #tpu.memory_space<vmem>> -> memref<64x64xf32, #tpu.memory_space<vmem>>
    %dma_start3A_352 = arith.constant 0 : i32
    %dma_start3A_353 = arith.constant 0 : i32
    %dma_start3A_354 = tpu.memref_slice %dma_start3A_351[%dma_start3A_352, %dma_start3A_353] : memref<64x64xf32, #tpu.memory_space<vmem>> -> memref<64x64xf32, #tpu.memory_space<vmem>>
    %dma_start3A_355 = arith.constant 448 : i32
    %dma_start3A_356 = arith.constant 0 : i32
    %dma_start3A_357 = tpu.memref_slice %arg3[%dma_start3A_355, %dma_start3A_356] : memref<513x64xf32, #tpu.memory_space<hbm>> -> memref<64x64xf32, #tpu.memory_space<hbm>>
    tpu.enqueue_dma source(%dma_start3A_357 : memref<64x64xf32, #tpu.memory_space<hbm>>) target(%dma_start3A_354 : memref<64x64xf32, #tpu.memory_space<vmem>>) target_semaphore(%dma_start3A_347 : memref<!tpu.dma_semaphore, #tpu.memory_space<semaphore_mem>>)
    %dma_wait3A_358 = arith.constant 0 : i32
    %dma_wait3A_359 = arith.constant 0 : i32
    %dma_wait3A_360 = arith.constant 0 : i32
    %dma_wait3A_361 = arith.constant 0 : i32
    %dma_wait3A_362 = tpu.memref_slice %arg5[%dma_wait3A_358, %dma_wait3A_360, %dma_wait3A_361] : memref<2x64x64xf32, #tpu.memory_space<vmem>> -> memref<1x64x64xf32, #tpu.memory_space<vmem>>
    %dma_wait3A_363 = tpu.memref_squeeze %dma_wait3A_362 : memref<1x64x64xf32, #tpu.memory_space<vmem>> -> memref<64x64xf32, #tpu.memory_space<vmem>>
    %dma_wait3A_364 = arith.constant 0 : i32
    %dma_wait3A_365 = arith.constant 0 : i32
    %dma_wait3A_366 = tpu.memref_slice %dma_wait3A_363[%dma_wait3A_364, %dma_wait3A_365] : memref<64x64xf32, #tpu.memory_space<vmem>> -> memref<64x64xf32, #tpu.memory_space<vmem>>
    %dma_wait3A_367 = arith.constant 384 : i32
    %dma_wait3A_368 = arith.constant 0 : i32
    %dma_wait3A_369 = tpu.memref_slice %arg3[%dma_wait3A_367, %dma_wait3A_368] : memref<513x64xf32, #tpu.memory_space<hbm>> -> memref<64x64xf32, #tpu.memory_space<hbm>>
    %dma_wait3A_370 = tpu.memref_slice %arg10[%dma_wait3A_359] : memref<2x!tpu.dma_semaphore, #tpu.memory_space<semaphore_mem>> -> memref<1x!tpu.dma_semaphore, #tpu.memory_space<semaphore_mem>>
    %dma_wait3A_371 = tpu.memref_squeeze %dma_wait3A_370 : memref<1x!tpu.dma_semaphore, #tpu.memory_space<semaphore_mem>> -> memref<!tpu.dma_semaphore, #tpu.memory_space<semaphore_mem>>
    %dma_wait3A_372 = arith.constant 0 : i32
    %dma_wait3A_373 = arith.constant 0 : i32
    %dma_wait3A_374 = tpu.memref_slice %arg5[%dma_wait3A_358, %dma_wait3A_372, %dma_wait3A_373] : memref<2x64x64xf32, #tpu.memory_space<vmem>> -> memref<1x64x64xf32, #tpu.memory_space<vmem>>
    %dma_wait3A_375 = tpu.memref_squeeze %dma_wait3A_374 : memref<1x64x64xf32, #tpu.memory_space<vmem>> -> memref<64x64xf32, #tpu.memory_space<vmem>>
    %dma_wait3A_376 = arith.constant 0 : i32
    %dma_wait3A_377 = arith.constant 0 : i32
    %dma_wait3A_378 = tpu.memref_slice %dma_wait3A_375[%dma_wait3A_376, %dma_wait3A_377] : memref<64x64xf32, #tpu.memory_space<vmem>> -> memref<64x64xf32, #tpu.memory_space<vmem>>
    %dma_wait3A_379 = arith.constant 384 : i32
    %dma_wait3A_380 = arith.constant 0 : i32
    %dma_wait3A_381 = tpu.memref_slice %arg3[%dma_wait3A_379, %dma_wait3A_380] : memref<513x64xf32, #tpu.memory_space<hbm>> -> memref<64x64xf32, #tpu.memory_space<hbm>>
    tpu.wait_dma2 semaphore(%dma_wait3A_371 : memref<!tpu.dma_semaphore, #tpu.memory_space<semaphore_mem>>) src(%dma_wait3A_381 : memref<64x64xf32, #tpu.memory_space<hbm>>) dst(%dma_wait3A_378 : memref<64x64xf32, #tpu.memory_space<vmem>>)
    %parallel_loop3A_382 = arith.constant 0 : i32
    %parallel_loop3A_383 = arith.constant 64 : i32
    %parallel_loop3A_384 = arith.constant 1 : i32
    scf.for %parallel_loop3A_517 = %parallel_loop3A_382 to %parallel_loop3A_383 step %parallel_loop3A_384  : i32 {
      %parallel_loop3A_518 = arith.constant 384 : i32
      %parallel_loop3A_519 = arith.addi %parallel_loop3A_518, %parallel_loop3A_517 : i32
      %parallel_loop3A_520 = arith.constant 65 : i32
      %parallel_loop3A_521 = arith.muli %parallel_loop3A_519, %parallel_loop3A_520 : i32
      %parallel_loop3A_522 = arith.constant 0 : i32
      %parallel_loop3A_523 = arith.index_cast %parallel_loop3A_522 : i32 to index
      %parallel_loop3A_524 = arith.index_cast %parallel_loop3A_517 : i32 to index
      %parallel_loop3A_525 = arith.constant 0 : index
      %parallel_loop3A_526 = tpu.vector_load %arg5[%parallel_loop3A_523, %parallel_loop3A_524, %parallel_loop3A_525] {strides = array<i32>} : memref<2x64x64xf32, #tpu.memory_space<vmem>>, vector<16xf32>,
      %parallel_loop3A_527 = arith.constant 0 : i32
      %parallel_loop3A_528 = arith.addi %parallel_loop3A_521, %parallel_loop3A_527 : i32
      %parallel_loop3A_529 = vector.broadcast %parallel_loop3A_528 : i32 to vector<16xi32>
      %parallel_loop3A_530 = arith.addi %parallel_loop3A_529, %iota3A : vector<16xi32>
      tpu.vector_store_idx %arg6[%parallel_loop3A_530], %parallel_loop3A_526 : memref<33345xf32, #tpu.memory_space<vmem>>[vector<16xi32>], vector<16xf32>,
      %parallel_loop3A_531 = arith.constant 0 : i32
      %parallel_loop3A_532 = arith.index_cast %parallel_loop3A_531 : i32 to index
      %parallel_loop3A_533 = arith.index_cast %parallel_loop3A_517 : i32 to index
      %parallel_loop3A_534 = arith.constant 16 : index
      %parallel_loop3A_535 = tpu.vector_load %arg5[%parallel_loop3A_532, %parallel_loop3A_533, %parallel_loop3A_534] {strides = array<i32>} : memref<2x64x64xf32, #tpu.memory_space<vmem>>, vector<16xf32>,
      %parallel_loop3A_536 = arith.constant 16 : i32
      %parallel_loop3A_537 = arith.addi %parallel_loop3A_521, %parallel_loop3A_536 : i32
      %parallel_loop3A_538 = vector.broadcast %parallel_loop3A_537 : i32 to vector<16xi32>
      %parallel_loop3A_539 = arith.addi %parallel_loop3A_538, %iota3A : vector<16xi32>
      tpu.vector_store_idx %arg6[%parallel_loop3A_539], %parallel_loop3A_535 : memref<33345xf32, #tpu.memory_space<vmem>>[vector<16xi32>], vector<16xf32>,
      %parallel_loop3A_540 = arith.constant 0 : i32
      %parallel_loop3A_541 = arith.index_cast %parallel_loop3A_540 : i32 to index
      %parallel_loop3A_542 = arith.index_cast %parallel_loop3A_517 : i32 to index
      %parallel_loop3A_543 = arith.constant 32 : index
      %parallel_loop3A_544 = tpu.vector_load %arg5[%parallel_loop3A_541, %parallel_loop3A_542, %parallel_loop3A_543] {strides = array<i32>} : memref<2x64x64xf32, #tpu.memory_space<vmem>>, vector<16xf32>,
      %parallel_loop3A_545 = arith.constant 32 : i32
      %parallel_loop3A_546 = arith.addi %parallel_loop3A_521, %parallel_loop3A_545 : i32
      %parallel_loop3A_547 = vector.broadcast %parallel_loop3A_546 : i32 to vector<16xi32>
      %parallel_loop3A_548 = arith.addi %parallel_loop3A_547, %iota3A : vector<16xi32>
      tpu.vector_store_idx %arg6[%parallel_loop3A_548], %parallel_loop3A_544 : memref<33345xf32, #tpu.memory_space<vmem>>[vector<16xi32>], vector<16xf32>,
      %parallel_loop3A_549 = arith.constant 0 : i32
      %parallel_loop3A_550 = arith.index_cast %parallel_loop3A_549 : i32 to index
      %parallel_loop3A_551 = arith.index_cast %parallel_loop3A_517 : i32 to index
      %parallel_loop3A_552 = arith.constant 48 : index
      %parallel_loop3A_553 = tpu.vector_load %arg5[%parallel_loop3A_550, %parallel_loop3A_551, %parallel_loop3A_552] {strides = array<i32>} : memref<2x64x64xf32, #tpu.memory_space<vmem>>, vector<16xf32>,
      %parallel_loop3A_554 = arith.constant 48 : i32
      %parallel_loop3A_555 = arith.addi %parallel_loop3A_521, %parallel_loop3A_554 : i32
      %parallel_loop3A_556 = vector.broadcast %parallel_loop3A_555 : i32 to vector<16xi32>
      %parallel_loop3A_557 = arith.addi %parallel_loop3A_556, %iota3A : vector<16xi32>
      tpu.vector_store_idx %arg6[%parallel_loop3A_557], %parallel_loop3A_553 : memref<33345xf32, #tpu.memory_space<vmem>>[vector<16xi32>], vector<16xf32>,
    } {sc.loop_unroll_factor = 4 : i64, sc.parallel_access}
    %dma_start3A_385 = arith.constant 0 : i32
    %dma_start3A_386 = arith.constant 0 : i32
    %dma_start3A_387 = arith.constant 0 : i32
    %dma_start3A_388 = arith.constant 0 : i32
    %dma_start3A_389 = tpu.memref_slice %arg5[%dma_start3A_385, %dma_start3A_387, %dma_start3A_388] : memref<2x64x64xf32, #tpu.memory_space<vmem>> -> memref<1x64x64xf32, #tpu.memory_space<vmem>>
    %dma_start3A_390 = tpu.memref_squeeze %dma_start3A_389 : memref<1x64x64xf32, #tpu.memory_space<vmem>> -> memref<64x64xf32, #tpu.memory_space<vmem>>
    %dma_start3A_391 = arith.constant 0 : i32
    %dma_start3A_392 = arith.constant 0 : i32
    %dma_start3A_393 = tpu.memref_slice %dma_start3A_390[%dma_start3A_391, %dma_start3A_392] : memref<64x64xf32, #tpu.memory_space<vmem>> -> memref<1x64xf32, #tpu.memory_space<vmem>>
    %dma_start3A_394 = arith.constant 512 : i32
    %dma_start3A_395 = arith.constant 0 : i32
    %dma_start3A_396 = tpu.memref_slice %arg3[%dma_start3A_394, %dma_start3A_395] : memref<513x64xf32, #tpu.memory_space<hbm>> -> memref<1x64xf32, #tpu.memory_space<hbm>>
    %dma_start3A_397 = tpu.memref_slice %arg10[%dma_start3A_386] : memref<2x!tpu.dma_semaphore, #tpu.memory_space<semaphore_mem>> -> memref<1x!tpu.dma_semaphore, #tpu.memory_space<semaphore_mem>>
    %dma_start3A_398 = tpu.memref_squeeze %dma_start3A_397 : memref<1x!tpu.dma_semaphore, #tpu.memory_space<semaphore_mem>> -> memref<!tpu.dma_semaphore, #tpu.memory_space<semaphore_mem>>
    %dma_start3A_399 = arith.constant 0 : i32
    %dma_start3A_400 = arith.constant 0 : i32
    %dma_start3A_401 = tpu.memref_slice %arg5[%dma_start3A_385, %dma_start3A_399, %dma_start3A_400] : memref<2x64x64xf32, #tpu.memory_space<vmem>> -> memref<1x64x64xf32, #tpu.memory_space<vmem>>
    %dma_start3A_402 = tpu.memref_squeeze %dma_start3A_401 : memref<1x64x64xf32, #tpu.memory_space<vmem>> -> memref<64x64xf32, #tpu.memory_space<vmem>>
    %dma_start3A_403 = arith.constant 0 : i32
    %dma_start3A_404 = arith.constant 0 : i32
    %dma_start3A_405 = tpu.memref_slice %dma_start3A_402[%dma_start3A_403, %dma_start3A_404] : memref<64x64xf32, #tpu.memory_space<vmem>> -> memref<1x64xf32, #tpu.memory_space<vmem>>
    %dma_start3A_406 = arith.constant 512 : i32
    %dma_start3A_407 = arith.constant 0 : i32
    %dma_start3A_408 = tpu.memref_slice %arg3[%dma_start3A_406, %dma_start3A_407] : memref<513x64xf32, #tpu.memory_space<hbm>> -> memref<1x64xf32, #tpu.memory_space<hbm>>
    tpu.enqueue_dma source(%dma_start3A_408 : memref<1x64xf32, #tpu.memory_space<hbm>>) target(%dma_start3A_405 : memref<1x64xf32, #tpu.memory_space<vmem>>) target_semaphore(%dma_start3A_398 : memref<!tpu.dma_semaphore, #tpu.memory_space<semaphore_mem>>)
    %dma_wait3A_409 = arith.constant 1 : i32
    %dma_wait3A_410 = arith.constant 1 : i32
    %dma_wait3A_411 = arith.constant 0 : i32
    %dma_wait3A_412 = arith.constant 0 : i32
    %dma_wait3A_413 = tpu.memref_slice %arg5[%dma_wait3A_409, %dma_wait3A_411, %dma_wait3A_412] : memref<2x64x64xf32, #tpu.memory_space<vmem>> -> memref<1x64x64xf32, #tpu.memory_space<vmem>>
    %dma_wait3A_414 = tpu.memref_squeeze %dma_wait3A_413 : memref<1x64x64xf32, #tpu.memory_space<vmem>> -> memref<64x64xf32, #tpu.memory_space<vmem>>
    %dma_wait3A_415 = arith.constant 0 : i32
    %dma_wait3A_416 = arith.constant 0 : i32
    %dma_wait3A_417 = tpu.memref_slice %dma_wait3A_414[%dma_wait3A_415, %dma_wait3A_416] : memref<64x64xf32, #tpu.memory_space<vmem>> -> memref<64x64xf32, #tpu.memory_space<vmem>>
    %dma_wait3A_418 = arith.constant 448 : i32
    %dma_wait3A_419 = arith.constant 0 : i32
    %dma_wait3A_420 = tpu.memref_slice %arg3[%dma_wait3A_418, %dma_wait3A_419] : memref<513x64xf32, #tpu.memory_space<hbm>> -> memref<64x64xf32, #tpu.memory_space<hbm>>
    %dma_wait3A_421 = tpu.memref_slice %arg10[%dma_wait3A_410] : memref<2x!tpu.dma_semaphore, #tpu.memory_space<semaphore_mem>> -> memref<1x!tpu.dma_semaphore, #tpu.memory_space<semaphore_mem>>
    %dma_wait3A_422 = tpu.memref_squeeze %dma_wait3A_421 : memref<1x!tpu.dma_semaphore, #tpu.memory_space<semaphore_mem>> -> memref<!tpu.dma_semaphore, #tpu.memory_space<semaphore_mem>>
    %dma_wait3A_423 = arith.constant 0 : i32
    %dma_wait3A_424 = arith.constant 0 : i32
    %dma_wait3A_425 = tpu.memref_slice %arg5[%dma_wait3A_409, %dma_wait3A_423, %dma_wait3A_424] : memref<2x64x64xf32, #tpu.memory_space<vmem>> -> memref<1x64x64xf32, #tpu.memory_space<vmem>>
    %dma_wait3A_426 = tpu.memref_squeeze %dma_wait3A_425 : memref<1x64x64xf32, #tpu.memory_space<vmem>> -> memref<64x64xf32, #tpu.memory_space<vmem>>
    %dma_wait3A_427 = arith.constant 0 : i32
    %dma_wait3A_428 = arith.constant 0 : i32
    %dma_wait3A_429 = tpu.memref_slice %dma_wait3A_426[%dma_wait3A_427, %dma_wait3A_428] : memref<64x64xf32, #tpu.memory_space<vmem>> -> memref<64x64xf32, #tpu.memory_space<vmem>>
    %dma_wait3A_430 = arith.constant 448 : i32
    %dma_wait3A_431 = arith.constant 0 : i32
    %dma_wait3A_432 = tpu.memref_slice %arg3[%dma_wait3A_430, %dma_wait3A_431] : memref<513x64xf32, #tpu.memory_space<hbm>> -> memref<64x64xf32, #tpu.memory_space<hbm>>
    tpu.wait_dma2 semaphore(%dma_wait3A_422 : memref<!tpu.dma_semaphore, #tpu.memory_space<semaphore_mem>>) src(%dma_wait3A_432 : memref<64x64xf32, #tpu.memory_space<hbm>>) dst(%dma_wait3A_429 : memref<64x64xf32, #tpu.memory_space<vmem>>)
    %parallel_loop3A_433 = arith.constant 0 : i32
    %parallel_loop3A_434 = arith.constant 64 : i32
    %parallel_loop3A_435 = arith.constant 1 : i32
    scf.for %parallel_loop3A_517 = %parallel_loop3A_433 to %parallel_loop3A_434 step %parallel_loop3A_435  : i32 {
      %parallel_loop3A_518 = arith.constant 448 : i32
      %parallel_loop3A_519 = arith.addi %parallel_loop3A_518, %parallel_loop3A_517 : i32
      %parallel_loop3A_520 = arith.constant 65 : i32
      %parallel_loop3A_521 = arith.muli %parallel_loop3A_519, %parallel_loop3A_520 : i32
      %parallel_loop3A_522 = arith.constant 1 : i32
      %parallel_loop3A_523 = arith.index_cast %parallel_loop3A_522 : i32 to index
      %parallel_loop3A_524 = arith.index_cast %parallel_loop3A_517 : i32 to index
      %parallel_loop3A_525 = arith.constant 0 : index
      %parallel_loop3A_526 = tpu.vector_load %arg5[%parallel_loop3A_523, %parallel_loop3A_524, %parallel_loop3A_525] {strides = array<i32>} : memref<2x64x64xf32, #tpu.memory_space<vmem>>, vector<16xf32>,
      %parallel_loop3A_527 = arith.constant 0 : i32
      %parallel_loop3A_528 = arith.addi %parallel_loop3A_521, %parallel_loop3A_527 : i32
      %parallel_loop3A_529 = vector.broadcast %parallel_loop3A_528 : i32 to vector<16xi32>
      %parallel_loop3A_530 = arith.addi %parallel_loop3A_529, %iota3A : vector<16xi32>
      tpu.vector_store_idx %arg6[%parallel_loop3A_530], %parallel_loop3A_526 : memref<33345xf32, #tpu.memory_space<vmem>>[vector<16xi32>], vector<16xf32>,
      %parallel_loop3A_531 = arith.constant 1 : i32
      %parallel_loop3A_532 = arith.index_cast %parallel_loop3A_531 : i32 to index
      %parallel_loop3A_533 = arith.index_cast %parallel_loop3A_517 : i32 to index
      %parallel_loop3A_534 = arith.constant 16 : index
      %parallel_loop3A_535 = tpu.vector_load %arg5[%parallel_loop3A_532, %parallel_loop3A_533, %parallel_loop3A_534] {strides = array<i32>} : memref<2x64x64xf32, #tpu.memory_space<vmem>>, vector<16xf32>,
      %parallel_loop3A_536 = arith.constant 16 : i32
      %parallel_loop3A_537 = arith.addi %parallel_loop3A_521, %parallel_loop3A_536 : i32
      %parallel_loop3A_538 = vector.broadcast %parallel_loop3A_537 : i32 to vector<16xi32>
      %parallel_loop3A_539 = arith.addi %parallel_loop3A_538, %iota3A : vector<16xi32>
      tpu.vector_store_idx %arg6[%parallel_loop3A_539], %parallel_loop3A_535 : memref<33345xf32, #tpu.memory_space<vmem>>[vector<16xi32>], vector<16xf32>,
      %parallel_loop3A_540 = arith.constant 1 : i32
      %parallel_loop3A_541 = arith.index_cast %parallel_loop3A_540 : i32 to index
      %parallel_loop3A_542 = arith.index_cast %parallel_loop3A_517 : i32 to index
      %parallel_loop3A_543 = arith.constant 32 : index
      %parallel_loop3A_544 = tpu.vector_load %arg5[%parallel_loop3A_541, %parallel_loop3A_542, %parallel_loop3A_543] {strides = array<i32>} : memref<2x64x64xf32, #tpu.memory_space<vmem>>, vector<16xf32>,
      %parallel_loop3A_545 = arith.constant 32 : i32
      %parallel_loop3A_546 = arith.addi %parallel_loop3A_521, %parallel_loop3A_545 : i32
      %parallel_loop3A_547 = vector.broadcast %parallel_loop3A_546 : i32 to vector<16xi32>
      %parallel_loop3A_548 = arith.addi %parallel_loop3A_547, %iota3A : vector<16xi32>
      tpu.vector_store_idx %arg6[%parallel_loop3A_548], %parallel_loop3A_544 : memref<33345xf32, #tpu.memory_space<vmem>>[vector<16xi32>], vector<16xf32>,
      %parallel_loop3A_549 = arith.constant 1 : i32
      %parallel_loop3A_550 = arith.index_cast %parallel_loop3A_549 : i32 to index
      %parallel_loop3A_551 = arith.index_cast %parallel_loop3A_517 : i32 to index
      %parallel_loop3A_552 = arith.constant 48 : index
      %parallel_loop3A_553 = tpu.vector_load %arg5[%parallel_loop3A_550, %parallel_loop3A_551, %parallel_loop3A_552] {strides = array<i32>} : memref<2x64x64xf32, #tpu.memory_space<vmem>>, vector<16xf32>,
      %parallel_loop3A_554 = arith.constant 48 : i32
      %parallel_loop3A_555 = arith.addi %parallel_loop3A_521, %parallel_loop3A_554 : i32
      %parallel_loop3A_556 = vector.broadcast %parallel_loop3A_555 : i32 to vector<16xi32>
      %parallel_loop3A_557 = arith.addi %parallel_loop3A_556, %iota3A : vector<16xi32>
      tpu.vector_store_idx %arg6[%parallel_loop3A_557], %parallel_loop3A_553 : memref<33345xf32, #tpu.memory_space<vmem>>[vector<16xi32>], vector<16xf32>,
    } {sc.loop_unroll_factor = 4 : i64, sc.parallel_access}
    %dma_wait3A_436 = arith.constant 0 : i32
    %dma_wait3A_437 = arith.constant 0 : i32
    %dma_wait3A_438 = arith.constant 0 : i32
    %dma_wait3A_439 = arith.constant 0 : i32
    %dma_wait3A_440 = tpu.memref_slice %arg5[%dma_wait3A_436, %dma_wait3A_438, %dma_wait3A_439] : memref<2x64x64xf32, #tpu.memory_space<vmem>> -> memref<1x64x64xf32, #tpu.memory_space<vmem>>
    %dma_wait3A_441 = tpu.memref_squeeze %dma_wait3A_440 : memref<1x64x64xf32, #tpu.memory_space<vmem>> -> memref<64x64xf32, #tpu.memory_space<vmem>>
    %dma_wait3A_442 = arith.constant 0 : i32
    %dma_wait3A_443 = arith.constant 0 : i32
    %dma_wait3A_444 = tpu.memref_slice %dma_wait3A_441[%dma_wait3A_442, %dma_wait3A_443] : memref<64x64xf32, #tpu.memory_space<vmem>> -> memref<1x64xf32, #tpu.memory_space<vmem>>
    %dma_wait3A_445 = arith.constant 512 : i32
    %dma_wait3A_446 = arith.constant 0 : i32
    %dma_wait3A_447 = tpu.memref_slice %arg3[%dma_wait3A_445, %dma_wait3A_446] : memref<513x64xf32, #tpu.memory_space<hbm>> -> memref<1x64xf32, #tpu.memory_space<hbm>>
    %dma_wait3A_448 = tpu.memref_slice %arg10[%dma_wait3A_437] : memref<2x!tpu.dma_semaphore, #tpu.memory_space<semaphore_mem>> -> memref<1x!tpu.dma_semaphore, #tpu.memory_space<semaphore_mem>>
    %dma_wait3A_449 = tpu.memref_squeeze %dma_wait3A_448 : memref<1x!tpu.dma_semaphore, #tpu.memory_space<semaphore_mem>> -> memref<!tpu.dma_semaphore, #tpu.memory_space<semaphore_mem>>
    %dma_wait3A_450 = arith.constant 0 : i32
    %dma_wait3A_451 = arith.constant 0 : i32
    %dma_wait3A_452 = tpu.memref_slice %arg5[%dma_wait3A_436, %dma_wait3A_450, %dma_wait3A_451] : memref<2x64x64xf32, #tpu.memory_space<vmem>> -> memref<1x64x64xf32, #tpu.memory_space<vmem>>
    %dma_wait3A_453 = tpu.memref_squeeze %dma_wait3A_452 : memref<1x64x64xf32, #tpu.memory_space<vmem>> -> memref<64x64xf32, #tpu.memory_space<vmem>>
    %dma_wait3A_454 = arith.constant 0 : i32
    %dma_wait3A_455 = arith.constant 0 : i32
    %dma_wait3A_456 = tpu.memref_slice %dma_wait3A_453[%dma_wait3A_454, %dma_wait3A_455] : memref<64x64xf32, #tpu.memory_space<vmem>> -> memref<1x64xf32, #tpu.memory_space<vmem>>
    %dma_wait3A_457 = arith.constant 512 : i32
    %dma_wait3A_458 = arith.constant 0 : i32
    %dma_wait3A_459 = tpu.memref_slice %arg3[%dma_wait3A_457, %dma_wait3A_458] : memref<513x64xf32, #tpu.memory_space<hbm>> -> memref<1x64xf32, #tpu.memory_space<hbm>>
    tpu.wait_dma2 semaphore(%dma_wait3A_449 : memref<!tpu.dma_semaphore, #tpu.memory_space<semaphore_mem>>) src(%dma_wait3A_459 : memref<1x64xf32, #tpu.memory_space<hbm>>) dst(%dma_wait3A_456 : memref<1x64xf32, #tpu.memory_space<vmem>>)
    %parallel_loop3A_460 = arith.constant 0 : i32
    %parallel_loop3A_461 = arith.constant 1 : i32
    %parallel_loop3A_462 = arith.constant 1 : i32
    scf.for %parallel_loop3A_517 = %parallel_loop3A_460 to %parallel_loop3A_461 step %parallel_loop3A_462  : i32 {
      %parallel_loop3A_518 = arith.constant 512 : i32
      %parallel_loop3A_519 = arith.addi %parallel_loop3A_518, %parallel_loop3A_517 : i32
      %parallel_loop3A_520 = arith.constant 65 : i32
      %parallel_loop3A_521 = arith.muli %parallel_loop3A_519, %parallel_loop3A_520 : i32
      %parallel_loop3A_522 = arith.constant 0 : i32
      %parallel_loop3A_523 = arith.index_cast %parallel_loop3A_522 : i32 to index
      %parallel_loop3A_524 = arith.index_cast %parallel_loop3A_517 : i32 to index
      %parallel_loop3A_525 = arith.constant 0 : index
      %parallel_loop3A_526 = tpu.vector_load %arg5[%parallel_loop3A_523, %parallel_loop3A_524, %parallel_loop3A_525] {strides = array<i32>} : memref<2x64x64xf32, #tpu.memory_space<vmem>>, vector<16xf32>,
      %parallel_loop3A_527 = arith.constant 0 : i32
      %parallel_loop3A_528 = arith.addi %parallel_loop3A_521, %parallel_loop3A_527 : i32
      %parallel_loop3A_529 = vector.broadcast %parallel_loop3A_528 : i32 to vector<16xi32>
      %parallel_loop3A_530 = arith.addi %parallel_loop3A_529, %iota3A : vector<16xi32>
      tpu.vector_store_idx %arg6[%parallel_loop3A_530], %parallel_loop3A_526 : memref<33345xf32, #tpu.memory_space<vmem>>[vector<16xi32>], vector<16xf32>,
      %parallel_loop3A_531 = arith.constant 0 : i32
      %parallel_loop3A_532 = arith.index_cast %parallel_loop3A_531 : i32 to index
      %parallel_loop3A_533 = arith.index_cast %parallel_loop3A_517 : i32 to index
      %parallel_loop3A_534 = arith.constant 16 : index
      %parallel_loop3A_535 = tpu.vector_load %arg5[%parallel_loop3A_532, %parallel_loop3A_533, %parallel_loop3A_534] {strides = array<i32>} : memref<2x64x64xf32, #tpu.memory_space<vmem>>, vector<16xf32>,
      %parallel_loop3A_536 = arith.constant 16 : i32
      %parallel_loop3A_537 = arith.addi %parallel_loop3A_521, %parallel_loop3A_536 : i32
      %parallel_loop3A_538 = vector.broadcast %parallel_loop3A_537 : i32 to vector<16xi32>
      %parallel_loop3A_539 = arith.addi %parallel_loop3A_538, %iota3A : vector<16xi32>
      tpu.vector_store_idx %arg6[%parallel_loop3A_539], %parallel_loop3A_535 : memref<33345xf32, #tpu.memory_space<vmem>>[vector<16xi32>], vector<16xf32>,
      %parallel_loop3A_540 = arith.constant 0 : i32
      %parallel_loop3A_541 = arith.index_cast %parallel_loop3A_540 : i32 to index
      %parallel_loop3A_542 = arith.index_cast %parallel_loop3A_517 : i32 to index
      %parallel_loop3A_543 = arith.constant 32 : index
      %parallel_loop3A_544 = tpu.vector_load %arg5[%parallel_loop3A_541, %parallel_loop3A_542, %parallel_loop3A_543] {strides = array<i32>} : memref<2x64x64xf32, #tpu.memory_space<vmem>>, vector<16xf32>,
      %parallel_loop3A_545 = arith.constant 32 : i32
      %parallel_loop3A_546 = arith.addi %parallel_loop3A_521, %parallel_loop3A_545 : i32
      %parallel_loop3A_547 = vector.broadcast %parallel_loop3A_546 : i32 to vector<16xi32>
      %parallel_loop3A_548 = arith.addi %parallel_loop3A_547, %iota3A : vector<16xi32>
      tpu.vector_store_idx %arg6[%parallel_loop3A_548], %parallel_loop3A_544 : memref<33345xf32, #tpu.memory_space<vmem>>[vector<16xi32>], vector<16xf32>,
      %parallel_loop3A_549 = arith.constant 0 : i32
      %parallel_loop3A_550 = arith.index_cast %parallel_loop3A_549 : i32 to index
      %parallel_loop3A_551 = arith.index_cast %parallel_loop3A_517 : i32 to index
      %parallel_loop3A_552 = arith.constant 48 : index
      %parallel_loop3A_553 = tpu.vector_load %arg5[%parallel_loop3A_550, %parallel_loop3A_551, %parallel_loop3A_552] {strides = array<i32>} : memref<2x64x64xf32, #tpu.memory_space<vmem>>, vector<16xf32>,
      %parallel_loop3A_554 = arith.constant 48 : i32
      %parallel_loop3A_555 = arith.addi %parallel_loop3A_521, %parallel_loop3A_554 : i32
      %parallel_loop3A_556 = vector.broadcast %parallel_loop3A_555 : i32 to vector<16xi32>
      %parallel_loop3A_557 = arith.addi %parallel_loop3A_556, %iota3A : vector<16xi32>
      tpu.vector_store_idx %arg6[%parallel_loop3A_557], %parallel_loop3A_553 : memref<33345xf32, #tpu.memory_space<vmem>>[vector<16xi32>], vector<16xf32>,
    } {sc.loop_unroll_factor = 1 : i64, sc.parallel_access}
    %dma_wait3A_463 = arith.constant 0 : i32
    %dma_wait3A_464 = tpu.memref_slice %arg2[%mul3A_2, %dma_wait3A_463] : memref<4096x200xi32, #tpu.memory_space<hbm>> -> memref<128x200xi32, #tpu.memory_space<hbm>>
    %dma_wait3A_465 = arith.constant 0 : i32
    %dma_wait3A_466 = tpu.memref_slice %arg2[%mul3A_2, %dma_wait3A_465] : memref<4096x200xi32, #tpu.memory_space<hbm>> -> memref<128x200xi32, #tpu.memory_space<hbm>>
    tpu.wait_dma2 semaphore(%arg11 : memref<!tpu.dma_semaphore, #tpu.memory_space<semaphore_mem>>) src(%dma_wait3A_466 : memref<128x200xi32, #tpu.memory_space<hbm>>) dst(%arg7 : memref<128x200xi32, #tpu.memory_space<vmem>>)
    %parallel_loop3A_467 = arith.constant 0 : i32
    %parallel_loop3A_468 = arith.constant 200 : i32
    %parallel_loop3A_469 = arith.constant 1 : i32
    scf.for %parallel_loop3A_517 = %parallel_loop3A_467 to %parallel_loop3A_468 step %parallel_loop3A_469  : i32 {
      %parallel_loop3A_518 = vector.broadcast %parallel_loop3A_517 : i32 to vector<16xi32>
      %parallel_loop3A_519 = arith.constant 0 : i32
      %parallel_loop3A_520 = vector.broadcast %parallel_loop3A_519 : i32 to vector<16xi32>
      %parallel_loop3A_521 = arith.addi %parallel_loop3A_520, %iota3A : vector<16xi32>
      %parallel_loop3A_522 = tpu.vector_load_idx %arg7[%parallel_loop3A_521, %parallel_loop3A_518] : memref<128x200xi32, #tpu.memory_space<vmem>>[vector<16xi32>, vector<16xi32>], vector<16xi32>,
      %parallel_loop3A_523 = arith.index_cast %parallel_loop3A_517 : i32 to index
      %parallel_loop3A_524 = arith.constant 0 : index
      %parallel_loop3A_525 = tpu.vector_load %arg8[%parallel_loop3A_523, %parallel_loop3A_524] {strides = array<i32>} : memref<200x128xi32, #tpu.memory_space<vmem>>, vector<16xi32>,
      tpu.vector_store %arg8[%parallel_loop3A_523, %parallel_loop3A_524], %parallel_loop3A_522 {strides = array<i32>} : memref<200x128xi32, #tpu.memory_space<vmem>>, vector<16xi32>,
      %parallel_loop3A_526 = arith.constant 16 : i32
      %parallel_loop3A_527 = vector.broadcast %parallel_loop3A_526 : i32 to vector<16xi32>
      %parallel_loop3A_528 = arith.addi %parallel_loop3A_527, %iota3A : vector<16xi32>
      %parallel_loop3A_529 = tpu.vector_load_idx %arg7[%parallel_loop3A_528, %parallel_loop3A_518] : memref<128x200xi32, #tpu.memory_space<vmem>>[vector<16xi32>, vector<16xi32>], vector<16xi32>,
      %parallel_loop3A_530 = arith.index_cast %parallel_loop3A_517 : i32 to index
      %parallel_loop3A_531 = arith.constant 16 : index
      %parallel_loop3A_532 = tpu.vector_load %arg8[%parallel_loop3A_530, %parallel_loop3A_531] {strides = array<i32>} : memref<200x128xi32, #tpu.memory_space<vmem>>, vector<16xi32>,
      tpu.vector_store %arg8[%parallel_loop3A_530, %parallel_loop3A_531], %parallel_loop3A_529 {strides = array<i32>} : memref<200x128xi32, #tpu.memory_space<vmem>>, vector<16xi32>,
      %parallel_loop3A_533 = arith.constant 32 : i32
      %parallel_loop3A_534 = vector.broadcast %parallel_loop3A_533 : i32 to vector<16xi32>
      %parallel_loop3A_535 = arith.addi %parallel_loop3A_534, %iota3A : vector<16xi32>
      %parallel_loop3A_536 = tpu.vector_load_idx %arg7[%parallel_loop3A_535, %parallel_loop3A_518] : memref<128x200xi32, #tpu.memory_space<vmem>>[vector<16xi32>, vector<16xi32>], vector<16xi32>,
      %parallel_loop3A_537 = arith.index_cast %parallel_loop3A_517 : i32 to index
      %parallel_loop3A_538 = arith.constant 32 : index
      %parallel_loop3A_539 = tpu.vector_load %arg8[%parallel_loop3A_537, %parallel_loop3A_538] {strides = array<i32>} : memref<200x128xi32, #tpu.memory_space<vmem>>, vector<16xi32>,
      tpu.vector_store %arg8[%parallel_loop3A_537, %parallel_loop3A_538], %parallel_loop3A_536 {strides = array<i32>} : memref<200x128xi32, #tpu.memory_space<vmem>>, vector<16xi32>,
      %parallel_loop3A_540 = arith.constant 48 : i32
      %parallel_loop3A_541 = vector.broadcast %parallel_loop3A_540 : i32 to vector<16xi32>
      %parallel_loop3A_542 = arith.addi %parallel_loop3A_541, %iota3A : vector<16xi32>
      %parallel_loop3A_543 = tpu.vector_load_idx %arg7[%parallel_loop3A_542, %parallel_loop3A_518] : memref<128x200xi32, #tpu.memory_space<vmem>>[vector<16xi32>, vector<16xi32>], vector<16xi32>,
      %parallel_loop3A_544 = arith.index_cast %parallel_loop3A_517 : i32 to index
      %parallel_loop3A_545 = arith.constant 48 : index
      %parallel_loop3A_546 = tpu.vector_load %arg8[%parallel_loop3A_544, %parallel_loop3A_545] {strides = array<i32>} : memref<200x128xi32, #tpu.memory_space<vmem>>, vector<16xi32>,
      tpu.vector_store %arg8[%parallel_loop3A_544, %parallel_loop3A_545], %parallel_loop3A_543 {strides = array<i32>} : memref<200x128xi32, #tpu.memory_space<vmem>>, vector<16xi32>,
      %parallel_loop3A_547 = arith.constant 64 : i32
      %parallel_loop3A_548 = vector.broadcast %parallel_loop3A_547 : i32 to vector<16xi32>
      %parallel_loop3A_549 = arith.addi %parallel_loop3A_548, %iota3A : vector<16xi32>
      %parallel_loop3A_550 = tpu.vector_load_idx %arg7[%parallel_loop3A_549, %parallel_loop3A_518] : memref<128x200xi32, #tpu.memory_space<vmem>>[vector<16xi32>, vector<16xi32>], vector<16xi32>,
      %parallel_loop3A_551 = arith.index_cast %parallel_loop3A_517 : i32 to index
      %parallel_loop3A_552 = arith.constant 64 : index
      %parallel_loop3A_553 = tpu.vector_load %arg8[%parallel_loop3A_551, %parallel_loop3A_552] {strides = array<i32>} : memref<200x128xi32, #tpu.memory_space<vmem>>, vector<16xi32>,
      tpu.vector_store %arg8[%parallel_loop3A_551, %parallel_loop3A_552], %parallel_loop3A_550 {strides = array<i32>} : memref<200x128xi32, #tpu.memory_space<vmem>>, vector<16xi32>,
      %parallel_loop3A_554 = arith.constant 80 : i32
      %parallel_loop3A_555 = vector.broadcast %parallel_loop3A_554 : i32 to vector<16xi32>
      %parallel_loop3A_556 = arith.addi %parallel_loop3A_555, %iota3A : vector<16xi32>
      %parallel_loop3A_557 = tpu.vector_load_idx %arg7[%parallel_loop3A_556, %parallel_loop3A_518] : memref<128x200xi32, #tpu.memory_space<vmem>>[vector<16xi32>, vector<16xi32>], vector<16xi32>,
      %parallel_loop3A_558 = arith.index_cast %parallel_loop3A_517 : i32 to index
      %parallel_loop3A_559 = arith.constant 80 : index
      %parallel_loop3A_560 = tpu.vector_load %arg8[%parallel_loop3A_558, %parallel_loop3A_559] {strides = array<i32>} : memref<200x128xi32, #tpu.memory_space<vmem>>, vector<16xi32>,
      tpu.vector_store %arg8[%parallel_loop3A_558, %parallel_loop3A_559], %parallel_loop3A_557 {strides = array<i32>} : memref<200x128xi32, #tpu.memory_space<vmem>>, vector<16xi32>,
      %parallel_loop3A_561 = arith.constant 96 : i32
      %parallel_loop3A_562 = vector.broadcast %parallel_loop3A_561 : i32 to vector<16xi32>
      %parallel_loop3A_563 = arith.addi %parallel_loop3A_562, %iota3A : vector<16xi32>
      %parallel_loop3A_564 = tpu.vector_load_idx %arg7[%parallel_loop3A_563, %parallel_loop3A_518] : memref<128x200xi32, #tpu.memory_space<vmem>>[vector<16xi32>, vector<16xi32>], vector<16xi32>,
      %parallel_loop3A_565 = arith.index_cast %parallel_loop3A_517 : i32 to index
      %parallel_loop3A_566 = arith.constant 96 : index
      %parallel_loop3A_567 = tpu.vector_load %arg8[%parallel_loop3A_565, %parallel_loop3A_566] {strides = array<i32>} : memref<200x128xi32, #tpu.memory_space<vmem>>, vector<16xi32>,
      tpu.vector_store %arg8[%parallel_loop3A_565, %parallel_loop3A_566], %parallel_loop3A_564 {strides = array<i32>} : memref<200x128xi32, #tpu.memory_space<vmem>>, vector<16xi32>,
      %parallel_loop3A_568 = arith.constant 112 : i32
      %parallel_loop3A_569 = vector.broadcast %parallel_loop3A_568 : i32 to vector<16xi32>
      %parallel_loop3A_570 = arith.addi %parallel_loop3A_569, %iota3A : vector<16xi32>
      %parallel_loop3A_571 = tpu.vector_load_idx %arg7[%parallel_loop3A_570, %parallel_loop3A_518] : memref<128x200xi32, #tpu.memory_space<vmem>>[vector<16xi32>, vector<16xi32>], vector<16xi32>,
      %parallel_loop3A_572 = arith.index_cast %parallel_loop3A_517 : i32 to index
      %parallel_loop3A_573 = arith.constant 112 : index
      %parallel_loop3A_574 = tpu.vector_load %arg8[%parallel_loop3A_572, %parallel_loop3A_573] {strides = array<i32>} : memref<200x128xi32, #tpu.memory_space<vmem>>, vector<16xi32>,
      tpu.vector_store %arg8[%parallel_loop3A_572, %parallel_loop3A_573], %parallel_loop3A_571 {strides = array<i32>} : memref<200x128xi32, #tpu.memory_space<vmem>>, vector<16xi32>,
    } {sc.loop_unroll_factor = 4 : i64, sc.parallel_access}
    %scan3A = arith.constant 0 : i32
    %scan3A_470 = arith.constant 0 : i32
    %scan3A_471 = arith.constant 100 : i32
    %scan3A_472 = arith.addi %scan3A_470, %scan3A_471 : i32
    %scan3A_473 = arith.constant 1 : i32
    scf.for %scan3A_517 = %scan3A_470 to %scan3A_472 step %scan3A_473  : i32 {
      %mul3A_518 = arith.constant 2 : i32
      %mul3A_519 = arith.muli %scan3A_517, %mul3A_518 : i32
      %add3A_520 = arith.constant 0 : i32
      %add3A_521 = arith.addi %mul3A_519, %add3A_520 : i32
      %ge3A = arith.constant 2 : i32
      %ge3A_522 = arith.cmpi sge, %add3A_521, %ge3A : i32
      %convert_element_type3A = arith.extui %ge3A_522 : i1 to i32
      %cond3A = arith.constant 0 : i32
      %cond3A_523 = arith.cmpi ne, %convert_element_type3A, %cond3A : i32
      scf.if %cond3A_523 {
        %dma_wait3A_573 = arith.constant 0 : i32
        %dma_wait3A_574 = arith.constant 0 : i32
        %dma_wait3A_575 = arith.constant 0 : i32
        %dma_wait3A_576 = arith.constant 0 : i32
        %dma_wait3A_577 = arith.constant 0 : i32
        %dma_wait3A_578 = tpu.memref_slice %arg9[%dma_wait3A_573, %dma_wait3A_576, %dma_wait3A_577] : memref<2x64x128xf32, #tpu.memory_space<vmem>> -> memref<1x64x128xf32, #tpu.memory_space<vmem>>
        %dma_wait3A_579 = tpu.memref_squeeze %dma_wait3A_578 : memref<1x64x128xf32, #tpu.memory_space<vmem>> -> memref<64x128xf32, #tpu.memory_space<vmem>>
        %dma_wait3A_580 = arith.constant 0 : i32
        %dma_wait3A_581 = arith.constant 0 : i32
        %dma_wait3A_582 = tpu.memref_slice %arg4[%dma_wait3A_574, %dma_wait3A_580, %dma_wait3A_581] : memref<200x64x4096xf32, #tpu.memory_space<hbm>> -> memref<1x64x128xf32, #tpu.memory_space<hbm>>
        %dma_wait3A_583 = tpu.memref_squeeze %dma_wait3A_582 : memref<1x64x128xf32, #tpu.memory_space<hbm>> -> memref<64x128xf32, #tpu.memory_space<hbm>>
        %dma_wait3A_584 = tpu.memref_slice %arg12[%dma_wait3A_575] : memref<2x!tpu.dma_semaphore, #tpu.memory_space<semaphore_mem>> -> memref<1x!tpu.dma_semaphore, #tpu.memory_space<semaphore_mem>>
        %dma_wait3A_585 = tpu.memref_squeeze %dma_wait3A_584 : memref<1x!tpu.dma_semaphore, #tpu.memory_space<semaphore_mem>> -> memref<!tpu.dma_semaphore, #tpu.memory_space<semaphore_mem>>
        %dma_wait3A_586 = arith.constant 0 : i32
        %dma_wait3A_587 = arith.constant 0 : i32
        %dma_wait3A_588 = tpu.memref_slice %arg4[%dma_wait3A_574, %dma_wait3A_586, %dma_wait3A_587] : memref<200x64x4096xf32, #tpu.memory_space<hbm>> -> memref<1x64x128xf32, #tpu.memory_space<hbm>>
        %dma_wait3A_589 = tpu.memref_squeeze %dma_wait3A_588 : memref<1x64x128xf32, #tpu.memory_space<hbm>> -> memref<64x128xf32, #tpu.memory_space<hbm>>
        %dma_wait3A_590 = arith.constant 0 : i32
        %dma_wait3A_591 = arith.constant 0 : i32
        %dma_wait3A_592 = tpu.memref_slice %arg9[%dma_wait3A_573, %dma_wait3A_590, %dma_wait3A_591] : memref<2x64x128xf32, #tpu.memory_space<vmem>> -> memref<1x64x128xf32, #tpu.memory_space<vmem>>
        %dma_wait3A_593 = tpu.memref_squeeze %dma_wait3A_592 : memref<1x64x128xf32, #tpu.memory_space<vmem>> -> memref<64x128xf32, #tpu.memory_space<vmem>>
        tpu.wait_dma2 semaphore(%dma_wait3A_585 : memref<!tpu.dma_semaphore, #tpu.memory_space<semaphore_mem>>) src(%dma_wait3A_593 : memref<64x128xf32, #tpu.memory_space<vmem>>) dst(%dma_wait3A_589 : memref<64x128xf32, #tpu.memory_space<hbm>>)
      } else {
      }
      %parallel_loop3A_524 = arith.constant 0 : i32
      %parallel_loop3A_525 = arith.constant 8 : i32
      %parallel_loop3A_526 = arith.constant 1 : i32
      scf.for %parallel_loop3A_573 = %parallel_loop3A_524 to %parallel_loop3A_525 step %parallel_loop3A_526  : i32 {
        %parallel_loop3A_574 = arith.constant 16 : i32
        %parallel_loop3A_575 = arith.muli %parallel_loop3A_573, %parallel_loop3A_574 : i32
        %parallel_loop3A_576 = arith.index_cast %add3A_521 : i32 to index
        %parallel_loop3A_577 = arith.index_cast %parallel_loop3A_575 : i32 to index
        %parallel_loop3A_578 = tpu.vector_load %arg8[%parallel_loop3A_576, %parallel_loop3A_577] {strides = array<i32>} : memref<200x128xi32, #tpu.memory_space<vmem>>, vector<16xi32>,
        %parallel_loop3A_579 = arith.constant 512 : i32
        %parallel_loop3A_580 = vector.broadcast %parallel_loop3A_579 : i32 to vector<16xi32>
        %parallel_loop3A_581 = arith.minsi %parallel_loop3A_578, %parallel_loop3A_580 : vector<16xi32>
        %parallel_loop3A_582 = arith.constant 65 : i32
        %parallel_loop3A_583 = vector.broadcast %parallel_loop3A_582 : i32 to vector<16xi32>
        %parallel_loop3A_584 = arith.muli %parallel_loop3A_581, %parallel_loop3A_583 : vector<16xi32>
        %parallel_loop3A_585 = arith.constant 0 : i32
        %parallel_loop3A_586 = vector.broadcast %parallel_loop3A_585 : i32 to vector<16xi32>
        %parallel_loop3A_587 = arith.addi %parallel_loop3A_584, %parallel_loop3A_586 : vector<16xi32>
        %parallel_loop3A_588 = tpu.vector_load_idx %arg6[%parallel_loop3A_587] : memref<33345xf32, #tpu.memory_space<vmem>>[vector<16xi32>], vector<16xf32>,
        %parallel_loop3A_589 = arith.constant 16 : i32
        %parallel_loop3A_590 = arith.muli %parallel_loop3A_573, %parallel_loop3A_589 : i32
        %parallel_loop3A_591 = arith.constant 0 : i32
        %parallel_loop3A_592 = arith.constant 0 : i32
        %parallel_loop3A_593 = arith.index_cast %parallel_loop3A_591 : i32 to index
        %parallel_loop3A_594 = arith.index_cast %parallel_loop3A_592 : i32 to index
        %parallel_loop3A_595 = arith.index_cast %parallel_loop3A_590 : i32 to index
        %parallel_loop3A_596 = tpu.vector_load %arg9[%parallel_loop3A_593, %parallel_loop3A_594, %parallel_loop3A_595] {strides = array<i32>} : memref<2x64x128xf32, #tpu.memory_space<vmem>>, vector<16xf32>,
        tpu.vector_store %arg9[%parallel_loop3A_593, %parallel_loop3A_594, %parallel_loop3A_595], %parallel_loop3A_588 {strides = array<i32>} : memref<2x64x128xf32, #tpu.memory_space<vmem>>, vector<16xf32>,
        %parallel_loop3A_597 = arith.constant 1 : i32
        %parallel_loop3A_598 = vector.broadcast %parallel_loop3A_597 : i32 to vector<16xi32>
        %parallel_loop3A_599 = arith.addi %parallel_loop3A_584, %parallel_loop3A_598 : vector<16xi32>
        %parallel_loop3A_600 = tpu.vector_load_idx %arg6[%parallel_loop3A_599] : memref<33345xf32, #tpu.memory_space<vmem>>[vector<16xi32>], vector<16xf32>,
        %parallel_loop3A_601 = arith.constant 16 : i32
        %parallel_loop3A_602 = arith.muli %parallel_loop3A_573, %parallel_loop3A_601 : i32
        %parallel_loop3A_603 = arith.constant 0 : i32
        %parallel_loop3A_604 = arith.constant 1 : i32
        %parallel_loop3A_605 = arith.index_cast %parallel_loop3A_603 : i32 to index
        %parallel_loop3A_606 = arith.index_cast %parallel_loop3A_604 : i32 to index
        %parallel_loop3A_607 = arith.index_cast %parallel_loop3A_602 : i32 to index
        %parallel_loop3A_608 = tpu.vector_load %arg9[%parallel_loop3A_605, %parallel_loop3A_606, %parallel_loop3A_607] {strides = array<i32>} : memref<2x64x128xf32, #tpu.memory_space<vmem>>, vector<16xf32>,
        tpu.vector_store %arg9[%parallel_loop3A_605, %parallel_loop3A_606, %parallel_loop3A_607], %parallel_loop3A_600 {strides = array<i32>} : memref<2x64x128xf32, #tpu.memory_space<vmem>>, vector<16xf32>,
        %parallel_loop3A_609 = arith.constant 2 : i32
        %parallel_loop3A_610 = vector.broadcast %parallel_loop3A_609 : i32 to vector<16xi32>
        %parallel_loop3A_611 = arith.addi %parallel_loop3A_584, %parallel_loop3A_610 : vector<16xi32>
        %parallel_loop3A_612 = tpu.vector_load_idx %arg6[%parallel_loop3A_611] : memref<33345xf32, #tpu.memory_space<vmem>>[vector<16xi32>], vector<16xf32>,
        %parallel_loop3A_613 = arith.constant 16 : i32
        %parallel_loop3A_614 = arith.muli %parallel_loop3A_573, %parallel_loop3A_613 : i32
        %parallel_loop3A_615 = arith.constant 0 : i32
        %parallel_loop3A_616 = arith.constant 2 : i32
        %parallel_loop3A_617 = arith.index_cast %parallel_loop3A_615 : i32 to index
        %parallel_loop3A_618 = arith.index_cast %parallel_loop3A_616 : i32 to index
        %parallel_loop3A_619 = arith.index_cast %parallel_loop3A_614 : i32 to index
        %parallel_loop3A_620 = tpu.vector_load %arg9[%parallel_loop3A_617, %parallel_loop3A_618, %parallel_loop3A_619] {strides = array<i32>} : memref<2x64x128xf32, #tpu.memory_space<vmem>>, vector<16xf32>,
        tpu.vector_store %arg9[%parallel_loop3A_617, %parallel_loop3A_618, %parallel_loop3A_619], %parallel_loop3A_612 {strides = array<i32>} : memref<2x64x128xf32, #tpu.memory_space<vmem>>, vector<16xf32>,
        %parallel_loop3A_621 = arith.constant 3 : i32
        %parallel_loop3A_622 = vector.broadcast %parallel_loop3A_621 : i32 to vector<16xi32>
        %parallel_loop3A_623 = arith.addi %parallel_loop3A_584, %parallel_loop3A_622 : vector<16xi32>
        %parallel_loop3A_624 = tpu.vector_load_idx %arg6[%parallel_loop3A_623] : memref<33345xf32, #tpu.memory_space<vmem>>[vector<16xi32>], vector<16xf32>,
        %parallel_loop3A_625 = arith.constant 16 : i32
        %parallel_loop3A_626 = arith.muli %parallel_loop3A_573, %parallel_loop3A_625 : i32
        %parallel_loop3A_627 = arith.constant 0 : i32
        %parallel_loop3A_628 = arith.constant 3 : i32
        %parallel_loop3A_629 = arith.index_cast %parallel_loop3A_627 : i32 to index
        %parallel_loop3A_630 = arith.index_cast %parallel_loop3A_628 : i32 to index
        %parallel_loop3A_631 = arith.index_cast %parallel_loop3A_626 : i32 to index
        %parallel_loop3A_632 = tpu.vector_load %arg9[%parallel_loop3A_629, %parallel_loop3A_630, %parallel_loop3A_631] {strides = array<i32>} : memref<2x64x128xf32, #tpu.memory_space<vmem>>, vector<16xf32>,
        tpu.vector_store %arg9[%parallel_loop3A_629, %parallel_loop3A_630, %parallel_loop3A_631], %parallel_loop3A_624 {strides = array<i32>} : memref<2x64x128xf32, #tpu.memory_space<vmem>>, vector<16xf32>,
        %parallel_loop3A_633 = arith.constant 4 : i32
        %parallel_loop3A_634 = vector.broadcast %parallel_loop3A_633 : i32 to vector<16xi32>
        %parallel_loop3A_635 = arith.addi %parallel_loop3A_584, %parallel_loop3A_634 : vector<16xi32>
        %parallel_loop3A_636 = tpu.vector_load_idx %arg6[%parallel_loop3A_635] : memref<33345xf32, #tpu.memory_space<vmem>>[vector<16xi32>], vector<16xf32>,
        %parallel_loop3A_637 = arith.constant 16 : i32
        %parallel_loop3A_638 = arith.muli %parallel_loop3A_573, %parallel_loop3A_637 : i32
        %parallel_loop3A_639 = arith.constant 0 : i32
        %parallel_loop3A_640 = arith.constant 4 : i32
        %parallel_loop3A_641 = arith.index_cast %parallel_loop3A_639 : i32 to index
        %parallel_loop3A_642 = arith.index_cast %parallel_loop3A_640 : i32 to index
        %parallel_loop3A_643 = arith.index_cast %parallel_loop3A_638 : i32 to index
        %parallel_loop3A_644 = tpu.vector_load %arg9[%parallel_loop3A_641, %parallel_loop3A_642, %parallel_loop3A_643] {strides = array<i32>} : memref<2x64x128xf32, #tpu.memory_space<vmem>>, vector<16xf32>,
        tpu.vector_store %arg9[%parallel_loop3A_641, %parallel_loop3A_642, %parallel_loop3A_643], %parallel_loop3A_636 {strides = array<i32>} : memref<2x64x128xf32, #tpu.memory_space<vmem>>, vector<16xf32>,
        %parallel_loop3A_645 = arith.constant 5 : i32
        %parallel_loop3A_646 = vector.broadcast %parallel_loop3A_645 : i32 to vector<16xi32>
        %parallel_loop3A_647 = arith.addi %parallel_loop3A_584, %parallel_loop3A_646 : vector<16xi32>
        %parallel_loop3A_648 = tpu.vector_load_idx %arg6[%parallel_loop3A_647] : memref<33345xf32, #tpu.memory_space<vmem>>[vector<16xi32>], vector<16xf32>,
        %parallel_loop3A_649 = arith.constant 16 : i32
        %parallel_loop3A_650 = arith.muli %parallel_loop3A_573, %parallel_loop3A_649 : i32
        %parallel_loop3A_651 = arith.constant 0 : i32
        %parallel_loop3A_652 = arith.constant 5 : i32
        %parallel_loop3A_653 = arith.index_cast %parallel_loop3A_651 : i32 to index
        %parallel_loop3A_654 = arith.index_cast %parallel_loop3A_652 : i32 to index
        %parallel_loop3A_655 = arith.index_cast %parallel_loop3A_650 : i32 to index
        %parallel_loop3A_656 = tpu.vector_load %arg9[%parallel_loop3A_653, %parallel_loop3A_654, %parallel_loop3A_655] {strides = array<i32>} : memref<2x64x128xf32, #tpu.memory_space<vmem>>, vector<16xf32>,
        tpu.vector_store %arg9[%parallel_loop3A_653, %parallel_loop3A_654, %parallel_loop3A_655], %parallel_loop3A_648 {strides = array<i32>} : memref<2x64x128xf32, #tpu.memory_space<vmem>>, vector<16xf32>,
        %parallel_loop3A_657 = arith.constant 6 : i32
        %parallel_loop3A_658 = vector.broadcast %parallel_loop3A_657 : i32 to vector<16xi32>
        %parallel_loop3A_659 = arith.addi %parallel_loop3A_584, %parallel_loop3A_658 : vector<16xi32>
        %parallel_loop3A_660 = tpu.vector_load_idx %arg6[%parallel_loop3A_659] : memref<33345xf32, #tpu.memory_space<vmem>>[vector<16xi32>], vector<16xf32>,
        %parallel_loop3A_661 = arith.constant 16 : i32
        %parallel_loop3A_662 = arith.muli %parallel_loop3A_573, %parallel_loop3A_661 : i32
        %parallel_loop3A_663 = arith.constant 0 : i32
        %parallel_loop3A_664 = arith.constant 6 : i32
        %parallel_loop3A_665 = arith.index_cast %parallel_loop3A_663 : i32 to index
        %parallel_loop3A_666 = arith.index_cast %parallel_loop3A_664 : i32 to index
        %parallel_loop3A_667 = arith.index_cast %parallel_loop3A_662 : i32 to index
        %parallel_loop3A_668 = tpu.vector_load %arg9[%parallel_loop3A_665, %parallel_loop3A_666, %parallel_loop3A_667] {strides = array<i32>} : memref<2x64x128xf32, #tpu.memory_space<vmem>>, vector<16xf32>,
        tpu.vector_store %arg9[%parallel_loop3A_665, %parallel_loop3A_666, %parallel_loop3A_667], %parallel_loop3A_660 {strides = array<i32>} : memref<2x64x128xf32, #tpu.memory_space<vmem>>, vector<16xf32>,
        %parallel_loop3A_669 = arith.constant 7 : i32
        %parallel_loop3A_670 = vector.broadcast %parallel_loop3A_669 : i32 to vector<16xi32>
        %parallel_loop3A_671 = arith.addi %parallel_loop3A_584, %parallel_loop3A_670 : vector<16xi32>
        %parallel_loop3A_672 = tpu.vector_load_idx %arg6[%parallel_loop3A_671] : memref<33345xf32, #tpu.memory_space<vmem>>[vector<16xi32>], vector<16xf32>,
        %parallel_loop3A_673 = arith.constant 16 : i32
        %parallel_loop3A_674 = arith.muli %parallel_loop3A_573, %parallel_loop3A_673 : i32
        %parallel_loop3A_675 = arith.constant 0 : i32
        %parallel_loop3A_676 = arith.constant 7 : i32
        %parallel_loop3A_677 = arith.index_cast %parallel_loop3A_675 : i32 to index
        %parallel_loop3A_678 = arith.index_cast %parallel_loop3A_676 : i32 to index
        %parallel_loop3A_679 = arith.index_cast %parallel_loop3A_674 : i32 to index
        %parallel_loop3A_680 = tpu.vector_load %arg9[%parallel_loop3A_677, %parallel_loop3A_678, %parallel_loop3A_679] {strides = array<i32>} : memref<2x64x128xf32, #tpu.memory_space<vmem>>, vector<16xf32>,
        tpu.vector_store %arg9[%parallel_loop3A_677, %parallel_loop3A_678, %parallel_loop3A_679], %parallel_loop3A_672 {strides = array<i32>} : memref<2x64x128xf32, #tpu.memory_space<vmem>>, vector<16xf32>,
        %parallel_loop3A_681 = arith.constant 8 : i32
        %parallel_loop3A_682 = vector.broadcast %parallel_loop3A_681 : i32 to vector<16xi32>
        %parallel_loop3A_683 = arith.addi %parallel_loop3A_584, %parallel_loop3A_682 : vector<16xi32>
        %parallel_loop3A_684 = tpu.vector_load_idx %arg6[%parallel_loop3A_683] : memref<33345xf32, #tpu.memory_space<vmem>>[vector<16xi32>], vector<16xf32>,
        %parallel_loop3A_685 = arith.constant 16 : i32
        %parallel_loop3A_686 = arith.muli %parallel_loop3A_573, %parallel_loop3A_685 : i32
        %parallel_loop3A_687 = arith.constant 0 : i32
        %parallel_loop3A_688 = arith.constant 8 : i32
        %parallel_loop3A_689 = arith.index_cast %parallel_loop3A_687 : i32 to index
        %parallel_loop3A_690 = arith.index_cast %parallel_loop3A_688 : i32 to index
        %parallel_loop3A_691 = arith.index_cast %parallel_loop3A_686 : i32 to index
        %parallel_loop3A_692 = tpu.vector_load %arg9[%parallel_loop3A_689, %parallel_loop3A_690, %parallel_loop3A_691] {strides = array<i32>} : memref<2x64x128xf32, #tpu.memory_space<vmem>>, vector<16xf32>,
        tpu.vector_store %arg9[%parallel_loop3A_689, %parallel_loop3A_690, %parallel_loop3A_691], %parallel_loop3A_684 {strides = array<i32>} : memref<2x64x128xf32, #tpu.memory_space<vmem>>, vector<16xf32>,
        %parallel_loop3A_693 = arith.constant 9 : i32
        %parallel_loop3A_694 = vector.broadcast %parallel_loop3A_693 : i32 to vector<16xi32>
        %parallel_loop3A_695 = arith.addi %parallel_loop3A_584, %parallel_loop3A_694 : vector<16xi32>
        %parallel_loop3A_696 = tpu.vector_load_idx %arg6[%parallel_loop3A_695] : memref<33345xf32, #tpu.memory_space<vmem>>[vector<16xi32>], vector<16xf32>,
        %parallel_loop3A_697 = arith.constant 16 : i32
        %parallel_loop3A_698 = arith.muli %parallel_loop3A_573, %parallel_loop3A_697 : i32
        %parallel_loop3A_699 = arith.constant 0 : i32
        %parallel_loop3A_700 = arith.constant 9 : i32
        %parallel_loop3A_701 = arith.index_cast %parallel_loop3A_699 : i32 to index
        %parallel_loop3A_702 = arith.index_cast %parallel_loop3A_700 : i32 to index
        %parallel_loop3A_703 = arith.index_cast %parallel_loop3A_698 : i32 to index
        %parallel_loop3A_704 = tpu.vector_load %arg9[%parallel_loop3A_701, %parallel_loop3A_702, %parallel_loop3A_703] {strides = array<i32>} : memref<2x64x128xf32, #tpu.memory_space<vmem>>, vector<16xf32>,
        tpu.vector_store %arg9[%parallel_loop3A_701, %parallel_loop3A_702, %parallel_loop3A_703], %parallel_loop3A_696 {strides = array<i32>} : memref<2x64x128xf32, #tpu.memory_space<vmem>>, vector<16xf32>,
        %parallel_loop3A_705 = arith.constant 10 : i32
        %parallel_loop3A_706 = vector.broadcast %parallel_loop3A_705 : i32 to vector<16xi32>
        %parallel_loop3A_707 = arith.addi %parallel_loop3A_584, %parallel_loop3A_706 : vector<16xi32>
        %parallel_loop3A_708 = tpu.vector_load_idx %arg6[%parallel_loop3A_707] : memref<33345xf32, #tpu.memory_space<vmem>>[vector<16xi32>], vector<16xf32>,
        %parallel_loop3A_709 = arith.constant 16 : i32
        %parallel_loop3A_710 = arith.muli %parallel_loop3A_573, %parallel_loop3A_709 : i32
        %parallel_loop3A_711 = arith.constant 0 : i32
        %parallel_loop3A_712 = arith.constant 10 : i32
        %parallel_loop3A_713 = arith.index_cast %parallel_loop3A_711 : i32 to index
        %parallel_loop3A_714 = arith.index_cast %parallel_loop3A_712 : i32 to index
        %parallel_loop3A_715 = arith.index_cast %parallel_loop3A_710 : i32 to index
        %parallel_loop3A_716 = tpu.vector_load %arg9[%parallel_loop3A_713, %parallel_loop3A_714, %parallel_loop3A_715] {strides = array<i32>} : memref<2x64x128xf32, #tpu.memory_space<vmem>>, vector<16xf32>,
        tpu.vector_store %arg9[%parallel_loop3A_713, %parallel_loop3A_714, %parallel_loop3A_715], %parallel_loop3A_708 {strides = array<i32>} : memref<2x64x128xf32, #tpu.memory_space<vmem>>, vector<16xf32>,
        %parallel_loop3A_717 = arith.constant 11 : i32
        %parallel_loop3A_718 = vector.broadcast %parallel_loop3A_717 : i32 to vector<16xi32>
        %parallel_loop3A_719 = arith.addi %parallel_loop3A_584, %parallel_loop3A_718 : vector<16xi32>
        %parallel_loop3A_720 = tpu.vector_load_idx %arg6[%parallel_loop3A_719] : memref<33345xf32, #tpu.memory_space<vmem>>[vector<16xi32>], vector<16xf32>,
        %parallel_loop3A_721 = arith.constant 16 : i32
        %parallel_loop3A_722 = arith.muli %parallel_loop3A_573, %parallel_loop3A_721 : i32
        %parallel_loop3A_723 = arith.constant 0 : i32
        %parallel_loop3A_724 = arith.constant 11 : i32
        %parallel_loop3A_725 = arith.index_cast %parallel_loop3A_723 : i32 to index
        %parallel_loop3A_726 = arith.index_cast %parallel_loop3A_724 : i32 to index
        %parallel_loop3A_727 = arith.index_cast %parallel_loop3A_722 : i32 to index
        %parallel_loop3A_728 = tpu.vector_load %arg9[%parallel_loop3A_725, %parallel_loop3A_726, %parallel_loop3A_727] {strides = array<i32>} : memref<2x64x128xf32, #tpu.memory_space<vmem>>, vector<16xf32>,
        tpu.vector_store %arg9[%parallel_loop3A_725, %parallel_loop3A_726, %parallel_loop3A_727], %parallel_loop3A_720 {strides = array<i32>} : memref<2x64x128xf32, #tpu.memory_space<vmem>>, vector<16xf32>,
        %parallel_loop3A_729 = arith.constant 12 : i32
        %parallel_loop3A_730 = vector.broadcast %parallel_loop3A_729 : i32 to vector<16xi32>
        %parallel_loop3A_731 = arith.addi %parallel_loop3A_584, %parallel_loop3A_730 : vector<16xi32>
        %parallel_loop3A_732 = tpu.vector_load_idx %arg6[%parallel_loop3A_731] : memref<33345xf32, #tpu.memory_space<vmem>>[vector<16xi32>], vector<16xf32>,
        %parallel_loop3A_733 = arith.constant 16 : i32
        %parallel_loop3A_734 = arith.muli %parallel_loop3A_573, %parallel_loop3A_733 : i32
        %parallel_loop3A_735 = arith.constant 0 : i32
        %parallel_loop3A_736 = arith.constant 12 : i32
        %parallel_loop3A_737 = arith.index_cast %parallel_loop3A_735 : i32 to index
        %parallel_loop3A_738 = arith.index_cast %parallel_loop3A_736 : i32 to index
        %parallel_loop3A_739 = arith.index_cast %parallel_loop3A_734 : i32 to index
        %parallel_loop3A_740 = tpu.vector_load %arg9[%parallel_loop3A_737, %parallel_loop3A_738, %parallel_loop3A_739] {strides = array<i32>} : memref<2x64x128xf32, #tpu.memory_space<vmem>>, vector<16xf32>,
        tpu.vector_store %arg9[%parallel_loop3A_737, %parallel_loop3A_738, %parallel_loop3A_739], %parallel_loop3A_732 {strides = array<i32>} : memref<2x64x128xf32, #tpu.memory_space<vmem>>, vector<16xf32>,
        %parallel_loop3A_741 = arith.constant 13 : i32
        %parallel_loop3A_742 = vector.broadcast %parallel_loop3A_741 : i32 to vector<16xi32>
        %parallel_loop3A_743 = arith.addi %parallel_loop3A_584, %parallel_loop3A_742 : vector<16xi32>
        %parallel_loop3A_744 = tpu.vector_load_idx %arg6[%parallel_loop3A_743] : memref<33345xf32, #tpu.memory_space<vmem>>[vector<16xi32>], vector<16xf32>,
        %parallel_loop3A_745 = arith.constant 16 : i32
        %parallel_loop3A_746 = arith.muli %parallel_loop3A_573, %parallel_loop3A_745 : i32
        %parallel_loop3A_747 = arith.constant 0 : i32
        %parallel_loop3A_748 = arith.constant 13 : i32
        %parallel_loop3A_749 = arith.index_cast %parallel_loop3A_747 : i32 to index
        %parallel_loop3A_750 = arith.index_cast %parallel_loop3A_748 : i32 to index
        %parallel_loop3A_751 = arith.index_cast %parallel_loop3A_746 : i32 to index
        %parallel_loop3A_752 = tpu.vector_load %arg9[%parallel_loop3A_749, %parallel_loop3A_750, %parallel_loop3A_751] {strides = array<i32>} : memref<2x64x128xf32, #tpu.memory_space<vmem>>, vector<16xf32>,
        tpu.vector_store %arg9[%parallel_loop3A_749, %parallel_loop3A_750, %parallel_loop3A_751], %parallel_loop3A_744 {strides = array<i32>} : memref<2x64x128xf32, #tpu.memory_space<vmem>>, vector<16xf32>,
        %parallel_loop3A_753 = arith.constant 14 : i32
        %parallel_loop3A_754 = vector.broadcast %parallel_loop3A_753 : i32 to vector<16xi32>
        %parallel_loop3A_755 = arith.addi %parallel_loop3A_584, %parallel_loop3A_754 : vector<16xi32>
        %parallel_loop3A_756 = tpu.vector_load_idx %arg6[%parallel_loop3A_755] : memref<33345xf32, #tpu.memory_space<vmem>>[vector<16xi32>], vector<16xf32>,
        %parallel_loop3A_757 = arith.constant 16 : i32
        %parallel_loop3A_758 = arith.muli %parallel_loop3A_573, %parallel_loop3A_757 : i32
        %parallel_loop3A_759 = arith.constant 0 : i32
        %parallel_loop3A_760 = arith.constant 14 : i32
        %parallel_loop3A_761 = arith.index_cast %parallel_loop3A_759 : i32 to index
        %parallel_loop3A_762 = arith.index_cast %parallel_loop3A_760 : i32 to index
        %parallel_loop3A_763 = arith.index_cast %parallel_loop3A_758 : i32 to index
        %parallel_loop3A_764 = tpu.vector_load %arg9[%parallel_loop3A_761, %parallel_loop3A_762, %parallel_loop3A_763] {strides = array<i32>} : memref<2x64x128xf32, #tpu.memory_space<vmem>>, vector<16xf32>,
        tpu.vector_store %arg9[%parallel_loop3A_761, %parallel_loop3A_762, %parallel_loop3A_763], %parallel_loop3A_756 {strides = array<i32>} : memref<2x64x128xf32, #tpu.memory_space<vmem>>, vector<16xf32>,
        %parallel_loop3A_765 = arith.constant 15 : i32
        %parallel_loop3A_766 = vector.broadcast %parallel_loop3A_765 : i32 to vector<16xi32>
        %parallel_loop3A_767 = arith.addi %parallel_loop3A_584, %parallel_loop3A_766 : vector<16xi32>
        %parallel_loop3A_768 = tpu.vector_load_idx %arg6[%parallel_loop3A_767] : memref<33345xf32, #tpu.memory_space<vmem>>[vector<16xi32>], vector<16xf32>,
        %parallel_loop3A_769 = arith.constant 16 : i32
        %parallel_loop3A_770 = arith.muli %parallel_loop3A_573, %parallel_loop3A_769 : i32
        %parallel_loop3A_771 = arith.constant 0 : i32
        %parallel_loop3A_772 = arith.constant 15 : i32
        %parallel_loop3A_773 = arith.index_cast %parallel_loop3A_771 : i32 to index
        %parallel_loop3A_774 = arith.index_cast %parallel_loop3A_772 : i32 to index
        %parallel_loop3A_775 = arith.index_cast %parallel_loop3A_770 : i32 to index
        %parallel_loop3A_776 = tpu.vector_load %arg9[%parallel_loop3A_773, %parallel_loop3A_774, %parallel_loop3A_775] {strides = array<i32>} : memref<2x64x128xf32, #tpu.memory_space<vmem>>, vector<16xf32>,
        tpu.vector_store %arg9[%parallel_loop3A_773, %parallel_loop3A_774, %parallel_loop3A_775], %parallel_loop3A_768 {strides = array<i32>} : memref<2x64x128xf32, #tpu.memory_space<vmem>>, vector<16xf32>,
        %parallel_loop3A_777 = arith.constant 16 : i32
        %parallel_loop3A_778 = vector.broadcast %parallel_loop3A_777 : i32 to vector<16xi32>
        %parallel_loop3A_779 = arith.addi %parallel_loop3A_584, %parallel_loop3A_778 : vector<16xi32>
        %parallel_loop3A_780 = tpu.vector_load_idx %arg6[%parallel_loop3A_779] : memref<33345xf32, #tpu.memory_space<vmem>>[vector<16xi32>], vector<16xf32>,
        %parallel_loop3A_781 = arith.constant 16 : i32
        %parallel_loop3A_782 = arith.muli %parallel_loop3A_573, %parallel_loop3A_781 : i32
        %parallel_loop3A_783 = arith.constant 0 : i32
        %parallel_loop3A_784 = arith.constant 16 : i32
        %parallel_loop3A_785 = arith.index_cast %parallel_loop3A_783 : i32 to index
        %parallel_loop3A_786 = arith.index_cast %parallel_loop3A_784 : i32 to index
        %parallel_loop3A_787 = arith.index_cast %parallel_loop3A_782 : i32 to index
        %parallel_loop3A_788 = tpu.vector_load %arg9[%parallel_loop3A_785, %parallel_loop3A_786, %parallel_loop3A_787] {strides = array<i32>} : memref<2x64x128xf32, #tpu.memory_space<vmem>>, vector<16xf32>,
        tpu.vector_store %arg9[%parallel_loop3A_785, %parallel_loop3A_786, %parallel_loop3A_787], %parallel_loop3A_780 {strides = array<i32>} : memref<2x64x128xf32, #tpu.memory_space<vmem>>, vector<16xf32>,
        %parallel_loop3A_789 = arith.constant 17 : i32
        %parallel_loop3A_790 = vector.broadcast %parallel_loop3A_789 : i32 to vector<16xi32>
        %parallel_loop3A_791 = arith.addi %parallel_loop3A_584, %parallel_loop3A_790 : vector<16xi32>
        %parallel_loop3A_792 = tpu.vector_load_idx %arg6[%parallel_loop3A_791] : memref<33345xf32, #tpu.memory_space<vmem>>[vector<16xi32>], vector<16xf32>,
        %parallel_loop3A_793 = arith.constant 16 : i32
        %parallel_loop3A_794 = arith.muli %parallel_loop3A_573, %parallel_loop3A_793 : i32
        %parallel_loop3A_795 = arith.constant 0 : i32
        %parallel_loop3A_796 = arith.constant 17 : i32
        %parallel_loop3A_797 = arith.index_cast %parallel_loop3A_795 : i32 to index
        %parallel_loop3A_798 = arith.index_cast %parallel_loop3A_796 : i32 to index
        %parallel_loop3A_799 = arith.index_cast %parallel_loop3A_794 : i32 to index
        %parallel_loop3A_800 = tpu.vector_load %arg9[%parallel_loop3A_797, %parallel_loop3A_798, %parallel_loop3A_799] {strides = array<i32>} : memref<2x64x128xf32, #tpu.memory_space<vmem>>, vector<16xf32>,
        tpu.vector_store %arg9[%parallel_loop3A_797, %parallel_loop3A_798, %parallel_loop3A_799], %parallel_loop3A_792 {strides = array<i32>} : memref<2x64x128xf32, #tpu.memory_space<vmem>>, vector<16xf32>,
        %parallel_loop3A_801 = arith.constant 18 : i32
        %parallel_loop3A_802 = vector.broadcast %parallel_loop3A_801 : i32 to vector<16xi32>
        %parallel_loop3A_803 = arith.addi %parallel_loop3A_584, %parallel_loop3A_802 : vector<16xi32>
        %parallel_loop3A_804 = tpu.vector_load_idx %arg6[%parallel_loop3A_803] : memref<33345xf32, #tpu.memory_space<vmem>>[vector<16xi32>], vector<16xf32>,
        %parallel_loop3A_805 = arith.constant 16 : i32
        %parallel_loop3A_806 = arith.muli %parallel_loop3A_573, %parallel_loop3A_805 : i32
        %parallel_loop3A_807 = arith.constant 0 : i32
        %parallel_loop3A_808 = arith.constant 18 : i32
        %parallel_loop3A_809 = arith.index_cast %parallel_loop3A_807 : i32 to index
        %parallel_loop3A_810 = arith.index_cast %parallel_loop3A_808 : i32 to index
        %parallel_loop3A_811 = arith.index_cast %parallel_loop3A_806 : i32 to index
        %parallel_loop3A_812 = tpu.vector_load %arg9[%parallel_loop3A_809, %parallel_loop3A_810, %parallel_loop3A_811] {strides = array<i32>} : memref<2x64x128xf32, #tpu.memory_space<vmem>>, vector<16xf32>,
        tpu.vector_store %arg9[%parallel_loop3A_809, %parallel_loop3A_810, %parallel_loop3A_811], %parallel_loop3A_804 {strides = array<i32>} : memref<2x64x128xf32, #tpu.memory_space<vmem>>, vector<16xf32>,
        %parallel_loop3A_813 = arith.constant 19 : i32
        %parallel_loop3A_814 = vector.broadcast %parallel_loop3A_813 : i32 to vector<16xi32>
        %parallel_loop3A_815 = arith.addi %parallel_loop3A_584, %parallel_loop3A_814 : vector<16xi32>
        %parallel_loop3A_816 = tpu.vector_load_idx %arg6[%parallel_loop3A_815] : memref<33345xf32, #tpu.memory_space<vmem>>[vector<16xi32>], vector<16xf32>,
        %parallel_loop3A_817 = arith.constant 16 : i32
        %parallel_loop3A_818 = arith.muli %parallel_loop3A_573, %parallel_loop3A_817 : i32
        %parallel_loop3A_819 = arith.constant 0 : i32
        %parallel_loop3A_820 = arith.constant 19 : i32
        %parallel_loop3A_821 = arith.index_cast %parallel_loop3A_819 : i32 to index
        %parallel_loop3A_822 = arith.index_cast %parallel_loop3A_820 : i32 to index
        %parallel_loop3A_823 = arith.index_cast %parallel_loop3A_818 : i32 to index
        %parallel_loop3A_824 = tpu.vector_load %arg9[%parallel_loop3A_821, %parallel_loop3A_822, %parallel_loop3A_823] {strides = array<i32>} : memref<2x64x128xf32, #tpu.memory_space<vmem>>, vector<16xf32>,
        tpu.vector_store %arg9[%parallel_loop3A_821, %parallel_loop3A_822, %parallel_loop3A_823], %parallel_loop3A_816 {strides = array<i32>} : memref<2x64x128xf32, #tpu.memory_space<vmem>>, vector<16xf32>,
        %parallel_loop3A_825 = arith.constant 20 : i32
        %parallel_loop3A_826 = vector.broadcast %parallel_loop3A_825 : i32 to vector<16xi32>
        %parallel_loop3A_827 = arith.addi %parallel_loop3A_584, %parallel_loop3A_826 : vector<16xi32>
        %parallel_loop3A_828 = tpu.vector_load_idx %arg6[%parallel_loop3A_827] : memref<33345xf32, #tpu.memory_space<vmem>>[vector<16xi32>], vector<16xf32>,
        %parallel_loop3A_829 = arith.constant 16 : i32
        %parallel_loop3A_830 = arith.muli %parallel_loop3A_573, %parallel_loop3A_829 : i32
        %parallel_loop3A_831 = arith.constant 0 : i32
        %parallel_loop3A_832 = arith.constant 20 : i32
        %parallel_loop3A_833 = arith.index_cast %parallel_loop3A_831 : i32 to index
        %parallel_loop3A_834 = arith.index_cast %parallel_loop3A_832 : i32 to index
        %parallel_loop3A_835 = arith.index_cast %parallel_loop3A_830 : i32 to index
        %parallel_loop3A_836 = tpu.vector_load %arg9[%parallel_loop3A_833, %parallel_loop3A_834, %parallel_loop3A_835] {strides = array<i32>} : memref<2x64x128xf32, #tpu.memory_space<vmem>>, vector<16xf32>,
        tpu.vector_store %arg9[%parallel_loop3A_833, %parallel_loop3A_834, %parallel_loop3A_835], %parallel_loop3A_828 {strides = array<i32>} : memref<2x64x128xf32, #tpu.memory_space<vmem>>, vector<16xf32>,
        %parallel_loop3A_837 = arith.constant 21 : i32
        %parallel_loop3A_838 = vector.broadcast %parallel_loop3A_837 : i32 to vector<16xi32>
        %parallel_loop3A_839 = arith.addi %parallel_loop3A_584, %parallel_loop3A_838 : vector<16xi32>
        %parallel_loop3A_840 = tpu.vector_load_idx %arg6[%parallel_loop3A_839] : memref<33345xf32, #tpu.memory_space<vmem>>[vector<16xi32>], vector<16xf32>,
        %parallel_loop3A_841 = arith.constant 16 : i32
        %parallel_loop3A_842 = arith.muli %parallel_loop3A_573, %parallel_loop3A_841 : i32
        %parallel_loop3A_843 = arith.constant 0 : i32
        %parallel_loop3A_844 = arith.constant 21 : i32
        %parallel_loop3A_845 = arith.index_cast %parallel_loop3A_843 : i32 to index
        %parallel_loop3A_846 = arith.index_cast %parallel_loop3A_844 : i32 to index
        %parallel_loop3A_847 = arith.index_cast %parallel_loop3A_842 : i32 to index
        %parallel_loop3A_848 = tpu.vector_load %arg9[%parallel_loop3A_845, %parallel_loop3A_846, %parallel_loop3A_847] {strides = array<i32>} : memref<2x64x128xf32, #tpu.memory_space<vmem>>, vector<16xf32>,
        tpu.vector_store %arg9[%parallel_loop3A_845, %parallel_loop3A_846, %parallel_loop3A_847], %parallel_loop3A_840 {strides = array<i32>} : memref<2x64x128xf32, #tpu.memory_space<vmem>>, vector<16xf32>,
        %parallel_loop3A_849 = arith.constant 22 : i32
        %parallel_loop3A_850 = vector.broadcast %parallel_loop3A_849 : i32 to vector<16xi32>
        %parallel_loop3A_851 = arith.addi %parallel_loop3A_584, %parallel_loop3A_850 : vector<16xi32>
        %parallel_loop3A_852 = tpu.vector_load_idx %arg6[%parallel_loop3A_851] : memref<33345xf32, #tpu.memory_space<vmem>>[vector<16xi32>], vector<16xf32>,
        %parallel_loop3A_853 = arith.constant 16 : i32
        %parallel_loop3A_854 = arith.muli %parallel_loop3A_573, %parallel_loop3A_853 : i32
        %parallel_loop3A_855 = arith.constant 0 : i32
        %parallel_loop3A_856 = arith.constant 22 : i32
        %parallel_loop3A_857 = arith.index_cast %parallel_loop3A_855 : i32 to index
        %parallel_loop3A_858 = arith.index_cast %parallel_loop3A_856 : i32 to index
        %parallel_loop3A_859 = arith.index_cast %parallel_loop3A_854 : i32 to index
        %parallel_loop3A_860 = tpu.vector_load %arg9[%parallel_loop3A_857, %parallel_loop3A_858, %parallel_loop3A_859] {strides = array<i32>} : memref<2x64x128xf32, #tpu.memory_space<vmem>>, vector<16xf32>,
        tpu.vector_store %arg9[%parallel_loop3A_857, %parallel_loop3A_858, %parallel_loop3A_859], %parallel_loop3A_852 {strides = array<i32>} : memref<2x64x128xf32, #tpu.memory_space<vmem>>, vector<16xf32>,
        %parallel_loop3A_861 = arith.constant 23 : i32
        %parallel_loop3A_862 = vector.broadcast %parallel_loop3A_861 : i32 to vector<16xi32>
        %parallel_loop3A_863 = arith.addi %parallel_loop3A_584, %parallel_loop3A_862 : vector<16xi32>
        %parallel_loop3A_864 = tpu.vector_load_idx %arg6[%parallel_loop3A_863] : memref<33345xf32, #tpu.memory_space<vmem>>[vector<16xi32>], vector<16xf32>,
        %parallel_loop3A_865 = arith.constant 16 : i32
        %parallel_loop3A_866 = arith.muli %parallel_loop3A_573, %parallel_loop3A_865 : i32
        %parallel_loop3A_867 = arith.constant 0 : i32
        %parallel_loop3A_868 = arith.constant 23 : i32
        %parallel_loop3A_869 = arith.index_cast %parallel_loop3A_867 : i32 to index
        %parallel_loop3A_870 = arith.index_cast %parallel_loop3A_868 : i32 to index
        %parallel_loop3A_871 = arith.index_cast %parallel_loop3A_866 : i32 to index
        %parallel_loop3A_872 = tpu.vector_load %arg9[%parallel_loop3A_869, %parallel_loop3A_870, %parallel_loop3A_871] {strides = array<i32>} : memref<2x64x128xf32, #tpu.memory_space<vmem>>, vector<16xf32>,
        tpu.vector_store %arg9[%parallel_loop3A_869, %parallel_loop3A_870, %parallel_loop3A_871], %parallel_loop3A_864 {strides = array<i32>} : memref<2x64x128xf32, #tpu.memory_space<vmem>>, vector<16xf32>,
        %parallel_loop3A_873 = arith.constant 24 : i32
        %parallel_loop3A_874 = vector.broadcast %parallel_loop3A_873 : i32 to vector<16xi32>
        %parallel_loop3A_875 = arith.addi %parallel_loop3A_584, %parallel_loop3A_874 : vector<16xi32>
        %parallel_loop3A_876 = tpu.vector_load_idx %arg6[%parallel_loop3A_875] : memref<33345xf32, #tpu.memory_space<vmem>>[vector<16xi32>], vector<16xf32>,
        %parallel_loop3A_877 = arith.constant 16 : i32
        %parallel_loop3A_878 = arith.muli %parallel_loop3A_573, %parallel_loop3A_877 : i32
        %parallel_loop3A_879 = arith.constant 0 : i32
        %parallel_loop3A_880 = arith.constant 24 : i32
        %parallel_loop3A_881 = arith.index_cast %parallel_loop3A_879 : i32 to index
        %parallel_loop3A_882 = arith.index_cast %parallel_loop3A_880 : i32 to index
        %parallel_loop3A_883 = arith.index_cast %parallel_loop3A_878 : i32 to index
        %parallel_loop3A_884 = tpu.vector_load %arg9[%parallel_loop3A_881, %parallel_loop3A_882, %parallel_loop3A_883] {strides = array<i32>} : memref<2x64x128xf32, #tpu.memory_space<vmem>>, vector<16xf32>,
        tpu.vector_store %arg9[%parallel_loop3A_881, %parallel_loop3A_882, %parallel_loop3A_883], %parallel_loop3A_876 {strides = array<i32>} : memref<2x64x128xf32, #tpu.memory_space<vmem>>, vector<16xf32>,
        %parallel_loop3A_885 = arith.constant 25 : i32
        %parallel_loop3A_886 = vector.broadcast %parallel_loop3A_885 : i32 to vector<16xi32>
        %parallel_loop3A_887 = arith.addi %parallel_loop3A_584, %parallel_loop3A_886 : vector<16xi32>
        %parallel_loop3A_888 = tpu.vector_load_idx %arg6[%parallel_loop3A_887] : memref<33345xf32, #tpu.memory_space<vmem>>[vector<16xi32>], vector<16xf32>,
        %parallel_loop3A_889 = arith.constant 16 : i32
        %parallel_loop3A_890 = arith.muli %parallel_loop3A_573, %parallel_loop3A_889 : i32
        %parallel_loop3A_891 = arith.constant 0 : i32
        %parallel_loop3A_892 = arith.constant 25 : i32
        %parallel_loop3A_893 = arith.index_cast %parallel_loop3A_891 : i32 to index
        %parallel_loop3A_894 = arith.index_cast %parallel_loop3A_892 : i32 to index
        %parallel_loop3A_895 = arith.index_cast %parallel_loop3A_890 : i32 to index
        %parallel_loop3A_896 = tpu.vector_load %arg9[%parallel_loop3A_893, %parallel_loop3A_894, %parallel_loop3A_895] {strides = array<i32>} : memref<2x64x128xf32, #tpu.memory_space<vmem>>, vector<16xf32>,
        tpu.vector_store %arg9[%parallel_loop3A_893, %parallel_loop3A_894, %parallel_loop3A_895], %parallel_loop3A_888 {strides = array<i32>} : memref<2x64x128xf32, #tpu.memory_space<vmem>>, vector<16xf32>,
        %parallel_loop3A_897 = arith.constant 26 : i32
        %parallel_loop3A_898 = vector.broadcast %parallel_loop3A_897 : i32 to vector<16xi32>
        %parallel_loop3A_899 = arith.addi %parallel_loop3A_584, %parallel_loop3A_898 : vector<16xi32>
        %parallel_loop3A_900 = tpu.vector_load_idx %arg6[%parallel_loop3A_899] : memref<33345xf32, #tpu.memory_space<vmem>>[vector<16xi32>], vector<16xf32>,
        %parallel_loop3A_901 = arith.constant 16 : i32
        %parallel_loop3A_902 = arith.muli %parallel_loop3A_573, %parallel_loop3A_901 : i32
        %parallel_loop3A_903 = arith.constant 0 : i32
        %parallel_loop3A_904 = arith.constant 26 : i32
        %parallel_loop3A_905 = arith.index_cast %parallel_loop3A_903 : i32 to index
        %parallel_loop3A_906 = arith.index_cast %parallel_loop3A_904 : i32 to index
        %parallel_loop3A_907 = arith.index_cast %parallel_loop3A_902 : i32 to index
        %parallel_loop3A_908 = tpu.vector_load %arg9[%parallel_loop3A_905, %parallel_loop3A_906, %parallel_loop3A_907] {strides = array<i32>} : memref<2x64x128xf32, #tpu.memory_space<vmem>>, vector<16xf32>,
        tpu.vector_store %arg9[%parallel_loop3A_905, %parallel_loop3A_906, %parallel_loop3A_907], %parallel_loop3A_900 {strides = array<i32>} : memref<2x64x128xf32, #tpu.memory_space<vmem>>, vector<16xf32>,
        %parallel_loop3A_909 = arith.constant 27 : i32
        %parallel_loop3A_910 = vector.broadcast %parallel_loop3A_909 : i32 to vector<16xi32>
        %parallel_loop3A_911 = arith.addi %parallel_loop3A_584, %parallel_loop3A_910 : vector<16xi32>
        %parallel_loop3A_912 = tpu.vector_load_idx %arg6[%parallel_loop3A_911] : memref<33345xf32, #tpu.memory_space<vmem>>[vector<16xi32>], vector<16xf32>,
        %parallel_loop3A_913 = arith.constant 16 : i32
        %parallel_loop3A_914 = arith.muli %parallel_loop3A_573, %parallel_loop3A_913 : i32
        %parallel_loop3A_915 = arith.constant 0 : i32
        %parallel_loop3A_916 = arith.constant 27 : i32
        %parallel_loop3A_917 = arith.index_cast %parallel_loop3A_915 : i32 to index
        %parallel_loop3A_918 = arith.index_cast %parallel_loop3A_916 : i32 to index
        %parallel_loop3A_919 = arith.index_cast %parallel_loop3A_914 : i32 to index
        %parallel_loop3A_920 = tpu.vector_load %arg9[%parallel_loop3A_917, %parallel_loop3A_918, %parallel_loop3A_919] {strides = array<i32>} : memref<2x64x128xf32, #tpu.memory_space<vmem>>, vector<16xf32>,
        tpu.vector_store %arg9[%parallel_loop3A_917, %parallel_loop3A_918, %parallel_loop3A_919], %parallel_loop3A_912 {strides = array<i32>} : memref<2x64x128xf32, #tpu.memory_space<vmem>>, vector<16xf32>,
        %parallel_loop3A_921 = arith.constant 28 : i32
        %parallel_loop3A_922 = vector.broadcast %parallel_loop3A_921 : i32 to vector<16xi32>
        %parallel_loop3A_923 = arith.addi %parallel_loop3A_584, %parallel_loop3A_922 : vector<16xi32>
        %parallel_loop3A_924 = tpu.vector_load_idx %arg6[%parallel_loop3A_923] : memref<33345xf32, #tpu.memory_space<vmem>>[vector<16xi32>], vector<16xf32>,
        %parallel_loop3A_925 = arith.constant 16 : i32
        %parallel_loop3A_926 = arith.muli %parallel_loop3A_573, %parallel_loop3A_925 : i32
        %parallel_loop3A_927 = arith.constant 0 : i32
        %parallel_loop3A_928 = arith.constant 28 : i32
        %parallel_loop3A_929 = arith.index_cast %parallel_loop3A_927 : i32 to index
        %parallel_loop3A_930 = arith.index_cast %parallel_loop3A_928 : i32 to index
        %parallel_loop3A_931 = arith.index_cast %parallel_loop3A_926 : i32 to index
        %parallel_loop3A_932 = tpu.vector_load %arg9[%parallel_loop3A_929, %parallel_loop3A_930, %parallel_loop3A_931] {strides = array<i32>} : memref<2x64x128xf32, #tpu.memory_space<vmem>>, vector<16xf32>,
        tpu.vector_store %arg9[%parallel_loop3A_929, %parallel_loop3A_930, %parallel_loop3A_931], %parallel_loop3A_924 {strides = array<i32>} : memref<2x64x128xf32, #tpu.memory_space<vmem>>, vector<16xf32>,
        %parallel_loop3A_933 = arith.constant 29 : i32
        %parallel_loop3A_934 = vector.broadcast %parallel_loop3A_933 : i32 to vector<16xi32>
        %parallel_loop3A_935 = arith.addi %parallel_loop3A_584, %parallel_loop3A_934 : vector<16xi32>
        %parallel_loop3A_936 = tpu.vector_load_idx %arg6[%parallel_loop3A_935] : memref<33345xf32, #tpu.memory_space<vmem>>[vector<16xi32>], vector<16xf32>,
        %parallel_loop3A_937 = arith.constant 16 : i32
        %parallel_loop3A_938 = arith.muli %parallel_loop3A_573, %parallel_loop3A_937 : i32
        %parallel_loop3A_939 = arith.constant 0 : i32
        %parallel_loop3A_940 = arith.constant 29 : i32
        %parallel_loop3A_941 = arith.index_cast %parallel_loop3A_939 : i32 to index
        %parallel_loop3A_942 = arith.index_cast %parallel_loop3A_940 : i32 to index
        %parallel_loop3A_943 = arith.index_cast %parallel_loop3A_938 : i32 to index
        %parallel_loop3A_944 = tpu.vector_load %arg9[%parallel_loop3A_941, %parallel_loop3A_942, %parallel_loop3A_943] {strides = array<i32>} : memref<2x64x128xf32, #tpu.memory_space<vmem>>, vector<16xf32>,
        tpu.vector_store %arg9[%parallel_loop3A_941, %parallel_loop3A_942, %parallel_loop3A_943], %parallel_loop3A_936 {strides = array<i32>} : memref<2x64x128xf32, #tpu.memory_space<vmem>>, vector<16xf32>,
        %parallel_loop3A_945 = arith.constant 30 : i32
        %parallel_loop3A_946 = vector.broadcast %parallel_loop3A_945 : i32 to vector<16xi32>
        %parallel_loop3A_947 = arith.addi %parallel_loop3A_584, %parallel_loop3A_946 : vector<16xi32>
        %parallel_loop3A_948 = tpu.vector_load_idx %arg6[%parallel_loop3A_947] : memref<33345xf32, #tpu.memory_space<vmem>>[vector<16xi32>], vector<16xf32>,
        %parallel_loop3A_949 = arith.constant 16 : i32
        %parallel_loop3A_950 = arith.muli %parallel_loop3A_573, %parallel_loop3A_949 : i32
        %parallel_loop3A_951 = arith.constant 0 : i32
        %parallel_loop3A_952 = arith.constant 30 : i32
        %parallel_loop3A_953 = arith.index_cast %parallel_loop3A_951 : i32 to index
        %parallel_loop3A_954 = arith.index_cast %parallel_loop3A_952 : i32 to index
        %parallel_loop3A_955 = arith.index_cast %parallel_loop3A_950 : i32 to index
        %parallel_loop3A_956 = tpu.vector_load %arg9[%parallel_loop3A_953, %parallel_loop3A_954, %parallel_loop3A_955] {strides = array<i32>} : memref<2x64x128xf32, #tpu.memory_space<vmem>>, vector<16xf32>,
        tpu.vector_store %arg9[%parallel_loop3A_953, %parallel_loop3A_954, %parallel_loop3A_955], %parallel_loop3A_948 {strides = array<i32>} : memref<2x64x128xf32, #tpu.memory_space<vmem>>, vector<16xf32>,
        %parallel_loop3A_957 = arith.constant 31 : i32
        %parallel_loop3A_958 = vector.broadcast %parallel_loop3A_957 : i32 to vector<16xi32>
        %parallel_loop3A_959 = arith.addi %parallel_loop3A_584, %parallel_loop3A_958 : vector<16xi32>
        %parallel_loop3A_960 = tpu.vector_load_idx %arg6[%parallel_loop3A_959] : memref<33345xf32, #tpu.memory_space<vmem>>[vector<16xi32>], vector<16xf32>,
        %parallel_loop3A_961 = arith.constant 16 : i32
        %parallel_loop3A_962 = arith.muli %parallel_loop3A_573, %parallel_loop3A_961 : i32
        %parallel_loop3A_963 = arith.constant 0 : i32
        %parallel_loop3A_964 = arith.constant 31 : i32
        %parallel_loop3A_965 = arith.index_cast %parallel_loop3A_963 : i32 to index
        %parallel_loop3A_966 = arith.index_cast %parallel_loop3A_964 : i32 to index
        %parallel_loop3A_967 = arith.index_cast %parallel_loop3A_962 : i32 to index
        %parallel_loop3A_968 = tpu.vector_load %arg9[%parallel_loop3A_965, %parallel_loop3A_966, %parallel_loop3A_967] {strides = array<i32>} : memref<2x64x128xf32, #tpu.memory_space<vmem>>, vector<16xf32>,
        tpu.vector_store %arg9[%parallel_loop3A_965, %parallel_loop3A_966, %parallel_loop3A_967], %parallel_loop3A_960 {strides = array<i32>} : memref<2x64x128xf32, #tpu.memory_space<vmem>>, vector<16xf32>,
        %parallel_loop3A_969 = arith.constant 32 : i32
        %parallel_loop3A_970 = vector.broadcast %parallel_loop3A_969 : i32 to vector<16xi32>
        %parallel_loop3A_971 = arith.addi %parallel_loop3A_584, %parallel_loop3A_970 : vector<16xi32>
        %parallel_loop3A_972 = tpu.vector_load_idx %arg6[%parallel_loop3A_971] : memref<33345xf32, #tpu.memory_space<vmem>>[vector<16xi32>], vector<16xf32>,
        %parallel_loop3A_973 = arith.constant 16 : i32
        %parallel_loop3A_974 = arith.muli %parallel_loop3A_573, %parallel_loop3A_973 : i32
        %parallel_loop3A_975 = arith.constant 0 : i32
        %parallel_loop3A_976 = arith.constant 32 : i32
        %parallel_loop3A_977 = arith.index_cast %parallel_loop3A_975 : i32 to index
        %parallel_loop3A_978 = arith.index_cast %parallel_loop3A_976 : i32 to index
        %parallel_loop3A_979 = arith.index_cast %parallel_loop3A_974 : i32 to index
        %parallel_loop3A_980 = tpu.vector_load %arg9[%parallel_loop3A_977, %parallel_loop3A_978, %parallel_loop3A_979] {strides = array<i32>} : memref<2x64x128xf32, #tpu.memory_space<vmem>>, vector<16xf32>,
        tpu.vector_store %arg9[%parallel_loop3A_977, %parallel_loop3A_978, %parallel_loop3A_979], %parallel_loop3A_972 {strides = array<i32>} : memref<2x64x128xf32, #tpu.memory_space<vmem>>, vector<16xf32>,
        %parallel_loop3A_981 = arith.constant 33 : i32
        %parallel_loop3A_982 = vector.broadcast %parallel_loop3A_981 : i32 to vector<16xi32>
        %parallel_loop3A_983 = arith.addi %parallel_loop3A_584, %parallel_loop3A_982 : vector<16xi32>
        %parallel_loop3A_984 = tpu.vector_load_idx %arg6[%parallel_loop3A_983] : memref<33345xf32, #tpu.memory_space<vmem>>[vector<16xi32>], vector<16xf32>,
        %parallel_loop3A_985 = arith.constant 16 : i32
        %parallel_loop3A_986 = arith.muli %parallel_loop3A_573, %parallel_loop3A_985 : i32
        %parallel_loop3A_987 = arith.constant 0 : i32
        %parallel_loop3A_988 = arith.constant 33 : i32
        %parallel_loop3A_989 = arith.index_cast %parallel_loop3A_987 : i32 to index
        %parallel_loop3A_990 = arith.index_cast %parallel_loop3A_988 : i32 to index
        %parallel_loop3A_991 = arith.index_cast %parallel_loop3A_986 : i32 to index
        %parallel_loop3A_992 = tpu.vector_load %arg9[%parallel_loop3A_989, %parallel_loop3A_990, %parallel_loop3A_991] {strides = array<i32>} : memref<2x64x128xf32, #tpu.memory_space<vmem>>, vector<16xf32>,
        tpu.vector_store %arg9[%parallel_loop3A_989, %parallel_loop3A_990, %parallel_loop3A_991], %parallel_loop3A_984 {strides = array<i32>} : memref<2x64x128xf32, #tpu.memory_space<vmem>>, vector<16xf32>,
        %parallel_loop3A_993 = arith.constant 34 : i32
        %parallel_loop3A_994 = vector.broadcast %parallel_loop3A_993 : i32 to vector<16xi32>
        %parallel_loop3A_995 = arith.addi %parallel_loop3A_584, %parallel_loop3A_994 : vector<16xi32>
        %parallel_loop3A_996 = tpu.vector_load_idx %arg6[%parallel_loop3A_995] : memref<33345xf32, #tpu.memory_space<vmem>>[vector<16xi32>], vector<16xf32>,
        %parallel_loop3A_997 = arith.constant 16 : i32
        %parallel_loop3A_998 = arith.muli %parallel_loop3A_573, %parallel_loop3A_997 : i32
        %parallel_loop3A_999 = arith.constant 0 : i32
        %parallel_loop3A_1000 = arith.constant 34 : i32
        %parallel_loop3A_1001 = arith.index_cast %parallel_loop3A_999 : i32 to index
        %parallel_loop3A_1002 = arith.index_cast %parallel_loop3A_1000 : i32 to index
        %parallel_loop3A_1003 = arith.index_cast %parallel_loop3A_998 : i32 to index
        %parallel_loop3A_1004 = tpu.vector_load %arg9[%parallel_loop3A_1001, %parallel_loop3A_1002, %parallel_loop3A_1003] {strides = array<i32>} : memref<2x64x128xf32, #tpu.memory_space<vmem>>, vector<16xf32>,
        tpu.vector_store %arg9[%parallel_loop3A_1001, %parallel_loop3A_1002, %parallel_loop3A_1003], %parallel_loop3A_996 {strides = array<i32>} : memref<2x64x128xf32, #tpu.memory_space<vmem>>, vector<16xf32>,
        %parallel_loop3A_1005 = arith.constant 35 : i32
        %parallel_loop3A_1006 = vector.broadcast %parallel_loop3A_1005 : i32 to vector<16xi32>
        %parallel_loop3A_1007 = arith.addi %parallel_loop3A_584, %parallel_loop3A_1006 : vector<16xi32>
        %parallel_loop3A_1008 = tpu.vector_load_idx %arg6[%parallel_loop3A_1007] : memref<33345xf32, #tpu.memory_space<vmem>>[vector<16xi32>], vector<16xf32>,
        %parallel_loop3A_1009 = arith.constant 16 : i32
        %parallel_loop3A_1010 = arith.muli %parallel_loop3A_573, %parallel_loop3A_1009 : i32
        %parallel_loop3A_1011 = arith.constant 0 : i32
        %parallel_loop3A_1012 = arith.constant 35 : i32
        %parallel_loop3A_1013 = arith.index_cast %parallel_loop3A_1011 : i32 to index
        %parallel_loop3A_1014 = arith.index_cast %parallel_loop3A_1012 : i32 to index
        %parallel_loop3A_1015 = arith.index_cast %parallel_loop3A_1010 : i32 to index
        %parallel_loop3A_1016 = tpu.vector_load %arg9[%parallel_loop3A_1013, %parallel_loop3A_1014, %parallel_loop3A_1015] {strides = array<i32>} : memref<2x64x128xf32, #tpu.memory_space<vmem>>, vector<16xf32>,
        tpu.vector_store %arg9[%parallel_loop3A_1013, %parallel_loop3A_1014, %parallel_loop3A_1015], %parallel_loop3A_1008 {strides = array<i32>} : memref<2x64x128xf32, #tpu.memory_space<vmem>>, vector<16xf32>,
        %parallel_loop3A_1017 = arith.constant 36 : i32
        %parallel_loop3A_1018 = vector.broadcast %parallel_loop3A_1017 : i32 to vector<16xi32>
        %parallel_loop3A_1019 = arith.addi %parallel_loop3A_584, %parallel_loop3A_1018 : vector<16xi32>
        %parallel_loop3A_1020 = tpu.vector_load_idx %arg6[%parallel_loop3A_1019] : memref<33345xf32, #tpu.memory_space<vmem>>[vector<16xi32>], vector<16xf32>,
        %parallel_loop3A_1021 = arith.constant 16 : i32
        %parallel_loop3A_1022 = arith.muli %parallel_loop3A_573, %parallel_loop3A_1021 : i32
        %parallel_loop3A_1023 = arith.constant 0 : i32
        %parallel_loop3A_1024 = arith.constant 36 : i32
        %parallel_loop3A_1025 = arith.index_cast %parallel_loop3A_1023 : i32 to index
        %parallel_loop3A_1026 = arith.index_cast %parallel_loop3A_1024 : i32 to index
        %parallel_loop3A_1027 = arith.index_cast %parallel_loop3A_1022 : i32 to index
        %parallel_loop3A_1028 = tpu.vector_load %arg9[%parallel_loop3A_1025, %parallel_loop3A_1026, %parallel_loop3A_1027] {strides = array<i32>} : memref<2x64x128xf32, #tpu.memory_space<vmem>>, vector<16xf32>,
        tpu.vector_store %arg9[%parallel_loop3A_1025, %parallel_loop3A_1026, %parallel_loop3A_1027], %parallel_loop3A_1020 {strides = array<i32>} : memref<2x64x128xf32, #tpu.memory_space<vmem>>, vector<16xf32>,
        %parallel_loop3A_1029 = arith.constant 37 : i32
        %parallel_loop3A_1030 = vector.broadcast %parallel_loop3A_1029 : i32 to vector<16xi32>
        %parallel_loop3A_1031 = arith.addi %parallel_loop3A_584, %parallel_loop3A_1030 : vector<16xi32>
        %parallel_loop3A_1032 = tpu.vector_load_idx %arg6[%parallel_loop3A_1031] : memref<33345xf32, #tpu.memory_space<vmem>>[vector<16xi32>], vector<16xf32>,
        %parallel_loop3A_1033 = arith.constant 16 : i32
        %parallel_loop3A_1034 = arith.muli %parallel_loop3A_573, %parallel_loop3A_1033 : i32
        %parallel_loop3A_1035 = arith.constant 0 : i32
        %parallel_loop3A_1036 = arith.constant 37 : i32
        %parallel_loop3A_1037 = arith.index_cast %parallel_loop3A_1035 : i32 to index
        %parallel_loop3A_1038 = arith.index_cast %parallel_loop3A_1036 : i32 to index
        %parallel_loop3A_1039 = arith.index_cast %parallel_loop3A_1034 : i32 to index
        %parallel_loop3A_1040 = tpu.vector_load %arg9[%parallel_loop3A_1037, %parallel_loop3A_1038, %parallel_loop3A_1039] {strides = array<i32>} : memref<2x64x128xf32, #tpu.memory_space<vmem>>, vector<16xf32>,
        tpu.vector_store %arg9[%parallel_loop3A_1037, %parallel_loop3A_1038, %parallel_loop3A_1039], %parallel_loop3A_1032 {strides = array<i32>} : memref<2x64x128xf32, #tpu.memory_space<vmem>>, vector<16xf32>,
        %parallel_loop3A_1041 = arith.constant 38 : i32
        %parallel_loop3A_1042 = vector.broadcast %parallel_loop3A_1041 : i32 to vector<16xi32>
        %parallel_loop3A_1043 = arith.addi %parallel_loop3A_584, %parallel_loop3A_1042 : vector<16xi32>
        %parallel_loop3A_1044 = tpu.vector_load_idx %arg6[%parallel_loop3A_1043] : memref<33345xf32, #tpu.memory_space<vmem>>[vector<16xi32>], vector<16xf32>,
        %parallel_loop3A_1045 = arith.constant 16 : i32
        %parallel_loop3A_1046 = arith.muli %parallel_loop3A_573, %parallel_loop3A_1045 : i32
        %parallel_loop3A_1047 = arith.constant 0 : i32
        %parallel_loop3A_1048 = arith.constant 38 : i32
        %parallel_loop3A_1049 = arith.index_cast %parallel_loop3A_1047 : i32 to index
        %parallel_loop3A_1050 = arith.index_cast %parallel_loop3A_1048 : i32 to index
        %parallel_loop3A_1051 = arith.index_cast %parallel_loop3A_1046 : i32 to index
        %parallel_loop3A_1052 = tpu.vector_load %arg9[%parallel_loop3A_1049, %parallel_loop3A_1050, %parallel_loop3A_1051] {strides = array<i32>} : memref<2x64x128xf32, #tpu.memory_space<vmem>>, vector<16xf32>,
        tpu.vector_store %arg9[%parallel_loop3A_1049, %parallel_loop3A_1050, %parallel_loop3A_1051], %parallel_loop3A_1044 {strides = array<i32>} : memref<2x64x128xf32, #tpu.memory_space<vmem>>, vector<16xf32>,
        %parallel_loop3A_1053 = arith.constant 39 : i32
        %parallel_loop3A_1054 = vector.broadcast %parallel_loop3A_1053 : i32 to vector<16xi32>
        %parallel_loop3A_1055 = arith.addi %parallel_loop3A_584, %parallel_loop3A_1054 : vector<16xi32>
        %parallel_loop3A_1056 = tpu.vector_load_idx %arg6[%parallel_loop3A_1055] : memref<33345xf32, #tpu.memory_space<vmem>>[vector<16xi32>], vector<16xf32>,
        %parallel_loop3A_1057 = arith.constant 16 : i32
        %parallel_loop3A_1058 = arith.muli %parallel_loop3A_573, %parallel_loop3A_1057 : i32
        %parallel_loop3A_1059 = arith.constant 0 : i32
        %parallel_loop3A_1060 = arith.constant 39 : i32
        %parallel_loop3A_1061 = arith.index_cast %parallel_loop3A_1059 : i32 to index
        %parallel_loop3A_1062 = arith.index_cast %parallel_loop3A_1060 : i32 to index
        %parallel_loop3A_1063 = arith.index_cast %parallel_loop3A_1058 : i32 to index
        %parallel_loop3A_1064 = tpu.vector_load %arg9[%parallel_loop3A_1061, %parallel_loop3A_1062, %parallel_loop3A_1063] {strides = array<i32>} : memref<2x64x128xf32, #tpu.memory_space<vmem>>, vector<16xf32>,
        tpu.vector_store %arg9[%parallel_loop3A_1061, %parallel_loop3A_1062, %parallel_loop3A_1063], %parallel_loop3A_1056 {strides = array<i32>} : memref<2x64x128xf32, #tpu.memory_space<vmem>>, vector<16xf32>,
        %parallel_loop3A_1065 = arith.constant 40 : i32
        %parallel_loop3A_1066 = vector.broadcast %parallel_loop3A_1065 : i32 to vector<16xi32>
        %parallel_loop3A_1067 = arith.addi %parallel_loop3A_584, %parallel_loop3A_1066 : vector<16xi32>
        %parallel_loop3A_1068 = tpu.vector_load_idx %arg6[%parallel_loop3A_1067] : memref<33345xf32, #tpu.memory_space<vmem>>[vector<16xi32>], vector<16xf32>,
        %parallel_loop3A_1069 = arith.constant 16 : i32
        %parallel_loop3A_1070 = arith.muli %parallel_loop3A_573, %parallel_loop3A_1069 : i32
        %parallel_loop3A_1071 = arith.constant 0 : i32
        %parallel_loop3A_1072 = arith.constant 40 : i32
        %parallel_loop3A_1073 = arith.index_cast %parallel_loop3A_1071 : i32 to index
        %parallel_loop3A_1074 = arith.index_cast %parallel_loop3A_1072 : i32 to index
        %parallel_loop3A_1075 = arith.index_cast %parallel_loop3A_1070 : i32 to index
        %parallel_loop3A_1076 = tpu.vector_load %arg9[%parallel_loop3A_1073, %parallel_loop3A_1074, %parallel_loop3A_1075] {strides = array<i32>} : memref<2x64x128xf32, #tpu.memory_space<vmem>>, vector<16xf32>,
        tpu.vector_store %arg9[%parallel_loop3A_1073, %parallel_loop3A_1074, %parallel_loop3A_1075], %parallel_loop3A_1068 {strides = array<i32>} : memref<2x64x128xf32, #tpu.memory_space<vmem>>, vector<16xf32>,
        %parallel_loop3A_1077 = arith.constant 41 : i32
        %parallel_loop3A_1078 = vector.broadcast %parallel_loop3A_1077 : i32 to vector<16xi32>
        %parallel_loop3A_1079 = arith.addi %parallel_loop3A_584, %parallel_loop3A_1078 : vector<16xi32>
        %parallel_loop3A_1080 = tpu.vector_load_idx %arg6[%parallel_loop3A_1079] : memref<33345xf32, #tpu.memory_space<vmem>>[vector<16xi32>], vector<16xf32>,
        %parallel_loop3A_1081 = arith.constant 16 : i32
        %parallel_loop3A_1082 = arith.muli %parallel_loop3A_573, %parallel_loop3A_1081 : i32
        %parallel_loop3A_1083 = arith.constant 0 : i32
        %parallel_loop3A_1084 = arith.constant 41 : i32
        %parallel_loop3A_1085 = arith.index_cast %parallel_loop3A_1083 : i32 to index
        %parallel_loop3A_1086 = arith.index_cast %parallel_loop3A_1084 : i32 to index
        %parallel_loop3A_1087 = arith.index_cast %parallel_loop3A_1082 : i32 to index
        %parallel_loop3A_1088 = tpu.vector_load %arg9[%parallel_loop3A_1085, %parallel_loop3A_1086, %parallel_loop3A_1087] {strides = array<i32>} : memref<2x64x128xf32, #tpu.memory_space<vmem>>, vector<16xf32>,
        tpu.vector_store %arg9[%parallel_loop3A_1085, %parallel_loop3A_1086, %parallel_loop3A_1087], %parallel_loop3A_1080 {strides = array<i32>} : memref<2x64x128xf32, #tpu.memory_space<vmem>>, vector<16xf32>,
        %parallel_loop3A_1089 = arith.constant 42 : i32
        %parallel_loop3A_1090 = vector.broadcast %parallel_loop3A_1089 : i32 to vector<16xi32>
        %parallel_loop3A_1091 = arith.addi %parallel_loop3A_584, %parallel_loop3A_1090 : vector<16xi32>
        %parallel_loop3A_1092 = tpu.vector_load_idx %arg6[%parallel_loop3A_1091] : memref<33345xf32, #tpu.memory_space<vmem>>[vector<16xi32>], vector<16xf32>,
        %parallel_loop3A_1093 = arith.constant 16 : i32
        %parallel_loop3A_1094 = arith.muli %parallel_loop3A_573, %parallel_loop3A_1093 : i32
        %parallel_loop3A_1095 = arith.constant 0 : i32
        %parallel_loop3A_1096 = arith.constant 42 : i32
        %parallel_loop3A_1097 = arith.index_cast %parallel_loop3A_1095 : i32 to index
        %parallel_loop3A_1098 = arith.index_cast %parallel_loop3A_1096 : i32 to index
        %parallel_loop3A_1099 = arith.index_cast %parallel_loop3A_1094 : i32 to index
        %parallel_loop3A_1100 = tpu.vector_load %arg9[%parallel_loop3A_1097, %parallel_loop3A_1098, %parallel_loop3A_1099] {strides = array<i32>} : memref<2x64x128xf32, #tpu.memory_space<vmem>>, vector<16xf32>,
        tpu.vector_store %arg9[%parallel_loop3A_1097, %parallel_loop3A_1098, %parallel_loop3A_1099], %parallel_loop3A_1092 {strides = array<i32>} : memref<2x64x128xf32, #tpu.memory_space<vmem>>, vector<16xf32>,
        %parallel_loop3A_1101 = arith.constant 43 : i32
        %parallel_loop3A_1102 = vector.broadcast %parallel_loop3A_1101 : i32 to vector<16xi32>
        %parallel_loop3A_1103 = arith.addi %parallel_loop3A_584, %parallel_loop3A_1102 : vector<16xi32>
        %parallel_loop3A_1104 = tpu.vector_load_idx %arg6[%parallel_loop3A_1103] : memref<33345xf32, #tpu.memory_space<vmem>>[vector<16xi32>], vector<16xf32>,
        %parallel_loop3A_1105 = arith.constant 16 : i32
        %parallel_loop3A_1106 = arith.muli %parallel_loop3A_573, %parallel_loop3A_1105 : i32
        %parallel_loop3A_1107 = arith.constant 0 : i32
        %parallel_loop3A_1108 = arith.constant 43 : i32
        %parallel_loop3A_1109 = arith.index_cast %parallel_loop3A_1107 : i32 to index
        %parallel_loop3A_1110 = arith.index_cast %parallel_loop3A_1108 : i32 to index
        %parallel_loop3A_1111 = arith.index_cast %parallel_loop3A_1106 : i32 to index
        %parallel_loop3A_1112 = tpu.vector_load %arg9[%parallel_loop3A_1109, %parallel_loop3A_1110, %parallel_loop3A_1111] {strides = array<i32>} : memref<2x64x128xf32, #tpu.memory_space<vmem>>, vector<16xf32>,
        tpu.vector_store %arg9[%parallel_loop3A_1109, %parallel_loop3A_1110, %parallel_loop3A_1111], %parallel_loop3A_1104 {strides = array<i32>} : memref<2x64x128xf32, #tpu.memory_space<vmem>>, vector<16xf32>,
        %parallel_loop3A_1113 = arith.constant 44 : i32
        %parallel_loop3A_1114 = vector.broadcast %parallel_loop3A_1113 : i32 to vector<16xi32>
        %parallel_loop3A_1115 = arith.addi %parallel_loop3A_584, %parallel_loop3A_1114 : vector<16xi32>
        %parallel_loop3A_1116 = tpu.vector_load_idx %arg6[%parallel_loop3A_1115] : memref<33345xf32, #tpu.memory_space<vmem>>[vector<16xi32>], vector<16xf32>,
        %parallel_loop3A_1117 = arith.constant 16 : i32
        %parallel_loop3A_1118 = arith.muli %parallel_loop3A_573, %parallel_loop3A_1117 : i32
        %parallel_loop3A_1119 = arith.constant 0 : i32
        %parallel_loop3A_1120 = arith.constant 44 : i32
        %parallel_loop3A_1121 = arith.index_cast %parallel_loop3A_1119 : i32 to index
        %parallel_loop3A_1122 = arith.index_cast %parallel_loop3A_1120 : i32 to index
        %parallel_loop3A_1123 = arith.index_cast %parallel_loop3A_1118 : i32 to index
        %parallel_loop3A_1124 = tpu.vector_load %arg9[%parallel_loop3A_1121, %parallel_loop3A_1122, %parallel_loop3A_1123] {strides = array<i32>} : memref<2x64x128xf32, #tpu.memory_space<vmem>>, vector<16xf32>,
        tpu.vector_store %arg9[%parallel_loop3A_1121, %parallel_loop3A_1122, %parallel_loop3A_1123], %parallel_loop3A_1116 {strides = array<i32>} : memref<2x64x128xf32, #tpu.memory_space<vmem>>, vector<16xf32>,
        %parallel_loop3A_1125 = arith.constant 45 : i32
        %parallel_loop3A_1126 = vector.broadcast %parallel_loop3A_1125 : i32 to vector<16xi32>
        %parallel_loop3A_1127 = arith.addi %parallel_loop3A_584, %parallel_loop3A_1126 : vector<16xi32>
        %parallel_loop3A_1128 = tpu.vector_load_idx %arg6[%parallel_loop3A_1127] : memref<33345xf32, #tpu.memory_space<vmem>>[vector<16xi32>], vector<16xf32>,
        %parallel_loop3A_1129 = arith.constant 16 : i32
        %parallel_loop3A_1130 = arith.muli %parallel_loop3A_573, %parallel_loop3A_1129 : i32
        %parallel_loop3A_1131 = arith.constant 0 : i32
        %parallel_loop3A_1132 = arith.constant 45 : i32
        %parallel_loop3A_1133 = arith.index_cast %parallel_loop3A_1131 : i32 to index
        %parallel_loop3A_1134 = arith.index_cast %parallel_loop3A_1132 : i32 to index
        %parallel_loop3A_1135 = arith.index_cast %parallel_loop3A_1130 : i32 to index
        %parallel_loop3A_1136 = tpu.vector_load %arg9[%parallel_loop3A_1133, %parallel_loop3A_1134, %parallel_loop3A_1135] {strides = array<i32>} : memref<2x64x128xf32, #tpu.memory_space<vmem>>, vector<16xf32>,
        tpu.vector_store %arg9[%parallel_loop3A_1133, %parallel_loop3A_1134, %parallel_loop3A_1135], %parallel_loop3A_1128 {strides = array<i32>} : memref<2x64x128xf32, #tpu.memory_space<vmem>>, vector<16xf32>,
        %parallel_loop3A_1137 = arith.constant 46 : i32
        %parallel_loop3A_1138 = vector.broadcast %parallel_loop3A_1137 : i32 to vector<16xi32>
        %parallel_loop3A_1139 = arith.addi %parallel_loop3A_584, %parallel_loop3A_1138 : vector<16xi32>
        %parallel_loop3A_1140 = tpu.vector_load_idx %arg6[%parallel_loop3A_1139] : memref<33345xf32, #tpu.memory_space<vmem>>[vector<16xi32>], vector<16xf32>,
        %parallel_loop3A_1141 = arith.constant 16 : i32
        %parallel_loop3A_1142 = arith.muli %parallel_loop3A_573, %parallel_loop3A_1141 : i32
        %parallel_loop3A_1143 = arith.constant 0 : i32
        %parallel_loop3A_1144 = arith.constant 46 : i32
        %parallel_loop3A_1145 = arith.index_cast %parallel_loop3A_1143 : i32 to index
        %parallel_loop3A_1146 = arith.index_cast %parallel_loop3A_1144 : i32 to index
        %parallel_loop3A_1147 = arith.index_cast %parallel_loop3A_1142 : i32 to index
        %parallel_loop3A_1148 = tpu.vector_load %arg9[%parallel_loop3A_1145, %parallel_loop3A_1146, %parallel_loop3A_1147] {strides = array<i32>} : memref<2x64x128xf32, #tpu.memory_space<vmem>>, vector<16xf32>,
        tpu.vector_store %arg9[%parallel_loop3A_1145, %parallel_loop3A_1146, %parallel_loop3A_1147], %parallel_loop3A_1140 {strides = array<i32>} : memref<2x64x128xf32, #tpu.memory_space<vmem>>, vector<16xf32>,
        %parallel_loop3A_1149 = arith.constant 47 : i32
        %parallel_loop3A_1150 = vector.broadcast %parallel_loop3A_1149 : i32 to vector<16xi32>
        %parallel_loop3A_1151 = arith.addi %parallel_loop3A_584, %parallel_loop3A_1150 : vector<16xi32>
        %parallel_loop3A_1152 = tpu.vector_load_idx %arg6[%parallel_loop3A_1151] : memref<33345xf32, #tpu.memory_space<vmem>>[vector<16xi32>], vector<16xf32>,
        %parallel_loop3A_1153 = arith.constant 16 : i32
        %parallel_loop3A_1154 = arith.muli %parallel_loop3A_573, %parallel_loop3A_1153 : i32
        %parallel_loop3A_1155 = arith.constant 0 : i32
        %parallel_loop3A_1156 = arith.constant 47 : i32
        %parallel_loop3A_1157 = arith.index_cast %parallel_loop3A_1155 : i32 to index
        %parallel_loop3A_1158 = arith.index_cast %parallel_loop3A_1156 : i32 to index
        %parallel_loop3A_1159 = arith.index_cast %parallel_loop3A_1154 : i32 to index
        %parallel_loop3A_1160 = tpu.vector_load %arg9[%parallel_loop3A_1157, %parallel_loop3A_1158, %parallel_loop3A_1159] {strides = array<i32>} : memref<2x64x128xf32, #tpu.memory_space<vmem>>, vector<16xf32>,
        tpu.vector_store %arg9[%parallel_loop3A_1157, %parallel_loop3A_1158, %parallel_loop3A_1159], %parallel_loop3A_1152 {strides = array<i32>} : memref<2x64x128xf32, #tpu.memory_space<vmem>>, vector<16xf32>,
        %parallel_loop3A_1161 = arith.constant 48 : i32
        %parallel_loop3A_1162 = vector.broadcast %parallel_loop3A_1161 : i32 to vector<16xi32>
        %parallel_loop3A_1163 = arith.addi %parallel_loop3A_584, %parallel_loop3A_1162 : vector<16xi32>
        %parallel_loop3A_1164 = tpu.vector_load_idx %arg6[%parallel_loop3A_1163] : memref<33345xf32, #tpu.memory_space<vmem>>[vector<16xi32>], vector<16xf32>,
        %parallel_loop3A_1165 = arith.constant 16 : i32
        %parallel_loop3A_1166 = arith.muli %parallel_loop3A_573, %parallel_loop3A_1165 : i32
        %parallel_loop3A_1167 = arith.constant 0 : i32
        %parallel_loop3A_1168 = arith.constant 48 : i32
        %parallel_loop3A_1169 = arith.index_cast %parallel_loop3A_1167 : i32 to index
        %parallel_loop3A_1170 = arith.index_cast %parallel_loop3A_1168 : i32 to index
        %parallel_loop3A_1171 = arith.index_cast %parallel_loop3A_1166 : i32 to index
        %parallel_loop3A_1172 = tpu.vector_load %arg9[%parallel_loop3A_1169, %parallel_loop3A_1170, %parallel_loop3A_1171] {strides = array<i32>} : memref<2x64x128xf32, #tpu.memory_space<vmem>>, vector<16xf32>,
        tpu.vector_store %arg9[%parallel_loop3A_1169, %parallel_loop3A_1170, %parallel_loop3A_1171], %parallel_loop3A_1164 {strides = array<i32>} : memref<2x64x128xf32, #tpu.memory_space<vmem>>, vector<16xf32>,
        %parallel_loop3A_1173 = arith.constant 49 : i32
        %parallel_loop3A_1174 = vector.broadcast %parallel_loop3A_1173 : i32 to vector<16xi32>
        %parallel_loop3A_1175 = arith.addi %parallel_loop3A_584, %parallel_loop3A_1174 : vector<16xi32>
        %parallel_loop3A_1176 = tpu.vector_load_idx %arg6[%parallel_loop3A_1175] : memref<33345xf32, #tpu.memory_space<vmem>>[vector<16xi32>], vector<16xf32>,
        %parallel_loop3A_1177 = arith.constant 16 : i32
        %parallel_loop3A_1178 = arith.muli %parallel_loop3A_573, %parallel_loop3A_1177 : i32
        %parallel_loop3A_1179 = arith.constant 0 : i32
        %parallel_loop3A_1180 = arith.constant 49 : i32
        %parallel_loop3A_1181 = arith.index_cast %parallel_loop3A_1179 : i32 to index
        %parallel_loop3A_1182 = arith.index_cast %parallel_loop3A_1180 : i32 to index
        %parallel_loop3A_1183 = arith.index_cast %parallel_loop3A_1178 : i32 to index
        %parallel_loop3A_1184 = tpu.vector_load %arg9[%parallel_loop3A_1181, %parallel_loop3A_1182, %parallel_loop3A_1183] {strides = array<i32>} : memref<2x64x128xf32, #tpu.memory_space<vmem>>, vector<16xf32>,
        tpu.vector_store %arg9[%parallel_loop3A_1181, %parallel_loop3A_1182, %parallel_loop3A_1183], %parallel_loop3A_1176 {strides = array<i32>} : memref<2x64x128xf32, #tpu.memory_space<vmem>>, vector<16xf32>,
        %parallel_loop3A_1185 = arith.constant 50 : i32
        %parallel_loop3A_1186 = vector.broadcast %parallel_loop3A_1185 : i32 to vector<16xi32>
        %parallel_loop3A_1187 = arith.addi %parallel_loop3A_584, %parallel_loop3A_1186 : vector<16xi32>
        %parallel_loop3A_1188 = tpu.vector_load_idx %arg6[%parallel_loop3A_1187] : memref<33345xf32, #tpu.memory_space<vmem>>[vector<16xi32>], vector<16xf32>,
        %parallel_loop3A_1189 = arith.constant 16 : i32
        %parallel_loop3A_1190 = arith.muli %parallel_loop3A_573, %parallel_loop3A_1189 : i32
        %parallel_loop3A_1191 = arith.constant 0 : i32
        %parallel_loop3A_1192 = arith.constant 50 : i32
        %parallel_loop3A_1193 = arith.index_cast %parallel_loop3A_1191 : i32 to index
        %parallel_loop3A_1194 = arith.index_cast %parallel_loop3A_1192 : i32 to index
        %parallel_loop3A_1195 = arith.index_cast %parallel_loop3A_1190 : i32 to index
        %parallel_loop3A_1196 = tpu.vector_load %arg9[%parallel_loop3A_1193, %parallel_loop3A_1194, %parallel_loop3A_1195] {strides = array<i32>} : memref<2x64x128xf32, #tpu.memory_space<vmem>>, vector<16xf32>,
        tpu.vector_store %arg9[%parallel_loop3A_1193, %parallel_loop3A_1194, %parallel_loop3A_1195], %parallel_loop3A_1188 {strides = array<i32>} : memref<2x64x128xf32, #tpu.memory_space<vmem>>, vector<16xf32>,
        %parallel_loop3A_1197 = arith.constant 51 : i32
        %parallel_loop3A_1198 = vector.broadcast %parallel_loop3A_1197 : i32 to vector<16xi32>
        %parallel_loop3A_1199 = arith.addi %parallel_loop3A_584, %parallel_loop3A_1198 : vector<16xi32>
        %parallel_loop3A_1200 = tpu.vector_load_idx %arg6[%parallel_loop3A_1199] : memref<33345xf32, #tpu.memory_space<vmem>>[vector<16xi32>], vector<16xf32>,
        %parallel_loop3A_1201 = arith.constant 16 : i32
        %parallel_loop3A_1202 = arith.muli %parallel_loop3A_573, %parallel_loop3A_1201 : i32
        %parallel_loop3A_1203 = arith.constant 0 : i32
        %parallel_loop3A_1204 = arith.constant 51 : i32
        %parallel_loop3A_1205 = arith.index_cast %parallel_loop3A_1203 : i32 to index
        %parallel_loop3A_1206 = arith.index_cast %parallel_loop3A_1204 : i32 to index
        %parallel_loop3A_1207 = arith.index_cast %parallel_loop3A_1202 : i32 to index
        %parallel_loop3A_1208 = tpu.vector_load %arg9[%parallel_loop3A_1205, %parallel_loop3A_1206, %parallel_loop3A_1207] {strides = array<i32>} : memref<2x64x128xf32, #tpu.memory_space<vmem>>, vector<16xf32>,
        tpu.vector_store %arg9[%parallel_loop3A_1205, %parallel_loop3A_1206, %parallel_loop3A_1207], %parallel_loop3A_1200 {strides = array<i32>} : memref<2x64x128xf32, #tpu.memory_space<vmem>>, vector<16xf32>,
        %parallel_loop3A_1209 = arith.constant 52 : i32
        %parallel_loop3A_1210 = vector.broadcast %parallel_loop3A_1209 : i32 to vector<16xi32>
        %parallel_loop3A_1211 = arith.addi %parallel_loop3A_584, %parallel_loop3A_1210 : vector<16xi32>
        %parallel_loop3A_1212 = tpu.vector_load_idx %arg6[%parallel_loop3A_1211] : memref<33345xf32, #tpu.memory_space<vmem>>[vector<16xi32>], vector<16xf32>,
        %parallel_loop3A_1213 = arith.constant 16 : i32
        %parallel_loop3A_1214 = arith.muli %parallel_loop3A_573, %parallel_loop3A_1213 : i32
        %parallel_loop3A_1215 = arith.constant 0 : i32
        %parallel_loop3A_1216 = arith.constant 52 : i32
        %parallel_loop3A_1217 = arith.index_cast %parallel_loop3A_1215 : i32 to index
        %parallel_loop3A_1218 = arith.index_cast %parallel_loop3A_1216 : i32 to index
        %parallel_loop3A_1219 = arith.index_cast %parallel_loop3A_1214 : i32 to index
        %parallel_loop3A_1220 = tpu.vector_load %arg9[%parallel_loop3A_1217, %parallel_loop3A_1218, %parallel_loop3A_1219] {strides = array<i32>} : memref<2x64x128xf32, #tpu.memory_space<vmem>>, vector<16xf32>,
        tpu.vector_store %arg9[%parallel_loop3A_1217, %parallel_loop3A_1218, %parallel_loop3A_1219], %parallel_loop3A_1212 {strides = array<i32>} : memref<2x64x128xf32, #tpu.memory_space<vmem>>, vector<16xf32>,
        %parallel_loop3A_1221 = arith.constant 53 : i32
        %parallel_loop3A_1222 = vector.broadcast %parallel_loop3A_1221 : i32 to vector<16xi32>
        %parallel_loop3A_1223 = arith.addi %parallel_loop3A_584, %parallel_loop3A_1222 : vector<16xi32>
        %parallel_loop3A_1224 = tpu.vector_load_idx %arg6[%parallel_loop3A_1223] : memref<33345xf32, #tpu.memory_space<vmem>>[vector<16xi32>], vector<16xf32>,
        %parallel_loop3A_1225 = arith.constant 16 : i32
        %parallel_loop3A_1226 = arith.muli %parallel_loop3A_573, %parallel_loop3A_1225 : i32
        %parallel_loop3A_1227 = arith.constant 0 : i32
        %parallel_loop3A_1228 = arith.constant 53 : i32
        %parallel_loop3A_1229 = arith.index_cast %parallel_loop3A_1227 : i32 to index
        %parallel_loop3A_1230 = arith.index_cast %parallel_loop3A_1228 : i32 to index
        %parallel_loop3A_1231 = arith.index_cast %parallel_loop3A_1226 : i32 to index
        %parallel_loop3A_1232 = tpu.vector_load %arg9[%parallel_loop3A_1229, %parallel_loop3A_1230, %parallel_loop3A_1231] {strides = array<i32>} : memref<2x64x128xf32, #tpu.memory_space<vmem>>, vector<16xf32>,
        tpu.vector_store %arg9[%parallel_loop3A_1229, %parallel_loop3A_1230, %parallel_loop3A_1231], %parallel_loop3A_1224 {strides = array<i32>} : memref<2x64x128xf32, #tpu.memory_space<vmem>>, vector<16xf32>,
        %parallel_loop3A_1233 = arith.constant 54 : i32
        %parallel_loop3A_1234 = vector.broadcast %parallel_loop3A_1233 : i32 to vector<16xi32>
        %parallel_loop3A_1235 = arith.addi %parallel_loop3A_584, %parallel_loop3A_1234 : vector<16xi32>
        %parallel_loop3A_1236 = tpu.vector_load_idx %arg6[%parallel_loop3A_1235] : memref<33345xf32, #tpu.memory_space<vmem>>[vector<16xi32>], vector<16xf32>,
        %parallel_loop3A_1237 = arith.constant 16 : i32
        %parallel_loop3A_1238 = arith.muli %parallel_loop3A_573, %parallel_loop3A_1237 : i32
        %parallel_loop3A_1239 = arith.constant 0 : i32
        %parallel_loop3A_1240 = arith.constant 54 : i32
        %parallel_loop3A_1241 = arith.index_cast %parallel_loop3A_1239 : i32 to index
        %parallel_loop3A_1242 = arith.index_cast %parallel_loop3A_1240 : i32 to index
        %parallel_loop3A_1243 = arith.index_cast %parallel_loop3A_1238 : i32 to index
        %parallel_loop3A_1244 = tpu.vector_load %arg9[%parallel_loop3A_1241, %parallel_loop3A_1242, %parallel_loop3A_1243] {strides = array<i32>} : memref<2x64x128xf32, #tpu.memory_space<vmem>>, vector<16xf32>,
        tpu.vector_store %arg9[%parallel_loop3A_1241, %parallel_loop3A_1242, %parallel_loop3A_1243], %parallel_loop3A_1236 {strides = array<i32>} : memref<2x64x128xf32, #tpu.memory_space<vmem>>, vector<16xf32>,
        %parallel_loop3A_1245 = arith.constant 55 : i32
        %parallel_loop3A_1246 = vector.broadcast %parallel_loop3A_1245 : i32 to vector<16xi32>
        %parallel_loop3A_1247 = arith.addi %parallel_loop3A_584, %parallel_loop3A_1246 : vector<16xi32>
        %parallel_loop3A_1248 = tpu.vector_load_idx %arg6[%parallel_loop3A_1247] : memref<33345xf32, #tpu.memory_space<vmem>>[vector<16xi32>], vector<16xf32>,
        %parallel_loop3A_1249 = arith.constant 16 : i32
        %parallel_loop3A_1250 = arith.muli %parallel_loop3A_573, %parallel_loop3A_1249 : i32
        %parallel_loop3A_1251 = arith.constant 0 : i32
        %parallel_loop3A_1252 = arith.constant 55 : i32
        %parallel_loop3A_1253 = arith.index_cast %parallel_loop3A_1251 : i32 to index
        %parallel_loop3A_1254 = arith.index_cast %parallel_loop3A_1252 : i32 to index
        %parallel_loop3A_1255 = arith.index_cast %parallel_loop3A_1250 : i32 to index
        %parallel_loop3A_1256 = tpu.vector_load %arg9[%parallel_loop3A_1253, %parallel_loop3A_1254, %parallel_loop3A_1255] {strides = array<i32>} : memref<2x64x128xf32, #tpu.memory_space<vmem>>, vector<16xf32>,
        tpu.vector_store %arg9[%parallel_loop3A_1253, %parallel_loop3A_1254, %parallel_loop3A_1255], %parallel_loop3A_1248 {strides = array<i32>} : memref<2x64x128xf32, #tpu.memory_space<vmem>>, vector<16xf32>,
        %parallel_loop3A_1257 = arith.constant 56 : i32
        %parallel_loop3A_1258 = vector.broadcast %parallel_loop3A_1257 : i32 to vector<16xi32>
        %parallel_loop3A_1259 = arith.addi %parallel_loop3A_584, %parallel_loop3A_1258 : vector<16xi32>
        %parallel_loop3A_1260 = tpu.vector_load_idx %arg6[%parallel_loop3A_1259] : memref<33345xf32, #tpu.memory_space<vmem>>[vector<16xi32>], vector<16xf32>,
        %parallel_loop3A_1261 = arith.constant 16 : i32
        %parallel_loop3A_1262 = arith.muli %parallel_loop3A_573, %parallel_loop3A_1261 : i32
        %parallel_loop3A_1263 = arith.constant 0 : i32
        %parallel_loop3A_1264 = arith.constant 56 : i32
        %parallel_loop3A_1265 = arith.index_cast %parallel_loop3A_1263 : i32 to index
        %parallel_loop3A_1266 = arith.index_cast %parallel_loop3A_1264 : i32 to index
        %parallel_loop3A_1267 = arith.index_cast %parallel_loop3A_1262 : i32 to index
        %parallel_loop3A_1268 = tpu.vector_load %arg9[%parallel_loop3A_1265, %parallel_loop3A_1266, %parallel_loop3A_1267] {strides = array<i32>} : memref<2x64x128xf32, #tpu.memory_space<vmem>>, vector<16xf32>,
        tpu.vector_store %arg9[%parallel_loop3A_1265, %parallel_loop3A_1266, %parallel_loop3A_1267], %parallel_loop3A_1260 {strides = array<i32>} : memref<2x64x128xf32, #tpu.memory_space<vmem>>, vector<16xf32>,
        %parallel_loop3A_1269 = arith.constant 57 : i32
        %parallel_loop3A_1270 = vector.broadcast %parallel_loop3A_1269 : i32 to vector<16xi32>
        %parallel_loop3A_1271 = arith.addi %parallel_loop3A_584, %parallel_loop3A_1270 : vector<16xi32>
        %parallel_loop3A_1272 = tpu.vector_load_idx %arg6[%parallel_loop3A_1271] : memref<33345xf32, #tpu.memory_space<vmem>>[vector<16xi32>], vector<16xf32>,
        %parallel_loop3A_1273 = arith.constant 16 : i32
        %parallel_loop3A_1274 = arith.muli %parallel_loop3A_573, %parallel_loop3A_1273 : i32
        %parallel_loop3A_1275 = arith.constant 0 : i32
        %parallel_loop3A_1276 = arith.constant 57 : i32
        %parallel_loop3A_1277 = arith.index_cast %parallel_loop3A_1275 : i32 to index
        %parallel_loop3A_1278 = arith.index_cast %parallel_loop3A_1276 : i32 to index
        %parallel_loop3A_1279 = arith.index_cast %parallel_loop3A_1274 : i32 to index
        %parallel_loop3A_1280 = tpu.vector_load %arg9[%parallel_loop3A_1277, %parallel_loop3A_1278, %parallel_loop3A_1279] {strides = array<i32>} : memref<2x64x128xf32, #tpu.memory_space<vmem>>, vector<16xf32>,
        tpu.vector_store %arg9[%parallel_loop3A_1277, %parallel_loop3A_1278, %parallel_loop3A_1279], %parallel_loop3A_1272 {strides = array<i32>} : memref<2x64x128xf32, #tpu.memory_space<vmem>>, vector<16xf32>,
        %parallel_loop3A_1281 = arith.constant 58 : i32
        %parallel_loop3A_1282 = vector.broadcast %parallel_loop3A_1281 : i32 to vector<16xi32>
        %parallel_loop3A_1283 = arith.addi %parallel_loop3A_584, %parallel_loop3A_1282 : vector<16xi32>
        %parallel_loop3A_1284 = tpu.vector_load_idx %arg6[%parallel_loop3A_1283] : memref<33345xf32, #tpu.memory_space<vmem>>[vector<16xi32>], vector<16xf32>,
        %parallel_loop3A_1285 = arith.constant 16 : i32
        %parallel_loop3A_1286 = arith.muli %parallel_loop3A_573, %parallel_loop3A_1285 : i32
        %parallel_loop3A_1287 = arith.constant 0 : i32
        %parallel_loop3A_1288 = arith.constant 58 : i32
        %parallel_loop3A_1289 = arith.index_cast %parallel_loop3A_1287 : i32 to index
        %parallel_loop3A_1290 = arith.index_cast %parallel_loop3A_1288 : i32 to index
        %parallel_loop3A_1291 = arith.index_cast %parallel_loop3A_1286 : i32 to index
        %parallel_loop3A_1292 = tpu.vector_load %arg9[%parallel_loop3A_1289, %parallel_loop3A_1290, %parallel_loop3A_1291] {strides = array<i32>} : memref<2x64x128xf32, #tpu.memory_space<vmem>>, vector<16xf32>,
        tpu.vector_store %arg9[%parallel_loop3A_1289, %parallel_loop3A_1290, %parallel_loop3A_1291], %parallel_loop3A_1284 {strides = array<i32>} : memref<2x64x128xf32, #tpu.memory_space<vmem>>, vector<16xf32>,
        %parallel_loop3A_1293 = arith.constant 59 : i32
        %parallel_loop3A_1294 = vector.broadcast %parallel_loop3A_1293 : i32 to vector<16xi32>
        %parallel_loop3A_1295 = arith.addi %parallel_loop3A_584, %parallel_loop3A_1294 : vector<16xi32>
        %parallel_loop3A_1296 = tpu.vector_load_idx %arg6[%parallel_loop3A_1295] : memref<33345xf32, #tpu.memory_space<vmem>>[vector<16xi32>], vector<16xf32>,
        %parallel_loop3A_1297 = arith.constant 16 : i32
        %parallel_loop3A_1298 = arith.muli %parallel_loop3A_573, %parallel_loop3A_1297 : i32
        %parallel_loop3A_1299 = arith.constant 0 : i32
        %parallel_loop3A_1300 = arith.constant 59 : i32
        %parallel_loop3A_1301 = arith.index_cast %parallel_loop3A_1299 : i32 to index
        %parallel_loop3A_1302 = arith.index_cast %parallel_loop3A_1300 : i32 to index
        %parallel_loop3A_1303 = arith.index_cast %parallel_loop3A_1298 : i32 to index
        %parallel_loop3A_1304 = tpu.vector_load %arg9[%parallel_loop3A_1301, %parallel_loop3A_1302, %parallel_loop3A_1303] {strides = array<i32>} : memref<2x64x128xf32, #tpu.memory_space<vmem>>, vector<16xf32>,
        tpu.vector_store %arg9[%parallel_loop3A_1301, %parallel_loop3A_1302, %parallel_loop3A_1303], %parallel_loop3A_1296 {strides = array<i32>} : memref<2x64x128xf32, #tpu.memory_space<vmem>>, vector<16xf32>,
        %parallel_loop3A_1305 = arith.constant 60 : i32
        %parallel_loop3A_1306 = vector.broadcast %parallel_loop3A_1305 : i32 to vector<16xi32>
        %parallel_loop3A_1307 = arith.addi %parallel_loop3A_584, %parallel_loop3A_1306 : vector<16xi32>
        %parallel_loop3A_1308 = tpu.vector_load_idx %arg6[%parallel_loop3A_1307] : memref<33345xf32, #tpu.memory_space<vmem>>[vector<16xi32>], vector<16xf32>,
        %parallel_loop3A_1309 = arith.constant 16 : i32
        %parallel_loop3A_1310 = arith.muli %parallel_loop3A_573, %parallel_loop3A_1309 : i32
        %parallel_loop3A_1311 = arith.constant 0 : i32
        %parallel_loop3A_1312 = arith.constant 60 : i32
        %parallel_loop3A_1313 = arith.index_cast %parallel_loop3A_1311 : i32 to index
        %parallel_loop3A_1314 = arith.index_cast %parallel_loop3A_1312 : i32 to index
        %parallel_loop3A_1315 = arith.index_cast %parallel_loop3A_1310 : i32 to index
        %parallel_loop3A_1316 = tpu.vector_load %arg9[%parallel_loop3A_1313, %parallel_loop3A_1314, %parallel_loop3A_1315] {strides = array<i32>} : memref<2x64x128xf32, #tpu.memory_space<vmem>>, vector<16xf32>,
        tpu.vector_store %arg9[%parallel_loop3A_1313, %parallel_loop3A_1314, %parallel_loop3A_1315], %parallel_loop3A_1308 {strides = array<i32>} : memref<2x64x128xf32, #tpu.memory_space<vmem>>, vector<16xf32>,
        %parallel_loop3A_1317 = arith.constant 61 : i32
        %parallel_loop3A_1318 = vector.broadcast %parallel_loop3A_1317 : i32 to vector<16xi32>
        %parallel_loop3A_1319 = arith.addi %parallel_loop3A_584, %parallel_loop3A_1318 : vector<16xi32>
        %parallel_loop3A_1320 = tpu.vector_load_idx %arg6[%parallel_loop3A_1319] : memref<33345xf32, #tpu.memory_space<vmem>>[vector<16xi32>], vector<16xf32>,
        %parallel_loop3A_1321 = arith.constant 16 : i32
        %parallel_loop3A_1322 = arith.muli %parallel_loop3A_573, %parallel_loop3A_1321 : i32
        %parallel_loop3A_1323 = arith.constant 0 : i32
        %parallel_loop3A_1324 = arith.constant 61 : i32
        %parallel_loop3A_1325 = arith.index_cast %parallel_loop3A_1323 : i32 to index
        %parallel_loop3A_1326 = arith.index_cast %parallel_loop3A_1324 : i32 to index
        %parallel_loop3A_1327 = arith.index_cast %parallel_loop3A_1322 : i32 to index
        %parallel_loop3A_1328 = tpu.vector_load %arg9[%parallel_loop3A_1325, %parallel_loop3A_1326, %parallel_loop3A_1327] {strides = array<i32>} : memref<2x64x128xf32, #tpu.memory_space<vmem>>, vector<16xf32>,
        tpu.vector_store %arg9[%parallel_loop3A_1325, %parallel_loop3A_1326, %parallel_loop3A_1327], %parallel_loop3A_1320 {strides = array<i32>} : memref<2x64x128xf32, #tpu.memory_space<vmem>>, vector<16xf32>,
        %parallel_loop3A_1329 = arith.constant 62 : i32
        %parallel_loop3A_1330 = vector.broadcast %parallel_loop3A_1329 : i32 to vector<16xi32>
        %parallel_loop3A_1331 = arith.addi %parallel_loop3A_584, %parallel_loop3A_1330 : vector<16xi32>
        %parallel_loop3A_1332 = tpu.vector_load_idx %arg6[%parallel_loop3A_1331] : memref<33345xf32, #tpu.memory_space<vmem>>[vector<16xi32>], vector<16xf32>,
        %parallel_loop3A_1333 = arith.constant 16 : i32
        %parallel_loop3A_1334 = arith.muli %parallel_loop3A_573, %parallel_loop3A_1333 : i32
        %parallel_loop3A_1335 = arith.constant 0 : i32
        %parallel_loop3A_1336 = arith.constant 62 : i32
        %parallel_loop3A_1337 = arith.index_cast %parallel_loop3A_1335 : i32 to index
        %parallel_loop3A_1338 = arith.index_cast %parallel_loop3A_1336 : i32 to index
        %parallel_loop3A_1339 = arith.index_cast %parallel_loop3A_1334 : i32 to index
        %parallel_loop3A_1340 = tpu.vector_load %arg9[%parallel_loop3A_1337, %parallel_loop3A_1338, %parallel_loop3A_1339] {strides = array<i32>} : memref<2x64x128xf32, #tpu.memory_space<vmem>>, vector<16xf32>,
        tpu.vector_store %arg9[%parallel_loop3A_1337, %parallel_loop3A_1338, %parallel_loop3A_1339], %parallel_loop3A_1332 {strides = array<i32>} : memref<2x64x128xf32, #tpu.memory_space<vmem>>, vector<16xf32>,
        %parallel_loop3A_1341 = arith.constant 63 : i32
        %parallel_loop3A_1342 = vector.broadcast %parallel_loop3A_1341 : i32 to vector<16xi32>
        %parallel_loop3A_1343 = arith.addi %parallel_loop3A_584, %parallel_loop3A_1342 : vector<16xi32>
        %parallel_loop3A_1344 = tpu.vector_load_idx %arg6[%parallel_loop3A_1343] : memref<33345xf32, #tpu.memory_space<vmem>>[vector<16xi32>], vector<16xf32>,
        %parallel_loop3A_1345 = arith.constant 16 : i32
        %parallel_loop3A_1346 = arith.muli %parallel_loop3A_573, %parallel_loop3A_1345 : i32
        %parallel_loop3A_1347 = arith.constant 0 : i32
        %parallel_loop3A_1348 = arith.constant 63 : i32
        %parallel_loop3A_1349 = arith.index_cast %parallel_loop3A_1347 : i32 to index
        %parallel_loop3A_1350 = arith.index_cast %parallel_loop3A_1348 : i32 to index
        %parallel_loop3A_1351 = arith.index_cast %parallel_loop3A_1346 : i32 to index
        %parallel_loop3A_1352 = tpu.vector_load %arg9[%parallel_loop3A_1349, %parallel_loop3A_1350, %parallel_loop3A_1351] {strides = array<i32>} : memref<2x64x128xf32, #tpu.memory_space<vmem>>, vector<16xf32>,
        tpu.vector_store %arg9[%parallel_loop3A_1349, %parallel_loop3A_1350, %parallel_loop3A_1351], %parallel_loop3A_1344 {strides = array<i32>} : memref<2x64x128xf32, #tpu.memory_space<vmem>>, vector<16xf32>,
      } {sc.loop_unroll_factor = 4 : i64, sc.parallel_access}
      %dma_start3A_527 = arith.constant 0 : i32
      %dma_start3A_528 = arith.constant 0 : i32
      %dma_start3A_529 = arith.constant 0 : i32
      %dma_start3A_530 = arith.constant 0 : i32
      %dma_start3A_531 = tpu.memref_slice %arg9[%dma_start3A_527, %dma_start3A_529, %dma_start3A_530] : memref<2x64x128xf32, #tpu.memory_space<vmem>> -> memref<1x64x128xf32, #tpu.memory_space<vmem>>
      %dma_start3A_532 = tpu.memref_squeeze %dma_start3A_531 : memref<1x64x128xf32, #tpu.memory_space<vmem>> -> memref<64x128xf32, #tpu.memory_space<vmem>>
      %dma_start3A_533 = arith.constant 0 : i32
      %dma_start3A_534 = tpu.memref_slice %arg4[%add3A_521, %dma_start3A_533, %mul3A_2] : memref<200x64x4096xf32, #tpu.memory_space<hbm>> -> memref<1x64x128xf32, #tpu.memory_space<hbm>>
      %dma_start3A_535 = tpu.memref_squeeze %dma_start3A_534 : memref<1x64x128xf32, #tpu.memory_space<hbm>> -> memref<64x128xf32, #tpu.memory_space<hbm>>
      %dma_start3A_536 = tpu.memref_slice %arg12[%dma_start3A_528] : memref<2x!tpu.dma_semaphore, #tpu.memory_space<semaphore_mem>> -> memref<1x!tpu.dma_semaphore, #tpu.memory_space<semaphore_mem>>
      %dma_start3A_537 = tpu.memref_squeeze %dma_start3A_536 : memref<1x!tpu.dma_semaphore, #tpu.memory_space<semaphore_mem>> -> memref<!tpu.dma_semaphore, #tpu.memory_space<semaphore_mem>>
      %dma_start3A_538 = arith.constant 0 : i32
      %dma_start3A_539 = tpu.memref_slice %arg4[%add3A_521, %dma_start3A_538, %mul3A_2] : memref<200x64x4096xf32, #tpu.memory_space<hbm>> -> memref<1x64x128xf32, #tpu.memory_space<hbm>>
      %dma_start3A_540 = tpu.memref_squeeze %dma_start3A_539 : memref<1x64x128xf32, #tpu.memory_space<hbm>> -> memref<64x128xf32, #tpu.memory_space<hbm>>
      %dma_start3A_541 = arith.constant 0 : i32
      %dma_start3A_542 = arith.constant 0 : i32
      %dma_start3A_543 = tpu.memref_slice %arg9[%dma_start3A_527, %dma_start3A_541, %dma_start3A_542] : memref<2x64x128xf32, #tpu.memory_space<vmem>> -> memref<1x64x128xf32, #tpu.memory_space<vmem>>
      %dma_start3A_544 = tpu.memref_squeeze %dma_start3A_543 : memref<1x64x128xf32, #tpu.memory_space<vmem>> -> memref<64x128xf32, #tpu.memory_space<vmem>>
      tpu.enqueue_dma source(%dma_start3A_544 : memref<64x128xf32, #tpu.memory_space<vmem>>) target(%dma_start3A_540 : memref<64x128xf32, #tpu.memory_space<hbm>>) target_semaphore(%dma_start3A_537 : memref<!tpu.dma_semaphore, #tpu.memory_space<semaphore_mem>>)
      %add3A_545 = arith.constant 1 : i32
      %add3A_546 = arith.addi %mul3A_519, %add3A_545 : i32
      %ge3A_547 = arith.constant 2 : i32
      %ge3A_548 = arith.cmpi sge, %add3A_546, %ge3A_547 : i32
      %convert_element_type3A_549 = arith.extui %ge3A_548 : i1 to i32
      %cond3A_550 = arith.constant 0 : i32
      %cond3A_551 = arith.cmpi ne, %convert_element_type3A_549, %cond3A_550 : i32
      scf.if %cond3A_551 {
        %dma_wait3A_573 = arith.constant 1 : i32
        %dma_wait3A_574 = arith.constant 0 : i32
        %dma_wait3A_575 = arith.constant 1 : i32
        %dma_wait3A_576 = arith.constant 0 : i32
        %dma_wait3A_577 = arith.constant 0 : i32
        %dma_wait3A_578 = tpu.memref_slice %arg9[%dma_wait3A_573, %dma_wait3A_576, %dma_wait3A_577] : memref<2x64x128xf32, #tpu.memory_space<vmem>> -> memref<1x64x128xf32, #tpu.memory_space<vmem>>
        %dma_wait3A_579 = tpu.memref_squeeze %dma_wait3A_578 : memref<1x64x128xf32, #tpu.memory_space<vmem>> -> memref<64x128xf32, #tpu.memory_space<vmem>>
        %dma_wait3A_580 = arith.constant 0 : i32
        %dma_wait3A_581 = arith.constant 0 : i32
        %dma_wait3A_582 = tpu.memref_slice %arg4[%dma_wait3A_574, %dma_wait3A_580, %dma_wait3A_581] : memref<200x64x4096xf32, #tpu.memory_space<hbm>> -> memref<1x64x128xf32, #tpu.memory_space<hbm>>
        %dma_wait3A_583 = tpu.memref_squeeze %dma_wait3A_582 : memref<1x64x128xf32, #tpu.memory_space<hbm>> -> memref<64x128xf32, #tpu.memory_space<hbm>>
        %dma_wait3A_584 = tpu.memref_slice %arg12[%dma_wait3A_575] : memref<2x!tpu.dma_semaphore, #tpu.memory_space<semaphore_mem>> -> memref<1x!tpu.dma_semaphore, #tpu.memory_space<semaphore_mem>>
        %dma_wait3A_585 = tpu.memref_squeeze %dma_wait3A_584 : memref<1x!tpu.dma_semaphore, #tpu.memory_space<semaphore_mem>> -> memref<!tpu.dma_semaphore, #tpu.memory_space<semaphore_mem>>
        %dma_wait3A_586 = arith.constant 0 : i32
        %dma_wait3A_587 = arith.constant 0 : i32
        %dma_wait3A_588 = tpu.memref_slice %arg4[%dma_wait3A_574, %dma_wait3A_586, %dma_wait3A_587] : memref<200x64x4096xf32, #tpu.memory_space<hbm>> -> memref<1x64x128xf32, #tpu.memory_space<hbm>>
        %dma_wait3A_589 = tpu.memref_squeeze %dma_wait3A_588 : memref<1x64x128xf32, #tpu.memory_space<hbm>> -> memref<64x128xf32, #tpu.memory_space<hbm>>
        %dma_wait3A_590 = arith.constant 0 : i32
        %dma_wait3A_591 = arith.constant 0 : i32
        %dma_wait3A_592 = tpu.memref_slice %arg9[%dma_wait3A_573, %dma_wait3A_590, %dma_wait3A_591] : memref<2x64x128xf32, #tpu.memory_space<vmem>> -> memref<1x64x128xf32, #tpu.memory_space<vmem>>
        %dma_wait3A_593 = tpu.memref_squeeze %dma_wait3A_592 : memref<1x64x128xf32, #tpu.memory_space<vmem>> -> memref<64x128xf32, #tpu.memory_space<vmem>>
        tpu.wait_dma2 semaphore(%dma_wait3A_585 : memref<!tpu.dma_semaphore, #tpu.memory_space<semaphore_mem>>) src(%dma_wait3A_593 : memref<64x128xf32, #tpu.memory_space<vmem>>) dst(%dma_wait3A_589 : memref<64x128xf32, #tpu.memory_space<hbm>>)
      } else {
      }
      %parallel_loop3A_552 = arith.constant 0 : i32
      %parallel_loop3A_553 = arith.constant 8 : i32
      %parallel_loop3A_554 = arith.constant 1 : i32
      scf.for %parallel_loop3A_573 = %parallel_loop3A_552 to %parallel_loop3A_553 step %parallel_loop3A_554  : i32 {
        %parallel_loop3A_574 = arith.constant 16 : i32
        %parallel_loop3A_575 = arith.muli %parallel_loop3A_573, %parallel_loop3A_574 : i32
        %parallel_loop3A_576 = arith.index_cast %add3A_546 : i32 to index
        %parallel_loop3A_577 = arith.index_cast %parallel_loop3A_575 : i32 to index
        %parallel_loop3A_578 = tpu.vector_load %arg8[%parallel_loop3A_576, %parallel_loop3A_577] {strides = array<i32>} : memref<200x128xi32, #tpu.memory_space<vmem>>, vector<16xi32>,
        %parallel_loop3A_579 = arith.constant 512 : i32
        %parallel_loop3A_580 = vector.broadcast %parallel_loop3A_579 : i32 to vector<16xi32>
        %parallel_loop3A_581 = arith.minsi %parallel_loop3A_578, %parallel_loop3A_580 : vector<16xi32>
        %parallel_loop3A_582 = arith.constant 65 : i32
        %parallel_loop3A_583 = vector.broadcast %parallel_loop3A_582 : i32 to vector<16xi32>
        %parallel_loop3A_584 = arith.muli %parallel_loop3A_581, %parallel_loop3A_583 : vector<16xi32>
        %parallel_loop3A_585 = arith.constant 0 : i32
        %parallel_loop3A_586 = vector.broadcast %parallel_loop3A_585 : i32 to vector<16xi32>
        %parallel_loop3A_587 = arith.addi %parallel_loop3A_584, %parallel_loop3A_586 : vector<16xi32>
        %parallel_loop3A_588 = tpu.vector_load_idx %arg6[%parallel_loop3A_587] : memref<33345xf32, #tpu.memory_space<vmem>>[vector<16xi32>], vector<16xf32>,
        %parallel_loop3A_589 = arith.constant 16 : i32
        %parallel_loop3A_590 = arith.muli %parallel_loop3A_573, %parallel_loop3A_589 : i32
        %parallel_loop3A_591 = arith.constant 1 : i32
        %parallel_loop3A_592 = arith.constant 0 : i32
        %parallel_loop3A_593 = arith.index_cast %parallel_loop3A_591 : i32 to index
        %parallel_loop3A_594 = arith.index_cast %parallel_loop3A_592 : i32 to index
        %parallel_loop3A_595 = arith.index_cast %parallel_loop3A_590 : i32 to index
        %parallel_loop3A_596 = tpu.vector_load %arg9[%parallel_loop3A_593, %parallel_loop3A_594, %parallel_loop3A_595] {strides = array<i32>} : memref<2x64x128xf32, #tpu.memory_space<vmem>>, vector<16xf32>,
        tpu.vector_store %arg9[%parallel_loop3A_593, %parallel_loop3A_594, %parallel_loop3A_595], %parallel_loop3A_588 {strides = array<i32>} : memref<2x64x128xf32, #tpu.memory_space<vmem>>, vector<16xf32>,
        %parallel_loop3A_597 = arith.constant 1 : i32
        %parallel_loop3A_598 = vector.broadcast %parallel_loop3A_597 : i32 to vector<16xi32>
        %parallel_loop3A_599 = arith.addi %parallel_loop3A_584, %parallel_loop3A_598 : vector<16xi32>
        %parallel_loop3A_600 = tpu.vector_load_idx %arg6[%parallel_loop3A_599] : memref<33345xf32, #tpu.memory_space<vmem>>[vector<16xi32>], vector<16xf32>,
        %parallel_loop3A_601 = arith.constant 16 : i32
        %parallel_loop3A_602 = arith.muli %parallel_loop3A_573, %parallel_loop3A_601 : i32
        %parallel_loop3A_603 = arith.constant 1 : i32
        %parallel_loop3A_604 = arith.constant 1 : i32
        %parallel_loop3A_605 = arith.index_cast %parallel_loop3A_603 : i32 to index
        %parallel_loop3A_606 = arith.index_cast %parallel_loop3A_604 : i32 to index
        %parallel_loop3A_607 = arith.index_cast %parallel_loop3A_602 : i32 to index
        %parallel_loop3A_608 = tpu.vector_load %arg9[%parallel_loop3A_605, %parallel_loop3A_606, %parallel_loop3A_607] {strides = array<i32>} : memref<2x64x128xf32, #tpu.memory_space<vmem>>, vector<16xf32>,
        tpu.vector_store %arg9[%parallel_loop3A_605, %parallel_loop3A_606, %parallel_loop3A_607], %parallel_loop3A_600 {strides = array<i32>} : memref<2x64x128xf32, #tpu.memory_space<vmem>>, vector<16xf32>,
        %parallel_loop3A_609 = arith.constant 2 : i32
        %parallel_loop3A_610 = vector.broadcast %parallel_loop3A_609 : i32 to vector<16xi32>
        %parallel_loop3A_611 = arith.addi %parallel_loop3A_584, %parallel_loop3A_610 : vector<16xi32>
        %parallel_loop3A_612 = tpu.vector_load_idx %arg6[%parallel_loop3A_611] : memref<33345xf32, #tpu.memory_space<vmem>>[vector<16xi32>], vector<16xf32>,
        %parallel_loop3A_613 = arith.constant 16 : i32
        %parallel_loop3A_614 = arith.muli %parallel_loop3A_573, %parallel_loop3A_613 : i32
        %parallel_loop3A_615 = arith.constant 1 : i32
        %parallel_loop3A_616 = arith.constant 2 : i32
        %parallel_loop3A_617 = arith.index_cast %parallel_loop3A_615 : i32 to index
        %parallel_loop3A_618 = arith.index_cast %parallel_loop3A_616 : i32 to index
        %parallel_loop3A_619 = arith.index_cast %parallel_loop3A_614 : i32 to index
        %parallel_loop3A_620 = tpu.vector_load %arg9[%parallel_loop3A_617, %parallel_loop3A_618, %parallel_loop3A_619] {strides = array<i32>} : memref<2x64x128xf32, #tpu.memory_space<vmem>>, vector<16xf32>,
        tpu.vector_store %arg9[%parallel_loop3A_617, %parallel_loop3A_618, %parallel_loop3A_619], %parallel_loop3A_612 {strides = array<i32>} : memref<2x64x128xf32, #tpu.memory_space<vmem>>, vector<16xf32>,
        %parallel_loop3A_621 = arith.constant 3 : i32
        %parallel_loop3A_622 = vector.broadcast %parallel_loop3A_621 : i32 to vector<16xi32>
        %parallel_loop3A_623 = arith.addi %parallel_loop3A_584, %parallel_loop3A_622 : vector<16xi32>
        %parallel_loop3A_624 = tpu.vector_load_idx %arg6[%parallel_loop3A_623] : memref<33345xf32, #tpu.memory_space<vmem>>[vector<16xi32>], vector<16xf32>,
        %parallel_loop3A_625 = arith.constant 16 : i32
        %parallel_loop3A_626 = arith.muli %parallel_loop3A_573, %parallel_loop3A_625 : i32
        %parallel_loop3A_627 = arith.constant 1 : i32
        %parallel_loop3A_628 = arith.constant 3 : i32
        %parallel_loop3A_629 = arith.index_cast %parallel_loop3A_627 : i32 to index
        %parallel_loop3A_630 = arith.index_cast %parallel_loop3A_628 : i32 to index
        %parallel_loop3A_631 = arith.index_cast %parallel_loop3A_626 : i32 to index
        %parallel_loop3A_632 = tpu.vector_load %arg9[%parallel_loop3A_629, %parallel_loop3A_630, %parallel_loop3A_631] {strides = array<i32>} : memref<2x64x128xf32, #tpu.memory_space<vmem>>, vector<16xf32>,
        tpu.vector_store %arg9[%parallel_loop3A_629, %parallel_loop3A_630, %parallel_loop3A_631], %parallel_loop3A_624 {strides = array<i32>} : memref<2x64x128xf32, #tpu.memory_space<vmem>>, vector<16xf32>,
        %parallel_loop3A_633 = arith.constant 4 : i32
        %parallel_loop3A_634 = vector.broadcast %parallel_loop3A_633 : i32 to vector<16xi32>
        %parallel_loop3A_635 = arith.addi %parallel_loop3A_584, %parallel_loop3A_634 : vector<16xi32>
        %parallel_loop3A_636 = tpu.vector_load_idx %arg6[%parallel_loop3A_635] : memref<33345xf32, #tpu.memory_space<vmem>>[vector<16xi32>], vector<16xf32>,
        %parallel_loop3A_637 = arith.constant 16 : i32
        %parallel_loop3A_638 = arith.muli %parallel_loop3A_573, %parallel_loop3A_637 : i32
        %parallel_loop3A_639 = arith.constant 1 : i32
        %parallel_loop3A_640 = arith.constant 4 : i32
        %parallel_loop3A_641 = arith.index_cast %parallel_loop3A_639 : i32 to index
        %parallel_loop3A_642 = arith.index_cast %parallel_loop3A_640 : i32 to index
        %parallel_loop3A_643 = arith.index_cast %parallel_loop3A_638 : i32 to index
        %parallel_loop3A_644 = tpu.vector_load %arg9[%parallel_loop3A_641, %parallel_loop3A_642, %parallel_loop3A_643] {strides = array<i32>} : memref<2x64x128xf32, #tpu.memory_space<vmem>>, vector<16xf32>,
        tpu.vector_store %arg9[%parallel_loop3A_641, %parallel_loop3A_642, %parallel_loop3A_643], %parallel_loop3A_636 {strides = array<i32>} : memref<2x64x128xf32, #tpu.memory_space<vmem>>, vector<16xf32>,
        %parallel_loop3A_645 = arith.constant 5 : i32
        %parallel_loop3A_646 = vector.broadcast %parallel_loop3A_645 : i32 to vector<16xi32>
        %parallel_loop3A_647 = arith.addi %parallel_loop3A_584, %parallel_loop3A_646 : vector<16xi32>
        %parallel_loop3A_648 = tpu.vector_load_idx %arg6[%parallel_loop3A_647] : memref<33345xf32, #tpu.memory_space<vmem>>[vector<16xi32>], vector<16xf32>,
        %parallel_loop3A_649 = arith.constant 16 : i32
        %parallel_loop3A_650 = arith.muli %parallel_loop3A_573, %parallel_loop3A_649 : i32
        %parallel_loop3A_651 = arith.constant 1 : i32
        %parallel_loop3A_652 = arith.constant 5 : i32
        %parallel_loop3A_653 = arith.index_cast %parallel_loop3A_651 : i32 to index
        %parallel_loop3A_654 = arith.index_cast %parallel_loop3A_652 : i32 to index
        %parallel_loop3A_655 = arith.index_cast %parallel_loop3A_650 : i32 to index
        %parallel_loop3A_656 = tpu.vector_load %arg9[%parallel_loop3A_653, %parallel_loop3A_654, %parallel_loop3A_655] {strides = array<i32>} : memref<2x64x128xf32, #tpu.memory_space<vmem>>, vector<16xf32>,
        tpu.vector_store %arg9[%parallel_loop3A_653, %parallel_loop3A_654, %parallel_loop3A_655], %parallel_loop3A_648 {strides = array<i32>} : memref<2x64x128xf32, #tpu.memory_space<vmem>>, vector<16xf32>,
        %parallel_loop3A_657 = arith.constant 6 : i32
        %parallel_loop3A_658 = vector.broadcast %parallel_loop3A_657 : i32 to vector<16xi32>
        %parallel_loop3A_659 = arith.addi %parallel_loop3A_584, %parallel_loop3A_658 : vector<16xi32>
        %parallel_loop3A_660 = tpu.vector_load_idx %arg6[%parallel_loop3A_659] : memref<33345xf32, #tpu.memory_space<vmem>>[vector<16xi32>], vector<16xf32>,
        %parallel_loop3A_661 = arith.constant 16 : i32
        %parallel_loop3A_662 = arith.muli %parallel_loop3A_573, %parallel_loop3A_661 : i32
        %parallel_loop3A_663 = arith.constant 1 : i32
        %parallel_loop3A_664 = arith.constant 6 : i32
        %parallel_loop3A_665 = arith.index_cast %parallel_loop3A_663 : i32 to index
        %parallel_loop3A_666 = arith.index_cast %parallel_loop3A_664 : i32 to index
        %parallel_loop3A_667 = arith.index_cast %parallel_loop3A_662 : i32 to index
        %parallel_loop3A_668 = tpu.vector_load %arg9[%parallel_loop3A_665, %parallel_loop3A_666, %parallel_loop3A_667] {strides = array<i32>} : memref<2x64x128xf32, #tpu.memory_space<vmem>>, vector<16xf32>,
        tpu.vector_store %arg9[%parallel_loop3A_665, %parallel_loop3A_666, %parallel_loop3A_667], %parallel_loop3A_660 {strides = array<i32>} : memref<2x64x128xf32, #tpu.memory_space<vmem>>, vector<16xf32>,
        %parallel_loop3A_669 = arith.constant 7 : i32
        %parallel_loop3A_670 = vector.broadcast %parallel_loop3A_669 : i32 to vector<16xi32>
        %parallel_loop3A_671 = arith.addi %parallel_loop3A_584, %parallel_loop3A_670 : vector<16xi32>
        %parallel_loop3A_672 = tpu.vector_load_idx %arg6[%parallel_loop3A_671] : memref<33345xf32, #tpu.memory_space<vmem>>[vector<16xi32>], vector<16xf32>,
        %parallel_loop3A_673 = arith.constant 16 : i32
        %parallel_loop3A_674 = arith.muli %parallel_loop3A_573, %parallel_loop3A_673 : i32
        %parallel_loop3A_675 = arith.constant 1 : i32
        %parallel_loop3A_676 = arith.constant 7 : i32
        %parallel_loop3A_677 = arith.index_cast %parallel_loop3A_675 : i32 to index
        %parallel_loop3A_678 = arith.index_cast %parallel_loop3A_676 : i32 to index
        %parallel_loop3A_679 = arith.index_cast %parallel_loop3A_674 : i32 to index
        %parallel_loop3A_680 = tpu.vector_load %arg9[%parallel_loop3A_677, %parallel_loop3A_678, %parallel_loop3A_679] {strides = array<i32>} : memref<2x64x128xf32, #tpu.memory_space<vmem>>, vector<16xf32>,
        tpu.vector_store %arg9[%parallel_loop3A_677, %parallel_loop3A_678, %parallel_loop3A_679], %parallel_loop3A_672 {strides = array<i32>} : memref<2x64x128xf32, #tpu.memory_space<vmem>>, vector<16xf32>,
        %parallel_loop3A_681 = arith.constant 8 : i32
        %parallel_loop3A_682 = vector.broadcast %parallel_loop3A_681 : i32 to vector<16xi32>
        %parallel_loop3A_683 = arith.addi %parallel_loop3A_584, %parallel_loop3A_682 : vector<16xi32>
        %parallel_loop3A_684 = tpu.vector_load_idx %arg6[%parallel_loop3A_683] : memref<33345xf32, #tpu.memory_space<vmem>>[vector<16xi32>], vector<16xf32>,
        %parallel_loop3A_685 = arith.constant 16 : i32
        %parallel_loop3A_686 = arith.muli %parallel_loop3A_573, %parallel_loop3A_685 : i32
        %parallel_loop3A_687 = arith.constant 1 : i32
        %parallel_loop3A_688 = arith.constant 8 : i32
        %parallel_loop3A_689 = arith.index_cast %parallel_loop3A_687 : i32 to index
        %parallel_loop3A_690 = arith.index_cast %parallel_loop3A_688 : i32 to index
        %parallel_loop3A_691 = arith.index_cast %parallel_loop3A_686 : i32 to index
        %parallel_loop3A_692 = tpu.vector_load %arg9[%parallel_loop3A_689, %parallel_loop3A_690, %parallel_loop3A_691] {strides = array<i32>} : memref<2x64x128xf32, #tpu.memory_space<vmem>>, vector<16xf32>,
        tpu.vector_store %arg9[%parallel_loop3A_689, %parallel_loop3A_690, %parallel_loop3A_691], %parallel_loop3A_684 {strides = array<i32>} : memref<2x64x128xf32, #tpu.memory_space<vmem>>, vector<16xf32>,
        %parallel_loop3A_693 = arith.constant 9 : i32
        %parallel_loop3A_694 = vector.broadcast %parallel_loop3A_693 : i32 to vector<16xi32>
        %parallel_loop3A_695 = arith.addi %parallel_loop3A_584, %parallel_loop3A_694 : vector<16xi32>
        %parallel_loop3A_696 = tpu.vector_load_idx %arg6[%parallel_loop3A_695] : memref<33345xf32, #tpu.memory_space<vmem>>[vector<16xi32>], vector<16xf32>,
        %parallel_loop3A_697 = arith.constant 16 : i32
        %parallel_loop3A_698 = arith.muli %parallel_loop3A_573, %parallel_loop3A_697 : i32
        %parallel_loop3A_699 = arith.constant 1 : i32
        %parallel_loop3A_700 = arith.constant 9 : i32
        %parallel_loop3A_701 = arith.index_cast %parallel_loop3A_699 : i32 to index
        %parallel_loop3A_702 = arith.index_cast %parallel_loop3A_700 : i32 to index
        %parallel_loop3A_703 = arith.index_cast %parallel_loop3A_698 : i32 to index
        %parallel_loop3A_704 = tpu.vector_load %arg9[%parallel_loop3A_701, %parallel_loop3A_702, %parallel_loop3A_703] {strides = array<i32>} : memref<2x64x128xf32, #tpu.memory_space<vmem>>, vector<16xf32>,
        tpu.vector_store %arg9[%parallel_loop3A_701, %parallel_loop3A_702, %parallel_loop3A_703], %parallel_loop3A_696 {strides = array<i32>} : memref<2x64x128xf32, #tpu.memory_space<vmem>>, vector<16xf32>,
        %parallel_loop3A_705 = arith.constant 10 : i32
        %parallel_loop3A_706 = vector.broadcast %parallel_loop3A_705 : i32 to vector<16xi32>
        %parallel_loop3A_707 = arith.addi %parallel_loop3A_584, %parallel_loop3A_706 : vector<16xi32>
        %parallel_loop3A_708 = tpu.vector_load_idx %arg6[%parallel_loop3A_707] : memref<33345xf32, #tpu.memory_space<vmem>>[vector<16xi32>], vector<16xf32>,
        %parallel_loop3A_709 = arith.constant 16 : i32
        %parallel_loop3A_710 = arith.muli %parallel_loop3A_573, %parallel_loop3A_709 : i32
        %parallel_loop3A_711 = arith.constant 1 : i32
        %parallel_loop3A_712 = arith.constant 10 : i32
        %parallel_loop3A_713 = arith.index_cast %parallel_loop3A_711 : i32 to index
        %parallel_loop3A_714 = arith.index_cast %parallel_loop3A_712 : i32 to index
        %parallel_loop3A_715 = arith.index_cast %parallel_loop3A_710 : i32 to index
        %parallel_loop3A_716 = tpu.vector_load %arg9[%parallel_loop3A_713, %parallel_loop3A_714, %parallel_loop3A_715] {strides = array<i32>} : memref<2x64x128xf32, #tpu.memory_space<vmem>>, vector<16xf32>,
        tpu.vector_store %arg9[%parallel_loop3A_713, %parallel_loop3A_714, %parallel_loop3A_715], %parallel_loop3A_708 {strides = array<i32>} : memref<2x64x128xf32, #tpu.memory_space<vmem>>, vector<16xf32>,
        %parallel_loop3A_717 = arith.constant 11 : i32
        %parallel_loop3A_718 = vector.broadcast %parallel_loop3A_717 : i32 to vector<16xi32>
        %parallel_loop3A_719 = arith.addi %parallel_loop3A_584, %parallel_loop3A_718 : vector<16xi32>
        %parallel_loop3A_720 = tpu.vector_load_idx %arg6[%parallel_loop3A_719] : memref<33345xf32, #tpu.memory_space<vmem>>[vector<16xi32>], vector<16xf32>,
        %parallel_loop3A_721 = arith.constant 16 : i32
        %parallel_loop3A_722 = arith.muli %parallel_loop3A_573, %parallel_loop3A_721 : i32
        %parallel_loop3A_723 = arith.constant 1 : i32
        %parallel_loop3A_724 = arith.constant 11 : i32
        %parallel_loop3A_725 = arith.index_cast %parallel_loop3A_723 : i32 to index
        %parallel_loop3A_726 = arith.index_cast %parallel_loop3A_724 : i32 to index
        %parallel_loop3A_727 = arith.index_cast %parallel_loop3A_722 : i32 to index
        %parallel_loop3A_728 = tpu.vector_load %arg9[%parallel_loop3A_725, %parallel_loop3A_726, %parallel_loop3A_727] {strides = array<i32>} : memref<2x64x128xf32, #tpu.memory_space<vmem>>, vector<16xf32>,
        tpu.vector_store %arg9[%parallel_loop3A_725, %parallel_loop3A_726, %parallel_loop3A_727], %parallel_loop3A_720 {strides = array<i32>} : memref<2x64x128xf32, #tpu.memory_space<vmem>>, vector<16xf32>,
        %parallel_loop3A_729 = arith.constant 12 : i32
        %parallel_loop3A_730 = vector.broadcast %parallel_loop3A_729 : i32 to vector<16xi32>
        %parallel_loop3A_731 = arith.addi %parallel_loop3A_584, %parallel_loop3A_730 : vector<16xi32>
        %parallel_loop3A_732 = tpu.vector_load_idx %arg6[%parallel_loop3A_731] : memref<33345xf32, #tpu.memory_space<vmem>>[vector<16xi32>], vector<16xf32>,
        %parallel_loop3A_733 = arith.constant 16 : i32
        %parallel_loop3A_734 = arith.muli %parallel_loop3A_573, %parallel_loop3A_733 : i32
        %parallel_loop3A_735 = arith.constant 1 : i32
        %parallel_loop3A_736 = arith.constant 12 : i32
        %parallel_loop3A_737 = arith.index_cast %parallel_loop3A_735 : i32 to index
        %parallel_loop3A_738 = arith.index_cast %parallel_loop3A_736 : i32 to index
        %parallel_loop3A_739 = arith.index_cast %parallel_loop3A_734 : i32 to index
        %parallel_loop3A_740 = tpu.vector_load %arg9[%parallel_loop3A_737, %parallel_loop3A_738, %parallel_loop3A_739] {strides = array<i32>} : memref<2x64x128xf32, #tpu.memory_space<vmem>>, vector<16xf32>,
        tpu.vector_store %arg9[%parallel_loop3A_737, %parallel_loop3A_738, %parallel_loop3A_739], %parallel_loop3A_732 {strides = array<i32>} : memref<2x64x128xf32, #tpu.memory_space<vmem>>, vector<16xf32>,
        %parallel_loop3A_741 = arith.constant 13 : i32
        %parallel_loop3A_742 = vector.broadcast %parallel_loop3A_741 : i32 to vector<16xi32>
        %parallel_loop3A_743 = arith.addi %parallel_loop3A_584, %parallel_loop3A_742 : vector<16xi32>
        %parallel_loop3A_744 = tpu.vector_load_idx %arg6[%parallel_loop3A_743] : memref<33345xf32, #tpu.memory_space<vmem>>[vector<16xi32>], vector<16xf32>,
        %parallel_loop3A_745 = arith.constant 16 : i32
        %parallel_loop3A_746 = arith.muli %parallel_loop3A_573, %parallel_loop3A_745 : i32
        %parallel_loop3A_747 = arith.constant 1 : i32
        %parallel_loop3A_748 = arith.constant 13 : i32
        %parallel_loop3A_749 = arith.index_cast %parallel_loop3A_747 : i32 to index
        %parallel_loop3A_750 = arith.index_cast %parallel_loop3A_748 : i32 to index
        %parallel_loop3A_751 = arith.index_cast %parallel_loop3A_746 : i32 to index
        %parallel_loop3A_752 = tpu.vector_load %arg9[%parallel_loop3A_749, %parallel_loop3A_750, %parallel_loop3A_751] {strides = array<i32>} : memref<2x64x128xf32, #tpu.memory_space<vmem>>, vector<16xf32>,
        tpu.vector_store %arg9[%parallel_loop3A_749, %parallel_loop3A_750, %parallel_loop3A_751], %parallel_loop3A_744 {strides = array<i32>} : memref<2x64x128xf32, #tpu.memory_space<vmem>>, vector<16xf32>,
        %parallel_loop3A_753 = arith.constant 14 : i32
        %parallel_loop3A_754 = vector.broadcast %parallel_loop3A_753 : i32 to vector<16xi32>
        %parallel_loop3A_755 = arith.addi %parallel_loop3A_584, %parallel_loop3A_754 : vector<16xi32>
        %parallel_loop3A_756 = tpu.vector_load_idx %arg6[%parallel_loop3A_755] : memref<33345xf32, #tpu.memory_space<vmem>>[vector<16xi32>], vector<16xf32>,
        %parallel_loop3A_757 = arith.constant 16 : i32
        %parallel_loop3A_758 = arith.muli %parallel_loop3A_573, %parallel_loop3A_757 : i32
        %parallel_loop3A_759 = arith.constant 1 : i32
        %parallel_loop3A_760 = arith.constant 14 : i32
        %parallel_loop3A_761 = arith.index_cast %parallel_loop3A_759 : i32 to index
        %parallel_loop3A_762 = arith.index_cast %parallel_loop3A_760 : i32 to index
        %parallel_loop3A_763 = arith.index_cast %parallel_loop3A_758 : i32 to index
        %parallel_loop3A_764 = tpu.vector_load %arg9[%parallel_loop3A_761, %parallel_loop3A_762, %parallel_loop3A_763] {strides = array<i32>} : memref<2x64x128xf32, #tpu.memory_space<vmem>>, vector<16xf32>,
        tpu.vector_store %arg9[%parallel_loop3A_761, %parallel_loop3A_762, %parallel_loop3A_763], %parallel_loop3A_756 {strides = array<i32>} : memref<2x64x128xf32, #tpu.memory_space<vmem>>, vector<16xf32>,
        %parallel_loop3A_765 = arith.constant 15 : i32
        %parallel_loop3A_766 = vector.broadcast %parallel_loop3A_765 : i32 to vector<16xi32>
        %parallel_loop3A_767 = arith.addi %parallel_loop3A_584, %parallel_loop3A_766 : vector<16xi32>
        %parallel_loop3A_768 = tpu.vector_load_idx %arg6[%parallel_loop3A_767] : memref<33345xf32, #tpu.memory_space<vmem>>[vector<16xi32>], vector<16xf32>,
        %parallel_loop3A_769 = arith.constant 16 : i32
        %parallel_loop3A_770 = arith.muli %parallel_loop3A_573, %parallel_loop3A_769 : i32
        %parallel_loop3A_771 = arith.constant 1 : i32
        %parallel_loop3A_772 = arith.constant 15 : i32
        %parallel_loop3A_773 = arith.index_cast %parallel_loop3A_771 : i32 to index
        %parallel_loop3A_774 = arith.index_cast %parallel_loop3A_772 : i32 to index
        %parallel_loop3A_775 = arith.index_cast %parallel_loop3A_770 : i32 to index
        %parallel_loop3A_776 = tpu.vector_load %arg9[%parallel_loop3A_773, %parallel_loop3A_774, %parallel_loop3A_775] {strides = array<i32>} : memref<2x64x128xf32, #tpu.memory_space<vmem>>, vector<16xf32>,
        tpu.vector_store %arg9[%parallel_loop3A_773, %parallel_loop3A_774, %parallel_loop3A_775], %parallel_loop3A_768 {strides = array<i32>} : memref<2x64x128xf32, #tpu.memory_space<vmem>>, vector<16xf32>,
        %parallel_loop3A_777 = arith.constant 16 : i32
        %parallel_loop3A_778 = vector.broadcast %parallel_loop3A_777 : i32 to vector<16xi32>
        %parallel_loop3A_779 = arith.addi %parallel_loop3A_584, %parallel_loop3A_778 : vector<16xi32>
        %parallel_loop3A_780 = tpu.vector_load_idx %arg6[%parallel_loop3A_779] : memref<33345xf32, #tpu.memory_space<vmem>>[vector<16xi32>], vector<16xf32>,
        %parallel_loop3A_781 = arith.constant 16 : i32
        %parallel_loop3A_782 = arith.muli %parallel_loop3A_573, %parallel_loop3A_781 : i32
        %parallel_loop3A_783 = arith.constant 1 : i32
        %parallel_loop3A_784 = arith.constant 16 : i32
        %parallel_loop3A_785 = arith.index_cast %parallel_loop3A_783 : i32 to index
        %parallel_loop3A_786 = arith.index_cast %parallel_loop3A_784 : i32 to index
        %parallel_loop3A_787 = arith.index_cast %parallel_loop3A_782 : i32 to index
        %parallel_loop3A_788 = tpu.vector_load %arg9[%parallel_loop3A_785, %parallel_loop3A_786, %parallel_loop3A_787] {strides = array<i32>} : memref<2x64x128xf32, #tpu.memory_space<vmem>>, vector<16xf32>,
        tpu.vector_store %arg9[%parallel_loop3A_785, %parallel_loop3A_786, %parallel_loop3A_787], %parallel_loop3A_780 {strides = array<i32>} : memref<2x64x128xf32, #tpu.memory_space<vmem>>, vector<16xf32>,
        %parallel_loop3A_789 = arith.constant 17 : i32
        %parallel_loop3A_790 = vector.broadcast %parallel_loop3A_789 : i32 to vector<16xi32>
        %parallel_loop3A_791 = arith.addi %parallel_loop3A_584, %parallel_loop3A_790 : vector<16xi32>
        %parallel_loop3A_792 = tpu.vector_load_idx %arg6[%parallel_loop3A_791] : memref<33345xf32, #tpu.memory_space<vmem>>[vector<16xi32>], vector<16xf32>,
        %parallel_loop3A_793 = arith.constant 16 : i32
        %parallel_loop3A_794 = arith.muli %parallel_loop3A_573, %parallel_loop3A_793 : i32
        %parallel_loop3A_795 = arith.constant 1 : i32
        %parallel_loop3A_796 = arith.constant 17 : i32
        %parallel_loop3A_797 = arith.index_cast %parallel_loop3A_795 : i32 to index
        %parallel_loop3A_798 = arith.index_cast %parallel_loop3A_796 : i32 to index
        %parallel_loop3A_799 = arith.index_cast %parallel_loop3A_794 : i32 to index
        %parallel_loop3A_800 = tpu.vector_load %arg9[%parallel_loop3A_797, %parallel_loop3A_798, %parallel_loop3A_799] {strides = array<i32>} : memref<2x64x128xf32, #tpu.memory_space<vmem>>, vector<16xf32>,
        tpu.vector_store %arg9[%parallel_loop3A_797, %parallel_loop3A_798, %parallel_loop3A_799], %parallel_loop3A_792 {strides = array<i32>} : memref<2x64x128xf32, #tpu.memory_space<vmem>>, vector<16xf32>,
        %parallel_loop3A_801 = arith.constant 18 : i32
        %parallel_loop3A_802 = vector.broadcast %parallel_loop3A_801 : i32 to vector<16xi32>
        %parallel_loop3A_803 = arith.addi %parallel_loop3A_584, %parallel_loop3A_802 : vector<16xi32>
        %parallel_loop3A_804 = tpu.vector_load_idx %arg6[%parallel_loop3A_803] : memref<33345xf32, #tpu.memory_space<vmem>>[vector<16xi32>], vector<16xf32>,
        %parallel_loop3A_805 = arith.constant 16 : i32
        %parallel_loop3A_806 = arith.muli %parallel_loop3A_573, %parallel_loop3A_805 : i32
        %parallel_loop3A_807 = arith.constant 1 : i32
        %parallel_loop3A_808 = arith.constant 18 : i32
        %parallel_loop3A_809 = arith.index_cast %parallel_loop3A_807 : i32 to index
        %parallel_loop3A_810 = arith.index_cast %parallel_loop3A_808 : i32 to index
        %parallel_loop3A_811 = arith.index_cast %parallel_loop3A_806 : i32 to index
        %parallel_loop3A_812 = tpu.vector_load %arg9[%parallel_loop3A_809, %parallel_loop3A_810, %parallel_loop3A_811] {strides = array<i32>} : memref<2x64x128xf32, #tpu.memory_space<vmem>>, vector<16xf32>,
        tpu.vector_store %arg9[%parallel_loop3A_809, %parallel_loop3A_810, %parallel_loop3A_811], %parallel_loop3A_804 {strides = array<i32>} : memref<2x64x128xf32, #tpu.memory_space<vmem>>, vector<16xf32>,
        %parallel_loop3A_813 = arith.constant 19 : i32
        %parallel_loop3A_814 = vector.broadcast %parallel_loop3A_813 : i32 to vector<16xi32>
        %parallel_loop3A_815 = arith.addi %parallel_loop3A_584, %parallel_loop3A_814 : vector<16xi32>
        %parallel_loop3A_816 = tpu.vector_load_idx %arg6[%parallel_loop3A_815] : memref<33345xf32, #tpu.memory_space<vmem>>[vector<16xi32>], vector<16xf32>,
        %parallel_loop3A_817 = arith.constant 16 : i32
        %parallel_loop3A_818 = arith.muli %parallel_loop3A_573, %parallel_loop3A_817 : i32
        %parallel_loop3A_819 = arith.constant 1 : i32
        %parallel_loop3A_820 = arith.constant 19 : i32
        %parallel_loop3A_821 = arith.index_cast %parallel_loop3A_819 : i32 to index
        %parallel_loop3A_822 = arith.index_cast %parallel_loop3A_820 : i32 to index
        %parallel_loop3A_823 = arith.index_cast %parallel_loop3A_818 : i32 to index
        %parallel_loop3A_824 = tpu.vector_load %arg9[%parallel_loop3A_821, %parallel_loop3A_822, %parallel_loop3A_823] {strides = array<i32>} : memref<2x64x128xf32, #tpu.memory_space<vmem>>, vector<16xf32>,
        tpu.vector_store %arg9[%parallel_loop3A_821, %parallel_loop3A_822, %parallel_loop3A_823], %parallel_loop3A_816 {strides = array<i32>} : memref<2x64x128xf32, #tpu.memory_space<vmem>>, vector<16xf32>,
        %parallel_loop3A_825 = arith.constant 20 : i32
        %parallel_loop3A_826 = vector.broadcast %parallel_loop3A_825 : i32 to vector<16xi32>
        %parallel_loop3A_827 = arith.addi %parallel_loop3A_584, %parallel_loop3A_826 : vector<16xi32>
        %parallel_loop3A_828 = tpu.vector_load_idx %arg6[%parallel_loop3A_827] : memref<33345xf32, #tpu.memory_space<vmem>>[vector<16xi32>], vector<16xf32>,
        %parallel_loop3A_829 = arith.constant 16 : i32
        %parallel_loop3A_830 = arith.muli %parallel_loop3A_573, %parallel_loop3A_829 : i32
        %parallel_loop3A_831 = arith.constant 1 : i32
        %parallel_loop3A_832 = arith.constant 20 : i32
        %parallel_loop3A_833 = arith.index_cast %parallel_loop3A_831 : i32 to index
        %parallel_loop3A_834 = arith.index_cast %parallel_loop3A_832 : i32 to index
        %parallel_loop3A_835 = arith.index_cast %parallel_loop3A_830 : i32 to index
        %parallel_loop3A_836 = tpu.vector_load %arg9[%parallel_loop3A_833, %parallel_loop3A_834, %parallel_loop3A_835] {strides = array<i32>} : memref<2x64x128xf32, #tpu.memory_space<vmem>>, vector<16xf32>,
        tpu.vector_store %arg9[%parallel_loop3A_833, %parallel_loop3A_834, %parallel_loop3A_835], %parallel_loop3A_828 {strides = array<i32>} : memref<2x64x128xf32, #tpu.memory_space<vmem>>, vector<16xf32>,
        %parallel_loop3A_837 = arith.constant 21 : i32
        %parallel_loop3A_838 = vector.broadcast %parallel_loop3A_837 : i32 to vector<16xi32>
        %parallel_loop3A_839 = arith.addi %parallel_loop3A_584, %parallel_loop3A_838 : vector<16xi32>
        %parallel_loop3A_840 = tpu.vector_load_idx %arg6[%parallel_loop3A_839] : memref<33345xf32, #tpu.memory_space<vmem>>[vector<16xi32>], vector<16xf32>,
        %parallel_loop3A_841 = arith.constant 16 : i32
        %parallel_loop3A_842 = arith.muli %parallel_loop3A_573, %parallel_loop3A_841 : i32
        %parallel_loop3A_843 = arith.constant 1 : i32
        %parallel_loop3A_844 = arith.constant 21 : i32
        %parallel_loop3A_845 = arith.index_cast %parallel_loop3A_843 : i32 to index
        %parallel_loop3A_846 = arith.index_cast %parallel_loop3A_844 : i32 to index
        %parallel_loop3A_847 = arith.index_cast %parallel_loop3A_842 : i32 to index
        %parallel_loop3A_848 = tpu.vector_load %arg9[%parallel_loop3A_845, %parallel_loop3A_846, %parallel_loop3A_847] {strides = array<i32>} : memref<2x64x128xf32, #tpu.memory_space<vmem>>, vector<16xf32>,
        tpu.vector_store %arg9[%parallel_loop3A_845, %parallel_loop3A_846, %parallel_loop3A_847], %parallel_loop3A_840 {strides = array<i32>} : memref<2x64x128xf32, #tpu.memory_space<vmem>>, vector<16xf32>,
        %parallel_loop3A_849 = arith.constant 22 : i32
        %parallel_loop3A_850 = vector.broadcast %parallel_loop3A_849 : i32 to vector<16xi32>
        %parallel_loop3A_851 = arith.addi %parallel_loop3A_584, %parallel_loop3A_850 : vector<16xi32>
        %parallel_loop3A_852 = tpu.vector_load_idx %arg6[%parallel_loop3A_851] : memref<33345xf32, #tpu.memory_space<vmem>>[vector<16xi32>], vector<16xf32>,
        %parallel_loop3A_853 = arith.constant 16 : i32
        %parallel_loop3A_854 = arith.muli %parallel_loop3A_573, %parallel_loop3A_853 : i32
        %parallel_loop3A_855 = arith.constant 1 : i32
        %parallel_loop3A_856 = arith.constant 22 : i32
        %parallel_loop3A_857 = arith.index_cast %parallel_loop3A_855 : i32 to index
        %parallel_loop3A_858 = arith.index_cast %parallel_loop3A_856 : i32 to index
        %parallel_loop3A_859 = arith.index_cast %parallel_loop3A_854 : i32 to index
        %parallel_loop3A_860 = tpu.vector_load %arg9[%parallel_loop3A_857, %parallel_loop3A_858, %parallel_loop3A_859] {strides = array<i32>} : memref<2x64x128xf32, #tpu.memory_space<vmem>>, vector<16xf32>,
        tpu.vector_store %arg9[%parallel_loop3A_857, %parallel_loop3A_858, %parallel_loop3A_859], %parallel_loop3A_852 {strides = array<i32>} : memref<2x64x128xf32, #tpu.memory_space<vmem>>, vector<16xf32>,
        %parallel_loop3A_861 = arith.constant 23 : i32
        %parallel_loop3A_862 = vector.broadcast %parallel_loop3A_861 : i32 to vector<16xi32>
        %parallel_loop3A_863 = arith.addi %parallel_loop3A_584, %parallel_loop3A_862 : vector<16xi32>
        %parallel_loop3A_864 = tpu.vector_load_idx %arg6[%parallel_loop3A_863] : memref<33345xf32, #tpu.memory_space<vmem>>[vector<16xi32>], vector<16xf32>,
        %parallel_loop3A_865 = arith.constant 16 : i32
        %parallel_loop3A_866 = arith.muli %parallel_loop3A_573, %parallel_loop3A_865 : i32
        %parallel_loop3A_867 = arith.constant 1 : i32
        %parallel_loop3A_868 = arith.constant 23 : i32
        %parallel_loop3A_869 = arith.index_cast %parallel_loop3A_867 : i32 to index
        %parallel_loop3A_870 = arith.index_cast %parallel_loop3A_868 : i32 to index
        %parallel_loop3A_871 = arith.index_cast %parallel_loop3A_866 : i32 to index
        %parallel_loop3A_872 = tpu.vector_load %arg9[%parallel_loop3A_869, %parallel_loop3A_870, %parallel_loop3A_871] {strides = array<i32>} : memref<2x64x128xf32, #tpu.memory_space<vmem>>, vector<16xf32>,
        tpu.vector_store %arg9[%parallel_loop3A_869, %parallel_loop3A_870, %parallel_loop3A_871], %parallel_loop3A_864 {strides = array<i32>} : memref<2x64x128xf32, #tpu.memory_space<vmem>>, vector<16xf32>,
        %parallel_loop3A_873 = arith.constant 24 : i32
        %parallel_loop3A_874 = vector.broadcast %parallel_loop3A_873 : i32 to vector<16xi32>
        %parallel_loop3A_875 = arith.addi %parallel_loop3A_584, %parallel_loop3A_874 : vector<16xi32>
        %parallel_loop3A_876 = tpu.vector_load_idx %arg6[%parallel_loop3A_875] : memref<33345xf32, #tpu.memory_space<vmem>>[vector<16xi32>], vector<16xf32>,
        %parallel_loop3A_877 = arith.constant 16 : i32
        %parallel_loop3A_878 = arith.muli %parallel_loop3A_573, %parallel_loop3A_877 : i32
        %parallel_loop3A_879 = arith.constant 1 : i32
        %parallel_loop3A_880 = arith.constant 24 : i32
        %parallel_loop3A_881 = arith.index_cast %parallel_loop3A_879 : i32 to index
        %parallel_loop3A_882 = arith.index_cast %parallel_loop3A_880 : i32 to index
        %parallel_loop3A_883 = arith.index_cast %parallel_loop3A_878 : i32 to index
        %parallel_loop3A_884 = tpu.vector_load %arg9[%parallel_loop3A_881, %parallel_loop3A_882, %parallel_loop3A_883] {strides = array<i32>} : memref<2x64x128xf32, #tpu.memory_space<vmem>>, vector<16xf32>,
        tpu.vector_store %arg9[%parallel_loop3A_881, %parallel_loop3A_882, %parallel_loop3A_883], %parallel_loop3A_876 {strides = array<i32>} : memref<2x64x128xf32, #tpu.memory_space<vmem>>, vector<16xf32>,
        %parallel_loop3A_885 = arith.constant 25 : i32
        %parallel_loop3A_886 = vector.broadcast %parallel_loop3A_885 : i32 to vector<16xi32>
        %parallel_loop3A_887 = arith.addi %parallel_loop3A_584, %parallel_loop3A_886 : vector<16xi32>
        %parallel_loop3A_888 = tpu.vector_load_idx %arg6[%parallel_loop3A_887] : memref<33345xf32, #tpu.memory_space<vmem>>[vector<16xi32>], vector<16xf32>,
        %parallel_loop3A_889 = arith.constant 16 : i32
        %parallel_loop3A_890 = arith.muli %parallel_loop3A_573, %parallel_loop3A_889 : i32
        %parallel_loop3A_891 = arith.constant 1 : i32
        %parallel_loop3A_892 = arith.constant 25 : i32
        %parallel_loop3A_893 = arith.index_cast %parallel_loop3A_891 : i32 to index
        %parallel_loop3A_894 = arith.index_cast %parallel_loop3A_892 : i32 to index
        %parallel_loop3A_895 = arith.index_cast %parallel_loop3A_890 : i32 to index
        %parallel_loop3A_896 = tpu.vector_load %arg9[%parallel_loop3A_893, %parallel_loop3A_894, %parallel_loop3A_895] {strides = array<i32>} : memref<2x64x128xf32, #tpu.memory_space<vmem>>, vector<16xf32>,
        tpu.vector_store %arg9[%parallel_loop3A_893, %parallel_loop3A_894, %parallel_loop3A_895], %parallel_loop3A_888 {strides = array<i32>} : memref<2x64x128xf32, #tpu.memory_space<vmem>>, vector<16xf32>,
        %parallel_loop3A_897 = arith.constant 26 : i32
        %parallel_loop3A_898 = vector.broadcast %parallel_loop3A_897 : i32 to vector<16xi32>
        %parallel_loop3A_899 = arith.addi %parallel_loop3A_584, %parallel_loop3A_898 : vector<16xi32>
        %parallel_loop3A_900 = tpu.vector_load_idx %arg6[%parallel_loop3A_899] : memref<33345xf32, #tpu.memory_space<vmem>>[vector<16xi32>], vector<16xf32>,
        %parallel_loop3A_901 = arith.constant 16 : i32
        %parallel_loop3A_902 = arith.muli %parallel_loop3A_573, %parallel_loop3A_901 : i32
        %parallel_loop3A_903 = arith.constant 1 : i32
        %parallel_loop3A_904 = arith.constant 26 : i32
        %parallel_loop3A_905 = arith.index_cast %parallel_loop3A_903 : i32 to index
        %parallel_loop3A_906 = arith.index_cast %parallel_loop3A_904 : i32 to index
        %parallel_loop3A_907 = arith.index_cast %parallel_loop3A_902 : i32 to index
        %parallel_loop3A_908 = tpu.vector_load %arg9[%parallel_loop3A_905, %parallel_loop3A_906, %parallel_loop3A_907] {strides = array<i32>} : memref<2x64x128xf32, #tpu.memory_space<vmem>>, vector<16xf32>,
        tpu.vector_store %arg9[%parallel_loop3A_905, %parallel_loop3A_906, %parallel_loop3A_907], %parallel_loop3A_900 {strides = array<i32>} : memref<2x64x128xf32, #tpu.memory_space<vmem>>, vector<16xf32>,
        %parallel_loop3A_909 = arith.constant 27 : i32
        %parallel_loop3A_910 = vector.broadcast %parallel_loop3A_909 : i32 to vector<16xi32>
        %parallel_loop3A_911 = arith.addi %parallel_loop3A_584, %parallel_loop3A_910 : vector<16xi32>
        %parallel_loop3A_912 = tpu.vector_load_idx %arg6[%parallel_loop3A_911] : memref<33345xf32, #tpu.memory_space<vmem>>[vector<16xi32>], vector<16xf32>,
        %parallel_loop3A_913 = arith.constant 16 : i32
        %parallel_loop3A_914 = arith.muli %parallel_loop3A_573, %parallel_loop3A_913 : i32
        %parallel_loop3A_915 = arith.constant 1 : i32
        %parallel_loop3A_916 = arith.constant 27 : i32
        %parallel_loop3A_917 = arith.index_cast %parallel_loop3A_915 : i32 to index
        %parallel_loop3A_918 = arith.index_cast %parallel_loop3A_916 : i32 to index
        %parallel_loop3A_919 = arith.index_cast %parallel_loop3A_914 : i32 to index
        %parallel_loop3A_920 = tpu.vector_load %arg9[%parallel_loop3A_917, %parallel_loop3A_918, %parallel_loop3A_919] {strides = array<i32>} : memref<2x64x128xf32, #tpu.memory_space<vmem>>, vector<16xf32>,
        tpu.vector_store %arg9[%parallel_loop3A_917, %parallel_loop3A_918, %parallel_loop3A_919], %parallel_loop3A_912 {strides = array<i32>} : memref<2x64x128xf32, #tpu.memory_space<vmem>>, vector<16xf32>,
        %parallel_loop3A_921 = arith.constant 28 : i32
        %parallel_loop3A_922 = vector.broadcast %parallel_loop3A_921 : i32 to vector<16xi32>
        %parallel_loop3A_923 = arith.addi %parallel_loop3A_584, %parallel_loop3A_922 : vector<16xi32>
        %parallel_loop3A_924 = tpu.vector_load_idx %arg6[%parallel_loop3A_923] : memref<33345xf32, #tpu.memory_space<vmem>>[vector<16xi32>], vector<16xf32>,
        %parallel_loop3A_925 = arith.constant 16 : i32
        %parallel_loop3A_926 = arith.muli %parallel_loop3A_573, %parallel_loop3A_925 : i32
        %parallel_loop3A_927 = arith.constant 1 : i32
        %parallel_loop3A_928 = arith.constant 28 : i32
        %parallel_loop3A_929 = arith.index_cast %parallel_loop3A_927 : i32 to index
        %parallel_loop3A_930 = arith.index_cast %parallel_loop3A_928 : i32 to index
        %parallel_loop3A_931 = arith.index_cast %parallel_loop3A_926 : i32 to index
        %parallel_loop3A_932 = tpu.vector_load %arg9[%parallel_loop3A_929, %parallel_loop3A_930, %parallel_loop3A_931] {strides = array<i32>} : memref<2x64x128xf32, #tpu.memory_space<vmem>>, vector<16xf32>,
        tpu.vector_store %arg9[%parallel_loop3A_929, %parallel_loop3A_930, %parallel_loop3A_931], %parallel_loop3A_924 {strides = array<i32>} : memref<2x64x128xf32, #tpu.memory_space<vmem>>, vector<16xf32>,
        %parallel_loop3A_933 = arith.constant 29 : i32
        %parallel_loop3A_934 = vector.broadcast %parallel_loop3A_933 : i32 to vector<16xi32>
        %parallel_loop3A_935 = arith.addi %parallel_loop3A_584, %parallel_loop3A_934 : vector<16xi32>
        %parallel_loop3A_936 = tpu.vector_load_idx %arg6[%parallel_loop3A_935] : memref<33345xf32, #tpu.memory_space<vmem>>[vector<16xi32>], vector<16xf32>,
        %parallel_loop3A_937 = arith.constant 16 : i32
        %parallel_loop3A_938 = arith.muli %parallel_loop3A_573, %parallel_loop3A_937 : i32
        %parallel_loop3A_939 = arith.constant 1 : i32
        %parallel_loop3A_940 = arith.constant 29 : i32
        %parallel_loop3A_941 = arith.index_cast %parallel_loop3A_939 : i32 to index
        %parallel_loop3A_942 = arith.index_cast %parallel_loop3A_940 : i32 to index
        %parallel_loop3A_943 = arith.index_cast %parallel_loop3A_938 : i32 to index
        %parallel_loop3A_944 = tpu.vector_load %arg9[%parallel_loop3A_941, %parallel_loop3A_942, %parallel_loop3A_943] {strides = array<i32>} : memref<2x64x128xf32, #tpu.memory_space<vmem>>, vector<16xf32>,
        tpu.vector_store %arg9[%parallel_loop3A_941, %parallel_loop3A_942, %parallel_loop3A_943], %parallel_loop3A_936 {strides = array<i32>} : memref<2x64x128xf32, #tpu.memory_space<vmem>>, vector<16xf32>,
        %parallel_loop3A_945 = arith.constant 30 : i32
        %parallel_loop3A_946 = vector.broadcast %parallel_loop3A_945 : i32 to vector<16xi32>
        %parallel_loop3A_947 = arith.addi %parallel_loop3A_584, %parallel_loop3A_946 : vector<16xi32>
        %parallel_loop3A_948 = tpu.vector_load_idx %arg6[%parallel_loop3A_947] : memref<33345xf32, #tpu.memory_space<vmem>>[vector<16xi32>], vector<16xf32>,
        %parallel_loop3A_949 = arith.constant 16 : i32
        %parallel_loop3A_950 = arith.muli %parallel_loop3A_573, %parallel_loop3A_949 : i32
        %parallel_loop3A_951 = arith.constant 1 : i32
        %parallel_loop3A_952 = arith.constant 30 : i32
        %parallel_loop3A_953 = arith.index_cast %parallel_loop3A_951 : i32 to index
        %parallel_loop3A_954 = arith.index_cast %parallel_loop3A_952 : i32 to index
        %parallel_loop3A_955 = arith.index_cast %parallel_loop3A_950 : i32 to index
        %parallel_loop3A_956 = tpu.vector_load %arg9[%parallel_loop3A_953, %parallel_loop3A_954, %parallel_loop3A_955] {strides = array<i32>} : memref<2x64x128xf32, #tpu.memory_space<vmem>>, vector<16xf32>,
        tpu.vector_store %arg9[%parallel_loop3A_953, %parallel_loop3A_954, %parallel_loop3A_955], %parallel_loop3A_948 {strides = array<i32>} : memref<2x64x128xf32, #tpu.memory_space<vmem>>, vector<16xf32>,
        %parallel_loop3A_957 = arith.constant 31 : i32
        %parallel_loop3A_958 = vector.broadcast %parallel_loop3A_957 : i32 to vector<16xi32>
        %parallel_loop3A_959 = arith.addi %parallel_loop3A_584, %parallel_loop3A_958 : vector<16xi32>
        %parallel_loop3A_960 = tpu.vector_load_idx %arg6[%parallel_loop3A_959] : memref<33345xf32, #tpu.memory_space<vmem>>[vector<16xi32>], vector<16xf32>,
        %parallel_loop3A_961 = arith.constant 16 : i32
        %parallel_loop3A_962 = arith.muli %parallel_loop3A_573, %parallel_loop3A_961 : i32
        %parallel_loop3A_963 = arith.constant 1 : i32
        %parallel_loop3A_964 = arith.constant 31 : i32
        %parallel_loop3A_965 = arith.index_cast %parallel_loop3A_963 : i32 to index
        %parallel_loop3A_966 = arith.index_cast %parallel_loop3A_964 : i32 to index
        %parallel_loop3A_967 = arith.index_cast %parallel_loop3A_962 : i32 to index
        %parallel_loop3A_968 = tpu.vector_load %arg9[%parallel_loop3A_965, %parallel_loop3A_966, %parallel_loop3A_967] {strides = array<i32>} : memref<2x64x128xf32, #tpu.memory_space<vmem>>, vector<16xf32>,
        tpu.vector_store %arg9[%parallel_loop3A_965, %parallel_loop3A_966, %parallel_loop3A_967], %parallel_loop3A_960 {strides = array<i32>} : memref<2x64x128xf32, #tpu.memory_space<vmem>>, vector<16xf32>,
        %parallel_loop3A_969 = arith.constant 32 : i32
        %parallel_loop3A_970 = vector.broadcast %parallel_loop3A_969 : i32 to vector<16xi32>
        %parallel_loop3A_971 = arith.addi %parallel_loop3A_584, %parallel_loop3A_970 : vector<16xi32>
        %parallel_loop3A_972 = tpu.vector_load_idx %arg6[%parallel_loop3A_971] : memref<33345xf32, #tpu.memory_space<vmem>>[vector<16xi32>], vector<16xf32>,
        %parallel_loop3A_973 = arith.constant 16 : i32
        %parallel_loop3A_974 = arith.muli %parallel_loop3A_573, %parallel_loop3A_973 : i32
        %parallel_loop3A_975 = arith.constant 1 : i32
        %parallel_loop3A_976 = arith.constant 32 : i32
        %parallel_loop3A_977 = arith.index_cast %parallel_loop3A_975 : i32 to index
        %parallel_loop3A_978 = arith.index_cast %parallel_loop3A_976 : i32 to index
        %parallel_loop3A_979 = arith.index_cast %parallel_loop3A_974 : i32 to index
        %parallel_loop3A_980 = tpu.vector_load %arg9[%parallel_loop3A_977, %parallel_loop3A_978, %parallel_loop3A_979] {strides = array<i32>} : memref<2x64x128xf32, #tpu.memory_space<vmem>>, vector<16xf32>,
        tpu.vector_store %arg9[%parallel_loop3A_977, %parallel_loop3A_978, %parallel_loop3A_979], %parallel_loop3A_972 {strides = array<i32>} : memref<2x64x128xf32, #tpu.memory_space<vmem>>, vector<16xf32>,
        %parallel_loop3A_981 = arith.constant 33 : i32
        %parallel_loop3A_982 = vector.broadcast %parallel_loop3A_981 : i32 to vector<16xi32>
        %parallel_loop3A_983 = arith.addi %parallel_loop3A_584, %parallel_loop3A_982 : vector<16xi32>
        %parallel_loop3A_984 = tpu.vector_load_idx %arg6[%parallel_loop3A_983] : memref<33345xf32, #tpu.memory_space<vmem>>[vector<16xi32>], vector<16xf32>,
        %parallel_loop3A_985 = arith.constant 16 : i32
        %parallel_loop3A_986 = arith.muli %parallel_loop3A_573, %parallel_loop3A_985 : i32
        %parallel_loop3A_987 = arith.constant 1 : i32
        %parallel_loop3A_988 = arith.constant 33 : i32
        %parallel_loop3A_989 = arith.index_cast %parallel_loop3A_987 : i32 to index
        %parallel_loop3A_990 = arith.index_cast %parallel_loop3A_988 : i32 to index
        %parallel_loop3A_991 = arith.index_cast %parallel_loop3A_986 : i32 to index
        %parallel_loop3A_992 = tpu.vector_load %arg9[%parallel_loop3A_989, %parallel_loop3A_990, %parallel_loop3A_991] {strides = array<i32>} : memref<2x64x128xf32, #tpu.memory_space<vmem>>, vector<16xf32>,
        tpu.vector_store %arg9[%parallel_loop3A_989, %parallel_loop3A_990, %parallel_loop3A_991], %parallel_loop3A_984 {strides = array<i32>} : memref<2x64x128xf32, #tpu.memory_space<vmem>>, vector<16xf32>,
        %parallel_loop3A_993 = arith.constant 34 : i32
        %parallel_loop3A_994 = vector.broadcast %parallel_loop3A_993 : i32 to vector<16xi32>
        %parallel_loop3A_995 = arith.addi %parallel_loop3A_584, %parallel_loop3A_994 : vector<16xi32>
        %parallel_loop3A_996 = tpu.vector_load_idx %arg6[%parallel_loop3A_995] : memref<33345xf32, #tpu.memory_space<vmem>>[vector<16xi32>], vector<16xf32>,
        %parallel_loop3A_997 = arith.constant 16 : i32
        %parallel_loop3A_998 = arith.muli %parallel_loop3A_573, %parallel_loop3A_997 : i32
        %parallel_loop3A_999 = arith.constant 1 : i32
        %parallel_loop3A_1000 = arith.constant 34 : i32
        %parallel_loop3A_1001 = arith.index_cast %parallel_loop3A_999 : i32 to index
        %parallel_loop3A_1002 = arith.index_cast %parallel_loop3A_1000 : i32 to index
        %parallel_loop3A_1003 = arith.index_cast %parallel_loop3A_998 : i32 to index
        %parallel_loop3A_1004 = tpu.vector_load %arg9[%parallel_loop3A_1001, %parallel_loop3A_1002, %parallel_loop3A_1003] {strides = array<i32>} : memref<2x64x128xf32, #tpu.memory_space<vmem>>, vector<16xf32>,
        tpu.vector_store %arg9[%parallel_loop3A_1001, %parallel_loop3A_1002, %parallel_loop3A_1003], %parallel_loop3A_996 {strides = array<i32>} : memref<2x64x128xf32, #tpu.memory_space<vmem>>, vector<16xf32>,
        %parallel_loop3A_1005 = arith.constant 35 : i32
        %parallel_loop3A_1006 = vector.broadcast %parallel_loop3A_1005 : i32 to vector<16xi32>
        %parallel_loop3A_1007 = arith.addi %parallel_loop3A_584, %parallel_loop3A_1006 : vector<16xi32>
        %parallel_loop3A_1008 = tpu.vector_load_idx %arg6[%parallel_loop3A_1007] : memref<33345xf32, #tpu.memory_space<vmem>>[vector<16xi32>], vector<16xf32>,
        %parallel_loop3A_1009 = arith.constant 16 : i32
        %parallel_loop3A_1010 = arith.muli %parallel_loop3A_573, %parallel_loop3A_1009 : i32
        %parallel_loop3A_1011 = arith.constant 1 : i32
        %parallel_loop3A_1012 = arith.constant 35 : i32
        %parallel_loop3A_1013 = arith.index_cast %parallel_loop3A_1011 : i32 to index
        %parallel_loop3A_1014 = arith.index_cast %parallel_loop3A_1012 : i32 to index
        %parallel_loop3A_1015 = arith.index_cast %parallel_loop3A_1010 : i32 to index
        %parallel_loop3A_1016 = tpu.vector_load %arg9[%parallel_loop3A_1013, %parallel_loop3A_1014, %parallel_loop3A_1015] {strides = array<i32>} : memref<2x64x128xf32, #tpu.memory_space<vmem>>, vector<16xf32>,
        tpu.vector_store %arg9[%parallel_loop3A_1013, %parallel_loop3A_1014, %parallel_loop3A_1015], %parallel_loop3A_1008 {strides = array<i32>} : memref<2x64x128xf32, #tpu.memory_space<vmem>>, vector<16xf32>,
        %parallel_loop3A_1017 = arith.constant 36 : i32
        %parallel_loop3A_1018 = vector.broadcast %parallel_loop3A_1017 : i32 to vector<16xi32>
        %parallel_loop3A_1019 = arith.addi %parallel_loop3A_584, %parallel_loop3A_1018 : vector<16xi32>
        %parallel_loop3A_1020 = tpu.vector_load_idx %arg6[%parallel_loop3A_1019] : memref<33345xf32, #tpu.memory_space<vmem>>[vector<16xi32>], vector<16xf32>,
        %parallel_loop3A_1021 = arith.constant 16 : i32
        %parallel_loop3A_1022 = arith.muli %parallel_loop3A_573, %parallel_loop3A_1021 : i32
        %parallel_loop3A_1023 = arith.constant 1 : i32
        %parallel_loop3A_1024 = arith.constant 36 : i32
        %parallel_loop3A_1025 = arith.index_cast %parallel_loop3A_1023 : i32 to index
        %parallel_loop3A_1026 = arith.index_cast %parallel_loop3A_1024 : i32 to index
        %parallel_loop3A_1027 = arith.index_cast %parallel_loop3A_1022 : i32 to index
        %parallel_loop3A_1028 = tpu.vector_load %arg9[%parallel_loop3A_1025, %parallel_loop3A_1026, %parallel_loop3A_1027] {strides = array<i32>} : memref<2x64x128xf32, #tpu.memory_space<vmem>>, vector<16xf32>,
        tpu.vector_store %arg9[%parallel_loop3A_1025, %parallel_loop3A_1026, %parallel_loop3A_1027], %parallel_loop3A_1020 {strides = array<i32>} : memref<2x64x128xf32, #tpu.memory_space<vmem>>, vector<16xf32>,
        %parallel_loop3A_1029 = arith.constant 37 : i32
        %parallel_loop3A_1030 = vector.broadcast %parallel_loop3A_1029 : i32 to vector<16xi32>
        %parallel_loop3A_1031 = arith.addi %parallel_loop3A_584, %parallel_loop3A_1030 : vector<16xi32>
        %parallel_loop3A_1032 = tpu.vector_load_idx %arg6[%parallel_loop3A_1031] : memref<33345xf32, #tpu.memory_space<vmem>>[vector<16xi32>], vector<16xf32>,
        %parallel_loop3A_1033 = arith.constant 16 : i32
        %parallel_loop3A_1034 = arith.muli %parallel_loop3A_573, %parallel_loop3A_1033 : i32
        %parallel_loop3A_1035 = arith.constant 1 : i32
        %parallel_loop3A_1036 = arith.constant 37 : i32
        %parallel_loop3A_1037 = arith.index_cast %parallel_loop3A_1035 : i32 to index
        %parallel_loop3A_1038 = arith.index_cast %parallel_loop3A_1036 : i32 to index
        %parallel_loop3A_1039 = arith.index_cast %parallel_loop3A_1034 : i32 to index
        %parallel_loop3A_1040 = tpu.vector_load %arg9[%parallel_loop3A_1037, %parallel_loop3A_1038, %parallel_loop3A_1039] {strides = array<i32>} : memref<2x64x128xf32, #tpu.memory_space<vmem>>, vector<16xf32>,
        tpu.vector_store %arg9[%parallel_loop3A_1037, %parallel_loop3A_1038, %parallel_loop3A_1039], %parallel_loop3A_1032 {strides = array<i32>} : memref<2x64x128xf32, #tpu.memory_space<vmem>>, vector<16xf32>,
        %parallel_loop3A_1041 = arith.constant 38 : i32
        %parallel_loop3A_1042 = vector.broadcast %parallel_loop3A_1041 : i32 to vector<16xi32>
        %parallel_loop3A_1043 = arith.addi %parallel_loop3A_584, %parallel_loop3A_1042 : vector<16xi32>
        %parallel_loop3A_1044 = tpu.vector_load_idx %arg6[%parallel_loop3A_1043] : memref<33345xf32, #tpu.memory_space<vmem>>[vector<16xi32>], vector<16xf32>,
        %parallel_loop3A_1045 = arith.constant 16 : i32
        %parallel_loop3A_1046 = arith.muli %parallel_loop3A_573, %parallel_loop3A_1045 : i32
        %parallel_loop3A_1047 = arith.constant 1 : i32
        %parallel_loop3A_1048 = arith.constant 38 : i32
        %parallel_loop3A_1049 = arith.index_cast %parallel_loop3A_1047 : i32 to index
        %parallel_loop3A_1050 = arith.index_cast %parallel_loop3A_1048 : i32 to index
        %parallel_loop3A_1051 = arith.index_cast %parallel_loop3A_1046 : i32 to index
        %parallel_loop3A_1052 = tpu.vector_load %arg9[%parallel_loop3A_1049, %parallel_loop3A_1050, %parallel_loop3A_1051] {strides = array<i32>} : memref<2x64x128xf32, #tpu.memory_space<vmem>>, vector<16xf32>,
        tpu.vector_store %arg9[%parallel_loop3A_1049, %parallel_loop3A_1050, %parallel_loop3A_1051], %parallel_loop3A_1044 {strides = array<i32>} : memref<2x64x128xf32, #tpu.memory_space<vmem>>, vector<16xf32>,
        %parallel_loop3A_1053 = arith.constant 39 : i32
        %parallel_loop3A_1054 = vector.broadcast %parallel_loop3A_1053 : i32 to vector<16xi32>
        %parallel_loop3A_1055 = arith.addi %parallel_loop3A_584, %parallel_loop3A_1054 : vector<16xi32>
        %parallel_loop3A_1056 = tpu.vector_load_idx %arg6[%parallel_loop3A_1055] : memref<33345xf32, #tpu.memory_space<vmem>>[vector<16xi32>], vector<16xf32>,
        %parallel_loop3A_1057 = arith.constant 16 : i32
        %parallel_loop3A_1058 = arith.muli %parallel_loop3A_573, %parallel_loop3A_1057 : i32
        %parallel_loop3A_1059 = arith.constant 1 : i32
        %parallel_loop3A_1060 = arith.constant 39 : i32
        %parallel_loop3A_1061 = arith.index_cast %parallel_loop3A_1059 : i32 to index
        %parallel_loop3A_1062 = arith.index_cast %parallel_loop3A_1060 : i32 to index
        %parallel_loop3A_1063 = arith.index_cast %parallel_loop3A_1058 : i32 to index
        %parallel_loop3A_1064 = tpu.vector_load %arg9[%parallel_loop3A_1061, %parallel_loop3A_1062, %parallel_loop3A_1063] {strides = array<i32>} : memref<2x64x128xf32, #tpu.memory_space<vmem>>, vector<16xf32>,
        tpu.vector_store %arg9[%parallel_loop3A_1061, %parallel_loop3A_1062, %parallel_loop3A_1063], %parallel_loop3A_1056 {strides = array<i32>} : memref<2x64x128xf32, #tpu.memory_space<vmem>>, vector<16xf32>,
        %parallel_loop3A_1065 = arith.constant 40 : i32
        %parallel_loop3A_1066 = vector.broadcast %parallel_loop3A_1065 : i32 to vector<16xi32>
        %parallel_loop3A_1067 = arith.addi %parallel_loop3A_584, %parallel_loop3A_1066 : vector<16xi32>
        %parallel_loop3A_1068 = tpu.vector_load_idx %arg6[%parallel_loop3A_1067] : memref<33345xf32, #tpu.memory_space<vmem>>[vector<16xi32>], vector<16xf32>,
        %parallel_loop3A_1069 = arith.constant 16 : i32
        %parallel_loop3A_1070 = arith.muli %parallel_loop3A_573, %parallel_loop3A_1069 : i32
        %parallel_loop3A_1071 = arith.constant 1 : i32
        %parallel_loop3A_1072 = arith.constant 40 : i32
        %parallel_loop3A_1073 = arith.index_cast %parallel_loop3A_1071 : i32 to index
        %parallel_loop3A_1074 = arith.index_cast %parallel_loop3A_1072 : i32 to index
        %parallel_loop3A_1075 = arith.index_cast %parallel_loop3A_1070 : i32 to index
        %parallel_loop3A_1076 = tpu.vector_load %arg9[%parallel_loop3A_1073, %parallel_loop3A_1074, %parallel_loop3A_1075] {strides = array<i32>} : memref<2x64x128xf32, #tpu.memory_space<vmem>>, vector<16xf32>,
        tpu.vector_store %arg9[%parallel_loop3A_1073, %parallel_loop3A_1074, %parallel_loop3A_1075], %parallel_loop3A_1068 {strides = array<i32>} : memref<2x64x128xf32, #tpu.memory_space<vmem>>, vector<16xf32>,
        %parallel_loop3A_1077 = arith.constant 41 : i32
        %parallel_loop3A_1078 = vector.broadcast %parallel_loop3A_1077 : i32 to vector<16xi32>
        %parallel_loop3A_1079 = arith.addi %parallel_loop3A_584, %parallel_loop3A_1078 : vector<16xi32>
        %parallel_loop3A_1080 = tpu.vector_load_idx %arg6[%parallel_loop3A_1079] : memref<33345xf32, #tpu.memory_space<vmem>>[vector<16xi32>], vector<16xf32>,
        %parallel_loop3A_1081 = arith.constant 16 : i32
        %parallel_loop3A_1082 = arith.muli %parallel_loop3A_573, %parallel_loop3A_1081 : i32
        %parallel_loop3A_1083 = arith.constant 1 : i32
        %parallel_loop3A_1084 = arith.constant 41 : i32
        %parallel_loop3A_1085 = arith.index_cast %parallel_loop3A_1083 : i32 to index
        %parallel_loop3A_1086 = arith.index_cast %parallel_loop3A_1084 : i32 to index
        %parallel_loop3A_1087 = arith.index_cast %parallel_loop3A_1082 : i32 to index
        %parallel_loop3A_1088 = tpu.vector_load %arg9[%parallel_loop3A_1085, %parallel_loop3A_1086, %parallel_loop3A_1087] {strides = array<i32>} : memref<2x64x128xf32, #tpu.memory_space<vmem>>, vector<16xf32>,
        tpu.vector_store %arg9[%parallel_loop3A_1085, %parallel_loop3A_1086, %parallel_loop3A_1087], %parallel_loop3A_1080 {strides = array<i32>} : memref<2x64x128xf32, #tpu.memory_space<vmem>>, vector<16xf32>,
        %parallel_loop3A_1089 = arith.constant 42 : i32
        %parallel_loop3A_1090 = vector.broadcast %parallel_loop3A_1089 : i32 to vector<16xi32>
        %parallel_loop3A_1091 = arith.addi %parallel_loop3A_584, %parallel_loop3A_1090 : vector<16xi32>
        %parallel_loop3A_1092 = tpu.vector_load_idx %arg6[%parallel_loop3A_1091] : memref<33345xf32, #tpu.memory_space<vmem>>[vector<16xi32>], vector<16xf32>,
        %parallel_loop3A_1093 = arith.constant 16 : i32
        %parallel_loop3A_1094 = arith.muli %parallel_loop3A_573, %parallel_loop3A_1093 : i32
        %parallel_loop3A_1095 = arith.constant 1 : i32
        %parallel_loop3A_1096 = arith.constant 42 : i32
        %parallel_loop3A_1097 = arith.index_cast %parallel_loop3A_1095 : i32 to index
        %parallel_loop3A_1098 = arith.index_cast %parallel_loop3A_1096 : i32 to index
        %parallel_loop3A_1099 = arith.index_cast %parallel_loop3A_1094 : i32 to index
        %parallel_loop3A_1100 = tpu.vector_load %arg9[%parallel_loop3A_1097, %parallel_loop3A_1098, %parallel_loop3A_1099] {strides = array<i32>} : memref<2x64x128xf32, #tpu.memory_space<vmem>>, vector<16xf32>,
        tpu.vector_store %arg9[%parallel_loop3A_1097, %parallel_loop3A_1098, %parallel_loop3A_1099], %parallel_loop3A_1092 {strides = array<i32>} : memref<2x64x128xf32, #tpu.memory_space<vmem>>, vector<16xf32>,
        %parallel_loop3A_1101 = arith.constant 43 : i32
        %parallel_loop3A_1102 = vector.broadcast %parallel_loop3A_1101 : i32 to vector<16xi32>
        %parallel_loop3A_1103 = arith.addi %parallel_loop3A_584, %parallel_loop3A_1102 : vector<16xi32>
        %parallel_loop3A_1104 = tpu.vector_load_idx %arg6[%parallel_loop3A_1103] : memref<33345xf32, #tpu.memory_space<vmem>>[vector<16xi32>], vector<16xf32>,
        %parallel_loop3A_1105 = arith.constant 16 : i32
        %parallel_loop3A_1106 = arith.muli %parallel_loop3A_573, %parallel_loop3A_1105 : i32
        %parallel_loop3A_1107 = arith.constant 1 : i32
        %parallel_loop3A_1108 = arith.constant 43 : i32
        %parallel_loop3A_1109 = arith.index_cast %parallel_loop3A_1107 : i32 to index
        %parallel_loop3A_1110 = arith.index_cast %parallel_loop3A_1108 : i32 to index
        %parallel_loop3A_1111 = arith.index_cast %parallel_loop3A_1106 : i32 to index
        %parallel_loop3A_1112 = tpu.vector_load %arg9[%parallel_loop3A_1109, %parallel_loop3A_1110, %parallel_loop3A_1111] {strides = array<i32>} : memref<2x64x128xf32, #tpu.memory_space<vmem>>, vector<16xf32>,
        tpu.vector_store %arg9[%parallel_loop3A_1109, %parallel_loop3A_1110, %parallel_loop3A_1111], %parallel_loop3A_1104 {strides = array<i32>} : memref<2x64x128xf32, #tpu.memory_space<vmem>>, vector<16xf32>,
        %parallel_loop3A_1113 = arith.constant 44 : i32
        %parallel_loop3A_1114 = vector.broadcast %parallel_loop3A_1113 : i32 to vector<16xi32>
        %parallel_loop3A_1115 = arith.addi %parallel_loop3A_584, %parallel_loop3A_1114 : vector<16xi32>
        %parallel_loop3A_1116 = tpu.vector_load_idx %arg6[%parallel_loop3A_1115] : memref<33345xf32, #tpu.memory_space<vmem>>[vector<16xi32>], vector<16xf32>,
        %parallel_loop3A_1117 = arith.constant 16 : i32
        %parallel_loop3A_1118 = arith.muli %parallel_loop3A_573, %parallel_loop3A_1117 : i32
        %parallel_loop3A_1119 = arith.constant 1 : i32
        %parallel_loop3A_1120 = arith.constant 44 : i32
        %parallel_loop3A_1121 = arith.index_cast %parallel_loop3A_1119 : i32 to index
        %parallel_loop3A_1122 = arith.index_cast %parallel_loop3A_1120 : i32 to index
        %parallel_loop3A_1123 = arith.index_cast %parallel_loop3A_1118 : i32 to index
        %parallel_loop3A_1124 = tpu.vector_load %arg9[%parallel_loop3A_1121, %parallel_loop3A_1122, %parallel_loop3A_1123] {strides = array<i32>} : memref<2x64x128xf32, #tpu.memory_space<vmem>>, vector<16xf32>,
        tpu.vector_store %arg9[%parallel_loop3A_1121, %parallel_loop3A_1122, %parallel_loop3A_1123], %parallel_loop3A_1116 {strides = array<i32>} : memref<2x64x128xf32, #tpu.memory_space<vmem>>, vector<16xf32>,
        %parallel_loop3A_1125 = arith.constant 45 : i32
        %parallel_loop3A_1126 = vector.broadcast %parallel_loop3A_1125 : i32 to vector<16xi32>
        %parallel_loop3A_1127 = arith.addi %parallel_loop3A_584, %parallel_loop3A_1126 : vector<16xi32>
        %parallel_loop3A_1128 = tpu.vector_load_idx %arg6[%parallel_loop3A_1127] : memref<33345xf32, #tpu.memory_space<vmem>>[vector<16xi32>], vector<16xf32>,
        %parallel_loop3A_1129 = arith.constant 16 : i32
        %parallel_loop3A_1130 = arith.muli %parallel_loop3A_573, %parallel_loop3A_1129 : i32
        %parallel_loop3A_1131 = arith.constant 1 : i32
        %parallel_loop3A_1132 = arith.constant 45 : i32
        %parallel_loop3A_1133 = arith.index_cast %parallel_loop3A_1131 : i32 to index
        %parallel_loop3A_1134 = arith.index_cast %parallel_loop3A_1132 : i32 to index
        %parallel_loop3A_1135 = arith.index_cast %parallel_loop3A_1130 : i32 to index
        %parallel_loop3A_1136 = tpu.vector_load %arg9[%parallel_loop3A_1133, %parallel_loop3A_1134, %parallel_loop3A_1135] {strides = array<i32>} : memref<2x64x128xf32, #tpu.memory_space<vmem>>, vector<16xf32>,
        tpu.vector_store %arg9[%parallel_loop3A_1133, %parallel_loop3A_1134, %parallel_loop3A_1135], %parallel_loop3A_1128 {strides = array<i32>} : memref<2x64x128xf32, #tpu.memory_space<vmem>>, vector<16xf32>,
        %parallel_loop3A_1137 = arith.constant 46 : i32
        %parallel_loop3A_1138 = vector.broadcast %parallel_loop3A_1137 : i32 to vector<16xi32>
        %parallel_loop3A_1139 = arith.addi %parallel_loop3A_584, %parallel_loop3A_1138 : vector<16xi32>
        %parallel_loop3A_1140 = tpu.vector_load_idx %arg6[%parallel_loop3A_1139] : memref<33345xf32, #tpu.memory_space<vmem>>[vector<16xi32>], vector<16xf32>,
        %parallel_loop3A_1141 = arith.constant 16 : i32
        %parallel_loop3A_1142 = arith.muli %parallel_loop3A_573, %parallel_loop3A_1141 : i32
        %parallel_loop3A_1143 = arith.constant 1 : i32
        %parallel_loop3A_1144 = arith.constant 46 : i32
        %parallel_loop3A_1145 = arith.index_cast %parallel_loop3A_1143 : i32 to index
        %parallel_loop3A_1146 = arith.index_cast %parallel_loop3A_1144 : i32 to index
        %parallel_loop3A_1147 = arith.index_cast %parallel_loop3A_1142 : i32 to index
        %parallel_loop3A_1148 = tpu.vector_load %arg9[%parallel_loop3A_1145, %parallel_loop3A_1146, %parallel_loop3A_1147] {strides = array<i32>} : memref<2x64x128xf32, #tpu.memory_space<vmem>>, vector<16xf32>,
        tpu.vector_store %arg9[%parallel_loop3A_1145, %parallel_loop3A_1146, %parallel_loop3A_1147], %parallel_loop3A_1140 {strides = array<i32>} : memref<2x64x128xf32, #tpu.memory_space<vmem>>, vector<16xf32>,
        %parallel_loop3A_1149 = arith.constant 47 : i32
        %parallel_loop3A_1150 = vector.broadcast %parallel_loop3A_1149 : i32 to vector<16xi32>
        %parallel_loop3A_1151 = arith.addi %parallel_loop3A_584, %parallel_loop3A_1150 : vector<16xi32>
        %parallel_loop3A_1152 = tpu.vector_load_idx %arg6[%parallel_loop3A_1151] : memref<33345xf32, #tpu.memory_space<vmem>>[vector<16xi32>], vector<16xf32>,
        %parallel_loop3A_1153 = arith.constant 16 : i32
        %parallel_loop3A_1154 = arith.muli %parallel_loop3A_573, %parallel_loop3A_1153 : i32
        %parallel_loop3A_1155 = arith.constant 1 : i32
        %parallel_loop3A_1156 = arith.constant 47 : i32
        %parallel_loop3A_1157 = arith.index_cast %parallel_loop3A_1155 : i32 to index
        %parallel_loop3A_1158 = arith.index_cast %parallel_loop3A_1156 : i32 to index
        %parallel_loop3A_1159 = arith.index_cast %parallel_loop3A_1154 : i32 to index
        %parallel_loop3A_1160 = tpu.vector_load %arg9[%parallel_loop3A_1157, %parallel_loop3A_1158, %parallel_loop3A_1159] {strides = array<i32>} : memref<2x64x128xf32, #tpu.memory_space<vmem>>, vector<16xf32>,
        tpu.vector_store %arg9[%parallel_loop3A_1157, %parallel_loop3A_1158, %parallel_loop3A_1159], %parallel_loop3A_1152 {strides = array<i32>} : memref<2x64x128xf32, #tpu.memory_space<vmem>>, vector<16xf32>,
        %parallel_loop3A_1161 = arith.constant 48 : i32
        %parallel_loop3A_1162 = vector.broadcast %parallel_loop3A_1161 : i32 to vector<16xi32>
        %parallel_loop3A_1163 = arith.addi %parallel_loop3A_584, %parallel_loop3A_1162 : vector<16xi32>
        %parallel_loop3A_1164 = tpu.vector_load_idx %arg6[%parallel_loop3A_1163] : memref<33345xf32, #tpu.memory_space<vmem>>[vector<16xi32>], vector<16xf32>,
        %parallel_loop3A_1165 = arith.constant 16 : i32
        %parallel_loop3A_1166 = arith.muli %parallel_loop3A_573, %parallel_loop3A_1165 : i32
        %parallel_loop3A_1167 = arith.constant 1 : i32
        %parallel_loop3A_1168 = arith.constant 48 : i32
        %parallel_loop3A_1169 = arith.index_cast %parallel_loop3A_1167 : i32 to index
        %parallel_loop3A_1170 = arith.index_cast %parallel_loop3A_1168 : i32 to index
        %parallel_loop3A_1171 = arith.index_cast %parallel_loop3A_1166 : i32 to index
        %parallel_loop3A_1172 = tpu.vector_load %arg9[%parallel_loop3A_1169, %parallel_loop3A_1170, %parallel_loop3A_1171] {strides = array<i32>} : memref<2x64x128xf32, #tpu.memory_space<vmem>>, vector<16xf32>,
        tpu.vector_store %arg9[%parallel_loop3A_1169, %parallel_loop3A_1170, %parallel_loop3A_1171], %parallel_loop3A_1164 {strides = array<i32>} : memref<2x64x128xf32, #tpu.memory_space<vmem>>, vector<16xf32>,
        %parallel_loop3A_1173 = arith.constant 49 : i32
        %parallel_loop3A_1174 = vector.broadcast %parallel_loop3A_1173 : i32 to vector<16xi32>
        %parallel_loop3A_1175 = arith.addi %parallel_loop3A_584, %parallel_loop3A_1174 : vector<16xi32>
        %parallel_loop3A_1176 = tpu.vector_load_idx %arg6[%parallel_loop3A_1175] : memref<33345xf32, #tpu.memory_space<vmem>>[vector<16xi32>], vector<16xf32>,
        %parallel_loop3A_1177 = arith.constant 16 : i32
        %parallel_loop3A_1178 = arith.muli %parallel_loop3A_573, %parallel_loop3A_1177 : i32
        %parallel_loop3A_1179 = arith.constant 1 : i32
        %parallel_loop3A_1180 = arith.constant 49 : i32
        %parallel_loop3A_1181 = arith.index_cast %parallel_loop3A_1179 : i32 to index
        %parallel_loop3A_1182 = arith.index_cast %parallel_loop3A_1180 : i32 to index
        %parallel_loop3A_1183 = arith.index_cast %parallel_loop3A_1178 : i32 to index
        %parallel_loop3A_1184 = tpu.vector_load %arg9[%parallel_loop3A_1181, %parallel_loop3A_1182, %parallel_loop3A_1183] {strides = array<i32>} : memref<2x64x128xf32, #tpu.memory_space<vmem>>, vector<16xf32>,
        tpu.vector_store %arg9[%parallel_loop3A_1181, %parallel_loop3A_1182, %parallel_loop3A_1183], %parallel_loop3A_1176 {strides = array<i32>} : memref<2x64x128xf32, #tpu.memory_space<vmem>>, vector<16xf32>,
        %parallel_loop3A_1185 = arith.constant 50 : i32
        %parallel_loop3A_1186 = vector.broadcast %parallel_loop3A_1185 : i32 to vector<16xi32>
        %parallel_loop3A_1187 = arith.addi %parallel_loop3A_584, %parallel_loop3A_1186 : vector<16xi32>
        %parallel_loop3A_1188 = tpu.vector_load_idx %arg6[%parallel_loop3A_1187] : memref<33345xf32, #tpu.memory_space<vmem>>[vector<16xi32>], vector<16xf32>,
        %parallel_loop3A_1189 = arith.constant 16 : i32
        %parallel_loop3A_1190 = arith.muli %parallel_loop3A_573, %parallel_loop3A_1189 : i32
        %parallel_loop3A_1191 = arith.constant 1 : i32
        %parallel_loop3A_1192 = arith.constant 50 : i32
        %parallel_loop3A_1193 = arith.index_cast %parallel_loop3A_1191 : i32 to index
        %parallel_loop3A_1194 = arith.index_cast %parallel_loop3A_1192 : i32 to index
        %parallel_loop3A_1195 = arith.index_cast %parallel_loop3A_1190 : i32 to index
        %parallel_loop3A_1196 = tpu.vector_load %arg9[%parallel_loop3A_1193, %parallel_loop3A_1194, %parallel_loop3A_1195] {strides = array<i32>} : memref<2x64x128xf32, #tpu.memory_space<vmem>>, vector<16xf32>,
        tpu.vector_store %arg9[%parallel_loop3A_1193, %parallel_loop3A_1194, %parallel_loop3A_1195], %parallel_loop3A_1188 {strides = array<i32>} : memref<2x64x128xf32, #tpu.memory_space<vmem>>, vector<16xf32>,
        %parallel_loop3A_1197 = arith.constant 51 : i32
        %parallel_loop3A_1198 = vector.broadcast %parallel_loop3A_1197 : i32 to vector<16xi32>
        %parallel_loop3A_1199 = arith.addi %parallel_loop3A_584, %parallel_loop3A_1198 : vector<16xi32>
        %parallel_loop3A_1200 = tpu.vector_load_idx %arg6[%parallel_loop3A_1199] : memref<33345xf32, #tpu.memory_space<vmem>>[vector<16xi32>], vector<16xf32>,
        %parallel_loop3A_1201 = arith.constant 16 : i32
        %parallel_loop3A_1202 = arith.muli %parallel_loop3A_573, %parallel_loop3A_1201 : i32
        %parallel_loop3A_1203 = arith.constant 1 : i32
        %parallel_loop3A_1204 = arith.constant 51 : i32
        %parallel_loop3A_1205 = arith.index_cast %parallel_loop3A_1203 : i32 to index
        %parallel_loop3A_1206 = arith.index_cast %parallel_loop3A_1204 : i32 to index
        %parallel_loop3A_1207 = arith.index_cast %parallel_loop3A_1202 : i32 to index
        %parallel_loop3A_1208 = tpu.vector_load %arg9[%parallel_loop3A_1205, %parallel_loop3A_1206, %parallel_loop3A_1207] {strides = array<i32>} : memref<2x64x128xf32, #tpu.memory_space<vmem>>, vector<16xf32>,
        tpu.vector_store %arg9[%parallel_loop3A_1205, %parallel_loop3A_1206, %parallel_loop3A_1207], %parallel_loop3A_1200 {strides = array<i32>} : memref<2x64x128xf32, #tpu.memory_space<vmem>>, vector<16xf32>,
        %parallel_loop3A_1209 = arith.constant 52 : i32
        %parallel_loop3A_1210 = vector.broadcast %parallel_loop3A_1209 : i32 to vector<16xi32>
        %parallel_loop3A_1211 = arith.addi %parallel_loop3A_584, %parallel_loop3A_1210 : vector<16xi32>
        %parallel_loop3A_1212 = tpu.vector_load_idx %arg6[%parallel_loop3A_1211] : memref<33345xf32, #tpu.memory_space<vmem>>[vector<16xi32>], vector<16xf32>,
        %parallel_loop3A_1213 = arith.constant 16 : i32
        %parallel_loop3A_1214 = arith.muli %parallel_loop3A_573, %parallel_loop3A_1213 : i32
        %parallel_loop3A_1215 = arith.constant 1 : i32
        %parallel_loop3A_1216 = arith.constant 52 : i32
        %parallel_loop3A_1217 = arith.index_cast %parallel_loop3A_1215 : i32 to index
        %parallel_loop3A_1218 = arith.index_cast %parallel_loop3A_1216 : i32 to index
        %parallel_loop3A_1219 = arith.index_cast %parallel_loop3A_1214 : i32 to index
        %parallel_loop3A_1220 = tpu.vector_load %arg9[%parallel_loop3A_1217, %parallel_loop3A_1218, %parallel_loop3A_1219] {strides = array<i32>} : memref<2x64x128xf32, #tpu.memory_space<vmem>>, vector<16xf32>,
        tpu.vector_store %arg9[%parallel_loop3A_1217, %parallel_loop3A_1218, %parallel_loop3A_1219], %parallel_loop3A_1212 {strides = array<i32>} : memref<2x64x128xf32, #tpu.memory_space<vmem>>, vector<16xf32>,
        %parallel_loop3A_1221 = arith.constant 53 : i32
        %parallel_loop3A_1222 = vector.broadcast %parallel_loop3A_1221 : i32 to vector<16xi32>
        %parallel_loop3A_1223 = arith.addi %parallel_loop3A_584, %parallel_loop3A_1222 : vector<16xi32>
        %parallel_loop3A_1224 = tpu.vector_load_idx %arg6[%parallel_loop3A_1223] : memref<33345xf32, #tpu.memory_space<vmem>>[vector<16xi32>], vector<16xf32>,
        %parallel_loop3A_1225 = arith.constant 16 : i32
        %parallel_loop3A_1226 = arith.muli %parallel_loop3A_573, %parallel_loop3A_1225 : i32
        %parallel_loop3A_1227 = arith.constant 1 : i32
        %parallel_loop3A_1228 = arith.constant 53 : i32
        %parallel_loop3A_1229 = arith.index_cast %parallel_loop3A_1227 : i32 to index
        %parallel_loop3A_1230 = arith.index_cast %parallel_loop3A_1228 : i32 to index
        %parallel_loop3A_1231 = arith.index_cast %parallel_loop3A_1226 : i32 to index
        %parallel_loop3A_1232 = tpu.vector_load %arg9[%parallel_loop3A_1229, %parallel_loop3A_1230, %parallel_loop3A_1231] {strides = array<i32>} : memref<2x64x128xf32, #tpu.memory_space<vmem>>, vector<16xf32>,
        tpu.vector_store %arg9[%parallel_loop3A_1229, %parallel_loop3A_1230, %parallel_loop3A_1231], %parallel_loop3A_1224 {strides = array<i32>} : memref<2x64x128xf32, #tpu.memory_space<vmem>>, vector<16xf32>,
        %parallel_loop3A_1233 = arith.constant 54 : i32
        %parallel_loop3A_1234 = vector.broadcast %parallel_loop3A_1233 : i32 to vector<16xi32>
        %parallel_loop3A_1235 = arith.addi %parallel_loop3A_584, %parallel_loop3A_1234 : vector<16xi32>
        %parallel_loop3A_1236 = tpu.vector_load_idx %arg6[%parallel_loop3A_1235] : memref<33345xf32, #tpu.memory_space<vmem>>[vector<16xi32>], vector<16xf32>,
        %parallel_loop3A_1237 = arith.constant 16 : i32
        %parallel_loop3A_1238 = arith.muli %parallel_loop3A_573, %parallel_loop3A_1237 : i32
        %parallel_loop3A_1239 = arith.constant 1 : i32
        %parallel_loop3A_1240 = arith.constant 54 : i32
        %parallel_loop3A_1241 = arith.index_cast %parallel_loop3A_1239 : i32 to index
        %parallel_loop3A_1242 = arith.index_cast %parallel_loop3A_1240 : i32 to index
        %parallel_loop3A_1243 = arith.index_cast %parallel_loop3A_1238 : i32 to index
        %parallel_loop3A_1244 = tpu.vector_load %arg9[%parallel_loop3A_1241, %parallel_loop3A_1242, %parallel_loop3A_1243] {strides = array<i32>} : memref<2x64x128xf32, #tpu.memory_space<vmem>>, vector<16xf32>,
        tpu.vector_store %arg9[%parallel_loop3A_1241, %parallel_loop3A_1242, %parallel_loop3A_1243], %parallel_loop3A_1236 {strides = array<i32>} : memref<2x64x128xf32, #tpu.memory_space<vmem>>, vector<16xf32>,
        %parallel_loop3A_1245 = arith.constant 55 : i32
        %parallel_loop3A_1246 = vector.broadcast %parallel_loop3A_1245 : i32 to vector<16xi32>
        %parallel_loop3A_1247 = arith.addi %parallel_loop3A_584, %parallel_loop3A_1246 : vector<16xi32>
        %parallel_loop3A_1248 = tpu.vector_load_idx %arg6[%parallel_loop3A_1247] : memref<33345xf32, #tpu.memory_space<vmem>>[vector<16xi32>], vector<16xf32>,
        %parallel_loop3A_1249 = arith.constant 16 : i32
        %parallel_loop3A_1250 = arith.muli %parallel_loop3A_573, %parallel_loop3A_1249 : i32
        %parallel_loop3A_1251 = arith.constant 1 : i32
        %parallel_loop3A_1252 = arith.constant 55 : i32
        %parallel_loop3A_1253 = arith.index_cast %parallel_loop3A_1251 : i32 to index
        %parallel_loop3A_1254 = arith.index_cast %parallel_loop3A_1252 : i32 to index
        %parallel_loop3A_1255 = arith.index_cast %parallel_loop3A_1250 : i32 to index
        %parallel_loop3A_1256 = tpu.vector_load %arg9[%parallel_loop3A_1253, %parallel_loop3A_1254, %parallel_loop3A_1255] {strides = array<i32>} : memref<2x64x128xf32, #tpu.memory_space<vmem>>, vector<16xf32>,
        tpu.vector_store %arg9[%parallel_loop3A_1253, %parallel_loop3A_1254, %parallel_loop3A_1255], %parallel_loop3A_1248 {strides = array<i32>} : memref<2x64x128xf32, #tpu.memory_space<vmem>>, vector<16xf32>,
        %parallel_loop3A_1257 = arith.constant 56 : i32
        %parallel_loop3A_1258 = vector.broadcast %parallel_loop3A_1257 : i32 to vector<16xi32>
        %parallel_loop3A_1259 = arith.addi %parallel_loop3A_584, %parallel_loop3A_1258 : vector<16xi32>
        %parallel_loop3A_1260 = tpu.vector_load_idx %arg6[%parallel_loop3A_1259] : memref<33345xf32, #tpu.memory_space<vmem>>[vector<16xi32>], vector<16xf32>,
        %parallel_loop3A_1261 = arith.constant 16 : i32
        %parallel_loop3A_1262 = arith.muli %parallel_loop3A_573, %parallel_loop3A_1261 : i32
        %parallel_loop3A_1263 = arith.constant 1 : i32
        %parallel_loop3A_1264 = arith.constant 56 : i32
        %parallel_loop3A_1265 = arith.index_cast %parallel_loop3A_1263 : i32 to index
        %parallel_loop3A_1266 = arith.index_cast %parallel_loop3A_1264 : i32 to index
        %parallel_loop3A_1267 = arith.index_cast %parallel_loop3A_1262 : i32 to index
        %parallel_loop3A_1268 = tpu.vector_load %arg9[%parallel_loop3A_1265, %parallel_loop3A_1266, %parallel_loop3A_1267] {strides = array<i32>} : memref<2x64x128xf32, #tpu.memory_space<vmem>>, vector<16xf32>,
        tpu.vector_store %arg9[%parallel_loop3A_1265, %parallel_loop3A_1266, %parallel_loop3A_1267], %parallel_loop3A_1260 {strides = array<i32>} : memref<2x64x128xf32, #tpu.memory_space<vmem>>, vector<16xf32>,
        %parallel_loop3A_1269 = arith.constant 57 : i32
        %parallel_loop3A_1270 = vector.broadcast %parallel_loop3A_1269 : i32 to vector<16xi32>
        %parallel_loop3A_1271 = arith.addi %parallel_loop3A_584, %parallel_loop3A_1270 : vector<16xi32>
        %parallel_loop3A_1272 = tpu.vector_load_idx %arg6[%parallel_loop3A_1271] : memref<33345xf32, #tpu.memory_space<vmem>>[vector<16xi32>], vector<16xf32>,
        %parallel_loop3A_1273 = arith.constant 16 : i32
        %parallel_loop3A_1274 = arith.muli %parallel_loop3A_573, %parallel_loop3A_1273 : i32
        %parallel_loop3A_1275 = arith.constant 1 : i32
        %parallel_loop3A_1276 = arith.constant 57 : i32
        %parallel_loop3A_1277 = arith.index_cast %parallel_loop3A_1275 : i32 to index
        %parallel_loop3A_1278 = arith.index_cast %parallel_loop3A_1276 : i32 to index
        %parallel_loop3A_1279 = arith.index_cast %parallel_loop3A_1274 : i32 to index
        %parallel_loop3A_1280 = tpu.vector_load %arg9[%parallel_loop3A_1277, %parallel_loop3A_1278, %parallel_loop3A_1279] {strides = array<i32>} : memref<2x64x128xf32, #tpu.memory_space<vmem>>, vector<16xf32>,
        tpu.vector_store %arg9[%parallel_loop3A_1277, %parallel_loop3A_1278, %parallel_loop3A_1279], %parallel_loop3A_1272 {strides = array<i32>} : memref<2x64x128xf32, #tpu.memory_space<vmem>>, vector<16xf32>,
        %parallel_loop3A_1281 = arith.constant 58 : i32
        %parallel_loop3A_1282 = vector.broadcast %parallel_loop3A_1281 : i32 to vector<16xi32>
        %parallel_loop3A_1283 = arith.addi %parallel_loop3A_584, %parallel_loop3A_1282 : vector<16xi32>
        %parallel_loop3A_1284 = tpu.vector_load_idx %arg6[%parallel_loop3A_1283] : memref<33345xf32, #tpu.memory_space<vmem>>[vector<16xi32>], vector<16xf32>,
        %parallel_loop3A_1285 = arith.constant 16 : i32
        %parallel_loop3A_1286 = arith.muli %parallel_loop3A_573, %parallel_loop3A_1285 : i32
        %parallel_loop3A_1287 = arith.constant 1 : i32
        %parallel_loop3A_1288 = arith.constant 58 : i32
        %parallel_loop3A_1289 = arith.index_cast %parallel_loop3A_1287 : i32 to index
        %parallel_loop3A_1290 = arith.index_cast %parallel_loop3A_1288 : i32 to index
        %parallel_loop3A_1291 = arith.index_cast %parallel_loop3A_1286 : i32 to index
        %parallel_loop3A_1292 = tpu.vector_load %arg9[%parallel_loop3A_1289, %parallel_loop3A_1290, %parallel_loop3A_1291] {strides = array<i32>} : memref<2x64x128xf32, #tpu.memory_space<vmem>>, vector<16xf32>,
        tpu.vector_store %arg9[%parallel_loop3A_1289, %parallel_loop3A_1290, %parallel_loop3A_1291], %parallel_loop3A_1284 {strides = array<i32>} : memref<2x64x128xf32, #tpu.memory_space<vmem>>, vector<16xf32>,
        %parallel_loop3A_1293 = arith.constant 59 : i32
        %parallel_loop3A_1294 = vector.broadcast %parallel_loop3A_1293 : i32 to vector<16xi32>
        %parallel_loop3A_1295 = arith.addi %parallel_loop3A_584, %parallel_loop3A_1294 : vector<16xi32>
        %parallel_loop3A_1296 = tpu.vector_load_idx %arg6[%parallel_loop3A_1295] : memref<33345xf32, #tpu.memory_space<vmem>>[vector<16xi32>], vector<16xf32>,
        %parallel_loop3A_1297 = arith.constant 16 : i32
        %parallel_loop3A_1298 = arith.muli %parallel_loop3A_573, %parallel_loop3A_1297 : i32
        %parallel_loop3A_1299 = arith.constant 1 : i32
        %parallel_loop3A_1300 = arith.constant 59 : i32
        %parallel_loop3A_1301 = arith.index_cast %parallel_loop3A_1299 : i32 to index
        %parallel_loop3A_1302 = arith.index_cast %parallel_loop3A_1300 : i32 to index
        %parallel_loop3A_1303 = arith.index_cast %parallel_loop3A_1298 : i32 to index
        %parallel_loop3A_1304 = tpu.vector_load %arg9[%parallel_loop3A_1301, %parallel_loop3A_1302, %parallel_loop3A_1303] {strides = array<i32>} : memref<2x64x128xf32, #tpu.memory_space<vmem>>, vector<16xf32>,
        tpu.vector_store %arg9[%parallel_loop3A_1301, %parallel_loop3A_1302, %parallel_loop3A_1303], %parallel_loop3A_1296 {strides = array<i32>} : memref<2x64x128xf32, #tpu.memory_space<vmem>>, vector<16xf32>,
        %parallel_loop3A_1305 = arith.constant 60 : i32
        %parallel_loop3A_1306 = vector.broadcast %parallel_loop3A_1305 : i32 to vector<16xi32>
        %parallel_loop3A_1307 = arith.addi %parallel_loop3A_584, %parallel_loop3A_1306 : vector<16xi32>
        %parallel_loop3A_1308 = tpu.vector_load_idx %arg6[%parallel_loop3A_1307] : memref<33345xf32, #tpu.memory_space<vmem>>[vector<16xi32>], vector<16xf32>,
        %parallel_loop3A_1309 = arith.constant 16 : i32
        %parallel_loop3A_1310 = arith.muli %parallel_loop3A_573, %parallel_loop3A_1309 : i32
        %parallel_loop3A_1311 = arith.constant 1 : i32
        %parallel_loop3A_1312 = arith.constant 60 : i32
        %parallel_loop3A_1313 = arith.index_cast %parallel_loop3A_1311 : i32 to index
        %parallel_loop3A_1314 = arith.index_cast %parallel_loop3A_1312 : i32 to index
        %parallel_loop3A_1315 = arith.index_cast %parallel_loop3A_1310 : i32 to index
        %parallel_loop3A_1316 = tpu.vector_load %arg9[%parallel_loop3A_1313, %parallel_loop3A_1314, %parallel_loop3A_1315] {strides = array<i32>} : memref<2x64x128xf32, #tpu.memory_space<vmem>>, vector<16xf32>,
        tpu.vector_store %arg9[%parallel_loop3A_1313, %parallel_loop3A_1314, %parallel_loop3A_1315], %parallel_loop3A_1308 {strides = array<i32>} : memref<2x64x128xf32, #tpu.memory_space<vmem>>, vector<16xf32>,
        %parallel_loop3A_1317 = arith.constant 61 : i32
        %parallel_loop3A_1318 = vector.broadcast %parallel_loop3A_1317 : i32 to vector<16xi32>
        %parallel_loop3A_1319 = arith.addi %parallel_loop3A_584, %parallel_loop3A_1318 : vector<16xi32>
        %parallel_loop3A_1320 = tpu.vector_load_idx %arg6[%parallel_loop3A_1319] : memref<33345xf32, #tpu.memory_space<vmem>>[vector<16xi32>], vector<16xf32>,
        %parallel_loop3A_1321 = arith.constant 16 : i32
        %parallel_loop3A_1322 = arith.muli %parallel_loop3A_573, %parallel_loop3A_1321 : i32
        %parallel_loop3A_1323 = arith.constant 1 : i32
        %parallel_loop3A_1324 = arith.constant 61 : i32
        %parallel_loop3A_1325 = arith.index_cast %parallel_loop3A_1323 : i32 to index
        %parallel_loop3A_1326 = arith.index_cast %parallel_loop3A_1324 : i32 to index
        %parallel_loop3A_1327 = arith.index_cast %parallel_loop3A_1322 : i32 to index
        %parallel_loop3A_1328 = tpu.vector_load %arg9[%parallel_loop3A_1325, %parallel_loop3A_1326, %parallel_loop3A_1327] {strides = array<i32>} : memref<2x64x128xf32, #tpu.memory_space<vmem>>, vector<16xf32>,
        tpu.vector_store %arg9[%parallel_loop3A_1325, %parallel_loop3A_1326, %parallel_loop3A_1327], %parallel_loop3A_1320 {strides = array<i32>} : memref<2x64x128xf32, #tpu.memory_space<vmem>>, vector<16xf32>,
        %parallel_loop3A_1329 = arith.constant 62 : i32
        %parallel_loop3A_1330 = vector.broadcast %parallel_loop3A_1329 : i32 to vector<16xi32>
        %parallel_loop3A_1331 = arith.addi %parallel_loop3A_584, %parallel_loop3A_1330 : vector<16xi32>
        %parallel_loop3A_1332 = tpu.vector_load_idx %arg6[%parallel_loop3A_1331] : memref<33345xf32, #tpu.memory_space<vmem>>[vector<16xi32>], vector<16xf32>,
        %parallel_loop3A_1333 = arith.constant 16 : i32
        %parallel_loop3A_1334 = arith.muli %parallel_loop3A_573, %parallel_loop3A_1333 : i32
        %parallel_loop3A_1335 = arith.constant 1 : i32
        %parallel_loop3A_1336 = arith.constant 62 : i32
        %parallel_loop3A_1337 = arith.index_cast %parallel_loop3A_1335 : i32 to index
        %parallel_loop3A_1338 = arith.index_cast %parallel_loop3A_1336 : i32 to index
        %parallel_loop3A_1339 = arith.index_cast %parallel_loop3A_1334 : i32 to index
        %parallel_loop3A_1340 = tpu.vector_load %arg9[%parallel_loop3A_1337, %parallel_loop3A_1338, %parallel_loop3A_1339] {strides = array<i32>} : memref<2x64x128xf32, #tpu.memory_space<vmem>>, vector<16xf32>,
        tpu.vector_store %arg9[%parallel_loop3A_1337, %parallel_loop3A_1338, %parallel_loop3A_1339], %parallel_loop3A_1332 {strides = array<i32>} : memref<2x64x128xf32, #tpu.memory_space<vmem>>, vector<16xf32>,
        %parallel_loop3A_1341 = arith.constant 63 : i32
        %parallel_loop3A_1342 = vector.broadcast %parallel_loop3A_1341 : i32 to vector<16xi32>
        %parallel_loop3A_1343 = arith.addi %parallel_loop3A_584, %parallel_loop3A_1342 : vector<16xi32>
        %parallel_loop3A_1344 = tpu.vector_load_idx %arg6[%parallel_loop3A_1343] : memref<33345xf32, #tpu.memory_space<vmem>>[vector<16xi32>], vector<16xf32>,
        %parallel_loop3A_1345 = arith.constant 16 : i32
        %parallel_loop3A_1346 = arith.muli %parallel_loop3A_573, %parallel_loop3A_1345 : i32
        %parallel_loop3A_1347 = arith.constant 1 : i32
        %parallel_loop3A_1348 = arith.constant 63 : i32
        %parallel_loop3A_1349 = arith.index_cast %parallel_loop3A_1347 : i32 to index
        %parallel_loop3A_1350 = arith.index_cast %parallel_loop3A_1348 : i32 to index
        %parallel_loop3A_1351 = arith.index_cast %parallel_loop3A_1346 : i32 to index
        %parallel_loop3A_1352 = tpu.vector_load %arg9[%parallel_loop3A_1349, %parallel_loop3A_1350, %parallel_loop3A_1351] {strides = array<i32>} : memref<2x64x128xf32, #tpu.memory_space<vmem>>, vector<16xf32>,
        tpu.vector_store %arg9[%parallel_loop3A_1349, %parallel_loop3A_1350, %parallel_loop3A_1351], %parallel_loop3A_1344 {strides = array<i32>} : memref<2x64x128xf32, #tpu.memory_space<vmem>>, vector<16xf32>,
      } {sc.loop_unroll_factor = 4 : i64, sc.parallel_access}
      %dma_start3A_555 = arith.constant 1 : i32
      %dma_start3A_556 = arith.constant 1 : i32
      %dma_start3A_557 = arith.constant 0 : i32
      %dma_start3A_558 = arith.constant 0 : i32
      %dma_start3A_559 = tpu.memref_slice %arg9[%dma_start3A_555, %dma_start3A_557, %dma_start3A_558] : memref<2x64x128xf32, #tpu.memory_space<vmem>> -> memref<1x64x128xf32, #tpu.memory_space<vmem>>
      %dma_start3A_560 = tpu.memref_squeeze %dma_start3A_559 : memref<1x64x128xf32, #tpu.memory_space<vmem>> -> memref<64x128xf32, #tpu.memory_space<vmem>>
      %dma_start3A_561 = arith.constant 0 : i32
      %dma_start3A_562 = tpu.memref_slice %arg4[%add3A_546, %dma_start3A_561, %mul3A_2] : memref<200x64x4096xf32, #tpu.memory_space<hbm>> -> memref<1x64x128xf32, #tpu.memory_space<hbm>>
      %dma_start3A_563 = tpu.memref_squeeze %dma_start3A_562 : memref<1x64x128xf32, #tpu.memory_space<hbm>> -> memref<64x128xf32, #tpu.memory_space<hbm>>
      %dma_start3A_564 = tpu.memref_slice %arg12[%dma_start3A_556] : memref<2x!tpu.dma_semaphore, #tpu.memory_space<semaphore_mem>> -> memref<1x!tpu.dma_semaphore, #tpu.memory_space<semaphore_mem>>
      %dma_start3A_565 = tpu.memref_squeeze %dma_start3A_564 : memref<1x!tpu.dma_semaphore, #tpu.memory_space<semaphore_mem>> -> memref<!tpu.dma_semaphore, #tpu.memory_space<semaphore_mem>>
      %dma_start3A_566 = arith.constant 0 : i32
      %dma_start3A_567 = tpu.memref_slice %arg4[%add3A_546, %dma_start3A_566, %mul3A_2] : memref<200x64x4096xf32, #tpu.memory_space<hbm>> -> memref<1x64x128xf32, #tpu.memory_space<hbm>>
      %dma_start3A_568 = tpu.memref_squeeze %dma_start3A_567 : memref<1x64x128xf32, #tpu.memory_space<hbm>> -> memref<64x128xf32, #tpu.memory_space<hbm>>
      %dma_start3A_569 = arith.constant 0 : i32
      %dma_start3A_570 = arith.constant 0 : i32
      %dma_start3A_571 = tpu.memref_slice %arg9[%dma_start3A_555, %dma_start3A_569, %dma_start3A_570] : memref<2x64x128xf32, #tpu.memory_space<vmem>> -> memref<1x64x128xf32, #tpu.memory_space<vmem>>
      %dma_start3A_572 = tpu.memref_squeeze %dma_start3A_571 : memref<1x64x128xf32, #tpu.memory_space<vmem>> -> memref<64x128xf32, #tpu.memory_space<vmem>>
      tpu.enqueue_dma source(%dma_start3A_572 : memref<64x128xf32, #tpu.memory_space<vmem>>) target(%dma_start3A_568 : memref<64x128xf32, #tpu.memory_space<hbm>>) target_semaphore(%dma_start3A_565 : memref<!tpu.dma_semaphore, #tpu.memory_space<semaphore_mem>>)
    }
    %scan3A_474 = arith.constant 100 : i32
    %dma_wait3A_475 = arith.constant 0 : i32
    %dma_wait3A_476 = arith.constant 0 : i32
    %dma_wait3A_477 = arith.constant 0 : i32
    %dma_wait3A_478 = arith.constant 0 : i32
    %dma_wait3A_479 = arith.constant 0 : i32
    %dma_wait3A_480 = tpu.memref_slice %arg9[%dma_wait3A_475, %dma_wait3A_478, %dma_wait3A_479] : memref<2x64x128xf32, #tpu.memory_space<vmem>> -> memref<1x64x128xf32, #tpu.memory_space<vmem>>
    %dma_wait3A_481 = tpu.memref_squeeze %dma_wait3A_480 : memref<1x64x128xf32, #tpu.memory_space<vmem>> -> memref<64x128xf32, #tpu.memory_space<vmem>>
    %dma_wait3A_482 = arith.constant 0 : i32
    %dma_wait3A_483 = arith.constant 0 : i32
    %dma_wait3A_484 = tpu.memref_slice %arg4[%dma_wait3A_476, %dma_wait3A_482, %dma_wait3A_483] : memref<200x64x4096xf32, #tpu.memory_space<hbm>> -> memref<1x64x128xf32, #tpu.memory_space<hbm>>
    %dma_wait3A_485 = tpu.memref_squeeze %dma_wait3A_484 : memref<1x64x128xf32, #tpu.memory_space<hbm>> -> memref<64x128xf32, #tpu.memory_space<hbm>>
    %dma_wait3A_486 = tpu.memref_slice %arg12[%dma_wait3A_477] : memref<2x!tpu.dma_semaphore, #tpu.memory_space<semaphore_mem>> -> memref<1x!tpu.dma_semaphore, #tpu.memory_space<semaphore_mem>>
    %dma_wait3A_487 = tpu.memref_squeeze %dma_wait3A_486 : memref<1x!tpu.dma_semaphore, #tpu.memory_space<semaphore_mem>> -> memref<!tpu.dma_semaphore, #tpu.memory_space<semaphore_mem>>
    %dma_wait3A_488 = arith.constant 0 : i32
    %dma_wait3A_489 = arith.constant 0 : i32
    %dma_wait3A_490 = tpu.memref_slice %arg4[%dma_wait3A_476, %dma_wait3A_488, %dma_wait3A_489] : memref<200x64x4096xf32, #tpu.memory_space<hbm>> -> memref<1x64x128xf32, #tpu.memory_space<hbm>>
    %dma_wait3A_491 = tpu.memref_squeeze %dma_wait3A_490 : memref<1x64x128xf32, #tpu.memory_space<hbm>> -> memref<64x128xf32, #tpu.memory_space<hbm>>
    %dma_wait3A_492 = arith.constant 0 : i32
    %dma_wait3A_493 = arith.constant 0 : i32
    %dma_wait3A_494 = tpu.memref_slice %arg9[%dma_wait3A_475, %dma_wait3A_492, %dma_wait3A_493] : memref<2x64x128xf32, #tpu.memory_space<vmem>> -> memref<1x64x128xf32, #tpu.memory_space<vmem>>
    %dma_wait3A_495 = tpu.memref_squeeze %dma_wait3A_494 : memref<1x64x128xf32, #tpu.memory_space<vmem>> -> memref<64x128xf32, #tpu.memory_space<vmem>>
    tpu.wait_dma2 semaphore(%dma_wait3A_487 : memref<!tpu.dma_semaphore, #tpu.memory_space<semaphore_mem>>) src(%dma_wait3A_495 : memref<64x128xf32, #tpu.memory_space<vmem>>) dst(%dma_wait3A_491 : memref<64x128xf32, #tpu.memory_space<hbm>>)
    %dma_wait3A_496 = arith.constant 1 : i32
    %dma_wait3A_497 = arith.constant 0 : i32
    %dma_wait3A_498 = arith.constant 1 : i32
    %dma_wait3A_499 = arith.constant 0 : i32
    %dma_wait3A_500 = arith.constant 0 : i32
    %dma_wait3A_501 = tpu.memref_slice %arg9[%dma_wait3A_496, %dma_wait3A_499, %dma_wait3A_500] : memref<2x64x128xf32, #tpu.memory_space<vmem>> -> memref<1x64x128xf32, #tpu.memory_space<vmem>>
    %dma_wait3A_502 = tpu.memref_squeeze %dma_wait3A_501 : memref<1x64x128xf32, #tpu.memory_space<vmem>> -> memref<64x128xf32, #tpu.memory_space<vmem>>
    %dma_wait3A_503 = arith.constant 0 : i32
    %dma_wait3A_504 = arith.constant 0 : i32
    %dma_wait3A_505 = tpu.memref_slice %arg4[%dma_wait3A_497, %dma_wait3A_503, %dma_wait3A_504] : memref<200x64x4096xf32, #tpu.memory_space<hbm>> -> memref<1x64x128xf32, #tpu.memory_space<hbm>>
    %dma_wait3A_506 = tpu.memref_squeeze %dma_wait3A_505 : memref<1x64x128xf32, #tpu.memory_space<hbm>> -> memref<64x128xf32, #tpu.memory_space<hbm>>
    %dma_wait3A_507 = tpu.memref_slice %arg12[%dma_wait3A_498] : memref<2x!tpu.dma_semaphore, #tpu.memory_space<semaphore_mem>> -> memref<1x!tpu.dma_semaphore, #tpu.memory_space<semaphore_mem>>
    %dma_wait3A_508 = tpu.memref_squeeze %dma_wait3A_507 : memref<1x!tpu.dma_semaphore, #tpu.memory_space<semaphore_mem>> -> memref<!tpu.dma_semaphore, #tpu.memory_space<semaphore_mem>>
    %dma_wait3A_509 = arith.constant 0 : i32
    %dma_wait3A_510 = arith.constant 0 : i32
    %dma_wait3A_511 = tpu.memref_slice %arg4[%dma_wait3A_497, %dma_wait3A_509, %dma_wait3A_510] : memref<200x64x4096xf32, #tpu.memory_space<hbm>> -> memref<1x64x128xf32, #tpu.memory_space<hbm>>
    %dma_wait3A_512 = tpu.memref_squeeze %dma_wait3A_511 : memref<1x64x128xf32, #tpu.memory_space<hbm>> -> memref<64x128xf32, #tpu.memory_space<hbm>>
    %dma_wait3A_513 = arith.constant 0 : i32
    %dma_wait3A_514 = arith.constant 0 : i32
    %dma_wait3A_515 = tpu.memref_slice %arg9[%dma_wait3A_496, %dma_wait3A_513, %dma_wait3A_514] : memref<2x64x128xf32, #tpu.memory_space<vmem>> -> memref<1x64x128xf32, #tpu.memory_space<vmem>>
    %dma_wait3A_516 = tpu.memref_squeeze %dma_wait3A_515 : memref<1x64x128xf32, #tpu.memory_space<vmem>> -> memref<64x128xf32, #tpu.memory_space<vmem>>
    tpu.wait_dma2 semaphore(%dma_wait3A_508 : memref<!tpu.dma_semaphore, #tpu.memory_space<semaphore_mem>>) src(%dma_wait3A_516 : memref<64x128xf32, #tpu.memory_space<vmem>>) dst(%dma_wait3A_512 : memref<64x128xf32, #tpu.memory_space<hbm>>)
    return
  }
}

module attributes {stable_mosaic.version = 14 : i64} {
  func.func @_renorm_body(%arg0: memref<513x64xf32, #tpu.memory_space<vmem>>, %arg1: memref<513x64xf32, #tpu.memory_space<vmem>>) attributes {dimension_semantics = [], scalar_prefetch = 0 : i64, scratch_operands = 0 : i64, tpu.core_type = #tpu.core_type<tc>} {
    %get3A = arith.constant 0 : index
    %get3A_0 = arith.constant 0 : index
    %get3A_1 = vector.load %arg0[%get3A, %get3A_0] : memref<513x64xf32, #tpu.memory_space<vmem>>, vector<513x64xf32>
    %abs3A = math.absf %get3A_1 : vector<513x64xf32>
    %reduce_max3A = arith.constant dense<0xFF800000> : vector<513xf32>
    %reduce_max3A_2 = vector.multi_reduction <maximumf>, %abs3A, %reduce_max3A [1] : vector<513x64xf32> to vector<513xf32>
    %broadcast_in_dim3A = vector.shape_cast %reduce_max3A_2 : vector<513xf32> to vector<513x1xf32>
    %gt3A = arith.constant 1.000000e+00 : f32
    %gt3A_3 = vector.broadcast %gt3A : f32 to vector<513x1xf32>
    %gt3A_4 = arith.cmpf ogt, %broadcast_in_dim3A, %gt3A_3 : vector<513x1xf32>
    %add3A = arith.constant 1.000000e-07 : f32
    %add3A_5 = vector.broadcast %add3A : f32 to vector<513x1xf32>
    %add3A_6 = arith.addf %broadcast_in_dim3A, %add3A_5 : vector<513x1xf32>
    %div3A = arith.constant 1.000000e+00 : f32
    %div3A_7 = vector.broadcast %div3A : f32 to vector<513x1xf32>
    %div3A_8 = arith.divf %div3A_7, %add3A_6 : vector<513x1xf32>
    %jit3A = arith.constant 1.000000e+00 : f32
    %broadcast_in_dim3A_9 = vector.broadcast %jit3A : f32 to vector<513x1xf32>
    %select_n3A = arith.select %gt3A_4, %div3A_8, %broadcast_in_dim3A_9 : vector<513x1xi1>, vector<513x1xf32>
    %mul3A = vector.broadcast %select_n3A : vector<513x1xf32> to vector<513x64xf32>
    %mul3A_10 = arith.mulf %get3A_1, %mul3A : vector<513x64xf32>
    %swap3A = arith.constant 0 : index
    %swap3A_11 = arith.constant 0 : index
    %swap3A_12 = vector.load %arg1[%swap3A, %swap3A_11] : memref<513x64xf32, #tpu.memory_space<vmem>>, vector<513x64xf32>
    tpu.vector_store %arg1[%swap3A, %swap3A_11], %mul3A_10 {strides = array<i32>} : memref<513x64xf32, #tpu.memory_space<vmem>>, vector<513x64xf32>,
    return
  }
}

</mosaic_0001>

<sc_bundles>
// kernel: kernel.4.cloned.1.call-start
scs
__scs_entry_jumppad:
0x0: {  	(pc) =	sbr.rel $0x88, $3  }
0x1: {  	(tag) =	ssettag $0x0;
	lr =	simm.s32 $0x1  }
0x2: {  	[smem:$0x3F9F] =	sst lr;
	_ =	strace $0xD0000000  }
0x3: {  	_ = 	snop  }
0x4: {  	_ = 	snop  }
0x5: {  	_ = 	snop  }
0x6: {  	_ = 	snop  }
0x7: {  	_ = 	snop  }
__scs_overlays_trampoline_lowered:
0x8: {  	[smem:$0x3FAE] =	sst s0  }
0x9: {  	[smem:$0x3FAF] =	sst s1  }
0xa: {  	[smem:$0x3FB0] =	sst s2  }
0xb: {  	[smem:$0x3FB1] =	sst s3  }
0xc: {  	[smem:$0x3FB2] =	sst s4  }
0xd: {  	[smem:$0x3FB3] =	sst s5  }
0xe: {  	[smem:$0x3FB4] =	sst s6  }
0xf: {  	[smem:$0x3FB5] =	sst s7  }
0x10: {  	[smem:$0x3FB6] =	sst s8  }
0x11: {  	[smem:$0x3FB7] =	sst s9;
	s0 =	simm.s32 @!p0 $0x0  }
0x12: {  	s1 =	sld [smem:$0x3F9D];
	s0 =	simm.s32 @p0 $0x1  }
0x13: {  	[smem:$0x3FB8] =	sst s0;
	s0 =	simm.s32 @!p1 $0x0  }
0x14: {  	s2 =	sld [smem:$0x3F9C];
	s0 =	simm.s32 @p1 $0x1  }
0x15: {  	[smem:$0x3FB9] =	sst s0;
	s0 =	simm.s32 @!p2 $0x0  }
0x16: {  	s3 =	sld [smem:$0x3FDB];
	s0 =	simm.s32 @p2 $0x1  }
0x17: {  	s4 =	simm.s32 $0x1BF5;
	[smem:$0x3FBB] =	sst s0  }
0x18: {  	s0 =	sld [smem:$0x3F9E];
	_ =	swait.ge [sflag:s4], $0x0  }
0x19: {  	s7 =	sld [smem:$0x3F9F]  }
0x1a: {  	s8 =	sadd.s32 $0xFFFFE003, lr  }
0x1b: {  	s9 =	sadd.s32 $0xFFFFFEF7, lr;
	s5 =	simm.s32 $0xFFFFFFFF;
	p2 =	slt.u32 s8, $0xFFFFF086  }
0x1c: {  	p1 =	slt.u32 s9, $0xF7A;
	s5 =	simm.s32 @!p2 $0x0  }
0x1d: {  	s5 =	simm.s32 @p1 $0x1;
	p0 =	seq.s32 s7, s2  }
0x1e: {  	s7 =	smul.u32 @!p0 $0xF7A, s2;
	p2 =	seq.s32 @!p0 s5, $0x0  }
0x1f: {  	s9 =	smul.u32 $0xF7A, s1;
	s8 =	simm.s32 @!p0 $0x1BF5;
	p2 =	por !p2, p0  }
0x20: {  	[sflag:s8] =	ssyncset.s32 @!p0 $0xFFFFF086;
	s6 =	sadd.s32 @!p0 s3, s7;
	s7 =	simm.s32 @!p0 $0x108  }
0x21: {  	s3 =	sadd.s32 s3, s9;
	s6 =	sadd.s32 @!p0 $0x88, s6;
	s7 =	simm.s32 @p2 $0x1082  }
0x22: {  	[simem:s7], [sflag:s8] =	dma.local @!p0 [hbm:s6], $0xF7A  }
0x23: {  	s9 =	sor.u32 $0xD0000000, s2;
	s6 =	simm.s32 $0x108;
	_ =	swait.ge @!p0 [sflag:s8], $0x0  }
0x24: {  	s3 =	sadd.s32 $0x88, s3;
	s6 =	simm.s32 @!p1 $0x1082;
	[sflag:s4] =	ssyncset.s32 $0xFFFFF086  }
0x25: {  	[simem:s6], [sflag:s4] =	dma.local [hbm:s3], $0xF7A  }
0x26: {  	[smem:$0x3F9F] =	sst s1;
	(tag) =	ssettag s2;
	_ =	strace s9  }
0x27: {  	s1 =	sld [smem:$0x3FAF]  }
0x28: {  	s2 =	sld [smem:$0x3FB0]  }
0x29: {  	s4 =	sld [smem:$0x3FB2]  }
0x2a: {  	p0 =	seq.s32 s5, $0x0;
	s5 =	sld [smem:$0x3FB3]  }
0x2b: {  	s6 =	sld [smem:$0x3FB4]  }
0x2c: {  	s7 =	sld [smem:$0x3FB5]  }
0x2d: {  	s3 =	simm.s32 $0x108;
	s8 =	sld [smem:$0x3FB6]  }
0x2e: {  	s3 =	simm.s32 @!p0 $0x1082;
	s9 =	sld [smem:$0x3FB7]  }
0x2f: {  	lr =	sadd.s32 s0, s3;
	s0 =	sld [smem:$0x3FAE]  }
0x30: {  	s3 =	sld [smem:$0x3FB1]  }
0x31: {  	[smem:$0x3FBA] =	sst s10  }
0x32: {  	s10 =	sld [smem:$0x3FB8];
	_ =	sdelay $0x3  }
0x33: {  	p0 =	seq.s32 s10, $0x1;
	s10 =	sld [smem:$0x3FBA];
	_ =	sdelay $0x3  }
0x34: {  	[smem:$0x3FBA] =	sst s10  }
0x35: {  	s10 =	sld [smem:$0x3FB9];
	_ =	sdelay $0x3  }
0x36: {  	p1 =	seq.s32 s10, $0x1;
	s10 =	sld [smem:$0x3FBA];
	_ =	sdelay $0x3  }
0x37: {  	[smem:$0x3FBA] =	sst s10  }
0x38: {  	s10 =	sld [smem:$0x3FBB]  }
0x39: {  	_ = 	snop;
	(pc) =	sbr.ind lr, $3  }
0x3a: {  	_ = 	snop  }
0x3b: {  	_ = 	snop  }
0x3c: {  	p2 =	seq.s32 s10, $0x1;
	s10 =	sld [smem:$0x3FBA]  }
0x3d: {  	_ =	shalt  }
0x3e: {  	_ =	shalt  }
0x3f: {  	_ =	shalt  }
0x40: {  	_ =	shalt  }
0x41: {  	_ =	shalt  }
0x42: {  	_ =	shalt  }
0x43: {  	_ =	shalt  }
0x44: {  	_ =	shalt  }
0x45: {  	_ =	shalt  }
0x46: {  	_ =	shalt  }
0x47: {  	_ =	shalt  }
0x48: {  	_ =	shalt  }
0x49: {  	_ =	shalt  }
0x4a: {  	_ =	shalt  }
0x4b: {  	_ =	shalt  }
0x4c: {  	_ =	shalt  }
0x4d: {  	_ =	shalt  }
0x4e: {  	_ =	shalt  }
0x4f: {  	_ =	shalt  }
0x50: {  	_ =	shalt  }
0x51: {  	_ =	shalt  }
0x52: {  	_ =	shalt  }
0x53: {  	_ =	shalt  }
0x54: {  	_ =	shalt  }
0x55: {  	_ =	shalt  }
0x56: {  	_ =	shalt  }
0x57: {  	_ =	shalt  }
0x58: {  	_ =	shalt  }
0x59: {  	_ =	shalt  }
0x5a: {  	_ =	shalt  }
0x5b: {  	_ =	shalt  }
0x5c: {  	_ =	shalt  }
0x5d: {  	_ =	shalt  }
0x5e: {  	_ =	shalt  }
0x5f: {  	_ =	shalt  }
0x60: {  	_ =	shalt  }
0x61: {  	_ =	shalt  }
0x62: {  	_ =	shalt  }
0x63: {  	_ =	shalt  }
0x64: {  	_ =	shalt  }
0x65: {  	_ =	shalt  }
0x66: {  	_ =	shalt  }
0x67: {  	_ =	shalt  }
0x68: {  	_ =	shalt  }
0x69: {  	_ =	shalt  }
0x6a: {  	_ =	shalt  }
0x6b: {  	_ =	shalt  }
0x6c: {  	_ =	shalt  }
0x6d: {  	_ =	shalt  }
0x6e: {  	_ =	shalt  }
0x6f: {  	_ =	shalt  }
0x70: {  	_ =	shalt  }
0x71: {  	_ =	shalt  }
0x72: {  	_ =	shalt  }
0x73: {  	_ =	shalt  }
0x74: {  	_ =	shalt  }
0x75: {  	_ =	shalt  }
0x76: {  	_ =	shalt  }
0x77: {  	_ =	shalt  }
0x78: {  	_ =	shalt  }
0x79: {  	_ =	shalt  }
0x7a: {  	_ =	shalt  }
0x7b: {  	_ =	shalt  }
0x7c: {  	_ =	shalt  }
0x7d: {  	_ =	shalt  }
0x7e: {  	_ =	shalt  }
0x7f: {  	_ =	shalt  }
0x80: {  	_ =	shalt  }
0x81: {  	_ =	shalt  }
0x82: {  	_ =	shalt  }
0x83: {  	_ =	shalt  }
0x84: {  	_ =	shalt  }
0x85: {  	_ =	shalt  }
0x86: {  	_ =	shalt  }
0x87: {  	_ =	shalt  }
.Lfunc_end0:
.L_simem_size_0:
called_computation_lowered:
.L_overlay_start_0:
0x88: {  	s2 =	sld [smem:$0x3FD9]  }
0x89: {  	s3 =	sld [smem:$0x3FFE];
	_ =	sdelay $0x1  }
0x8a: {  	s1 =	srdreg.scid  }
0x8b: {  	s0 =	sand.u32 $0x1, s1  }
0x8c: {  	s17 =	sshll.u32 s0, $0xA;
	s2 =	sadd.s32 s3, s2  }
0x8d: {  	s2 =	sadd.s32 s2, s17  }
0x8e: {  	[smem:$0x3FC6] =	sst s2  }
0x8f: {  	_ = 	snop  }
0x90: {  	s2 =	sld [smem:$0x3FD0];
	(tm) =	ssettm $0x1  }
0x91: {  	s18 =	sld [smem:$0x3FFB];
	_ =	sdelay $0x3  }
0x92: {  	_ =	strace s18  }
0x93: {  	s3 =	sld [smem:$0x3FFC];
	_ =	sdelay $0x3  }
0x94: {  	_ =	strace s3  }
0x95: {  	s3 =	sld [smem:$0x3FFD];
	_ =	sdelay $0x3  }
0x96: {  	_ =	strace s3  }
0x97: {  	_ =	strace $0x8FFFFFFF  }
0x98: {  	s19 =	sld [smem:$0x3FDB];
	_ =	sdelay $0x1  }
0x99: {  	s4 =	simm.s32 $_scs_section_size  }
0x9a: {  	s5 =	simm.s32 $_size__tile_overlayer_lowered;
	s6 =	simm.s32 $_tile_overlayer_lowered  }
0x9b: {  	s22 =	simm.s32 $0x1BFF;
	s21 =	sshll.u32 s6, $0x1;
	s3 =	sadd.s32 s4, s19  }
0x9c: {  	s7 =	simm.s32 $0x0;
	s20 =	sshll.u32 s5, $0x1;
	s5 =	sadd.s32 s21, s3  }
0x9d: {  	[timem:s7], [sflag:s22] =	dma.local [hbm:s5], s20  }
0x9e: {  	_ =	swait.ge [sflag:s22], s20  }
0x9f: {  	s4 =	ssub.s32 $0x0, s20;
	[sflag:s22] =	ssyncset.done $0x0  }
0xa0: {  	[sflag:s22] =	ssyncadd.s32 s4;
	_ =	sdelay $0x1  }
0xa1: {  	s23 =	simm.s32 $0x1B8B  }
0xa2: {  	_ =	swait.ge [sflag:s23], $0x1  }
0xa3: {  	[sflag:s23] =	ssyncset.done $0x0  }
0xa4: {  	s25 =	simm.s32 $0x1B8E;
	s24 =	sld [smem:$0x3FFE];
	[sflag:s23] =	ssyncadd.s32 $0xFFFFFFFF  }
0xa5: {  	s26 =	simm.s32 $execute0_lowered;
	[smem:$0x3FD2] =	sst s25  }
0xa6: {  	s5 =	sshll.u32 s26, $0x1;
	_ =	strace $0x80000046;
	[dreg:$0x1] =	wrdreg $0xFFFFFFFF  }
0xa7: {  	s28 =	simm.s32 $_size_execute0_lowered;
	s3 =	sadd.s32 s3, s5;
	[dreg:$0x0] =	wrdreg $0x0  }
0xa8: {  	s5 =	sshll.u32 s28, $0x1;
	[dreg:$0x2] =	wrdreg s3  }
0xa9: {  	[dreg:$0x3] =	wrdreg s5  }
0xaa: {  	[dreg:$0x4] =	wrdreg $0xC0  }
0xab: {  	_ =	task [dreg:s7], $0x5FFFF  }
0xac: {  	[dreg:$0x1] =	wrdreg $0xFFFFFFFF  }
0xad: {  	[dreg:$0x0] =	wrdreg $0x60  }
0xae: {  	[dreg:$0x2] =	wrdreg s24  }
0xaf: {  	[dreg:$0x3] =	wrdreg s2  }
0xb0: {  	[dreg:$0x4] =	wrdreg $0x9  }
0xb1: {  	_ =	task.clear_ibuf [dreg:s7], $0x5FFFF;
	_ =	strace $0x90000046  }
0xb2: {  	s29 =	simm.s32 $0x9;
	_ =	strace $0x80000048  }
0xb3: {  	_ =	swait.ge [sflag:s29], $0x1  }
0xb4: {  	[sflag:s29] =	ssyncadd.s32 $0xFFFFFFFF  }
0xb5: {  	_ =	strace $0x90000048  }
0xb6: {  	_ =	sfence  }
0xb7: {  	s30 =	sld [smem:$0x0];
	_ =	sdelay $0x2  }
0xb8: {  	s31 =	sshll.u32 s1, $0xD;
	s1 =	sshrl.u32 s1, $0x2  }
0xb9: {  	s3 =	sand.u32 $0x4000, s31;
	s1 =	sadd.s32 s1, s30  }
0xba: {  	s0 =	sor.u32 s3, s0;
	s1 =	sshll.u32 s1, $0x11  }
0xbb: {  	s0 =	sor.u32 s1, s0  }
0xbc: {  	s0 =	sadd.s32 $0x8F2B, s0  }
0xbd: {  	[sflag:s0] =	ssyncadd.remote.s32 $0x1  }
0xbe: {  	_ =	sfence.sel $0xFFFF  }
0xbf: {  	[dreg:$0x0] =	wrdreg $0xFFFFFFFF;
	(pc) =	sbr.abs _section_cstart, $3  }
0xc0: {  	[dreg:$0x1] =	wrdreg $0xFFFFFFFF  }
0xc1: {  	_ =	task.clear_ibuf [dreg:s7], $0x2FFFF;
	_ =	strace $0x9FFFFFFF  }
0xc2: {  	(tm) =	ssettm $0x7FFFFFFF  }
0xc3: {  	_ =	shalt  }
tec
execute0_lowered:
.L_overlay_start_1:
0x0: {  	(tag) =	ssettag $0x1  }
0x1: {  	v0 =	vlaneseq.u32  }
0x2: {  	v4 =	vimm.s32 $0xB80;
	vm14 =	vcmask $0x300;
	v5 =	vimm.s32 $0x1B80  }
0x3: {  	vm13 =	vcmask $0x704;
	vm12 =	vcmask $0xB08;
	vm11 =	vcmask $0xF0C  }
0x4: {  	vm10 =	vcmask $0x1310;
	vm9 =	vcmask $0x1714;
	vm8 =	vcmask $0x1B18  }
0x5: {  	vm7 =	vcmask $0x1F1C;
	vm6 =	vcmask $0x2320;
	vm5 =	vcmask $0x2724  }
0x6: {  	vm4 =	vcmask $0x2B28;
	vm3 =	vcmask $0x2F2C;
	vm2 =	vcmask $0x3330  }
0x7: {  	vm1 =	vcmask $0x3734;
	vm0 =	vcmask $0x3B38;
	v8 =	vimm.s32 $0x3B80  }
0x8: {  	v9 =	vimm.s32 $0x4B80;
	v10 =	vimm.s32 $0x5B80;
	v11 =	vimm.s32 $0x6B80  }
0x9: {  	v12 =	vimm.s32 $0x7B80;
	v1 =	vor.u32 $0x8200, v0;
	v2 =	vor.u32 $0x8210, v0  }
0xa: {  	v3 =	vor.u32 $0x8220, v0;
	v4 =	vsel vm14, $0x0, v4;
	v5 =	vsel vm14, $0x1000, v5  }
0xb: {  	v8 =	vsel vm14, $0x3000, v8;
	v9 =	vsel vm14, $0x4000, v9;
	v10 =	vsel vm14, $0x5000, v10  }
0xc: {  	v11 =	vsel vm14, $0x6000, v11;
	v12 =	vsel vm14, $0x7000, v12;
	v4 =	vsel vm13, $0x80, v4  }
0xd: {  	v5 =	vsel vm13, $0x1080, v5;
	v8 =	vsel vm13, $0x3080, v8;
	v9 =	vsel vm13, $0x4080, v9  }
0xe: {  	v10 =	vsel vm13, $0x5080, v10;
	v11 =	vsel vm13, $0x6080, v11;
	v12 =	vsel vm13, $0x7080, v12  }
0xf: {  	v4 =	vsel vm12, $0x100, v4;
	v5 =	vsel vm12, $0x1100, v5;
	v8 =	vsel vm12, $0x3100, v8  }
0x10: {  	v9 =	vsel vm12, $0x4100, v9;
	v10 =	vsel vm12, $0x5100, v10;
	v11 =	vsel vm12, $0x6100, v11  }
0x11: {  	v12 =	vsel vm12, $0x7100, v12;
	v4 =	vsel vm11, $0x180, v4;
	v5 =	vsel vm11, $0x1180, v5  }
0x12: {  	v8 =	vsel vm11, $0x3180, v8;
	v9 =	vsel vm11, $0x4180, v9;
	v10 =	vsel vm11, $0x5180, v10  }
0x13: {  	v11 =	vsel vm11, $0x6180, v11;
	v12 =	vsel vm11, $0x7180, v12;
	v4 =	vsel vm10, $0x200, v4  }
0x14: {  	v5 =	vsel vm10, $0x1200, v5;
	v8 =	vsel vm10, $0x3200, v8;
	v9 =	vsel vm10, $0x4200, v9  }
0x15: {  	v10 =	vsel vm10, $0x5200, v10;
	v11 =	vsel vm10, $0x6200, v11;
	v12 =	vsel vm10, $0x7200, v12  }
0x16: {  	v4 =	vsel vm9, $0x280, v4;
	v5 =	vsel vm9, $0x1280, v5;
	v8 =	vsel vm9, $0x3280, v8  }
0x17: {  	v9 =	vsel vm9, $0x4280, v9;
	v10 =	vsel vm9, $0x5280, v10;
	v11 =	vsel vm9, $0x6280, v11  }
0x18: {  	v12 =	vsel vm9, $0x7280, v12;
	v4 =	vsel vm8, $0x300, v4;
	v5 =	vsel vm8, $0x1300, v5  }
0x19: {  	v8 =	vsel vm8, $0x3300, v8;
	v9 =	vsel vm8, $0x4300, v9;
	v10 =	vsel vm8, $0x5300, v10  }
0x1a: {  	v11 =	vsel vm8, $0x6300, v11;
	v12 =	vsel vm8, $0x7300, v12;
	v4 =	vsel vm7, $0x380, v4  }
0x1b: {  	v5 =	vsel vm7, $0x1380, v5;
	v8 =	vsel vm7, $0x3380, v8;
	v9 =	vsel vm7, $0x4380, v9  }
0x1c: {  	v10 =	vsel vm7, $0x5380, v10;
	v11 =	vsel vm7, $0x6380, v11;
	v12 =	vsel vm7, $0x7380, v12  }
0x1d: {  	v4 =	vsel vm6, $0x800, v4;
	v5 =	vsel vm6, $0x1800, v5;
	v8 =	vsel vm6, $0x3800, v8  }
0x1e: {  	v9 =	vsel vm6, $0x4800, v9;
	v4 =	vsel vm5, $0x880, v4;
	v5 =	vsel vm5, $0x1880, v5  }
0x1f: {  	v10 =	vsel vm6, $0x5800, v10;
	v4 =	vsel vm4, $0x900, v4;
	v5 =	vsel vm4, $0x1900, v5  }
0x20: {  	v11 =	vsel vm6, $0x6800, v11;
	v4 =	vsel vm3, $0x980, v4;
	v5 =	vsel vm3, $0x1980, v5  }
0x21: {  	v12 =	vsel vm6, $0x7800, v12;
	v4 =	vsel vm2, $0xA00, v4;
	v5 =	vsel vm2, $0x1A00, v5  }
0x22: {  	v8 =	vsel vm5, $0x3880, v8;
	v6 =	vsel vm1, $0xA80, v4;
	v7 =	vsel vm1, $0x1A80, v5  }
0x23: {  	s0 =	rddreg [dreg:$0x0];
	v5 =	vsel vm0, $0xB00, v6;
	v6 =	vsel vm0, $0x1B00, v7;
	v7 =	vimm.s32 $0x2B80  }
0x24: {  	s1 =	rddreg [dreg:$0x1];
	v9 =	vsel vm5, $0x4880, v9;
	v10 =	vsel vm5, $0x5880, v10;
	v7 =	vsel vm14, $0x2000, v7  }
0x25: {  	s2 =	srdreg.scid;
	s4 =	stileid.u32;
	v11 =	vsel vm5, $0x6880, v11;
	v12 =	vsel vm5, $0x7880, v12;
	v7 =	vsel vm13, $0x2080, v7  }
0x26: {  	s15 =	simm.s32 $0xC280;
	s16 =	simm.s32 $0x2000;
	s17 =	simm.s32 $0x1;
	v8 =	vsel vm4, $0x3900, v8;
	v9 =	vsel vm4, $0x4900, v9;
	v7 =	vsel vm12, $0x2100, v7  }
0x27: {  	s18 =	simm.s32 $0x4000;
	s19 =	simm.s32 $0x2;
	s20 =	simm.s32 $0x3;
	v10 =	vsel vm4, $0x5900, v10;
	v11 =	vsel vm4, $0x6900, v11;
	v7 =	vsel vm11, $0x2180, v7  }
0x28: {  	s21 =	simm.s32 $0x400;
	s22 =	simm.s32 $0x8000;
	s23 =	simm.s32 $0x1A680;
	v12 =	vsel vm4, $0x7900, v12;
	v8 =	vsel vm3, $0x3980, v8;
	v7 =	vsel vm10, $0x2200, v7  }
0x29: {  	s24 =	simm.s32 $0x1C680;
	s25 =	simm.s32 $0x4;
	s26 =	simm.s32 $0x5;
	v9 =	vsel vm3, $0x4980, v9;
	v10 =	vsel vm3, $0x5980, v10;
	v7 =	vsel vm9, $0x2280, v7  }
0x2a: {  	s28 =	simm.s32 $0x0;
	s3 =	sand.u32 $0x1, s2;
	s2 =	simm.s32 $0x0;
	v11 =	vsel vm3, $0x6980, v11;
	v12 =	vsel vm3, $0x7980, v12;
	v7 =	vsel vm8, $0x2300, v7  }
0x2b: {  	s4 =	sshll.u32 s4, $0x8;
	s6 =	sadd.s32 $0x600, s0;
	s7 =	sadd.s32 $0x1200, s0;
	v8 =	vsel vm2, $0x3A00, v8;
	v9 =	vsel vm2, $0x4A00, v9;
	v7 =	vsel vm7, $0x2380, v7  }
0x2c: {  	s8 =	sadd.s32 $0x1600, s0;
	s9 =	sadd.s32 $0x1A00, s0;
	s10 =	sadd.s32 $0x1E00, s0;
	v10 =	vsel vm2, $0x5A00, v10;
	v11 =	vsel vm2, $0x6A00, v11;
	v7 =	vsel vm6, $0x2800, v7  }
0x2d: {  	s11 =	sadd.s32 $0x2200, s0;
	s12 =	sadd.s32 $0x2600, s0;
	s5 =	sshll.u32 s3, $0x7;
	v12 =	vsel vm2, $0x7A00, v12;
	v4 =	vor.u32 $0x8230, v0;
	v7 =	vsel vm5, $0x2880, v7  }
0x2e: {  	[smem:$0x7FF] =	sst s2;
	s3 =	ssub.s32 $0x2, s3;
	s13 =	sor.u32 s5, s4;
	v8 =	vsel vm1, $0x3A80, v8;
	v9 =	vsel vm1, $0x4A80, v9;
	v7 =	vsel vm4, $0x2900, v7  }
0x2f: {  	_ =	strace $0x80000047;
	s31 =	sshrl.u32 s3, $0x1;
	s4 =	sshll.u32 s13, $0x5;
	v10 =	vsel vm1, $0x5A80, v10;
	v11 =	vsel vm1, $0x6A80, v11;
	v7 =	vsel vm3, $0x2980, v7  }
0x30: {  	[dreg:$0x3] =	wrdreg s6;
	s5 =	sadd.s32 $0xA00, s0;
	s4 =	sadd.s32 s4, s0;
	v12 =	vsel vm1, $0x7A80, v12;
	v8 =	vsel vm0, $0x3B00, v8;
	v7 =	vsel vm2, $0x2A00, v7  }
0x31: {  	s6 =	sadd.s32 $0xE00, s0;
	s3 =	ssub.s32 s3, s31;
	s4 =	sadd.s32 $0x2800, s4;
	v9 =	vsel vm0, $0x4B00, v9;
	v10 =	vsel vm0, $0x5B00, v10;
	v7 =	vsel vm1, $0x2A80, v7  }
0x32: {  	s13 =	sadd.s32 s1, s13;
	s14 =	smax.u32 s3, $0x1;
	[dreg:$0x4] =	wrdreg s4;
	v11 =	vsel vm0, $0x6B00, v11;
	v12 =	vsel vm0, $0x7B00, v12;
	v7 =	vsel vm0, $0x2B00, v7  }
.LBB2_1:
0x33: {  	s0 =	rddreg [dreg:$0x4]  }
0x34: {  	[tilespmem:s15], [sflag:$0x3] =	stream.linear.gather [hbm4b:s0+s2], $0x8000, $0x38;
	[tilespmem:$0x1E680] =	vst v63  }
0x35: {  	s3 =	rddreg [dreg:$0x3]  }
0x36: {  	[tilespmem:s2], [sflag:$0x1] =	stream.linear.gather [hbm4b:s3+s2], $0x2000, $0x38;
	[tilespmem:$0x1E680] =	vst v63  }
0x37: {  	_ = 	snop  }
0x38: {  	[tilespmem:s16], [sflag:$0x2] =	stream.linear.gather [hbm4b:s5+s2], $0x2000, $0x38;
	[tilespmem:$0x1E680] =	vst v63  }
0x39: {  	_ =	swait.ge [sflag:s17], $0x2000  }
0x3a: {  	[sflag:s17] =	ssyncset.done $0x0  }
0x3b: {  	s1 =	simm.s32 $0x100;
	s4 =	simm.s32 $0xC3;
	[sflag:s17] =	ssyncadd.s32 $0xFFFFE000  }
0x3c: {  	v14 =	vadd.s32 s4, v0;
	s3 =	simm.s32 $0x82;
	v13 =	vld [tilespmem:s1+$0x80]  }
0x3d: {  	s0 =	simm.s32 $0x41;
	v16 =	vadd.s32 s3, v0;
	v15 =	vld [tilespmem:s1+$0x0]  }
0x3e: {  	s4 =	simm.s32 $0x0;
	v18 =	vadd.s32 s0, v0;
	v17 =	vld [tilespmem:s1+$0xFFFFFF80]  }
0x3f: {  	v20 =	vadd.s32 s4, v0;
	v19 =	vld [tilespmem:s1+$0xFFFFFF00];
	_ =	sdelay $0x1  }
0x40: {  	s3 =	simm.s32 $0xD3;
	[tilespmem:v14+s18+$0x0] =	vst.idx.msk $0xffff, v13  }
0x41: {  	s4 =	simm.s32 $0x92;
	[tilespmem:v16+s18+$0x0] =	vst.idx.msk $0xffff, v15;
	v14 =	vadd.s32 s3, v0;
	v13 =	vld [tilespmem:s1+$0x90]  }
0x42: {  	s0 =	simm.s32 $0x51;
	[tilespmem:v18+s18+$0x0] =	vst.idx.msk $0xffff, v17;
	v16 =	vadd.s32 s4, v0;
	v15 =	vld [tilespmem:s1+$0x10]  }
0x43: {  	[tilespmem:v20+s18+$0x0] =	vst.idx.msk $0xffff, v19;
	s4 =	simm.s32 $0x10;
	v18 =	vadd.s32 s0, v0;
	v17 =	vld [tilespmem:s1+$0xFFFFFF90]  }
0x44: {  	s0 =	simm.s32 $0x300;
	v19 =	vld [tilespmem:s1+$0xFFFFFF10];
	v20 =	vadd.s32 s4, v0  }
0x45: {  	v21 =	vld [tilespmem:s0+$0xFFFFFF00];
	s4 =	simm.s32 $0x145  }
0x46: {  	v22 =	vld [tilespmem:s0+$0xFFFFFF80];
	v23 =	vadd.s32 s4, v0;
	s4 =	simm.s32 $0xE3;
	[tilespmem:v14+s18+$0x0] =	vst.idx.msk $0xffff, v13  }
0x47: {  	s29 =	simm.s32 $0xA2;
	[tilespmem:v16+s18+$0x0] =	vst.idx.msk $0xffff, v15;
	v14 =	vadd.s32 s4, v0;
	v13 =	vld [tilespmem:s1+$0xA0]  }
0x48: {  	[tilespmem:v18+s18+$0x0] =	vst.idx.msk $0xffff, v17;
	s4 =	simm.s32 $0x61;
	v16 =	vadd.s32 s29, v0;
	v15 =	vld [tilespmem:s1+$0x20]  }
0x49: {  	[tilespmem:v20+s18+$0x0] =	vst.idx.msk $0xffff, v19;
	s29 =	simm.s32 $0x20;
	v17 =	vld [tilespmem:s1+$0xFFFFFFA0];
	v18 =	vadd.s32 s4, v0  }
0x4a: {  	s4 =	simm.s32 $0x1C7;
	v19 =	vld [tilespmem:s1+$0xFFFFFF20];
	v20 =	vadd.s32 s29, v0  }
0x4b: {  	[tilespmem:v23+s18+$0x0] =	vst.idx.msk $0xffff, v22;
	s29 =	simm.s32 $0x186;
	v22 =	vld [tilespmem:s0+$0x80];
	v23 =	vadd.s32 s4, v0  }
0x4c: {  	v24 =	vld [tilespmem:s0+$0x0];
	s4 =	simm.s32 $0x104;
	v25 =	vadd.s32 s29, v0;
	[tilespmem:v14+s18+$0x0] =	vst.idx.msk $0xffff, v13  }
0x4d: {  	s29 =	simm.s32 $0xF3;
	v26 =	vadd.s32 s4, v0;
	[tilespmem:v16+s18+$0x0] =	vst.idx.msk $0xffff, v15;
	v16 =	vld [tilespmem:s1+$0xB0]  }
0x4e: {  	s4 =	simm.s32 $0x71;
	v27 =	vadd.s32 s29, v0;
	[tilespmem:v18+s18+$0x0] =	vst.idx.msk $0xffff, v17;
	v13 =	vld [tilespmem:s1+$0x30]  }
0x4f: {  	s3 =	simm.s32 $0x30;
	v29 =	vadd.s32 s4, v0;
	[tilespmem:v20+s18+$0x0] =	vst.idx.msk $0xffff, v19;
	v28 =	vld [tilespmem:s1+$0xFFFFFFB0]  }
0x50: {  	s4 =	simm.s32 $0x1D7;
	v15 =	vadd.s32 s3, v0;
	[tilespmem:v23+s18+$0x0] =	vst.idx.msk $0xffff, v22;
	v14 =	vld [tilespmem:s1+$0xFFFFFF30]  }
0x51: {  	s29 =	simm.s32 $0x196;
	v20 =	vadd.s32 s4, v0;
	[tilespmem:v25+s18+$0x0] =	vst.idx.msk $0xffff, v24;
	v18 =	vld [tilespmem:s0+$0x90]  }
0x52: {  	s4 =	simm.s32 $0x155;
	v19 =	vadd.s32 s29, v0;
	[tilespmem:v26+s18+$0x0] =	vst.idx.msk $0xffff, v21;
	v17 =	vld [tilespmem:s0+$0x10]  }
0x53: {  	s30 =	simm.s32 $0x114;
	s31 =	simm.s32 $0x500;
	v22 =	vadd.s32 s4, v0;
	s4 =	simm.s32 $0xB2;
	v21 =	vld [tilespmem:s0+$0xFFFFFF90];
	[tilespmem:v27+s18+$0x0] =	vst.idx.msk $0xffff, v16  }
0x54: {  	s29 =	simm.s32 $0x4;
	s1 =	simm.s32 $0x1F7;
	v24 =	vadd.s32 s30, v0;
	s30 =	simm.s32 $0x2FB;
	v23 =	vld [tilespmem:s0+$0xFFFFFF10];
	[tilespmem:v29+s18+$0x0] =	vst.idx.msk $0xffff, v28;
	v16 =	vadd.s32 s4, v0  }
.LBB2_2:
0x55: {  	s3 =	sadd.s32 $0xFFFFFF0D, s30;
	v25 =	vld [tilespmem:s31+$0xFFFFFF00];
	s4 =	sadd.s32 $0xFFFFFF4E, s30;
	s29 =	sadd.s32 $0x4, s29;
	[tilespmem:v15+s18+$0x0] =	vst.idx.msk $0xffff, v14  }
0x56: {  	v26 =	vadd.s32 s3, v0;
	v14 =	vld [tilespmem:s31+$0xFFFFFF80];
	v15 =	vadd.s32 s4, v0;
	p0 =	slt.u32 s29, $0x3C;
	[tilespmem:v20+s18+$0x0] =	vst.idx.msk $0xffff, v18;
	s3 =	sadd.s32 $0xFFFFFFF0, s1  }
0x57: {  	s4 =	sadd.s32 $0xFFFFFFAF, s1;
	[tilespmem:v19+s18+$0x0] =	vst.idx.msk $0xffff, v17;
	v17 =	vld [tilespmem:s0+$0xA0];
	v18 =	vadd.s32 s3, v0  }
0x58: {  	s3 =	sadd.s32 $0xFFFFFF6E, s1;
	v20 =	vadd.s32 s4, v0;
	[tilespmem:v22+s18+$0x0] =	vst.idx.msk $0xffff, v21;
	v19 =	vld [tilespmem:s0+$0x20]  }
0x59: {  	s4 =	sadd.s32 $0xFFFFFF2D, s1;
	v22 =	vadd.s32 s3, v0;
	[tilespmem:v24+s18+$0x0] =	vst.idx.msk $0xffff, v23;
	v21 =	vld [tilespmem:s0+$0xFFFFFFA0]  }
0x5a: {  	s3 =	sadd.s32 $0xFFFFFFD0, s30;
	v24 =	vadd.s32 s4, v0;
	v23 =	vld [tilespmem:s0+$0xFFFFFF20];
	[tilespmem:v16+s18+$0x0] =	vst.idx.msk $0xffff, v13  }
0x5b: {  	s4 =	sadd.s32 $0xFFFFFF8F, s30;
	[tilespmem:v15+s18+$0x0] =	vst.idx.msk $0xffff, v14;
	v14 =	vld [tilespmem:s31+$0x80];
	v15 =	vadd.s32 s3, v0  }
0x5c: {  	v27 =	vadd.s32 s4, v0;
	v16 =	vld [tilespmem:s31+$0x0];
	[tilespmem:v18+s18+$0x0] =	vst.idx.msk $0xffff, v17  }
0x5d: {  	[tilespmem:v20+s18+$0x0] =	vst.idx.msk $0xffff, v19;
	v28 =	vld [tilespmem:s0+$0xB0]  }
0x5e: {  	v29 =	vadd.s32 s1, v0;
	s3 =	sadd.s32 $0xFFFFFF7E, s1;
	[tilespmem:v22+s18+$0x0] =	vst.idx.msk $0xffff, v21;
	v13 =	vld [tilespmem:s0+$0x30]  }
0x5f: {  	s4 =	sadd.s32 $0xFFFFFF3D, s1;
	v31 =	vadd.s32 s3, v0;
	[tilespmem:v24+s18+$0x0] =	vst.idx.msk $0xffff, v23;
	v30 =	vld [tilespmem:s0+$0xFFFFFFB0]  }
.Ltmp0:
0x60: {  	s3 =	sadd.s32 $0xFFFFFFE0, s30;
	[tilespmem:v15+s18+$0x0] =	vst.idx.msk $0xffff, v14;
	v14 =	vld [tilespmem:s0+$0xFFFFFF30];
	v15 =	vadd.s32 s4, v0;
	s0 =	smov.u32 s31;
	(pc) =	sbr.rel @p0 .LBB2_2-.Ltmp0, $4  }
0x61: {  	v20 =	vadd.s32 s3, v0;
	s4 =	sadd.s32 $0xFFFFFF9F, s30;
	[tilespmem:v27+s18+$0x0] =	vst.idx.msk $0xffff, v16;
	v18 =	vld [tilespmem:s31+$0x90]  }
0x62: {  	s3 =	sadd.s32 $0xFFFFFF5E, s30;
	v19 =	vadd.s32 s4, v0;
	[tilespmem:v26+s18+$0x0] =	vst.idx.msk $0xffff, v25;
	v17 =	vld [tilespmem:s31+$0x10]  }
0x63: {  	v22 =	vadd.s32 s3, v0;
	s3 =	sadd.s32 $0xFFFFFFBF, s1;
	s1 =	smov.u32 s30;
	s4 =	sadd.s32 $0xFFFFFF1D, s30;
	v21 =	vld [tilespmem:s31+$0xFFFFFF90];
	[tilespmem:v29+s18+$0x0] =	vst.idx.msk $0xffff, v28  }
0x64: {  	s30 =	sadd.s32 $0x104, s30;
	v16 =	vadd.s32 s3, v0;
	v24 =	vadd.s32 s4, v0;
	s31 =	sadd.s32 $0x200, s31;
	v23 =	vld [tilespmem:s0+$0xFFFFFF10];
	[tilespmem:v31+s18+$0x0] =	vst.idx.msk $0xffff, v30  }
0x65: {  	_ =	sdelay $0x3  }
0x66: {  	s3 =	sadd.s32 $0xFFFFFFF0, s1;
	[tilespmem:v20+s18+$0x0] =	vst.idx.msk $0xffff, v18  }
0x67: {  	v20 =	vadd.s32 s3, v0;
	s3 =	sadd.s32 $0xFFFFFF6E, s1;
	v18 =	vld [tilespmem:s0+$0xA0];
	[tilespmem:v22+s18+$0x0] =	vst.idx.msk $0xffff, v21  }
0x68: {  	[tilespmem:v19+s18+$0x0] =	vst.idx.msk $0xffff, v17;
	v22 =	vadd.s32 s3, v0;
	s3 =	sadd.s32 $0xFFFFFFAF, s1;
	v21 =	vld [tilespmem:s0+$0xFFFFFFA0]  }
0x69: {  	s4 =	sadd.s32 $0xFFFFFF2D, s1;
	[tilespmem:v24+s18+$0x0] =	vst.idx.msk $0xffff, v23;
	v23 =	vld [tilespmem:s0+$0x20];
	v24 =	vadd.s32 s3, v0  }
0x6a: {  	v19 =	vadd.s32 s4, v0;
	v17 =	vld [tilespmem:s0+$0xFFFFFF20];
	_ =	sdelay $0x1  }
0x6b: {  	[tilespmem:v20+s18+$0x0] =	vst.idx.msk $0xffff, v18  }
0x6c: {  	[tilespmem:v22+s18+$0x0] =	vst.idx.msk $0xffff, v21  }
0x6d: {  	s4 =	sadd.s32 $0xFFFFFF3D, s1;
	s3 =	sadd.s32 $0xFFFFFF7E, s1;
	v20 =	vadd.s32 s1, v0;
	v18 =	vld [tilespmem:s0+$0xB0];
	[tilespmem:v24+s18+$0x0] =	vst.idx.msk $0xffff, v23  }
0x6e: {  	v22 =	vadd.s32 s4, v0;
	s4 =	sadd.s32 $0xFFFFFFBF, s1;
	[tilespmem:v19+s18+$0x0] =	vst.idx.msk $0xffff, v17;
	v17 =	vld [tilespmem:s0+$0xFFFFFFB0];
	v19 =	vadd.s32 s3, v0  }
0x6f: {  	[tilespmem:v15+s18+$0x0] =	vst.idx.msk $0xffff, v14;
	v14 =	vld [tilespmem:s0+$0x30];
	v15 =	vadd.s32 s4, v0  }
0x70: {  	v21 =	vld [tilespmem:s0+$0xFFFFFF30]  }
0x71: {  	[tilespmem:v16+s18+$0x0] =	vst.idx.msk $0xffff, v13  }
0x72: {  	[tilespmem:v20+s18+$0x0] =	vst.idx.msk $0xffff, v18  }
0x73: {  	[tilespmem:v19+s18+$0x0] =	vst.idx.msk $0xffff, v17  }
0x74: {  	[tilespmem:v15+s18+$0x0] =	vst.idx.msk $0xffff, v14  }
0x75: {  	[tilespmem:v22+s18+$0x0] =	vst.idx.msk $0xffff, v21  }
0x76: {  	[tilespmem:s2], [sflag:$0x1] =	stream.linear.gather [hbm4b:s6+s2], $0x2000, $0x38;
	[tilespmem:$0x1E680] =	vst v63  }
0x77: {  	_ =	swait.ge [sflag:s19], $0x2000  }
0x78: {  	[sflag:s19] =	ssyncset.done $0x0  }
0x79: {  	s1 =	simm.s32 $0x21B0;
	s3 =	simm.s32 $0x1103;
	[sflag:s19] =	ssyncadd.s32 $0xFFFFE000  }
0x7a: {  	s4 =	simm.s32 $0x10C2;
	v14 =	vadd.s32 s3, v0;
	v13 =	vld [tilespmem:s1+$0xFFFFFFD0]  }
0x7b: {  	s0 =	simm.s32 $0x1081;
	v16 =	vadd.s32 s4, v0;
	v15 =	vld [tilespmem:s1+$0xFFFFFF50]  }
0x7c: {  	s4 =	simm.s32 $0x1040;
	v18 =	vadd.s32 s0, v0;
	v17 =	vld [tilespmem:s1+$0xFFFFFED0]  }
0x7d: {  	v20 =	vadd.s32 s4, v0;
	v19 =	vld [tilespmem:s1+$0xFFFFFE50];
	_ =	sdelay $0x1  }
0x7e: {  	s3 =	simm.s32 $0x1113;
	[tilespmem:v14+s18+$0x0] =	vst.idx.msk $0xffff, v13  }
0x7f: {  	s4 =	simm.s32 $0x10D2;
	[tilespmem:v16+s18+$0x0] =	vst.idx.msk $0xffff, v15;
	v14 =	vadd.s32 s3, v0;
	v13 =	vld [tilespmem:s1+$0xFFFFFFE0]  }
0x80: {  	s0 =	simm.s32 $0x1091;
	[tilespmem:v18+s18+$0x0] =	vst.idx.msk $0xffff, v17;
	v16 =	vadd.s32 s4, v0;
	v15 =	vld [tilespmem:s1+$0xFFFFFF60]  }
0x81: {  	[tilespmem:v20+s18+$0x0] =	vst.idx.msk $0xffff, v19;
	s4 =	simm.s32 $0x1050;
	v18 =	vadd.s32 s0, v0;
	v17 =	vld [tilespmem:s1+$0xFFFFFEE0]  }
0x82: {  	s0 =	simm.s32 $0x23B0;
	v19 =	vld [tilespmem:s1+$0xFFFFFE60];
	v20 =	vadd.s32 s4, v0  }
0x83: {  	v21 =	vld [tilespmem:s0+$0xFFFFFE50];
	s4 =	simm.s32 $0x1185  }
0x84: {  	s3 =	simm.s32 $0x1123;
	v22 =	vld [tilespmem:s0+$0xFFFFFED0];
	v23 =	vadd.s32 s4, v0;
	[tilespmem:v14+s18+$0x0] =	vst.idx.msk $0xffff, v13  }
0x85: {  	s4 =	simm.s32 $0x10E2;
	[tilespmem:v16+s18+$0x0] =	vst.idx.msk $0xffff, v15;
	v14 =	vadd.s32 s3, v0;
	v13 =	vld [tilespmem:s1+$0xFFFFFFF0]  }
0x86: {  	[tilespmem:v18+s18+$0x0] =	vst.idx.msk $0xffff, v17;
	s3 =	simm.s32 $0x10A1;
	v16 =	vadd.s32 s4, v0;
	v15 =	vld [tilespmem:s1+$0xFFFFFF70]  }
0x87: {  	[tilespmem:v20+s18+$0x0] =	vst.idx.msk $0xffff, v19;
	s4 =	simm.s32 $0x1060;
	v17 =	vld [tilespmem:s1+$0xFFFFFEF0];
	v18 =	vadd.s32 s3, v0  }
0x88: {  	s3 =	simm.s32 $0x1207;
	v19 =	vld [tilespmem:s1+$0xFFFFFE70];
	v20 =	vadd.s32 s4, v0  }
0x89: {  	[tilespmem:v23+s18+$0x0] =	vst.idx.msk $0xffff, v22;
	s4 =	simm.s32 $0x11C6;
	v22 =	vld [tilespmem:s0+$0xFFFFFFD0];
	v23 =	vadd.s32 s3, v0  }
0x8a: {  	v24 =	vld [tilespmem:s0+$0xFFFFFF50];
	s3 =	simm.s32 $0x1144;
	v25 =	vadd.s32 s4, v0;
	[tilespmem:v14+s18+$0x0] =	vst.idx.msk $0xffff, v13  }
0x8b: {  	s4 =	simm.s32 $0x1133;
	v26 =	vadd.s32 s3, v0;
	[tilespmem:v16+s18+$0x0] =	vst.idx.msk $0xffff, v15;
	v16 =	vld [tilespmem:s1+$0x0]  }
0x8c: {  	s3 =	simm.s32 $0x10B1;
	v27 =	vadd.s32 s4, v0;
	[tilespmem:v18+s18+$0x0] =	vst.idx.msk $0xffff, v17;
	v13 =	vld [tilespmem:s1+$0xFFFFFF80]  }
0x8d: {  	s4 =	simm.s32 $0x1070;
	v29 =	vadd.s32 s3, v0;
	[tilespmem:v20+s18+$0x0] =	vst.idx.msk $0xffff, v19;
	v28 =	vld [tilespmem:s1+$0xFFFFFF00]  }
0x8e: {  	s3 =	simm.s32 $0x1217;
	v15 =	vadd.s32 s4, v0;
	[tilespmem:v23+s18+$0x0] =	vst.idx.msk $0xffff, v22;
	v14 =	vld [tilespmem:s1+$0xFFFFFE80]  }
0x8f: {  	s4 =	simm.s32 $0x11D6;
	v20 =	vadd.s32 s3, v0;
	[tilespmem:v25+s18+$0x0] =	vst.idx.msk $0xffff, v24;
	v18 =	vld [tilespmem:s0+$0xFFFFFFE0]  }
0x90: {  	s3 =	simm.s32 $0x1195;
	v19 =	vadd.s32 s4, v0;
	[tilespmem:v26+s18+$0x0] =	vst.idx.msk $0xffff, v21;
	v17 =	vld [tilespmem:s0+$0xFFFFFF60]  }
0x91: {  	s29 =	simm.s32 $0x4;
	s4 =	simm.s32 $0x1154;
	v22 =	vadd.s32 s3, v0;
	s3 =	simm.s32 $0x10F2;
	v21 =	vld [tilespmem:s0+$0xFFFFFEE0];
	[tilespmem:v27+s18+$0x0] =	vst.idx.msk $0xffff, v16  }
0x92: {  	s30 =	simm.s32 $0x133B;
	s31 =	simm.s32 $0x25B0;
	s1 =	simm.s32 $0x1237;
	v24 =	vadd.s32 s4, v0;
	v23 =	vld [tilespmem:s0+$0xFFFFFE60];
	[tilespmem:v29+s18+$0x0] =	vst.idx.msk $0xffff, v28;
	v16 =	vadd.s32 s3, v0  }
.LBB2_4:
0x93: {  	s3 =	sadd.s32 $0xFFFFFF0D, s30;
	v25 =	vld [tilespmem:s31+$0xFFFFFE50];
	s4 =	sadd.s32 $0xFFFFFF4E, s30;
	s29 =	sadd.s32 $0x4, s29;
	[tilespmem:v15+s18+$0x0] =	vst.idx.msk $0xffff, v14  }
0x94: {  	v26 =	vadd.s32 s3, v0;
	v14 =	vld [tilespmem:s31+$0xFFFFFED0];
	v15 =	vadd.s32 s4, v0;
	p0 =	slt.u32 s29, $0x3C;
	[tilespmem:v20+s18+$0x0] =	vst.idx.msk $0xffff, v18;
	s3 =	sadd.s32 $0xFFFFFFF0, s1  }
0x95: {  	s4 =	sadd.s32 $0xFFFFFFAF, s1;
	[tilespmem:v19+s18+$0x0] =	vst.idx.msk $0xffff, v17;
	v17 =	vld [tilespmem:s0+$0xFFFFFFF0];
	v18 =	vadd.s32 s3, v0  }
0x96: {  	s3 =	sadd.s32 $0xFFFFFF6E, s1;
	v20 =	vadd.s32 s4, v0;
	[tilespmem:v22+s18+$0x0] =	vst.idx.msk $0xffff, v21;
	v19 =	vld [tilespmem:s0+$0xFFFFFF70]  }
0x97: {  	s4 =	sadd.s32 $0xFFFFFF2D, s1;
	v22 =	vadd.s32 s3, v0;
	[tilespmem:v24+s18+$0x0] =	vst.idx.msk $0xffff, v23;
	v21 =	vld [tilespmem:s0+$0xFFFFFEF0]  }
0x98: {  	s3 =	sadd.s32 $0xFFFFFFD0, s30;
	v24 =	vadd.s32 s4, v0;
	v23 =	vld [tilespmem:s0+$0xFFFFFE70];
	[tilespmem:v16+s18+$0x0] =	vst.idx.msk $0xffff, v13  }
0x99: {  	s4 =	sadd.s32 $0xFFFFFF8F, s30;
	[tilespmem:v15+s18+$0x0] =	vst.idx.msk $0xffff, v14;
	v14 =	vld [tilespmem:s31+$0xFFFFFFD0];
	v15 =	vadd.s32 s3, v0  }
0x9a: {  	v27 =	vadd.s32 s4, v0;
	v16 =	vld [tilespmem:s31+$0xFFFFFF50];
	[tilespmem:v18+s18+$0x0] =	vst.idx.msk $0xffff, v17  }
0x9b: {  	[tilespmem:v20+s18+$0x0] =	vst.idx.msk $0xffff, v19;
	v28 =	vld [tilespmem:s0+$0x0]  }
0x9c: {  	v29 =	vadd.s32 s1, v0;
	s3 =	sadd.s32 $0xFFFFFF7E, s1;
	[tilespmem:v22+s18+$0x0] =	vst.idx.msk $0xffff, v21;
	v13 =	vld [tilespmem:s0+$0xFFFFFF80]  }
0x9d: {  	s4 =	sadd.s32 $0xFFFFFF3D, s1;
	v31 =	vadd.s32 s3, v0;
	[tilespmem:v24+s18+$0x0] =	vst.idx.msk $0xffff, v23;
	v30 =	vld [tilespmem:s0+$0xFFFFFF00]  }
.Ltmp1:
0x9e: {  	s3 =	sadd.s32 $0xFFFFFFE0, s30;
	[tilespmem:v15+s18+$0x0] =	vst.idx.msk $0xffff, v14;
	v14 =	vld [tilespmem:s0+$0xFFFFFE80];
	v15 =	vadd.s32 s4, v0;
	s0 =	smov.u32 s31;
	(pc) =	sbr.rel @p0 .LBB2_4-.Ltmp1, $4  }
0x9f: {  	v20 =	vadd.s32 s3, v0;
	s4 =	sadd.s32 $0xFFFFFF9F, s30;
	[tilespmem:v27+s18+$0x0] =	vst.idx.msk $0xffff, v16;
	v18 =	vld [tilespmem:s31+$0xFFFFFFE0]  }
0xa0: {  	s3 =	sadd.s32 $0xFFFFFF5E, s30;
	v19 =	vadd.s32 s4, v0;
	[tilespmem:v26+s18+$0x0] =	vst.idx.msk $0xffff, v25;
	v17 =	vld [tilespmem:s31+$0xFFFFFF60]  }
0xa1: {  	v22 =	vadd.s32 s3, v0;
	s3 =	sadd.s32 $0xFFFFFFBF, s1;
	s1 =	smov.u32 s30;
	s4 =	sadd.s32 $0xFFFFFF1D, s30;
	v21 =	vld [tilespmem:s31+$0xFFFFFEE0];
	[tilespmem:v29+s18+$0x0] =	vst.idx.msk $0xffff, v28  }
0xa2: {  	s30 =	sadd.s32 $0x104, s30;
	v16 =	vadd.s32 s3, v0;
	v24 =	vadd.s32 s4, v0;
	s31 =	sadd.s32 $0x200, s31;
	v23 =	vld [tilespmem:s0+$0xFFFFFE60];
	[tilespmem:v31+s18+$0x0] =	vst.idx.msk $0xffff, v30  }
0xa3: {  	_ =	sdelay $0x3  }
0xa4: {  	s3 =	sadd.s32 $0xFFFFFFF0, s1;
	[tilespmem:v20+s18+$0x0] =	vst.idx.msk $0xffff, v18  }
0xa5: {  	v20 =	vadd.s32 s3, v0;
	s3 =	sadd.s32 $0xFFFFFF6E, s1;
	v18 =	vld [tilespmem:s0+$0xFFFFFFF0];
	[tilespmem:v22+s18+$0x0] =	vst.idx.msk $0xffff, v21  }
0xa6: {  	[tilespmem:v19+s18+$0x0] =	vst.idx.msk $0xffff, v17;
	v22 =	vadd.s32 s3, v0;
	s3 =	sadd.s32 $0xFFFFFFAF, s1;
	v21 =	vld [tilespmem:s0+$0xFFFFFEF0]  }
0xa7: {  	s4 =	sadd.s32 $0xFFFFFF2D, s1;
	[tilespmem:v24+s18+$0x0] =	vst.idx.msk $0xffff, v23;
	v23 =	vld [tilespmem:s0+$0xFFFFFF70];
	v24 =	vadd.s32 s3, v0  }
0xa8: {  	v19 =	vadd.s32 s4, v0;
	v17 =	vld [tilespmem:s0+$0xFFFFFE70];
	_ =	sdelay $0x1  }
0xa9: {  	[tilespmem:v20+s18+$0x0] =	vst.idx.msk $0xffff, v18  }
0xaa: {  	[tilespmem:v22+s18+$0x0] =	vst.idx.msk $0xffff, v21  }
0xab: {  	s4 =	sadd.s32 $0xFFFFFF3D, s1;
	s3 =	sadd.s32 $0xFFFFFF7E, s1;
	v20 =	vadd.s32 s1, v0;
	v18 =	vld [tilespmem:s0+$0x0];
	[tilespmem:v24+s18+$0x0] =	vst.idx.msk $0xffff, v23  }
0xac: {  	v22 =	vadd.s32 s4, v0;
	s4 =	sadd.s32 $0xFFFFFFBF, s1;
	[tilespmem:v19+s18+$0x0] =	vst.idx.msk $0xffff, v17;
	v17 =	vld [tilespmem:s0+$0xFFFFFF00];
	v19 =	vadd.s32 s3, v0  }
0xad: {  	[tilespmem:v15+s18+$0x0] =	vst.idx.msk $0xffff, v14;
	v14 =	vld [tilespmem:s0+$0xFFFFFF80];
	v15 =	vadd.s32 s4, v0  }
0xae: {  	v21 =	vld [tilespmem:s0+$0xFFFFFE80]  }
0xaf: {  	[tilespmem:v16+s18+$0x0] =	vst.idx.msk $0xffff, v13  }
0xb0: {  	[tilespmem:v20+s18+$0x0] =	vst.idx.msk $0xffff, v18  }
0xb1: {  	[tilespmem:v19+s18+$0x0] =	vst.idx.msk $0xffff, v17  }
0xb2: {  	[tilespmem:v15+s18+$0x0] =	vst.idx.msk $0xffff, v14  }
0xb3: {  	[tilespmem:v22+s18+$0x0] =	vst.idx.msk $0xffff, v21  }
0xb4: {  	[tilespmem:s16], [sflag:$0x2] =	stream.linear.gather [hbm4b:s7+s2], $0x2000, $0x38;
	[tilespmem:$0x1E680] =	vst v63  }
0xb5: {  	_ =	swait.ge [sflag:s17], $0x2000  }
0xb6: {  	[sflag:s17] =	ssyncset.done $0x0  }
0xb7: {  	s1 =	simm.s32 $0x100;
	s3 =	simm.s32 $0x2143;
	[sflag:s17] =	ssyncadd.s32 $0xFFFFE000  }
0xb8: {  	s4 =	simm.s32 $0x2102;
	v14 =	vadd.s32 s3, v0;
	v13 =	vld [tilespmem:s1+$0x80]  }
0xb9: {  	s0 =	simm.s32 $0x20C1;
	v16 =	vadd.s32 s4, v0;
	v15 =	vld [tilespmem:s1+$0x0]  }
0xba: {  	s4 =	simm.s32 $0x2080;
	v18 =	vadd.s32 s0, v0;
	v17 =	vld [tilespmem:s1+$0xFFFFFF80]  }
0xbb: {  	v20 =	vadd.s32 s4, v0;
	v19 =	vld [tilespmem:s1+$0xFFFFFF00];
	_ =	sdelay $0x1  }
0xbc: {  	s3 =	simm.s32 $0x2153;
	[tilespmem:v14+s18+$0x0] =	vst.idx.msk $0xffff, v13  }
0xbd: {  	s4 =	simm.s32 $0x2112;
	[tilespmem:v16+s18+$0x0] =	vst.idx.msk $0xffff, v15;
	v14 =	vadd.s32 s3, v0;
	v13 =	vld [tilespmem:s1+$0x90]  }
0xbe: {  	s0 =	simm.s32 $0x20D1;
	[tilespmem:v18+s18+$0x0] =	vst.idx.msk $0xffff, v17;
	v16 =	vadd.s32 s4, v0;
	v15 =	vld [tilespmem:s1+$0x10]  }
0xbf: {  	[tilespmem:v20+s18+$0x0] =	vst.idx.msk $0xffff, v19;
	s4 =	simm.s32 $0x2090;
	v18 =	vadd.s32 s0, v0;
	v17 =	vld [tilespmem:s1+$0xFFFFFF90]  }
0xc0: {  	s0 =	simm.s32 $0x300;
	v19 =	vld [tilespmem:s1+$0xFFFFFF10];
	v20 =	vadd.s32 s4, v0  }
0xc1: {  	v21 =	vld [tilespmem:s0+$0xFFFFFF00];
	s4 =	simm.s32 $0x21C5  }
0xc2: {  	s3 =	simm.s32 $0x2163;
	v22 =	vld [tilespmem:s0+$0xFFFFFF80];
	v23 =	vadd.s32 s4, v0;
	[tilespmem:v14+s18+$0x0] =	vst.idx.msk $0xffff, v13  }
0xc3: {  	s4 =	simm.s32 $0x2122;
	[tilespmem:v16+s18+$0x0] =	vst.idx.msk $0xffff, v15;
	v14 =	vadd.s32 s3, v0;
	v13 =	vld [tilespmem:s1+$0xA0]  }
0xc4: {  	[tilespmem:v18+s18+$0x0] =	vst.idx.msk $0xffff, v17;
	s3 =	simm.s32 $0x20E1;
	v16 =	vadd.s32 s4, v0;
	v15 =	vld [tilespmem:s1+$0x20]  }
0xc5: {  	[tilespmem:v20+s18+$0x0] =	vst.idx.msk $0xffff, v19;
	s4 =	simm.s32 $0x20A0;
	v17 =	vld [tilespmem:s1+$0xFFFFFFA0];
	v18 =	vadd.s32 s3, v0  }
0xc6: {  	s3 =	simm.s32 $0x2247;
	v19 =	vld [tilespmem:s1+$0xFFFFFF20];
	v20 =	vadd.s32 s4, v0  }
0xc7: {  	[tilespmem:v23+s18+$0x0] =	vst.idx.msk $0xffff, v22;
	s4 =	simm.s32 $0x2206;
	v22 =	vld [tilespmem:s0+$0x80];
	v23 =	vadd.s32 s3, v0  }
0xc8: {  	v24 =	vld [tilespmem:s0+$0x0];
	s3 =	simm.s32 $0x2184;
	v25 =	vadd.s32 s4, v0;
	[tilespmem:v14+s18+$0x0] =	vst.idx.msk $0xffff, v13  }
0xc9: {  	s4 =	simm.s32 $0x2173;
	v26 =	vadd.s32 s3, v0;
	[tilespmem:v16+s18+$0x0] =	vst.idx.msk $0xffff, v15;
	v16 =	vld [tilespmem:s1+$0xB0]  }
0xca: {  	s3 =	simm.s32 $0x20F1;
	v27 =	vadd.s32 s4, v0;
	[tilespmem:v18+s18+$0x0] =	vst.idx.msk $0xffff, v17;
	v13 =	vld [tilespmem:s1+$0x30]  }
0xcb: {  	s4 =	simm.s32 $0x20B0;
	v29 =	vadd.s32 s3, v0;
	[tilespmem:v20+s18+$0x0] =	vst.idx.msk $0xffff, v19;
	v28 =	vld [tilespmem:s1+$0xFFFFFFB0]  }
0xcc: {  	s3 =	simm.s32 $0x2257;
	v15 =	vadd.s32 s4, v0;
	[tilespmem:v23+s18+$0x0] =	vst.idx.msk $0xffff, v22;
	v14 =	vld [tilespmem:s1+$0xFFFFFF30]  }
0xcd: {  	s4 =	simm.s32 $0x2216;
	v20 =	vadd.s32 s3, v0;
	[tilespmem:v25+s18+$0x0] =	vst.idx.msk $0xffff, v24;
	v18 =	vld [tilespmem:s0+$0x90]  }
0xce: {  	s3 =	simm.s32 $0x21D5;
	v19 =	vadd.s32 s4, v0;
	[tilespmem:v26+s18+$0x0] =	vst.idx.msk $0xffff, v21;
	v17 =	vld [tilespmem:s0+$0x10]  }
0xcf: {  	s29 =	simm.s32 $0x4;
	s4 =	simm.s32 $0x2194;
	v22 =	vadd.s32 s3, v0;
	s3 =	simm.s32 $0x2132;
	v21 =	vld [tilespmem:s0+$0xFFFFFF90];
	[tilespmem:v27+s18+$0x0] =	vst.idx.msk $0xffff, v16  }
0xd0: {  	s30 =	simm.s32 $0x237B;
	s31 =	simm.s32 $0x500;
	s1 =	simm.s32 $0x2277;
	v24 =	vadd.s32 s4, v0;
	v23 =	vld [tilespmem:s0+$0xFFFFFF10];
	[tilespmem:v29+s18+$0x0] =	vst.idx.msk $0xffff, v28;
	v16 =	vadd.s32 s3, v0  }
.LBB2_6:
0xd1: {  	s3 =	sadd.s32 $0xFFFFFF0D, s30;
	v25 =	vld [tilespmem:s31+$0xFFFFFF00];
	s4 =	sadd.s32 $0xFFFFFF4E, s30;
	s29 =	sadd.s32 $0x4, s29;
	[tilespmem:v15+s18+$0x0] =	vst.idx.msk $0xffff, v14  }
0xd2: {  	v26 =	vadd.s32 s3, v0;
	v14 =	vld [tilespmem:s31+$0xFFFFFF80];
	v15 =	vadd.s32 s4, v0;
	p0 =	slt.u32 s29, $0x3C;
	[tilespmem:v20+s18+$0x0] =	vst.idx.msk $0xffff, v18;
	s3 =	sadd.s32 $0xFFFFFFF0, s1  }
0xd3: {  	s4 =	sadd.s32 $0xFFFFFFAF, s1;
	[tilespmem:v19+s18+$0x0] =	vst.idx.msk $0xffff, v17;
	v17 =	vld [tilespmem:s0+$0xA0];
	v18 =	vadd.s32 s3, v0  }
0xd4: {  	s3 =	sadd.s32 $0xFFFFFF6E, s1;
	v20 =	vadd.s32 s4, v0;
	[tilespmem:v22+s18+$0x0] =	vst.idx.msk $0xffff, v21;
	v19 =	vld [tilespmem:s0+$0x20]  }
0xd5: {  	s4 =	sadd.s32 $0xFFFFFF2D, s1;
	v22 =	vadd.s32 s3, v0;
	[tilespmem:v24+s18+$0x0] =	vst.idx.msk $0xffff, v23;
	v21 =	vld [tilespmem:s0+$0xFFFFFFA0]  }
0xd6: {  	s3 =	sadd.s32 $0xFFFFFFD0, s30;
	v24 =	vadd.s32 s4, v0;
	v23 =	vld [tilespmem:s0+$0xFFFFFF20];
	[tilespmem:v16+s18+$0x0] =	vst.idx.msk $0xffff, v13  }
0xd7: {  	s4 =	sadd.s32 $0xFFFFFF8F, s30;
	[tilespmem:v15+s18+$0x0] =	vst.idx.msk $0xffff, v14;
	v14 =	vld [tilespmem:s31+$0x80];
	v15 =	vadd.s32 s3, v0  }
0xd8: {  	v27 =	vadd.s32 s4, v0;
	v16 =	vld [tilespmem:s31+$0x0];
	[tilespmem:v18+s18+$0x0] =	vst.idx.msk $0xffff, v17  }
0xd9: {  	[tilespmem:v20+s18+$0x0] =	vst.idx.msk $0xffff, v19;
	v28 =	vld [tilespmem:s0+$0xB0]  }
0xda: {  	v29 =	vadd.s32 s1, v0;
	s3 =	sadd.s32 $0xFFFFFF7E, s1;
	[tilespmem:v22+s18+$0x0] =	vst.idx.msk $0xffff, v21;
	v13 =	vld [tilespmem:s0+$0x30]  }
0xdb: {  	s4 =	sadd.s32 $0xFFFFFF3D, s1;
	v31 =	vadd.s32 s3, v0;
	[tilespmem:v24+s18+$0x0] =	vst.idx.msk $0xffff, v23;
	v30 =	vld [tilespmem:s0+$0xFFFFFFB0]  }
.Ltmp2:
0xdc: {  	s3 =	sadd.s32 $0xFFFFFFE0, s30;
	[tilespmem:v15+s18+$0x0] =	vst.idx.msk $0xffff, v14;
	v14 =	vld [tilespmem:s0+$0xFFFFFF30];
	v15 =	vadd.s32 s4, v0;
	s0 =	smov.u32 s31;
	(pc) =	sbr.rel @p0 .LBB2_6-.Ltmp2, $4  }
0xdd: {  	v20 =	vadd.s32 s3, v0;
	s4 =	sadd.s32 $0xFFFFFF9F, s30;
	[tilespmem:v27+s18+$0x0] =	vst.idx.msk $0xffff, v16;
	v18 =	vld [tilespmem:s31+$0x90]  }
0xde: {  	s3 =	sadd.s32 $0xFFFFFF5E, s30;
	v19 =	vadd.s32 s4, v0;
	[tilespmem:v26+s18+$0x0] =	vst.idx.msk $0xffff, v25;
	v17 =	vld [tilespmem:s31+$0x10]  }
0xdf: {  	v22 =	vadd.s32 s3, v0;
	s3 =	sadd.s32 $0xFFFFFFBF, s1;
	s1 =	smov.u32 s30;
	s4 =	sadd.s32 $0xFFFFFF1D, s30;
	v21 =	vld [tilespmem:s31+$0xFFFFFF90];
	[tilespmem:v29+s18+$0x0] =	vst.idx.msk $0xffff, v28  }
0xe0: {  	s30 =	sadd.s32 $0x104, s30;
	v16 =	vadd.s32 s3, v0;
	v24 =	vadd.s32 s4, v0;
	s31 =	sadd.s32 $0x200, s31;
	v23 =	vld [tilespmem:s0+$0xFFFFFF10];
	[tilespmem:v31+s18+$0x0] =	vst.idx.msk $0xffff, v30  }
0xe1: {  	_ =	sdelay $0x3  }
0xe2: {  	s3 =	sadd.s32 $0xFFFFFFF0, s1;
	[tilespmem:v20+s18+$0x0] =	vst.idx.msk $0xffff, v18  }
0xe3: {  	v20 =	vadd.s32 s3, v0;
	s3 =	sadd.s32 $0xFFFFFF6E, s1;
	v18 =	vld [tilespmem:s0+$0xA0];
	[tilespmem:v22+s18+$0x0] =	vst.idx.msk $0xffff, v21  }
0xe4: {  	[tilespmem:v19+s18+$0x0] =	vst.idx.msk $0xffff, v17;
	v22 =	vadd.s32 s3, v0;
	s3 =	sadd.s32 $0xFFFFFFAF, s1;
	v21 =	vld [tilespmem:s0+$0xFFFFFFA0]  }
0xe5: {  	s4 =	sadd.s32 $0xFFFFFF2D, s1;
	[tilespmem:v24+s18+$0x0] =	vst.idx.msk $0xffff, v23;
	v23 =	vld [tilespmem:s0+$0x20];
	v24 =	vadd.s32 s3, v0  }
0xe6: {  	v19 =	vadd.s32 s4, v0;
	v17 =	vld [tilespmem:s0+$0xFFFFFF20];
	_ =	sdelay $0x1  }
0xe7: {  	[tilespmem:v20+s18+$0x0] =	vst.idx.msk $0xffff, v18  }
0xe8: {  	[tilespmem:v22+s18+$0x0] =	vst.idx.msk $0xffff, v21  }
0xe9: {  	s4 =	sadd.s32 $0xFFFFFF3D, s1;
	s3 =	sadd.s32 $0xFFFFFF7E, s1;
	v20 =	vadd.s32 s1, v0;
	v18 =	vld [tilespmem:s0+$0xB0];
	[tilespmem:v24+s18+$0x0] =	vst.idx.msk $0xffff, v23  }
0xea: {  	v22 =	vadd.s32 s4, v0;
	s4 =	sadd.s32 $0xFFFFFFBF, s1;
	[tilespmem:v19+s18+$0x0] =	vst.idx.msk $0xffff, v17;
	v17 =	vld [tilespmem:s0+$0xFFFFFFB0];
	v19 =	vadd.s32 s3, v0  }
0xeb: {  	[tilespmem:v15+s18+$0x0] =	vst.idx.msk $0xffff, v14;
	v14 =	vld [tilespmem:s0+$0x30];
	v15 =	vadd.s32 s4, v0  }
0xec: {  	v21 =	vld [tilespmem:s0+$0xFFFFFF30]  }
0xed: {  	[tilespmem:v16+s18+$0x0] =	vst.idx.msk $0xffff, v13  }
0xee: {  	[tilespmem:v20+s18+$0x0] =	vst.idx.msk $0xffff, v18  }
0xef: {  	[tilespmem:v19+s18+$0x0] =	vst.idx.msk $0xffff, v17  }
0xf0: {  	[tilespmem:v15+s18+$0x0] =	vst.idx.msk $0xffff, v14  }
0xf1: {  	[tilespmem:v22+s18+$0x0] =	vst.idx.msk $0xffff, v21  }
0xf2: {  	[tilespmem:s2], [sflag:$0x1] =	stream.linear.gather [hbm4b:s8+s2], $0x2000, $0x38;
	[tilespmem:$0x1E680] =	vst v63  }
0xf3: {  	_ =	swait.ge [sflag:s19], $0x2000  }
0xf4: {  	[sflag:s19] =	ssyncset.done $0x0  }
0xf5: {  	s1 =	simm.s32 $0x21B0;
	s3 =	simm.s32 $0x3183;
	[sflag:s19] =	ssyncadd.s32 $0xFFFFE000  }
0xf6: {  	s4 =	simm.s32 $0x3142;
	v14 =	vadd.s32 s3, v0;
	v13 =	vld [tilespmem:s1+$0xFFFFFFD0]  }
0xf7: {  	s0 =	simm.s32 $0x3101;
	v16 =	vadd.s32 s4, v0;
	v15 =	vld [tilespmem:s1+$0xFFFFFF50]  }
0xf8: {  	s4 =	simm.s32 $0x30C0;
	v18 =	vadd.s32 s0, v0;
	v17 =	vld [tilespmem:s1+$0xFFFFFED0]  }
0xf9: {  	v20 =	vadd.s32 s4, v0;
	v19 =	vld [tilespmem:s1+$0xFFFFFE50];
	_ =	sdelay $0x1  }
0xfa: {  	s3 =	simm.s32 $0x3193;
	[tilespmem:v14+s18+$0x0] =	vst.idx.msk $0xffff, v13  }
0xfb: {  	s4 =	simm.s32 $0x3152;
	[tilespmem:v16+s18+$0x0] =	vst.idx.msk $0xffff, v15;
	v14 =	vadd.s32 s3, v0;
	v13 =	vld [tilespmem:s1+$0xFFFFFFE0]  }
0xfc: {  	s0 =	simm.s32 $0x3111;
	[tilespmem:v18+s18+$0x0] =	vst.idx.msk $0xffff, v17;
	v16 =	vadd.s32 s4, v0;
	v15 =	vld [tilespmem:s1+$0xFFFFFF60]  }
0xfd: {  	[tilespmem:v20+s18+$0x0] =	vst.idx.msk $0xffff, v19;
	s4 =	simm.s32 $0x30D0;
	v18 =	vadd.s32 s0, v0;
	v17 =	vld [tilespmem:s1+$0xFFFFFEE0]  }
0xfe: {  	s0 =	simm.s32 $0x23B0;
	v19 =	vld [tilespmem:s1+$0xFFFFFE60];
	v20 =	vadd.s32 s4, v0  }
0xff: {  	v21 =	vld [tilespmem:s0+$0xFFFFFE50];
	s4 =	simm.s32 $0x3205  }
0x100: {  	s3 =	simm.s32 $0x31A3;
	v22 =	vld [tilespmem:s0+$0xFFFFFED0];
	v23 =	vadd.s32 s4, v0;
	[tilespmem:v14+s18+$0x0] =	vst.idx.msk $0xffff, v13  }
0x101: {  	s4 =	simm.s32 $0x3162;
	[tilespmem:v16+s18+$0x0] =	vst.idx.msk $0xffff, v15;
	v14 =	vadd.s32 s3, v0;
	v13 =	vld [tilespmem:s1+$0xFFFFFFF0]  }
0x102: {  	[tilespmem:v18+s18+$0x0] =	vst.idx.msk $0xffff, v17;
	s3 =	simm.s32 $0x3121;
	v16 =	vadd.s32 s4, v0;
	v15 =	vld [tilespmem:s1+$0xFFFFFF70]  }
0x103: {  	[tilespmem:v20+s18+$0x0] =	vst.idx.msk $0xffff, v19;
	s4 =	simm.s32 $0x30E0;
	v17 =	vld [tilespmem:s1+$0xFFFFFEF0];
	v18 =	vadd.s32 s3, v0  }
0x104: {  	s3 =	simm.s32 $0x3287;
	v19 =	vld [tilespmem:s1+$0xFFFFFE70];
	v20 =	vadd.s32 s4, v0  }
0x105: {  	[tilespmem:v23+s18+$0x0] =	vst.idx.msk $0xffff, v22;
	s4 =	simm.s32 $0x3246;
	v22 =	vld [tilespmem:s0+$0xFFFFFFD0];
	v23 =	vadd.s32 s3, v0  }
0x106: {  	v24 =	vld [tilespmem:s0+$0xFFFFFF50];
	s3 =	simm.s32 $0x31C4;
	v25 =	vadd.s32 s4, v0;
	[tilespmem:v14+s18+$0x0] =	vst.idx.msk $0xffff, v13  }
0x107: {  	s4 =	simm.s32 $0x31B3;
	v26 =	vadd.s32 s3, v0;
	[tilespmem:v16+s18+$0x0] =	vst.idx.msk $0xffff, v15;
	v16 =	vld [tilespmem:s1+$0x0]  }
0x108: {  	s3 =	simm.s32 $0x3131;
	v27 =	vadd.s32 s4, v0;
	[tilespmem:v18+s18+$0x0] =	vst.idx.msk $0xffff, v17;
	v13 =	vld [tilespmem:s1+$0xFFFFFF80]  }
0x109: {  	s4 =	simm.s32 $0x30F0;
	v29 =	vadd.s32 s3, v0;
	[tilespmem:v20+s18+$0x0] =	vst.idx.msk $0xffff, v19;
	v28 =	vld [tilespmem:s1+$0xFFFFFF00]  }
0x10a: {  	s3 =	simm.s32 $0x3297;
	v15 =	vadd.s32 s4, v0;
	[tilespmem:v23+s18+$0x0] =	vst.idx.msk $0xffff, v22;
	v14 =	vld [tilespmem:s1+$0xFFFFFE80]  }
0x10b: {  	s4 =	simm.s32 $0x3256;
	v20 =	vadd.s32 s3, v0;
	[tilespmem:v25+s18+$0x0] =	vst.idx.msk $0xffff, v24;
	v18 =	vld [tilespmem:s0+$0xFFFFFFE0]  }
0x10c: {  	s3 =	simm.s32 $0x3215;
	v19 =	vadd.s32 s4, v0;
	[tilespmem:v26+s18+$0x0] =	vst.idx.msk $0xffff, v21;
	v17 =	vld [tilespmem:s0+$0xFFFFFF60]  }
0x10d: {  	s29 =	simm.s32 $0x4;
	s4 =	simm.s32 $0x31D4;
	v22 =	vadd.s32 s3, v0;
	s3 =	simm.s32 $0x3172;
	v21 =	vld [tilespmem:s0+$0xFFFFFEE0];
	[tilespmem:v27+s18+$0x0] =	vst.idx.msk $0xffff, v16  }
0x10e: {  	s30 =	simm.s32 $0x33BB;
	s31 =	simm.s32 $0x25B0;
	s1 =	simm.s32 $0x32B7;
	v24 =	vadd.s32 s4, v0;
	v23 =	vld [tilespmem:s0+$0xFFFFFE60];
	[tilespmem:v29+s18+$0x0] =	vst.idx.msk $0xffff, v28;
	v16 =	vadd.s32 s3, v0  }
.LBB2_8:
0x10f: {  	s3 =	sadd.s32 $0xFFFFFF0D, s30;
	v25 =	vld [tilespmem:s31+$0xFFFFFE50];
	s4 =	sadd.s32 $0xFFFFFF4E, s30;
	s29 =	sadd.s32 $0x4, s29;
	[tilespmem:v15+s18+$0x0] =	vst.idx.msk $0xffff, v14  }
0x110: {  	v26 =	vadd.s32 s3, v0;
	v14 =	vld [tilespmem:s31+$0xFFFFFED0];
	v15 =	vadd.s32 s4, v0;
	p0 =	slt.u32 s29, $0x3C;
	[tilespmem:v20+s18+$0x0] =	vst.idx.msk $0xffff, v18;
	s3 =	sadd.s32 $0xFFFFFFF0, s1  }
0x111: {  	s4 =	sadd.s32 $0xFFFFFFAF, s1;
	[tilespmem:v19+s18+$0x0] =	vst.idx.msk $0xffff, v17;
	v17 =	vld [tilespmem:s0+$0xFFFFFFF0];
	v18 =	vadd.s32 s3, v0  }
0x112: {  	s3 =	sadd.s32 $0xFFFFFF6E, s1;
	v20 =	vadd.s32 s4, v0;
	[tilespmem:v22+s18+$0x0] =	vst.idx.msk $0xffff, v21;
	v19 =	vld [tilespmem:s0+$0xFFFFFF70]  }
0x113: {  	s4 =	sadd.s32 $0xFFFFFF2D, s1;
	v22 =	vadd.s32 s3, v0;
	[tilespmem:v24+s18+$0x0] =	vst.idx.msk $0xffff, v23;
	v21 =	vld [tilespmem:s0+$0xFFFFFEF0]  }
0x114: {  	s3 =	sadd.s32 $0xFFFFFFD0, s30;
	v24 =	vadd.s32 s4, v0;
	v23 =	vld [tilespmem:s0+$0xFFFFFE70];
	[tilespmem:v16+s18+$0x0] =	vst.idx.msk $0xffff, v13  }
0x115: {  	s4 =	sadd.s32 $0xFFFFFF8F, s30;
	[tilespmem:v15+s18+$0x0] =	vst.idx.msk $0xffff, v14;
	v14 =	vld [tilespmem:s31+$0xFFFFFFD0];
	v15 =	vadd.s32 s3, v0  }
0x116: {  	v27 =	vadd.s32 s4, v0;
	v16 =	vld [tilespmem:s31+$0xFFFFFF50];
	[tilespmem:v18+s18+$0x0] =	vst.idx.msk $0xffff, v17  }
0x117: {  	[tilespmem:v20+s18+$0x0] =	vst.idx.msk $0xffff, v19;
	v28 =	vld [tilespmem:s0+$0x0]  }
0x118: {  	v29 =	vadd.s32 s1, v0;
	s3 =	sadd.s32 $0xFFFFFF7E, s1;
	[tilespmem:v22+s18+$0x0] =	vst.idx.msk $0xffff, v21;
	v13 =	vld [tilespmem:s0+$0xFFFFFF80]  }
0x119: {  	s4 =	sadd.s32 $0xFFFFFF3D, s1;
	v31 =	vadd.s32 s3, v0;
	[tilespmem:v24+s18+$0x0] =	vst.idx.msk $0xffff, v23;
	v30 =	vld [tilespmem:s0+$0xFFFFFF00]  }
.Ltmp3:
0x11a: {  	s3 =	sadd.s32 $0xFFFFFFE0, s30;
	[tilespmem:v15+s18+$0x0] =	vst.idx.msk $0xffff, v14;
	v14 =	vld [tilespmem:s0+$0xFFFFFE80];
	v15 =	vadd.s32 s4, v0;
	s0 =	smov.u32 s31;
	(pc) =	sbr.rel @p0 .LBB2_8-.Ltmp3, $4  }
0x11b: {  	v20 =	vadd.s32 s3, v0;
	s4 =	sadd.s32 $0xFFFFFF9F, s30;
	[tilespmem:v27+s18+$0x0] =	vst.idx.msk $0xffff, v16;
	v18 =	vld [tilespmem:s31+$0xFFFFFFE0]  }
0x11c: {  	s3 =	sadd.s32 $0xFFFFFF5E, s30;
	v19 =	vadd.s32 s4, v0;
	[tilespmem:v26+s18+$0x0] =	vst.idx.msk $0xffff, v25;
	v17 =	vld [tilespmem:s31+$0xFFFFFF60]  }
0x11d: {  	v22 =	vadd.s32 s3, v0;
	s3 =	sadd.s32 $0xFFFFFFBF, s1;
	s1 =	smov.u32 s30;
	s4 =	sadd.s32 $0xFFFFFF1D, s30;
	v21 =	vld [tilespmem:s31+$0xFFFFFEE0];
	[tilespmem:v29+s18+$0x0] =	vst.idx.msk $0xffff, v28  }
0x11e: {  	s30 =	sadd.s32 $0x104, s30;
	v16 =	vadd.s32 s3, v0;
	v24 =	vadd.s32 s4, v0;
	s31 =	sadd.s32 $0x200, s31;
	v23 =	vld [tilespmem:s0+$0xFFFFFE60];
	[tilespmem:v31+s18+$0x0] =	vst.idx.msk $0xffff, v30  }
0x11f: {  	_ =	sdelay $0x3  }
0x120: {  	s3 =	sadd.s32 $0xFFFFFFF0, s1;
	[tilespmem:v20+s18+$0x0] =	vst.idx.msk $0xffff, v18  }
0x121: {  	v20 =	vadd.s32 s3, v0;
	s3 =	sadd.s32 $0xFFFFFF6E, s1;
	v18 =	vld [tilespmem:s0+$0xFFFFFFF0];
	[tilespmem:v22+s18+$0x0] =	vst.idx.msk $0xffff, v21  }
0x122: {  	[tilespmem:v19+s18+$0x0] =	vst.idx.msk $0xffff, v17;
	v22 =	vadd.s32 s3, v0;
	s3 =	sadd.s32 $0xFFFFFFAF, s1;
	v21 =	vld [tilespmem:s0+$0xFFFFFEF0]  }
0x123: {  	s4 =	sadd.s32 $0xFFFFFF2D, s1;
	[tilespmem:v24+s18+$0x0] =	vst.idx.msk $0xffff, v23;
	v23 =	vld [tilespmem:s0+$0xFFFFFF70];
	v24 =	vadd.s32 s3, v0  }
0x124: {  	v19 =	vadd.s32 s4, v0;
	v17 =	vld [tilespmem:s0+$0xFFFFFE70];
	_ =	sdelay $0x1  }
0x125: {  	[tilespmem:v20+s18+$0x0] =	vst.idx.msk $0xffff, v18  }
0x126: {  	[tilespmem:v22+s18+$0x0] =	vst.idx.msk $0xffff, v21  }
0x127: {  	s4 =	sadd.s32 $0xFFFFFF3D, s1;
	s3 =	sadd.s32 $0xFFFFFF7E, s1;
	v20 =	vadd.s32 s1, v0;
	v18 =	vld [tilespmem:s0+$0x0];
	[tilespmem:v24+s18+$0x0] =	vst.idx.msk $0xffff, v23  }
0x128: {  	v22 =	vadd.s32 s4, v0;
	s4 =	sadd.s32 $0xFFFFFFBF, s1;
	[tilespmem:v19+s18+$0x0] =	vst.idx.msk $0xffff, v17;
	v17 =	vld [tilespmem:s0+$0xFFFFFF00];
	v19 =	vadd.s32 s3, v0  }
0x129: {  	[tilespmem:v15+s18+$0x0] =	vst.idx.msk $0xffff, v14;
	v14 =	vld [tilespmem:s0+$0xFFFFFF80];
	v15 =	vadd.s32 s4, v0  }
0x12a: {  	v21 =	vld [tilespmem:s0+$0xFFFFFE80]  }
0x12b: {  	[tilespmem:v16+s18+$0x0] =	vst.idx.msk $0xffff, v13  }
0x12c: {  	[tilespmem:v20+s18+$0x0] =	vst.idx.msk $0xffff, v18  }
0x12d: {  	[tilespmem:v19+s18+$0x0] =	vst.idx.msk $0xffff, v17  }
0x12e: {  	[tilespmem:v15+s18+$0x0] =	vst.idx.msk $0xffff, v14  }
0x12f: {  	[tilespmem:v22+s18+$0x0] =	vst.idx.msk $0xffff, v21  }
0x130: {  	[tilespmem:s16], [sflag:$0x2] =	stream.linear.gather [hbm4b:s9+s2], $0x2000, $0x38;
	[tilespmem:$0x1E680] =	vst v63  }
0x131: {  	_ =	swait.ge [sflag:s17], $0x2000  }
0x132: {  	[sflag:s17] =	ssyncset.done $0x0  }
0x133: {  	s1 =	simm.s32 $0x100;
	s3 =	simm.s32 $0x41C3;
	[sflag:s17] =	ssyncadd.s32 $0xFFFFE000  }
0x134: {  	s4 =	simm.s32 $0x4182;
	v14 =	vadd.s32 s3, v0;
	v13 =	vld [tilespmem:s1+$0x80]  }
0x135: {  	s0 =	simm.s32 $0x4141;
	v16 =	vadd.s32 s4, v0;
	v15 =	vld [tilespmem:s1+$0x0]  }
0x136: {  	s4 =	simm.s32 $0x4100;
	v18 =	vadd.s32 s0, v0;
	v17 =	vld [tilespmem:s1+$0xFFFFFF80]  }
0x137: {  	v20 =	vadd.s32 s4, v0;
	v19 =	vld [tilespmem:s1+$0xFFFFFF00];
	_ =	sdelay $0x1  }
0x138: {  	s3 =	simm.s32 $0x41D3;
	[tilespmem:v14+s18+$0x0] =	vst.idx.msk $0xffff, v13  }
0x139: {  	s4 =	simm.s32 $0x4192;
	[tilespmem:v16+s18+$0x0] =	vst.idx.msk $0xffff, v15;
	v14 =	vadd.s32 s3, v0;
	v13 =	vld [tilespmem:s1+$0x90]  }
0x13a: {  	s0 =	simm.s32 $0x4151;
	[tilespmem:v18+s18+$0x0] =	vst.idx.msk $0xffff, v17;
	v16 =	vadd.s32 s4, v0;
	v15 =	vld [tilespmem:s1+$0x10]  }
0x13b: {  	[tilespmem:v20+s18+$0x0] =	vst.idx.msk $0xffff, v19;
	s4 =	simm.s32 $0x4110;
	v18 =	vadd.s32 s0, v0;
	v17 =	vld [tilespmem:s1+$0xFFFFFF90]  }
0x13c: {  	s0 =	simm.s32 $0x300;
	v19 =	vld [tilespmem:s1+$0xFFFFFF10];
	v20 =	vadd.s32 s4, v0  }
0x13d: {  	v21 =	vld [tilespmem:s0+$0xFFFFFF00];
	s4 =	simm.s32 $0x4245  }
0x13e: {  	s3 =	simm.s32 $0x41E3;
	v22 =	vld [tilespmem:s0+$0xFFFFFF80];
	v23 =	vadd.s32 s4, v0;
	[tilespmem:v14+s18+$0x0] =	vst.idx.msk $0xffff, v13  }
0x13f: {  	s4 =	simm.s32 $0x41A2;
	[tilespmem:v16+s18+$0x0] =	vst.idx.msk $0xffff, v15;
	v14 =	vadd.s32 s3, v0;
	v13 =	vld [tilespmem:s1+$0xA0]  }
0x140: {  	[tilespmem:v18+s18+$0x0] =	vst.idx.msk $0xffff, v17;
	s3 =	simm.s32 $0x4161;
	v16 =	vadd.s32 s4, v0;
	v15 =	vld [tilespmem:s1+$0x20]  }
0x141: {  	[tilespmem:v20+s18+$0x0] =	vst.idx.msk $0xffff, v19;
	s4 =	simm.s32 $0x4120;
	v17 =	vld [tilespmem:s1+$0xFFFFFFA0];
	v18 =	vadd.s32 s3, v0  }
0x142: {  	s3 =	simm.s32 $0x42C7;
	v19 =	vld [tilespmem:s1+$0xFFFFFF20];
	v20 =	vadd.s32 s4, v0  }
0x143: {  	[tilespmem:v23+s18+$0x0] =	vst.idx.msk $0xffff, v22;
	s4 =	simm.s32 $0x4286;
	v22 =	vld [tilespmem:s0+$0x80];
	v23 =	vadd.s32 s3, v0  }
0x144: {  	v24 =	vld [tilespmem:s0+$0x0];
	s3 =	simm.s32 $0x4204;
	v25 =	vadd.s32 s4, v0;
	[tilespmem:v14+s18+$0x0] =	vst.idx.msk $0xffff, v13  }
0x145: {  	s4 =	simm.s32 $0x41F3;
	v26 =	vadd.s32 s3, v0;
	[tilespmem:v16+s18+$0x0] =	vst.idx.msk $0xffff, v15;
	v16 =	vld [tilespmem:s1+$0xB0]  }
0x146: {  	s3 =	simm.s32 $0x4171;
	v27 =	vadd.s32 s4, v0;
	[tilespmem:v18+s18+$0x0] =	vst.idx.msk $0xffff, v17;
	v13 =	vld [tilespmem:s1+$0x30]  }
0x147: {  	s4 =	simm.s32 $0x4130;
	v29 =	vadd.s32 s3, v0;
	[tilespmem:v20+s18+$0x0] =	vst.idx.msk $0xffff, v19;
	v28 =	vld [tilespmem:s1+$0xFFFFFFB0]  }
0x148: {  	s3 =	simm.s32 $0x42D7;
	v15 =	vadd.s32 s4, v0;
	[tilespmem:v23+s18+$0x0] =	vst.idx.msk $0xffff, v22;
	v14 =	vld [tilespmem:s1+$0xFFFFFF30]  }
0x149: {  	s4 =	simm.s32 $0x4296;
	v20 =	vadd.s32 s3, v0;
	[tilespmem:v25+s18+$0x0] =	vst.idx.msk $0xffff, v24;
	v18 =	vld [tilespmem:s0+$0x90]  }
0x14a: {  	s3 =	simm.s32 $0x4255;
	v19 =	vadd.s32 s4, v0;
	[tilespmem:v26+s18+$0x0] =	vst.idx.msk $0xffff, v21;
	v17 =	vld [tilespmem:s0+$0x10]  }
0x14b: {  	s29 =	simm.s32 $0x4;
	s4 =	simm.s32 $0x4214;
	v22 =	vadd.s32 s3, v0;
	s3 =	simm.s32 $0x41B2;
	v21 =	vld [tilespmem:s0+$0xFFFFFF90];
	[tilespmem:v27+s18+$0x0] =	vst.idx.msk $0xffff, v16  }
0x14c: {  	s30 =	simm.s32 $0x43FB;
	s31 =	simm.s32 $0x500;
	s1 =	simm.s32 $0x42F7;
	v24 =	vadd.s32 s4, v0;
	v23 =	vld [tilespmem:s0+$0xFFFFFF10];
	[tilespmem:v29+s18+$0x0] =	vst.idx.msk $0xffff, v28;
	v16 =	vadd.s32 s3, v0  }
.LBB2_10:
0x14d: {  	s3 =	sadd.s32 $0xFFFFFF0D, s30;
	v25 =	vld [tilespmem:s31+$0xFFFFFF00];
	s4 =	sadd.s32 $0xFFFFFF4E, s30;
	s29 =	sadd.s32 $0x4, s29;
	[tilespmem:v15+s18+$0x0] =	vst.idx.msk $0xffff, v14  }
0x14e: {  	v26 =	vadd.s32 s3, v0;
	v14 =	vld [tilespmem:s31+$0xFFFFFF80];
	v15 =	vadd.s32 s4, v0;
	p0 =	slt.u32 s29, $0x3C;
	[tilespmem:v20+s18+$0x0] =	vst.idx.msk $0xffff, v18;
	s3 =	sadd.s32 $0xFFFFFFF0, s1  }
0x14f: {  	s4 =	sadd.s32 $0xFFFFFFAF, s1;
	[tilespmem:v19+s18+$0x0] =	vst.idx.msk $0xffff, v17;
	v17 =	vld [tilespmem:s0+$0xA0];
	v18 =	vadd.s32 s3, v0  }
0x150: {  	s3 =	sadd.s32 $0xFFFFFF6E, s1;
	v20 =	vadd.s32 s4, v0;
	[tilespmem:v22+s18+$0x0] =	vst.idx.msk $0xffff, v21;
	v19 =	vld [tilespmem:s0+$0x20]  }
0x151: {  	s4 =	sadd.s32 $0xFFFFFF2D, s1;
	v22 =	vadd.s32 s3, v0;
	[tilespmem:v24+s18+$0x0] =	vst.idx.msk $0xffff, v23;
	v21 =	vld [tilespmem:s0+$0xFFFFFFA0]  }
0x152: {  	s3 =	sadd.s32 $0xFFFFFFD0, s30;
	v24 =	vadd.s32 s4, v0;
	v23 =	vld [tilespmem:s0+$0xFFFFFF20];
	[tilespmem:v16+s18+$0x0] =	vst.idx.msk $0xffff, v13  }
0x153: {  	s4 =	sadd.s32 $0xFFFFFF8F, s30;
	[tilespmem:v15+s18+$0x0] =	vst.idx.msk $0xffff, v14;
	v14 =	vld [tilespmem:s31+$0x80];
	v15 =	vadd.s32 s3, v0  }
0x154: {  	v27 =	vadd.s32 s4, v0;
	v16 =	vld [tilespmem:s31+$0x0];
	[tilespmem:v18+s18+$0x0] =	vst.idx.msk $0xffff, v17  }
0x155: {  	[tilespmem:v20+s18+$0x0] =	vst.idx.msk $0xffff, v19;
	v28 =	vld [tilespmem:s0+$0xB0]  }
0x156: {  	v29 =	vadd.s32 s1, v0;
	s3 =	sadd.s32 $0xFFFFFF7E, s1;
	[tilespmem:v22+s18+$0x0] =	vst.idx.msk $0xffff, v21;
	v13 =	vld [tilespmem:s0+$0x30]  }
0x157: {  	s4 =	sadd.s32 $0xFFFFFF3D, s1;
	v31 =	vadd.s32 s3, v0;
	[tilespmem:v24+s18+$0x0] =	vst.idx.msk $0xffff, v23;
	v30 =	vld [tilespmem:s0+$0xFFFFFFB0]  }
.Ltmp4:
0x158: {  	s3 =	sadd.s32 $0xFFFFFFE0, s30;
	[tilespmem:v15+s18+$0x0] =	vst.idx.msk $0xffff, v14;
	v14 =	vld [tilespmem:s0+$0xFFFFFF30];
	v15 =	vadd.s32 s4, v0;
	s0 =	smov.u32 s31;
	(pc) =	sbr.rel @p0 .LBB2_10-.Ltmp4, $4  }
0x159: {  	v20 =	vadd.s32 s3, v0;
	s4 =	sadd.s32 $0xFFFFFF9F, s30;
	[tilespmem:v27+s18+$0x0] =	vst.idx.msk $0xffff, v16;
	v18 =	vld [tilespmem:s31+$0x90]  }
0x15a: {  	s3 =	sadd.s32 $0xFFFFFF5E, s30;
	v19 =	vadd.s32 s4, v0;
	[tilespmem:v26+s18+$0x0] =	vst.idx.msk $0xffff, v25;
	v17 =	vld [tilespmem:s31+$0x10]  }
0x15b: {  	v22 =	vadd.s32 s3, v0;
	s3 =	sadd.s32 $0xFFFFFFBF, s1;
	s1 =	smov.u32 s30;
	s4 =	sadd.s32 $0xFFFFFF1D, s30;
	v21 =	vld [tilespmem:s31+$0xFFFFFF90];
	[tilespmem:v29+s18+$0x0] =	vst.idx.msk $0xffff, v28  }
0x15c: {  	s30 =	sadd.s32 $0x104, s30;
	v16 =	vadd.s32 s3, v0;
	v24 =	vadd.s32 s4, v0;
	s31 =	sadd.s32 $0x200, s31;
	v23 =	vld [tilespmem:s0+$0xFFFFFF10];
	[tilespmem:v31+s18+$0x0] =	vst.idx.msk $0xffff, v30  }
0x15d: {  	_ =	sdelay $0x3  }
0x15e: {  	s3 =	sadd.s32 $0xFFFFFFF0, s1;
	[tilespmem:v20+s18+$0x0] =	vst.idx.msk $0xffff, v18  }
0x15f: {  	v20 =	vadd.s32 s3, v0;
	s3 =	sadd.s32 $0xFFFFFF6E, s1;
	v18 =	vld [tilespmem:s0+$0xA0];
	[tilespmem:v22+s18+$0x0] =	vst.idx.msk $0xffff, v21  }
0x160: {  	[tilespmem:v19+s18+$0x0] =	vst.idx.msk $0xffff, v17;
	v22 =	vadd.s32 s3, v0;
	s3 =	sadd.s32 $0xFFFFFFAF, s1;
	v21 =	vld [tilespmem:s0+$0xFFFFFFA0]  }
0x161: {  	s4 =	sadd.s32 $0xFFFFFF2D, s1;
	[tilespmem:v24+s18+$0x0] =	vst.idx.msk $0xffff, v23;
	v23 =	vld [tilespmem:s0+$0x20];
	v24 =	vadd.s32 s3, v0  }
0x162: {  	v19 =	vadd.s32 s4, v0;
	v17 =	vld [tilespmem:s0+$0xFFFFFF20];
	_ =	sdelay $0x1  }
0x163: {  	[tilespmem:v20+s18+$0x0] =	vst.idx.msk $0xffff, v18  }
0x164: {  	[tilespmem:v22+s18+$0x0] =	vst.idx.msk $0xffff, v21  }
0x165: {  	s4 =	sadd.s32 $0xFFFFFF3D, s1;
	s3 =	sadd.s32 $0xFFFFFF7E, s1;
	v20 =	vadd.s32 s1, v0;
	v18 =	vld [tilespmem:s0+$0xB0];
	[tilespmem:v24+s18+$0x0] =	vst.idx.msk $0xffff, v23  }
0x166: {  	v22 =	vadd.s32 s4, v0;
	s4 =	sadd.s32 $0xFFFFFFBF, s1;
	[tilespmem:v19+s18+$0x0] =	vst.idx.msk $0xffff, v17;
	v17 =	vld [tilespmem:s0+$0xFFFFFFB0];
	v19 =	vadd.s32 s3, v0  }
0x167: {  	[tilespmem:v15+s18+$0x0] =	vst.idx.msk $0xffff, v14;
	v14 =	vld [tilespmem:s0+$0x30];
	v15 =	vadd.s32 s4, v0  }
0x168: {  	v21 =	vld [tilespmem:s0+$0xFFFFFF30]  }
0x169: {  	[tilespmem:v16+s18+$0x0] =	vst.idx.msk $0xffff, v13  }
0x16a: {  	[tilespmem:v20+s18+$0x0] =	vst.idx.msk $0xffff, v18  }
0x16b: {  	[tilespmem:v19+s18+$0x0] =	vst.idx.msk $0xffff, v17  }
0x16c: {  	[tilespmem:v15+s18+$0x0] =	vst.idx.msk $0xffff, v14  }
0x16d: {  	[tilespmem:v22+s18+$0x0] =	vst.idx.msk $0xffff, v21  }
0x16e: {  	[tilespmem:s2], [sflag:$0x1] =	stream.linear.gather [hbm4b:s10+s2], $0x2000, $0x38;
	[tilespmem:$0x1E680] =	vst v63  }
0x16f: {  	_ =	swait.ge [sflag:s19], $0x2000  }
0x170: {  	[sflag:s19] =	ssyncset.done $0x0  }
0x171: {  	s1 =	simm.s32 $0x21B0;
	s3 =	simm.s32 $0x5203;
	[sflag:s19] =	ssyncadd.s32 $0xFFFFE000  }
0x172: {  	s4 =	simm.s32 $0x51C2;
	v14 =	vadd.s32 s3, v0;
	v13 =	vld [tilespmem:s1+$0xFFFFFFD0]  }
0x173: {  	s0 =	simm.s32 $0x5181;
	v16 =	vadd.s32 s4, v0;
	v15 =	vld [tilespmem:s1+$0xFFFFFF50]  }
0x174: {  	s4 =	simm.s32 $0x5140;
	v18 =	vadd.s32 s0, v0;
	v17 =	vld [tilespmem:s1+$0xFFFFFED0]  }
0x175: {  	v20 =	vadd.s32 s4, v0;
	v19 =	vld [tilespmem:s1+$0xFFFFFE50];
	_ =	sdelay $0x1  }
0x176: {  	s3 =	simm.s32 $0x5213;
	[tilespmem:v14+s18+$0x0] =	vst.idx.msk $0xffff, v13  }
0x177: {  	s4 =	simm.s32 $0x51D2;
	[tilespmem:v16+s18+$0x0] =	vst.idx.msk $0xffff, v15;
	v14 =	vadd.s32 s3, v0;
	v13 =	vld [tilespmem:s1+$0xFFFFFFE0]  }
0x178: {  	s0 =	simm.s32 $0x5191;
	[tilespmem:v18+s18+$0x0] =	vst.idx.msk $0xffff, v17;
	v16 =	vadd.s32 s4, v0;
	v15 =	vld [tilespmem:s1+$0xFFFFFF60]  }
0x179: {  	[tilespmem:v20+s18+$0x0] =	vst.idx.msk $0xffff, v19;
	s4 =	simm.s32 $0x5150;
	v18 =	vadd.s32 s0, v0;
	v17 =	vld [tilespmem:s1+$0xFFFFFEE0]  }
0x17a: {  	s0 =	simm.s32 $0x23B0;
	v19 =	vld [tilespmem:s1+$0xFFFFFE60];
	v20 =	vadd.s32 s4, v0  }
0x17b: {  	v21 =	vld [tilespmem:s0+$0xFFFFFE50];
	s4 =	simm.s32 $0x5285  }
0x17c: {  	s3 =	simm.s32 $0x5223;
	v22 =	vld [tilespmem:s0+$0xFFFFFED0];
	v23 =	vadd.s32 s4, v0;
	[tilespmem:v14+s18+$0x0] =	vst.idx.msk $0xffff, v13  }
0x17d: {  	s4 =	simm.s32 $0x51E2;
	[tilespmem:v16+s18+$0x0] =	vst.idx.msk $0xffff, v15;
	v14 =	vadd.s32 s3, v0;
	v13 =	vld [tilespmem:s1+$0xFFFFFFF0]  }
0x17e: {  	[tilespmem:v18+s18+$0x0] =	vst.idx.msk $0xffff, v17;
	s3 =	simm.s32 $0x51A1;
	v16 =	vadd.s32 s4, v0;
	v15 =	vld [tilespmem:s1+$0xFFFFFF70]  }
0x17f: {  	[tilespmem:v20+s18+$0x0] =	vst.idx.msk $0xffff, v19;
	s4 =	simm.s32 $0x5160;
	v17 =	vld [tilespmem:s1+$0xFFFFFEF0];
	v18 =	vadd.s32 s3, v0  }
0x180: {  	s3 =	simm.s32 $0x5307;
	v19 =	vld [tilespmem:s1+$0xFFFFFE70];
	v20 =	vadd.s32 s4, v0  }
0x181: {  	[tilespmem:v23+s18+$0x0] =	vst.idx.msk $0xffff, v22;
	s4 =	simm.s32 $0x52C6;
	v22 =	vld [tilespmem:s0+$0xFFFFFFD0];
	v23 =	vadd.s32 s3, v0  }
0x182: {  	v24 =	vld [tilespmem:s0+$0xFFFFFF50];
	s3 =	simm.s32 $0x5244;
	v25 =	vadd.s32 s4, v0;
	[tilespmem:v14+s18+$0x0] =	vst.idx.msk $0xffff, v13  }
0x183: {  	s4 =	simm.s32 $0x5233;
	v26 =	vadd.s32 s3, v0;
	[tilespmem:v16+s18+$0x0] =	vst.idx.msk $0xffff, v15;
	v16 =	vld [tilespmem:s1+$0x0]  }
0x184: {  	s3 =	simm.s32 $0x51B1;
	v27 =	vadd.s32 s4, v0;
	[tilespmem:v18+s18+$0x0] =	vst.idx.msk $0xffff, v17;
	v13 =	vld [tilespmem:s1+$0xFFFFFF80]  }
0x185: {  	s4 =	simm.s32 $0x5170;
	v29 =	vadd.s32 s3, v0;
	[tilespmem:v20+s18+$0x0] =	vst.idx.msk $0xffff, v19;
	v28 =	vld [tilespmem:s1+$0xFFFFFF00]  }
0x186: {  	s3 =	simm.s32 $0x5317;
	v15 =	vadd.s32 s4, v0;
	[tilespmem:v23+s18+$0x0] =	vst.idx.msk $0xffff, v22;
	v14 =	vld [tilespmem:s1+$0xFFFFFE80]  }
0x187: {  	s4 =	simm.s32 $0x52D6;
	v20 =	vadd.s32 s3, v0;
	[tilespmem:v25+s18+$0x0] =	vst.idx.msk $0xffff, v24;
	v18 =	vld [tilespmem:s0+$0xFFFFFFE0]  }
0x188: {  	s3 =	simm.s32 $0x5295;
	v19 =	vadd.s32 s4, v0;
	[tilespmem:v26+s18+$0x0] =	vst.idx.msk $0xffff, v21;
	v17 =	vld [tilespmem:s0+$0xFFFFFF60]  }
0x189: {  	s29 =	simm.s32 $0x4;
	s4 =	simm.s32 $0x5254;
	v22 =	vadd.s32 s3, v0;
	s3 =	simm.s32 $0x51F2;
	v21 =	vld [tilespmem:s0+$0xFFFFFEE0];
	[tilespmem:v27+s18+$0x0] =	vst.idx.msk $0xffff, v16  }
0x18a: {  	s30 =	simm.s32 $0x543B;
	s31 =	simm.s32 $0x25B0;
	s1 =	simm.s32 $0x5337;
	v24 =	vadd.s32 s4, v0;
	v23 =	vld [tilespmem:s0+$0xFFFFFE60];
	[tilespmem:v29+s18+$0x0] =	vst.idx.msk $0xffff, v28;
	v16 =	vadd.s32 s3, v0  }
.LBB2_12:
0x18b: {  	s3 =	sadd.s32 $0xFFFFFF0D, s30;
	v25 =	vld [tilespmem:s31+$0xFFFFFE50];
	s4 =	sadd.s32 $0xFFFFFF4E, s30;
	s29 =	sadd.s32 $0x4, s29;
	[tilespmem:v15+s18+$0x0] =	vst.idx.msk $0xffff, v14  }
0x18c: {  	v26 =	vadd.s32 s3, v0;
	v14 =	vld [tilespmem:s31+$0xFFFFFED0];
	v15 =	vadd.s32 s4, v0;
	p0 =	slt.u32 s29, $0x3C;
	[tilespmem:v20+s18+$0x0] =	vst.idx.msk $0xffff, v18;
	s3 =	sadd.s32 $0xFFFFFFF0, s1  }
0x18d: {  	s4 =	sadd.s32 $0xFFFFFFAF, s1;
	[tilespmem:v19+s18+$0x0] =	vst.idx.msk $0xffff, v17;
	v17 =	vld [tilespmem:s0+$0xFFFFFFF0];
	v18 =	vadd.s32 s3, v0  }
0x18e: {  	s3 =	sadd.s32 $0xFFFFFF6E, s1;
	v20 =	vadd.s32 s4, v0;
	[tilespmem:v22+s18+$0x0] =	vst.idx.msk $0xffff, v21;
	v19 =	vld [tilespmem:s0+$0xFFFFFF70]  }
0x18f: {  	s4 =	sadd.s32 $0xFFFFFF2D, s1;
	v22 =	vadd.s32 s3, v0;
	[tilespmem:v24+s18+$0x0] =	vst.idx.msk $0xffff, v23;
	v21 =	vld [tilespmem:s0+$0xFFFFFEF0]  }
0x190: {  	s3 =	sadd.s32 $0xFFFFFFD0, s30;
	v24 =	vadd.s32 s4, v0;
	v23 =	vld [tilespmem:s0+$0xFFFFFE70];
	[tilespmem:v16+s18+$0x0] =	vst.idx.msk $0xffff, v13  }
0x191: {  	s4 =	sadd.s32 $0xFFFFFF8F, s30;
	[tilespmem:v15+s18+$0x0] =	vst.idx.msk $0xffff, v14;
	v14 =	vld [tilespmem:s31+$0xFFFFFFD0];
	v15 =	vadd.s32 s3, v0  }
0x192: {  	v27 =	vadd.s32 s4, v0;
	v16 =	vld [tilespmem:s31+$0xFFFFFF50];
	[tilespmem:v18+s18+$0x0] =	vst.idx.msk $0xffff, v17  }
0x193: {  	[tilespmem:v20+s18+$0x0] =	vst.idx.msk $0xffff, v19;
	v28 =	vld [tilespmem:s0+$0x0]  }
0x194: {  	v29 =	vadd.s32 s1, v0;
	s3 =	sadd.s32 $0xFFFFFF7E, s1;
	[tilespmem:v22+s18+$0x0] =	vst.idx.msk $0xffff, v21;
	v13 =	vld [tilespmem:s0+$0xFFFFFF80]  }
0x195: {  	s4 =	sadd.s32 $0xFFFFFF3D, s1;
	v31 =	vadd.s32 s3, v0;
	[tilespmem:v24+s18+$0x0] =	vst.idx.msk $0xffff, v23;
	v30 =	vld [tilespmem:s0+$0xFFFFFF00]  }
.Ltmp5:
0x196: {  	s3 =	sadd.s32 $0xFFFFFFE0, s30;
	[tilespmem:v15+s18+$0x0] =	vst.idx.msk $0xffff, v14;
	v14 =	vld [tilespmem:s0+$0xFFFFFE80];
	v15 =	vadd.s32 s4, v0;
	s0 =	smov.u32 s31;
	(pc) =	sbr.rel @p0 .LBB2_12-.Ltmp5, $4  }
0x197: {  	v20 =	vadd.s32 s3, v0;
	s4 =	sadd.s32 $0xFFFFFF9F, s30;
	[tilespmem:v27+s18+$0x0] =	vst.idx.msk $0xffff, v16;
	v18 =	vld [tilespmem:s31+$0xFFFFFFE0]  }
0x198: {  	s3 =	sadd.s32 $0xFFFFFF5E, s30;
	v19 =	vadd.s32 s4, v0;
	[tilespmem:v26+s18+$0x0] =	vst.idx.msk $0xffff, v25;
	v17 =	vld [tilespmem:s31+$0xFFFFFF60]  }
0x199: {  	v22 =	vadd.s32 s3, v0;
	s3 =	sadd.s32 $0xFFFFFFBF, s1;
	s1 =	smov.u32 s30;
	s4 =	sadd.s32 $0xFFFFFF1D, s30;
	v21 =	vld [tilespmem:s31+$0xFFFFFEE0];
	[tilespmem:v29+s18+$0x0] =	vst.idx.msk $0xffff, v28  }
0x19a: {  	s30 =	sadd.s32 $0x104, s30;
	v16 =	vadd.s32 s3, v0;
	v24 =	vadd.s32 s4, v0;
	s31 =	sadd.s32 $0x200, s31;
	v23 =	vld [tilespmem:s0+$0xFFFFFE60];
	[tilespmem:v31+s18+$0x0] =	vst.idx.msk $0xffff, v30  }
0x19b: {  	_ =	sdelay $0x3  }
0x19c: {  	s3 =	sadd.s32 $0xFFFFFFF0, s1;
	[tilespmem:v20+s18+$0x0] =	vst.idx.msk $0xffff, v18  }
0x19d: {  	v20 =	vadd.s32 s3, v0;
	s3 =	sadd.s32 $0xFFFFFF6E, s1;
	v18 =	vld [tilespmem:s0+$0xFFFFFFF0];
	[tilespmem:v22+s18+$0x0] =	vst.idx.msk $0xffff, v21  }
0x19e: {  	[tilespmem:v19+s18+$0x0] =	vst.idx.msk $0xffff, v17;
	v22 =	vadd.s32 s3, v0;
	s3 =	sadd.s32 $0xFFFFFFAF, s1;
	v21 =	vld [tilespmem:s0+$0xFFFFFEF0]  }
0x19f: {  	s4 =	sadd.s32 $0xFFFFFF2D, s1;
	[tilespmem:v24+s18+$0x0] =	vst.idx.msk $0xffff, v23;
	v23 =	vld [tilespmem:s0+$0xFFFFFF70];
	v24 =	vadd.s32 s3, v0  }
0x1a0: {  	v19 =	vadd.s32 s4, v0;
	v17 =	vld [tilespmem:s0+$0xFFFFFE70];
	_ =	sdelay $0x1  }
0x1a1: {  	[tilespmem:v20+s18+$0x0] =	vst.idx.msk $0xffff, v18  }
0x1a2: {  	[tilespmem:v22+s18+$0x0] =	vst.idx.msk $0xffff, v21  }
0x1a3: {  	s4 =	sadd.s32 $0xFFFFFF3D, s1;
	s3 =	sadd.s32 $0xFFFFFF7E, s1;
	v20 =	vadd.s32 s1, v0;
	v18 =	vld [tilespmem:s0+$0x0];
	[tilespmem:v24+s18+$0x0] =	vst.idx.msk $0xffff, v23  }
0x1a4: {  	v22 =	vadd.s32 s4, v0;
	s4 =	sadd.s32 $0xFFFFFFBF, s1;
	[tilespmem:v19+s18+$0x0] =	vst.idx.msk $0xffff, v17;
	v17 =	vld [tilespmem:s0+$0xFFFFFF00];
	v19 =	vadd.s32 s3, v0  }
0x1a5: {  	[tilespmem:v15+s18+$0x0] =	vst.idx.msk $0xffff, v14;
	v14 =	vld [tilespmem:s0+$0xFFFFFF80];
	v15 =	vadd.s32 s4, v0  }
0x1a6: {  	v21 =	vld [tilespmem:s0+$0xFFFFFE80]  }
0x1a7: {  	[tilespmem:v16+s18+$0x0] =	vst.idx.msk $0xffff, v13  }
0x1a8: {  	[tilespmem:v20+s18+$0x0] =	vst.idx.msk $0xffff, v18  }
0x1a9: {  	[tilespmem:v19+s18+$0x0] =	vst.idx.msk $0xffff, v17  }
0x1aa: {  	[tilespmem:v15+s18+$0x0] =	vst.idx.msk $0xffff, v14  }
0x1ab: {  	[tilespmem:v22+s18+$0x0] =	vst.idx.msk $0xffff, v21  }
0x1ac: {  	[tilespmem:s16], [sflag:$0x2] =	stream.linear.gather [hbm4b:s11+s2], $0x2000, $0x38;
	[tilespmem:$0x1E680] =	vst v63  }
0x1ad: {  	_ =	swait.ge [sflag:s17], $0x2000  }
0x1ae: {  	[sflag:s17] =	ssyncset.done $0x0  }
0x1af: {  	s1 =	simm.s32 $0x100;
	s3 =	simm.s32 $0x6243;
	[sflag:s17] =	ssyncadd.s32 $0xFFFFE000  }
0x1b0: {  	s4 =	simm.s32 $0x6202;
	v14 =	vadd.s32 s3, v0;
	v13 =	vld [tilespmem:s1+$0x80]  }
0x1b1: {  	s0 =	simm.s32 $0x61C1;
	v16 =	vadd.s32 s4, v0;
	v15 =	vld [tilespmem:s1+$0x0]  }
0x1b2: {  	s4 =	simm.s32 $0x6180;
	v18 =	vadd.s32 s0, v0;
	v17 =	vld [tilespmem:s1+$0xFFFFFF80]  }
0x1b3: {  	v20 =	vadd.s32 s4, v0;
	v19 =	vld [tilespmem:s1+$0xFFFFFF00];
	_ =	sdelay $0x1  }
0x1b4: {  	s3 =	simm.s32 $0x6253;
	[tilespmem:v14+s18+$0x0] =	vst.idx.msk $0xffff, v13  }
0x1b5: {  	s4 =	simm.s32 $0x6212;
	[tilespmem:v16+s18+$0x0] =	vst.idx.msk $0xffff, v15;
	v14 =	vadd.s32 s3, v0;
	v13 =	vld [tilespmem:s1+$0x90]  }
0x1b6: {  	s0 =	simm.s32 $0x61D1;
	[tilespmem:v18+s18+$0x0] =	vst.idx.msk $0xffff, v17;
	v16 =	vadd.s32 s4, v0;
	v15 =	vld [tilespmem:s1+$0x10]  }
0x1b7: {  	[tilespmem:v20+s18+$0x0] =	vst.idx.msk $0xffff, v19;
	s4 =	simm.s32 $0x6190;
	v18 =	vadd.s32 s0, v0;
	v17 =	vld [tilespmem:s1+$0xFFFFFF90]  }
0x1b8: {  	s0 =	simm.s32 $0x300;
	v19 =	vld [tilespmem:s1+$0xFFFFFF10];
	v20 =	vadd.s32 s4, v0  }
0x1b9: {  	v21 =	vld [tilespmem:s0+$0xFFFFFF00];
	s4 =	simm.s32 $0x62C5  }
0x1ba: {  	s3 =	simm.s32 $0x6263;
	v22 =	vld [tilespmem:s0+$0xFFFFFF80];
	v23 =	vadd.s32 s4, v0;
	[tilespmem:v14+s18+$0x0] =	vst.idx.msk $0xffff, v13  }
0x1bb: {  	s4 =	simm.s32 $0x6222;
	[tilespmem:v16+s18+$0x0] =	vst.idx.msk $0xffff, v15;
	v14 =	vadd.s32 s3, v0;
	v13 =	vld [tilespmem:s1+$0xA0]  }
0x1bc: {  	[tilespmem:v18+s18+$0x0] =	vst.idx.msk $0xffff, v17;
	s3 =	simm.s32 $0x61E1;
	v16 =	vadd.s32 s4, v0;
	v15 =	vld [tilespmem:s1+$0x20]  }
0x1bd: {  	[tilespmem:v20+s18+$0x0] =	vst.idx.msk $0xffff, v19;
	s4 =	simm.s32 $0x61A0;
	v17 =	vld [tilespmem:s1+$0xFFFFFFA0];
	v18 =	vadd.s32 s3, v0  }
0x1be: {  	s3 =	simm.s32 $0x6347;
	v19 =	vld [tilespmem:s1+$0xFFFFFF20];
	v20 =	vadd.s32 s4, v0  }
0x1bf: {  	[tilespmem:v23+s18+$0x0] =	vst.idx.msk $0xffff, v22;
	s4 =	simm.s32 $0x6306;
	v22 =	vld [tilespmem:s0+$0x80];
	v23 =	vadd.s32 s3, v0  }
0x1c0: {  	v24 =	vld [tilespmem:s0+$0x0];
	s3 =	simm.s32 $0x6284;
	v25 =	vadd.s32 s4, v0;
	[tilespmem:v14+s18+$0x0] =	vst.idx.msk $0xffff, v13  }
0x1c1: {  	s4 =	simm.s32 $0x6273;
	v26 =	vadd.s32 s3, v0;
	[tilespmem:v16+s18+$0x0] =	vst.idx.msk $0xffff, v15;
	v16 =	vld [tilespmem:s1+$0xB0]  }
0x1c2: {  	s3 =	simm.s32 $0x61F1;
	v27 =	vadd.s32 s4, v0;
	[tilespmem:v18+s18+$0x0] =	vst.idx.msk $0xffff, v17;
	v13 =	vld [tilespmem:s1+$0x30]  }
0x1c3: {  	s4 =	simm.s32 $0x61B0;
	v29 =	vadd.s32 s3, v0;
	[tilespmem:v20+s18+$0x0] =	vst.idx.msk $0xffff, v19;
	v28 =	vld [tilespmem:s1+$0xFFFFFFB0]  }
0x1c4: {  	s3 =	simm.s32 $0x6357;
	v15 =	vadd.s32 s4, v0;
	[tilespmem:v23+s18+$0x0] =	vst.idx.msk $0xffff, v22;
	v14 =	vld [tilespmem:s1+$0xFFFFFF30]  }
0x1c5: {  	s4 =	simm.s32 $0x6316;
	v20 =	vadd.s32 s3, v0;
	[tilespmem:v25+s18+$0x0] =	vst.idx.msk $0xffff, v24;
	v18 =	vld [tilespmem:s0+$0x90]  }
0x1c6: {  	s3 =	simm.s32 $0x62D5;
	v19 =	vadd.s32 s4, v0;
	[tilespmem:v26+s18+$0x0] =	vst.idx.msk $0xffff, v21;
	v17 =	vld [tilespmem:s0+$0x10]  }
0x1c7: {  	s29 =	simm.s32 $0x4;
	s4 =	simm.s32 $0x6294;
	v22 =	vadd.s32 s3, v0;
	s3 =	simm.s32 $0x6232;
	v21 =	vld [tilespmem:s0+$0xFFFFFF90];
	[tilespmem:v27+s18+$0x0] =	vst.idx.msk $0xffff, v16  }
0x1c8: {  	s30 =	simm.s32 $0x647B;
	s31 =	simm.s32 $0x500;
	s1 =	simm.s32 $0x6377;
	v24 =	vadd.s32 s4, v0;
	v23 =	vld [tilespmem:s0+$0xFFFFFF10];
	[tilespmem:v29+s18+$0x0] =	vst.idx.msk $0xffff, v28;
	v16 =	vadd.s32 s3, v0  }
.LBB2_14:
0x1c9: {  	s3 =	sadd.s32 $0xFFFFFF0D, s30;
	v25 =	vld [tilespmem:s31+$0xFFFFFF00];
	s4 =	sadd.s32 $0xFFFFFF4E, s30;
	s29 =	sadd.s32 $0x4, s29;
	[tilespmem:v15+s18+$0x0] =	vst.idx.msk $0xffff, v14  }
0x1ca: {  	v26 =	vadd.s32 s3, v0;
	v14 =	vld [tilespmem:s31+$0xFFFFFF80];
	v15 =	vadd.s32 s4, v0;
	p0 =	slt.u32 s29, $0x3C;
	[tilespmem:v20+s18+$0x0] =	vst.idx.msk $0xffff, v18;
	s3 =	sadd.s32 $0xFFFFFFF0, s1  }
0x1cb: {  	s4 =	sadd.s32 $0xFFFFFFAF, s1;
	[tilespmem:v19+s18+$0x0] =	vst.idx.msk $0xffff, v17;
	v17 =	vld [tilespmem:s0+$0xA0];
	v18 =	vadd.s32 s3, v0  }
0x1cc: {  	s3 =	sadd.s32 $0xFFFFFF6E, s1;
	v20 =	vadd.s32 s4, v0;
	[tilespmem:v22+s18+$0x0] =	vst.idx.msk $0xffff, v21;
	v19 =	vld [tilespmem:s0+$0x20]  }
0x1cd: {  	s4 =	sadd.s32 $0xFFFFFF2D, s1;
	v22 =	vadd.s32 s3, v0;
	[tilespmem:v24+s18+$0x0] =	vst.idx.msk $0xffff, v23;
	v21 =	vld [tilespmem:s0+$0xFFFFFFA0]  }
0x1ce: {  	s3 =	sadd.s32 $0xFFFFFFD0, s30;
	v24 =	vadd.s32 s4, v0;
	v23 =	vld [tilespmem:s0+$0xFFFFFF20];
	[tilespmem:v16+s18+$0x0] =	vst.idx.msk $0xffff, v13  }
0x1cf: {  	s4 =	sadd.s32 $0xFFFFFF8F, s30;
	[tilespmem:v15+s18+$0x0] =	vst.idx.msk $0xffff, v14;
	v14 =	vld [tilespmem:s31+$0x80];
	v15 =	vadd.s32 s3, v0  }
0x1d0: {  	v27 =	vadd.s32 s4, v0;
	v16 =	vld [tilespmem:s31+$0x0];
	[tilespmem:v18+s18+$0x0] =	vst.idx.msk $0xffff, v17  }
0x1d1: {  	[tilespmem:v20+s18+$0x0] =	vst.idx.msk $0xffff, v19;
	v28 =	vld [tilespmem:s0+$0xB0]  }
0x1d2: {  	v29 =	vadd.s32 s1, v0;
	s3 =	sadd.s32 $0xFFFFFF7E, s1;
	[tilespmem:v22+s18+$0x0] =	vst.idx.msk $0xffff, v21;
	v13 =	vld [tilespmem:s0+$0x30]  }
0x1d3: {  	s4 =	sadd.s32 $0xFFFFFF3D, s1;
	v31 =	vadd.s32 s3, v0;
	[tilespmem:v24+s18+$0x0] =	vst.idx.msk $0xffff, v23;
	v30 =	vld [tilespmem:s0+$0xFFFFFFB0]  }
.Ltmp6:
0x1d4: {  	s3 =	sadd.s32 $0xFFFFFFE0, s30;
	[tilespmem:v15+s18+$0x0] =	vst.idx.msk $0xffff, v14;
	v14 =	vld [tilespmem:s0+$0xFFFFFF30];
	v15 =	vadd.s32 s4, v0;
	s0 =	smov.u32 s31;
	(pc) =	sbr.rel @p0 .LBB2_14-.Ltmp6, $4  }
0x1d5: {  	v20 =	vadd.s32 s3, v0;
	s4 =	sadd.s32 $0xFFFFFF9F, s30;
	[tilespmem:v27+s18+$0x0] =	vst.idx.msk $0xffff, v16;
	v18 =	vld [tilespmem:s31+$0x90]  }
0x1d6: {  	s3 =	sadd.s32 $0xFFFFFF5E, s30;
	v19 =	vadd.s32 s4, v0;
	[tilespmem:v26+s18+$0x0] =	vst.idx.msk $0xffff, v25;
	v17 =	vld [tilespmem:s31+$0x10]  }
0x1d7: {  	v22 =	vadd.s32 s3, v0;
	s3 =	sadd.s32 $0xFFFFFFBF, s1;
	s1 =	smov.u32 s30;
	s4 =	sadd.s32 $0xFFFFFF1D, s30;
	v21 =	vld [tilespmem:s31+$0xFFFFFF90];
	[tilespmem:v29+s18+$0x0] =	vst.idx.msk $0xffff, v28  }
0x1d8: {  	s30 =	sadd.s32 $0x104, s30;
	v16 =	vadd.s32 s3, v0;
	v24 =	vadd.s32 s4, v0;
	s31 =	sadd.s32 $0x200, s31;
	v23 =	vld [tilespmem:s0+$0xFFFFFF10];
	[tilespmem:v31+s18+$0x0] =	vst.idx.msk $0xffff, v30  }
0x1d9: {  	_ =	sdelay $0x3  }
0x1da: {  	s3 =	sadd.s32 $0xFFFFFFF0, s1;
	[tilespmem:v20+s18+$0x0] =	vst.idx.msk $0xffff, v18  }
0x1db: {  	v20 =	vadd.s32 s3, v0;
	s3 =	sadd.s32 $0xFFFFFF6E, s1;
	v18 =	vld [tilespmem:s0+$0xA0];
	[tilespmem:v22+s18+$0x0] =	vst.idx.msk $0xffff, v21  }
0x1dc: {  	[tilespmem:v19+s18+$0x0] =	vst.idx.msk $0xffff, v17;
	v22 =	vadd.s32 s3, v0;
	s3 =	sadd.s32 $0xFFFFFFAF, s1;
	v21 =	vld [tilespmem:s0+$0xFFFFFFA0]  }
0x1dd: {  	s4 =	sadd.s32 $0xFFFFFF2D, s1;
	[tilespmem:v24+s18+$0x0] =	vst.idx.msk $0xffff, v23;
	v23 =	vld [tilespmem:s0+$0x20];
	v24 =	vadd.s32 s3, v0  }
0x1de: {  	v19 =	vadd.s32 s4, v0;
	v17 =	vld [tilespmem:s0+$0xFFFFFF20];
	_ =	sdelay $0x1  }
0x1df: {  	[tilespmem:v20+s18+$0x0] =	vst.idx.msk $0xffff, v18  }
0x1e0: {  	[tilespmem:v22+s18+$0x0] =	vst.idx.msk $0xffff, v21  }
0x1e1: {  	s4 =	sadd.s32 $0xFFFFFF3D, s1;
	s3 =	sadd.s32 $0xFFFFFF7E, s1;
	v20 =	vadd.s32 s1, v0;
	v18 =	vld [tilespmem:s0+$0xB0];
	[tilespmem:v24+s18+$0x0] =	vst.idx.msk $0xffff, v23  }
0x1e2: {  	v22 =	vadd.s32 s4, v0;
	s4 =	sadd.s32 $0xFFFFFFBF, s1;
	[tilespmem:v19+s18+$0x0] =	vst.idx.msk $0xffff, v17;
	v17 =	vld [tilespmem:s0+$0xFFFFFFB0];
	v19 =	vadd.s32 s3, v0  }
0x1e3: {  	[tilespmem:v15+s18+$0x0] =	vst.idx.msk $0xffff, v14;
	v14 =	vld [tilespmem:s0+$0x30];
	v15 =	vadd.s32 s4, v0  }
0x1e4: {  	v21 =	vld [tilespmem:s0+$0xFFFFFF30]  }
0x1e5: {  	[tilespmem:v16+s18+$0x0] =	vst.idx.msk $0xffff, v13  }
0x1e6: {  	[tilespmem:v20+s18+$0x0] =	vst.idx.msk $0xffff, v18  }
0x1e7: {  	[tilespmem:v19+s18+$0x0] =	vst.idx.msk $0xffff, v17  }
0x1e8: {  	[tilespmem:v15+s18+$0x0] =	vst.idx.msk $0xffff, v14  }
0x1e9: {  	[tilespmem:v22+s18+$0x0] =	vst.idx.msk $0xffff, v21  }
0x1ea: {  	[tilespmem:s2], [sflag:$0x1] =	stream.linear.gather [hbm4b:s12+s2], $0x80, $0x38;
	[tilespmem:$0x1E680] =	vst v63  }
0x1eb: {  	_ =	swait.ge [sflag:s19], $0x2000  }
0x1ec: {  	[sflag:s19] =	ssyncset.done $0x0  }
0x1ed: {  	s1 =	simm.s32 $0x21B0;
	s3 =	simm.s32 $0x7283;
	[sflag:s19] =	ssyncadd.s32 $0xFFFFE000  }
0x1ee: {  	s4 =	simm.s32 $0x7242;
	v14 =	vadd.s32 s3, v0;
	v13 =	vld [tilespmem:s1+$0xFFFFFFD0]  }
0x1ef: {  	s0 =	simm.s32 $0x7201;
	v16 =	vadd.s32 s4, v0;
	v15 =	vld [tilespmem:s1+$0xFFFFFF50]  }
0x1f0: {  	s4 =	simm.s32 $0x71C0;
	v18 =	vadd.s32 s0, v0;
	v17 =	vld [tilespmem:s1+$0xFFFFFED0]  }
0x1f1: {  	v20 =	vadd.s32 s4, v0;
	v19 =	vld [tilespmem:s1+$0xFFFFFE50];
	_ =	sdelay $0x1  }
0x1f2: {  	s3 =	simm.s32 $0x7293;
	[tilespmem:v14+s18+$0x0] =	vst.idx.msk $0xffff, v13  }
0x1f3: {  	s4 =	simm.s32 $0x7252;
	[tilespmem:v16+s18+$0x0] =	vst.idx.msk $0xffff, v15;
	v14 =	vadd.s32 s3, v0;
	v13 =	vld [tilespmem:s1+$0xFFFFFFE0]  }
0x1f4: {  	s0 =	simm.s32 $0x7211;
	[tilespmem:v18+s18+$0x0] =	vst.idx.msk $0xffff, v17;
	v16 =	vadd.s32 s4, v0;
	v15 =	vld [tilespmem:s1+$0xFFFFFF60]  }
0x1f5: {  	[tilespmem:v20+s18+$0x0] =	vst.idx.msk $0xffff, v19;
	s4 =	simm.s32 $0x71D0;
	v18 =	vadd.s32 s0, v0;
	v17 =	vld [tilespmem:s1+$0xFFFFFEE0]  }
0x1f6: {  	s0 =	simm.s32 $0x23B0;
	v19 =	vld [tilespmem:s1+$0xFFFFFE60];
	v20 =	vadd.s32 s4, v0  }
0x1f7: {  	v21 =	vld [tilespmem:s0+$0xFFFFFE50];
	s4 =	simm.s32 $0x7305  }
0x1f8: {  	s3 =	simm.s32 $0x72A3;
	v22 =	vld [tilespmem:s0+$0xFFFFFED0];
	v23 =	vadd.s32 s4, v0;
	[tilespmem:v14+s18+$0x0] =	vst.idx.msk $0xffff, v13  }
0x1f9: {  	s4 =	simm.s32 $0x7262;
	[tilespmem:v16+s18+$0x0] =	vst.idx.msk $0xffff, v15;
	v14 =	vadd.s32 s3, v0;
	v13 =	vld [tilespmem:s1+$0xFFFFFFF0]  }
0x1fa: {  	[tilespmem:v18+s18+$0x0] =	vst.idx.msk $0xffff, v17;
	s3 =	simm.s32 $0x7221;
	v16 =	vadd.s32 s4, v0;
	v15 =	vld [tilespmem:s1+$0xFFFFFF70]  }
0x1fb: {  	[tilespmem:v20+s18+$0x0] =	vst.idx.msk $0xffff, v19;
	s4 =	simm.s32 $0x71E0;
	v17 =	vld [tilespmem:s1+$0xFFFFFEF0];
	v18 =	vadd.s32 s3, v0  }
0x1fc: {  	s3 =	simm.s32 $0x7387;
	v19 =	vld [tilespmem:s1+$0xFFFFFE70];
	v20 =	vadd.s32 s4, v0  }
0x1fd: {  	[tilespmem:v23+s18+$0x0] =	vst.idx.msk $0xffff, v22;
	s4 =	simm.s32 $0x7346;
	v22 =	vld [tilespmem:s0+$0xFFFFFFD0];
	v23 =	vadd.s32 s3, v0  }
0x1fe: {  	v24 =	vld [tilespmem:s0+$0xFFFFFF50];
	s3 =	simm.s32 $0x72C4;
	v25 =	vadd.s32 s4, v0;
	[tilespmem:v14+s18+$0x0] =	vst.idx.msk $0xffff, v13  }
0x1ff: {  	s4 =	simm.s32 $0x72B3;
	v26 =	vadd.s32 s3, v0;
	[tilespmem:v16+s18+$0x0] =	vst.idx.msk $0xffff, v15;
	v16 =	vld [tilespmem:s1+$0x0]  }
0x200: {  	s3 =	simm.s32 $0x7231;
	v27 =	vadd.s32 s4, v0;
	[tilespmem:v18+s18+$0x0] =	vst.idx.msk $0xffff, v17;
	v13 =	vld [tilespmem:s1+$0xFFFFFF80]  }
0x201: {  	s4 =	simm.s32 $0x71F0;
	v29 =	vadd.s32 s3, v0;
	[tilespmem:v20+s18+$0x0] =	vst.idx.msk $0xffff, v19;
	v28 =	vld [tilespmem:s1+$0xFFFFFF00]  }
0x202: {  	s3 =	simm.s32 $0x7397;
	v15 =	vadd.s32 s4, v0;
	[tilespmem:v23+s18+$0x0] =	vst.idx.msk $0xffff, v22;
	v14 =	vld [tilespmem:s1+$0xFFFFFE80]  }
0x203: {  	s4 =	simm.s32 $0x7356;
	v20 =	vadd.s32 s3, v0;
	[tilespmem:v25+s18+$0x0] =	vst.idx.msk $0xffff, v24;
	v18 =	vld [tilespmem:s0+$0xFFFFFFE0]  }
0x204: {  	s3 =	simm.s32 $0x7315;
	v19 =	vadd.s32 s4, v0;
	[tilespmem:v26+s18+$0x0] =	vst.idx.msk $0xffff, v21;
	v17 =	vld [tilespmem:s0+$0xFFFFFF60]  }
0x205: {  	s29 =	simm.s32 $0x4;
	s4 =	simm.s32 $0x72D4;
	v22 =	vadd.s32 s3, v0;
	s3 =	simm.s32 $0x7272;
	v21 =	vld [tilespmem:s0+$0xFFFFFEE0];
	[tilespmem:v27+s18+$0x0] =	vst.idx.msk $0xffff, v16  }
0x206: {  	s30 =	simm.s32 $0x74BB;
	s31 =	simm.s32 $0x25B0;
	s1 =	simm.s32 $0x73B7;
	v24 =	vadd.s32 s4, v0;
	v23 =	vld [tilespmem:s0+$0xFFFFFE60];
	[tilespmem:v29+s18+$0x0] =	vst.idx.msk $0xffff, v28;
	v16 =	vadd.s32 s3, v0  }
.LBB2_16:
0x207: {  	s3 =	sadd.s32 $0xFFFFFF0D, s30;
	v25 =	vld [tilespmem:s31+$0xFFFFFE50];
	s4 =	sadd.s32 $0xFFFFFF4E, s30;
	s29 =	sadd.s32 $0x4, s29;
	[tilespmem:v15+s18+$0x0] =	vst.idx.msk $0xffff, v14  }
0x208: {  	v26 =	vadd.s32 s3, v0;
	v14 =	vld [tilespmem:s31+$0xFFFFFED0];
	v15 =	vadd.s32 s4, v0;
	p0 =	slt.u32 s29, $0x3C;
	[tilespmem:v20+s18+$0x0] =	vst.idx.msk $0xffff, v18;
	s3 =	sadd.s32 $0xFFFFFFF0, s1  }
0x209: {  	s4 =	sadd.s32 $0xFFFFFFAF, s1;
	[tilespmem:v19+s18+$0x0] =	vst.idx.msk $0xffff, v17;
	v17 =	vld [tilespmem:s0+$0xFFFFFFF0];
	v18 =	vadd.s32 s3, v0  }
0x20a: {  	s3 =	sadd.s32 $0xFFFFFF6E, s1;
	v20 =	vadd.s32 s4, v0;
	[tilespmem:v22+s18+$0x0] =	vst.idx.msk $0xffff, v21;
	v19 =	vld [tilespmem:s0+$0xFFFFFF70]  }
0x20b: {  	s4 =	sadd.s32 $0xFFFFFF2D, s1;
	v22 =	vadd.s32 s3, v0;
	[tilespmem:v24+s18+$0x0] =	vst.idx.msk $0xffff, v23;
	v21 =	vld [tilespmem:s0+$0xFFFFFEF0]  }
0x20c: {  	s3 =	sadd.s32 $0xFFFFFFD0, s30;
	v24 =	vadd.s32 s4, v0;
	v23 =	vld [tilespmem:s0+$0xFFFFFE70];
	[tilespmem:v16+s18+$0x0] =	vst.idx.msk $0xffff, v13  }
0x20d: {  	s4 =	sadd.s32 $0xFFFFFF8F, s30;
	[tilespmem:v15+s18+$0x0] =	vst.idx.msk $0xffff, v14;
	v14 =	vld [tilespmem:s31+$0xFFFFFFD0];
	v15 =	vadd.s32 s3, v0  }
0x20e: {  	v27 =	vadd.s32 s4, v0;
	v16 =	vld [tilespmem:s31+$0xFFFFFF50];
	[tilespmem:v18+s18+$0x0] =	vst.idx.msk $0xffff, v17  }
0x20f: {  	[tilespmem:v20+s18+$0x0] =	vst.idx.msk $0xffff, v19;
	v28 =	vld [tilespmem:s0+$0x0]  }
0x210: {  	v29 =	vadd.s32 s1, v0;
	s3 =	sadd.s32 $0xFFFFFF7E, s1;
	[tilespmem:v22+s18+$0x0] =	vst.idx.msk $0xffff, v21;
	v13 =	vld [tilespmem:s0+$0xFFFFFF80]  }
0x211: {  	s4 =	sadd.s32 $0xFFFFFF3D, s1;
	v31 =	vadd.s32 s3, v0;
	[tilespmem:v24+s18+$0x0] =	vst.idx.msk $0xffff, v23;
	v30 =	vld [tilespmem:s0+$0xFFFFFF00]  }
.Ltmp7:
0x212: {  	s3 =	sadd.s32 $0xFFFFFFE0, s30;
	[tilespmem:v15+s18+$0x0] =	vst.idx.msk $0xffff, v14;
	v14 =	vld [tilespmem:s0+$0xFFFFFE80];
	v15 =	vadd.s32 s4, v0;
	s0 =	smov.u32 s31;
	(pc) =	sbr.rel @p0 .LBB2_16-.Ltmp7, $4  }
0x213: {  	v20 =	vadd.s32 s3, v0;
	s4 =	sadd.s32 $0xFFFFFF9F, s30;
	[tilespmem:v27+s18+$0x0] =	vst.idx.msk $0xffff, v16;
	v18 =	vld [tilespmem:s31+$0xFFFFFFE0]  }
0x214: {  	s3 =	sadd.s32 $0xFFFFFF5E, s30;
	v19 =	vadd.s32 s4, v0;
	[tilespmem:v26+s18+$0x0] =	vst.idx.msk $0xffff, v25;
	v17 =	vld [tilespmem:s31+$0xFFFFFF60]  }
0x215: {  	v22 =	vadd.s32 s3, v0;
	s3 =	sadd.s32 $0xFFFFFFBF, s1;
	s1 =	smov.u32 s30;
	s4 =	sadd.s32 $0xFFFFFF1D, s30;
	v21 =	vld [tilespmem:s31+$0xFFFFFEE0];
	[tilespmem:v29+s18+$0x0] =	vst.idx.msk $0xffff, v28  }
0x216: {  	s30 =	sadd.s32 $0x104, s30;
	v16 =	vadd.s32 s3, v0;
	v24 =	vadd.s32 s4, v0;
	s31 =	sadd.s32 $0x200, s31;
	v23 =	vld [tilespmem:s0+$0xFFFFFE60];
	[tilespmem:v31+s18+$0x0] =	vst.idx.msk $0xffff, v30  }
0x217: {  	_ =	sdelay $0x3  }
0x218: {  	s3 =	sadd.s32 $0xFFFFFFF0, s1;
	[tilespmem:v20+s18+$0x0] =	vst.idx.msk $0xffff, v18  }
0x219: {  	v20 =	vadd.s32 s3, v0;
	s3 =	sadd.s32 $0xFFFFFF6E, s1;
	v18 =	vld [tilespmem:s0+$0xFFFFFFF0];
	[tilespmem:v22+s18+$0x0] =	vst.idx.msk $0xffff, v21  }
0x21a: {  	[tilespmem:v19+s18+$0x0] =	vst.idx.msk $0xffff, v17;
	v22 =	vadd.s32 s3, v0;
	s3 =	sadd.s32 $0xFFFFFFAF, s1;
	v21 =	vld [tilespmem:s0+$0xFFFFFEF0]  }
0x21b: {  	s4 =	sadd.s32 $0xFFFFFF2D, s1;
	[tilespmem:v24+s18+$0x0] =	vst.idx.msk $0xffff, v23;
	v23 =	vld [tilespmem:s0+$0xFFFFFF70];
	v24 =	vadd.s32 s3, v0  }
0x21c: {  	v19 =	vadd.s32 s4, v0;
	v17 =	vld [tilespmem:s0+$0xFFFFFE70];
	_ =	sdelay $0x1  }
0x21d: {  	[tilespmem:v20+s18+$0x0] =	vst.idx.msk $0xffff, v18  }
0x21e: {  	[tilespmem:v22+s18+$0x0] =	vst.idx.msk $0xffff, v21  }
0x21f: {  	s4 =	sadd.s32 $0xFFFFFF3D, s1;
	s3 =	sadd.s32 $0xFFFFFF7E, s1;
	v20 =	vadd.s32 s1, v0;
	v18 =	vld [tilespmem:s0+$0x0];
	[tilespmem:v24+s18+$0x0] =	vst.idx.msk $0xffff, v23  }
0x220: {  	v22 =	vadd.s32 s4, v0;
	s4 =	sadd.s32 $0xFFFFFFBF, s1;
	[tilespmem:v19+s18+$0x0] =	vst.idx.msk $0xffff, v17;
	v17 =	vld [tilespmem:s0+$0xFFFFFF00];
	v19 =	vadd.s32 s3, v0  }
0x221: {  	[tilespmem:v15+s18+$0x0] =	vst.idx.msk $0xffff, v14;
	v14 =	vld [tilespmem:s0+$0xFFFFFF80];
	v15 =	vadd.s32 s4, v0  }
0x222: {  	v21 =	vld [tilespmem:s0+$0xFFFFFE80]  }
0x223: {  	[tilespmem:v16+s18+$0x0] =	vst.idx.msk $0xffff, v13  }
0x224: {  	[tilespmem:v20+s18+$0x0] =	vst.idx.msk $0xffff, v18  }
0x225: {  	[tilespmem:v19+s18+$0x0] =	vst.idx.msk $0xffff, v17  }
0x226: {  	[tilespmem:v15+s18+$0x0] =	vst.idx.msk $0xffff, v14  }
0x227: {  	[tilespmem:v22+s18+$0x0] =	vst.idx.msk $0xffff, v21  }
0x228: {  	_ =	swait.ge [sflag:s17], $0x80  }
0x229: {  	[sflag:s17] =	ssyncset.done $0x0  }
0x22a: {  	[sflag:s17] =	ssyncadd.s32 $0xFFFFFF80  }
0x22b: {  	v13 =	vld [tilespmem:$0x0];
	_ =	sdelay $0x4  }
0x22c: {  	[tilespmem:v1+s18+$0x0] =	vst.idx.msk $0xffff, v13  }
0x22d: {  	v13 =	vld [tilespmem:$0x10];
	_ =	sdelay $0x4  }
0x22e: {  	[tilespmem:v2+s18+$0x0] =	vst.idx.msk $0xffff, v13  }
0x22f: {  	v13 =	vld [tilespmem:$0x20];
	_ =	sdelay $0x3  }
0x230: {  	s1 =	simm.s32 $0x2  }
0x231: {  	s29 =	simm.s32 $0x0;
	s3 =	simm.s32 $0x1;
	s4 =	simm.s32 $0x3;
	v20 =	vmov s1;
	[tilespmem:v3+s18+$0x0] =	vst.idx.msk $0xffff, v13  }
0x232: {  	v15 =	vmov s29;
	v17 =	vmov s4;
	v13 =	vmov s3;
	v14 =	vld [tilespmem:$0x30]  }
0x233: {  	v18 =	vshll.u32 v17, $0x3;
	v17 =	vand.u32 $0x7F, v17;
	v16 =	vshll.u32 v13, $0x3  }
0x234: {  	v18 =	vand.u32 $0x400, v18;
	v13 =	vand.u32 $0x7D, v13;
	v16 =	vand.u32 $0x400, v16  }
0x235: {  	v19 =	vor.u32 v17, v18;
	v21 =	vor.u32 v13, v16;
	v13 =	vshll.u32 v20, $0x3  }
0x236: {  	v18 =	vor.u32 v5, v19;
	v16 =	vand.u32 $0x7E, v20;
	v13 =	vand.u32 $0x400, v13  }
0x237: {  	v20 =	vor.u32 v5, v21;
	v22 =	vor.u32 v16, v13;
	[tilespmem:v4+s18+$0x0] =	vst.idx.msk $0xffff, v14;
	v14 =	vshll.u32 v15, $0x3  }
0x238: {  	v13 =	vand.u32 $0x7C, v15;
	v15 =	vor.u32 v5, v22;
	_ =	swait.ge [sflag:s20], $0x8000;
	v14 =	vand.u32 $0x400, v14  }
0x239: {  	[sflag:s20] =	ssyncset.done $0x0;
	v17 =	vor.u32 v13, v14  }
0x23a: {  	[sflag:s20] =	ssyncadd.s32 $0xFFFF8000;
	v13 =	vor.u32 v5, v17  }
0x23b: {  	v14 =	vld.idx.msk [tilespmem:v18+s15+$0x0], $0xffff  }
0x23c: {  	v16 =	vld.idx.msk [tilespmem:v20+s15+$0x0], $0xffff;
	v18 =	vor.u32 v6, v19  }
0x23d: {  	v20 =	vor.u32 v6, v21;
	v15 =	vld.idx.msk [tilespmem:v15+s15+$0x0], $0xffff  }
0x23e: {  	v23 =	vor.u32 v6, v22  }
0x23f: {  	s31 =	simm.s32 $0x14380;
	v13 =	vld.idx.msk [tilespmem:v13+s15+$0x0], $0xffff  }
0x240: {  	v24 =	vor.u32 v6, v17;
	[tilespmem:s31+$0x80] =	vst v14  }
0x241: {  	[tilespmem:s31+$0xFFFFFF80] =	vst v16;
	v14 =	vld.idx.msk [tilespmem:v18+s15+$0x0], $0xffff  }
0x242: {  	v16 =	vld.idx.msk [tilespmem:v20+s15+$0x0], $0xffff;
	[tilespmem:s31+$0x0] =	vst v15;
	v15 =	vor.u32 v7, v19  }
0x243: {  	v20 =	vor.u32 v7, v21;
	v18 =	vld.idx.msk [tilespmem:v23+s15+$0x0], $0xffff  }
0x244: {  	[tilespmem:s31+$0xFFFFFF00] =	vst v13;
	v13 =	vor.u32 v7, v22  }
0x245: {  	v23 =	vld.idx.msk [tilespmem:v24+s15+$0x0], $0xffff  }
0x246: {  	s3 =	simm.s32 $0x4;
	v24 =	vor.u32 v7, v17;
	[tilespmem:s31+$0x90] =	vst v14  }
0x247: {  	s4 =	simm.s32 $0x5;
	v14 =	vmov s3;
	[tilespmem:s31+$0xFFFFFF90] =	vst v16;
	v15 =	vld.idx.msk [tilespmem:v15+s15+$0x0], $0xffff  }
0x248: {  	v25 =	vmov s4;
	v16 =	vshll.u32 v14, $0x3;
	v20 =	vld.idx.msk [tilespmem:v20+s15+$0x0], $0xffff;
	[tilespmem:s31+$0x10] =	vst v18;
	v18 =	vor.u32 v8, v19  }
0x249: {  	v27 =	vor.u32 v8, v21;
	v14 =	vand.u32 $0x7C, v14;
	v16 =	vand.u32 $0x400, v16;
	v26 =	vld.idx.msk [tilespmem:v13+s15+$0x0], $0xffff  }
0x24a: {  	v13 =	vor.u32 v14, v16;
	v14 =	vshll.u32 v25, $0x3;
	v16 =	vor.u32 v8, v22;
	[tilespmem:s31+$0xFFFFFF10] =	vst v23  }
0x24b: {  	v25 =	vand.u32 $0x7D, v25;
	v23 =	vor.u32 v5, v13;
	v14 =	vand.u32 $0x400, v14;
	v24 =	vld.idx.msk [tilespmem:v24+s15+$0x0], $0xffff  }
0x24c: {  	s1 =	simm.s32 $0x7;
	v14 =	vor.u32 v25, v14;
	v25 =	vor.u32 v8, v17;
	[tilespmem:s31+$0xA0] =	vst v15  }
0x24d: {  	v15 =	vor.u32 v5, v14;
	[tilespmem:s31+$0xFFFFFFA0] =	vst v20;
	v20 =	vld.idx.msk [tilespmem:v18+s15+$0x0], $0xffff;
	v18 =	vmov s1  }
0x24e: {  	v30 =	vor.u32 v9, v21;
	s3 =	simm.s32 $0x6;
	v27 =	vld.idx.msk [tilespmem:v27+s15+$0x0], $0xffff;
	[tilespmem:s31+$0x20] =	vst v26;
	v26 =	vor.u32 v9, v19;
	v29 =	vshll.u32 v18, $0x3  }
0x24f: {  	v28 =	vmov s3;
	v18 =	vand.u32 $0x7F, v18;
	v16 =	vld.idx.msk [tilespmem:v16+s15+$0x0], $0xffff;
	v29 =	vand.u32 $0x400, v29  }
0x250: {  	v31 =	vshll.u32 v28, $0x3;
	v23 =	vld.idx.msk [tilespmem:v23+s15+$0x0], $0xffff;
	[tilespmem:s31+$0xFFFFFF20] =	vst v24;
	v24 =	vor.u32 v9, v22;
	v18 =	vor.u32 v18, v29  }
0x251: {  	v28 =	vand.u32 $0x7E, v28;
	v29 =	vand.u32 $0x400, v31;
	v25 =	vld.idx.msk [tilespmem:v25+s15+$0x0], $0xffff;
	v31 =	vor.u32 v5, v18  }
0x252: {  	s0 =	simm.s32 $0x8;
	v32 =	vld.idx.msk [tilespmem:v15+s15+$0x0], $0xffff;
	v15 =	vor.u32 v28, v29;
	[tilespmem:s31+$0xB0] =	vst v20;
	v20 =	vor.u32 v9, v17  }
0x253: {  	[tilespmem:s31+$0xFFFFFFB0] =	vst v27;
	v27 =	vmov s0;
	v28 =	vor.u32 v5, v15;
	v26 =	vld.idx.msk [tilespmem:v26+s15+$0x0], $0xffff  }
0x254: {  	v29 =	vld.idx.msk [tilespmem:v30+s15+$0x0], $0xffff;
	v30 =	vor.u32 v10, v19;
	[tilespmem:s31+$0x30] =	vst v16;
	v16 =	vshll.u32 v27, $0x3  }
0x255: {  	v33 =	vor.u32 v10, v21;
	v27 =	vand.u32 $0x7C, v27;
	v24 =	vld.idx.msk [tilespmem:v24+s15+$0x0], $0xffff;
	v16 =	vand.u32 $0x400, v16  }
0x256: {  	[tilespmem:s31+$0xFFFFFF30] =	vst v25;
	v16 =	vor.u32 v27, v16;
	v25 =	vld.idx.msk [tilespmem:v31+s15+$0x0], $0xffff;
	v27 =	vor.u32 v10, v22  }
0x257: {  	v31 =	vor.u32 v5, v16;
	v34 =	vld.idx.msk [tilespmem:v20+s15+$0x0], $0xffff  }
0x258: {  	v35 =	vor.u32 v6, v18;
	v28 =	vld.idx.msk [tilespmem:v28+s15+$0x0], $0xffff;
	[tilespmem:s31+$0xC0] =	vst v26  }
0x259: {  	v26 =	vor.u32 v6, v14;
	[tilespmem:s31+$0xFFFFFFC0] =	vst v29;
	v29 =	vld.idx.msk [tilespmem:v30+s15+$0x0], $0xffff  }
0x25a: {  	s30 =	simm.s32 $0x14580;
	v58 =	vor.u32 v10, v17;
	v33 =	vld.idx.msk [tilespmem:v33+s15+$0x0], $0xffff;
	[tilespmem:s31+$0x40] =	vst v24  }
0x25b: {  	[tilespmem:s30+$0xFFFFFF80] =	vst v32;
	v24 =	vld.idx.msk [tilespmem:v27+s15+$0x0], $0xffff;
	v27 =	vor.u32 v11, v19  }
0x25c: {  	v30 =	vor.u32 v6, v15;
	[tilespmem:s30+$0x80] =	vst v25;
	v20 =	vld.idx.msk [tilespmem:v31+s15+$0x0], $0xffff  }
0x25d: {  	v31 =	vor.u32 v6, v13;
	v25 =	vld.idx.msk [tilespmem:v35+s15+$0x0], $0xffff;
	[tilespmem:s30+$0x0] =	vst v28  }
0x25e: {  	v28 =	vor.u32 v11, v21;
	[tilespmem:s31+$0xFFFFFF40] =	vst v34;
	v26 =	vld.idx.msk [tilespmem:v26+s15+$0x0], $0xffff  }
0x25f: {  	v59 =	vor.u32 v7, v18;
	v32 =	vld.idx.msk [tilespmem:v58+s15+$0x0], $0xffff;
	[tilespmem:s31+$0xD0] =	vst v29  }
0x260: {  	[tilespmem:s30+$0xFFFFFF00] =	vst v23;
	v29 =	vor.u32 v7, v14;
	v27 =	vld.idx.msk [tilespmem:v27+s15+$0x0], $0xffff  }
0x261: {  	v19 =	vor.u32 v12, v19;
	v30 =	vld.idx.msk [tilespmem:v30+s15+$0x0], $0xffff;
	[tilespmem:s31+$0xFFFFFFD0] =	vst v33  }
0x262: {  	v36 =	vor.u32 v7, v15;
	[tilespmem:s31+$0x50] =	vst v24;
	v31 =	vld.idx.msk [tilespmem:v31+s15+$0x0], $0xffff  }
0x263: {  	v60 =	vor.u32 v7, v13;
	[tilespmem:s30+$0x90] =	vst v25;
	v23 =	vld.idx.msk [tilespmem:v28+s15+$0x0], $0xffff  }
0x264: {  	s4 =	simm.s32 $0x9;
	[tilespmem:s30+$0xFFFFFF90] =	vst v26;
	v25 =	vld.idx.msk [tilespmem:v59+s15+$0x0], $0xffff;
	v26 =	vor.u32 v11, v22  }
0x265: {  	v61 =	vor.u32 v11, v17;
	v28 =	vld.idx.msk [tilespmem:v29+s15+$0x0], $0xffff;
	[tilespmem:s31+$0xE0] =	vst v27;
	v27 =	vmov s4  }
0x266: {  	v63 =	vor.u32 v8, v18;
	[tilespmem:s30+$0x10] =	vst v30;
	v30 =	vld.idx.msk [tilespmem:v19+s15+$0x0], $0xffff;
	v19 =	vshll.u32 v27, $0x3  }
0x267: {  	v37 =	vor.u32 v8, v14;
	v62 =	vld.idx.msk [tilespmem:v36+s15+$0x0], $0xffff;
	[tilespmem:s30+$0xFFFFFF10] =	vst v31;
	v24 =	vand.u32 $0x7D, v27;
	v19 =	vand.u32 $0x400, v19  }
0x268: {  	v33 =	vor.u32 v8, v15;
	[tilespmem:s31+$0xFFFFFF50] =	vst v32;
	v29 =	vld.idx.msk [tilespmem:v60+s15+$0x0], $0xffff;
	v19 =	vor.u32 v24, v19  }
0x269: {  	v26 =	vld.idx.msk [tilespmem:v26+s15+$0x0], $0xffff;
	[tilespmem:s30+$0xA0] =	vst v25;
	v25 =	vor.u32 v5, v19  }
0x26a: {  	v32 =	vor.u32 v8, v13;
	v24 =	vld.idx.msk [tilespmem:v61+s15+$0x0], $0xffff  }
0x26b: {  	v31 =	vor.u32 v12, v21;
	[tilespmem:s30+$0xFFFFFFA0] =	vst v28;
	v27 =	vld.idx.msk [tilespmem:v63+s15+$0x0], $0xffff  }
0x26c: {  	s3 =	simm.s32 $0xB;
	s1 =	simm.s32 $0xC;
	v22 =	vor.u32 v12, v22;
	v28 =	vld.idx.msk [tilespmem:v37+s15+$0x0], $0xffff;
	[tilespmem:s30+$0x20] =	vst v62  }
.LBB2_18:
0x26d: {  	p0 =	slt.u32 s1, $0xC4;
	s4 =	sadd.s32 $0x2, s0;
	v21 =	vmov s3;
	v33 =	vld.idx.msk [tilespmem:v33+s15+$0x0], $0xffff;
	v34 =	vor.u32 v9, v18;
	[tilespmem:s31+$0xF0] =	vst v30;
	s0 =	smov.u32 s1  }
0x26e: {  	v25 =	vld.idx.msk [tilespmem:v25+s15+$0x0], $0xffff;
	v30 =	vmov s4;
	v35 =	vshll.u32 v21, $0x3;
	[tilespmem:s30+$0xFFFFFF20] =	vst v29;
	v29 =	vor.u32 v9, v14  }
0x26f: {  	v36 =	vor.u32 v9, v15;
	v21 =	vand.u32 $0x7F, v21;
	v35 =	vand.u32 $0x400, v35;
	v32 =	vld.idx.msk [tilespmem:v32+s15+$0x0], $0xffff;
	[tilespmem:s31+$0xFFFFFFE0] =	vst v23  }
0x270: {  	v23 =	vshll.u32 v30, $0x3;
	v21 =	vor.u32 v21, v35;
	v35 =	vor.u32 v12, v17;
	v31 =	vld.idx.msk [tilespmem:v31+s15+$0x0], $0xffff;
	[tilespmem:s31+$0x60] =	vst v26  }
0x271: {  	v26 =	vand.u32 $0x7E, v30;
	v23 =	vand.u32 $0x400, v23;
	v17 =	vmovc v13;
	v30 =	vor.u32 v5, v21;
	[tilespmem:s30+$0xB0] =	vst v27;
	v22 =	vld.idx.msk [tilespmem:v22+s15+$0x0], $0xffff  }
0x272: {  	v13 =	vmov v16;
	v37 =	vor.u32 v26, v23;
	v23 =	vor.u32 v9, v17;
	[tilespmem:s30+$0xFFFFFFB0] =	vst v28;
	v26 =	vld.idx.msk [tilespmem:v34+s15+$0x0], $0xffff  }
0x273: {  	v16 =	vmov s1;
	v27 =	vor.u32 v5, v37;
	v28 =	vld.idx.msk [tilespmem:v29+s15+$0x0], $0xffff;
	[tilespmem:s30+$0x30] =	vst v33  }
0x274: {  	v34 =	vor.u32 v10, v18;
	v29 =	vshll.u32 v16, $0x3;
	v33 =	vld.idx.msk [tilespmem:v36+s15+$0x0], $0xffff;
	[tilespmem:s31+$0xFFFFFF60] =	vst v24  }
0x275: {  	v16 =	vand.u32 $0x7C, v16;
	v24 =	vand.u32 $0x400, v29;
	v29 =	vor.u32 v10, v14;
	[tilespmem:s30+$0xFFFFFF30] =	vst v32;
	v32 =	vld.idx.msk [tilespmem:v35+s15+$0x0], $0xffff  }
0x276: {  	v16 =	vor.u32 v16, v24;
	v24 =	vld.idx.msk [tilespmem:v30+s15+$0x0], $0xffff;
	v30 =	vor.u32 v10, v15;
	[tilespmem:s31+$0xFFFFFFF0] =	vst v31  }
0x277: {  	v31 =	vor.u32 v5, v16;
	v23 =	vld.idx.msk [tilespmem:v23+s15+$0x0], $0xffff;
	[tilespmem:s31+$0x70] =	vst v22  }
0x278: {  	v22 =	vld.idx.msk [tilespmem:v27+s15+$0x0], $0xffff;
	v27 =	vor.u32 v6, v21;
	[tilespmem:s30+$0xC0] =	vst v26  }
0x279: {  	v26 =	vor.u32 v6, v19;
	[tilespmem:s30+$0xFFFFFFC0] =	vst v28;
	v28 =	vld.idx.msk [tilespmem:v34+s15+$0x0], $0xffff  }
0x27a: {  	v34 =	vor.u32 v6, v37;
	v29 =	vld.idx.msk [tilespmem:v29+s15+$0x0], $0xffff;
	[tilespmem:s30+$0x40] =	vst v33  }
0x27b: {  	v35 =	vld.idx.msk [tilespmem:v30+s15+$0x0], $0xffff;
	v30 =	vor.u32 v11, v18;
	[tilespmem:s31+$0xFFFFFF70] =	vst v32;
	s31 =	smov.u32 s30;
	s30 =	sadd.s32 $0x200, s30  }
0x27c: {  	v32 =	vor.u32 v6, v13;
	v31 =	vld.idx.msk [tilespmem:v31+s15+$0x0], $0xffff;
	[tilespmem:s30+$0x80] =	vst v24  }
0x27d: {  	[tilespmem:s30+$0xFFFFFF80] =	vst v25;
	v24 =	vld.idx.msk [tilespmem:v27+s15+$0x0], $0xffff;
	v25 =	vor.u32 v10, v17  }
0x27e: {  	v26 =	vld.idx.msk [tilespmem:v26+s15+$0x0], $0xffff;
	[tilespmem:s30+$0x0] =	vst v22;
	v22 =	vor.u32 v11, v14  }
0x27f: {  	v33 =	vor.u32 v7, v21;
	v27 =	vld.idx.msk [tilespmem:v34+s15+$0x0], $0xffff;
	[tilespmem:s31+$0xD0] =	vst v28  }
0x280: {  	v28 =	vor.u32 v7, v19;
	[tilespmem:s30+$0xFFFFFF00] =	vst v20;
	v30 =	vld.idx.msk [tilespmem:v30+s15+$0x0], $0xffff  }
0x281: {  	v34 =	vor.u32 v7, v37;
	v32 =	vld.idx.msk [tilespmem:v32+s15+$0x0], $0xffff;
	[tilespmem:s31+$0xFFFFFF40] =	vst v23  }
0x282: {  	v20 =	vmov v31;
	v36 =	vld.idx.msk [tilespmem:v25+s15+$0x0], $0xffff;
	[tilespmem:s31+$0xFFFFFFD0] =	vst v29;
	v25 =	vor.u32 v12, v18;
	v18 =	vmov v21  }
0x283: {  	v21 =	vor.u32 v7, v13;
	[tilespmem:s30+$0x90] =	vst v24;
	v23 =	vld.idx.msk [tilespmem:v22+s15+$0x0], $0xffff  }
0x284: {  	s3 =	sadd.s32 $0x1, s1;
	v24 =	vor.u32 v11, v15;
	[tilespmem:s30+$0xFFFFFF90] =	vst v26;
	v22 =	vld.idx.msk [tilespmem:v33+s15+$0x0], $0xffff  }
0x285: {  	v26 =	vmov s3;
	v28 =	vld.idx.msk [tilespmem:v28+s15+$0x0], $0xffff;
	[tilespmem:s30+$0x10] =	vst v27;
	v27 =	vor.u32 v11, v17  }
0x286: {  	v31 =	vor.u32 v8, v18;
	v29 =	vshll.u32 v26, $0x3;
	v34 =	vld.idx.msk [tilespmem:v34+s15+$0x0], $0xffff;
	[tilespmem:s31+$0xE0] =	vst v30  }
0x287: {  	v38 =	vor.u32 v8, v19;
	v26 =	vand.u32 $0x7D, v26;
	v29 =	vand.u32 $0x400, v29;
	[tilespmem:s30+$0xFFFFFF10] =	vst v32;
	v30 =	vld.idx.msk [tilespmem:v25+s15+$0x0], $0xffff  }
.Ltmp8:
0x288: {  	v33 =	vor.u32 v8, v37;
	v39 =	vor.u32 v26, v29;
	v29 =	vld.idx.msk [tilespmem:v21+s15+$0x0], $0xffff;
	[tilespmem:s31+$0x50] =	vst v35;
	(pc) =	sbr.rel @p0 .LBB2_18-.Ltmp8, $4  }
0x289: {  	v25 =	vor.u32 v5, v39;
	[tilespmem:s31+$0xFFFFFF50] =	vst v36;
	v26 =	vld.idx.msk [tilespmem:v24+s15+$0x0], $0xffff  }
0x28a: {  	v32 =	vor.u32 v8, v13;
	[tilespmem:s30+$0xA0] =	vst v22;
	v24 =	vld.idx.msk [tilespmem:v27+s15+$0x0], $0xffff  }
0x28b: {  	[tilespmem:s30+$0xFFFFFFA0] =	vst v28;
	v27 =	vld.idx.msk [tilespmem:v31+s15+$0x0], $0xffff;
	v31 =	vor.u32 v12, v14;
	v14 =	vmov v19;
	v19 =	vmov v39  }
0x28c: {  	s1 =	sadd.s32 $0x4, s1;
	s3 =	sadd.s32 $0x3, s0;
	v22 =	vor.u32 v12, v15;
	v15 =	vmov v37;
	v28 =	vld.idx.msk [tilespmem:v38+s15+$0x0], $0xffff;
	[tilespmem:s30+$0x20] =	vst v34  }
0x28d: {  	_ =	sdelay $0x1  }
0x28e: {  	[tilespmem:s31+$0xF0] =	vst v30  }
0x28f: {  	[tilespmem:s30+$0xFFFFFF20] =	vst v29  }
0x290: {  	v21 =	vmov s3;
	v57 =	vld.idx.msk [tilespmem:v33+s15+$0x0], $0xffff;
	[tilespmem:s31+$0xFFFFFFE0] =	vst v23  }
0x291: {  	s0 =	sadd.s32 $0x2, s0;
	v58 =	vor.u32 v9, v18;
	v59 =	vor.u32 v9, v14;
	v17 =	vor.u32 v12, v17;
	s4 =	sadd.s32 $0x200, s30;
	[tilespmem:s31+$0x60] =	vst v26  }
0x292: {  	v25 =	vld.idx.msk [tilespmem:v25+s15+$0x0], $0xffff;
	v47 =	vor.u32 v6, v16;
	v34 =	vmov s0;
	v35 =	vshll.u32 v21, $0x3;
	[tilespmem:s4+$0xFFFFFF00] =	vst v20  }
0x293: {  	v21 =	vand.u32 $0x7F, v21;
	v60 =	vld.idx.msk [tilespmem:v32+s15+$0x0], $0xffff;
	v35 =	vand.u32 $0x400, v35;
	v36 =	vshll.u32 v34, $0x3;
	[tilespmem:s31+$0xFFFFFF60] =	vst v24  }
0x294: {  	v62 =	vld.idx.msk [tilespmem:v31+s15+$0x0], $0xffff;
	v63 =	vand.u32 $0x7E, v34;
	v21 =	vor.u32 v21, v35;
	v37 =	vand.u32 $0x400, v36;
	[tilespmem:s30+$0xB0] =	vst v27  }
0x295: {  	v38 =	vld.idx.msk [tilespmem:v22+s15+$0x0], $0xffff;
	v35 =	vor.u32 v5, v21;
	v22 =	vor.u32 v63, v37;
	[tilespmem:s30+$0xFFFFFFB0] =	vst v28  }
0x296: {  	v39 =	vld.idx.msk [tilespmem:v58+s15+$0x0], $0xffff;
	v31 =	vor.u32 v5, v22;
	[tilespmem:s30+$0x30] =	vst v57  }
0x297: {  	v61 =	vor.u32 v9, v15;
	v29 =	vld.idx.msk [tilespmem:v59+s15+$0x0], $0xffff;
	[tilespmem:s4+$0xFFFFFF80] =	vst v25  }
0x298: {  	v45 =	vor.u32 v6, v19;
	v17 =	vld.idx.msk [tilespmem:v17+s15+$0x0], $0xffff;
	[tilespmem:s30+$0xFFFFFF30] =	vst v60  }
0x299: {  	v48 =	vor.u32 v9, v13;
	v55 =	vld.idx.msk [tilespmem:v47+s15+$0x0], $0xffff;
	[tilespmem:s31+$0xFFFFFFF0] =	vst v62  }
0x29a: {  	v41 =	vor.u32 v10, v18;
	[tilespmem:s31+$0x70] =	vst v38;
	v42 =	vld.idx.msk [tilespmem:v35+s15+$0x0], $0xffff  }
0x29b: {  	v43 =	vor.u32 v6, v21;
	v44 =	vld.idx.msk [tilespmem:v31+s15+$0x0], $0xffff;
	[tilespmem:s30+$0xC0] =	vst v39  }
0x29c: {  	v46 =	vor.u32 v6, v22;
	v40 =	vld.idx.msk [tilespmem:v61+s15+$0x0], $0xffff;
	[tilespmem:s30+$0xFFFFFFC0] =	vst v29  }
0x29d: {  	v49 =	vor.u32 v10, v14;
	v51 =	vld.idx.msk [tilespmem:v45+s15+$0x0], $0xffff;
	[tilespmem:s31+$0xFFFFFF70] =	vst v17  }
0x29e: {  	v54 =	vor.u32 v7, v19;
	v57 =	vld.idx.msk [tilespmem:v48+s15+$0x0], $0xffff;
	[tilespmem:s4+$0xFFFFFF10] =	vst v55  }
0x29f: {  	v60 =	vor.u32 v10, v15;
	v23 =	vld.idx.msk [tilespmem:v41+s15+$0x0], $0xffff;
	[tilespmem:s4+$0x80] =	vst v42  }
0x2a0: {  	v58 =	vor.u32 v7, v16;
	v50 =	vld.idx.msk [tilespmem:v43+s15+$0x0], $0xffff;
	[tilespmem:s4+$0x0] =	vst v44  }
0x2a1: {  	v52 =	vor.u32 v7, v21;
	[tilespmem:s30+$0x40] =	vst v40;
	v53 =	vld.idx.msk [tilespmem:v46+s15+$0x0], $0xffff  }
0x2a2: {  	v56 =	vor.u32 v7, v22;
	v30 =	vld.idx.msk [tilespmem:v49+s15+$0x0], $0xffff;
	[tilespmem:s4+$0xFFFFFF90] =	vst v51  }
0x2a3: {  	v36 =	vor.u32 v10, v13;
	v20 =	vld.idx.msk [tilespmem:v54+s15+$0x0], $0xffff;
	[tilespmem:s30+$0xFFFFFF40] =	vst v57  }
0x2a4: {  	v59 =	vor.u32 v11, v18;
	v25 =	vld.idx.msk [tilespmem:v60+s15+$0x0], $0xffff;
	[tilespmem:s30+$0xD0] =	vst v23  }
0x2a5: {  	v63 =	vor.u32 v8, v19;
	v23 =	vld.idx.msk [tilespmem:v58+s15+$0x0], $0xffff;
	[tilespmem:s4+$0x90] =	vst v50  }
0x2a6: {  	v35 =	vor.u32 v8, v16;
	v61 =	vld.idx.msk [tilespmem:v52+s15+$0x0], $0xffff;
	[tilespmem:s4+$0x10] =	vst v53  }
0x2a7: {  	v62 =	vor.u32 v8, v21;
	[tilespmem:s30+$0xFFFFFFD0] =	vst v30;
	v24 =	vld.idx.msk [tilespmem:v56+s15+$0x0], $0xffff  }
0x2a8: {  	v33 =	vor.u32 v8, v22;
	v44 =	vld.idx.msk [tilespmem:v36+s15+$0x0], $0xffff;
	[tilespmem:s4+$0xFFFFFFA0] =	vst v20  }
0x2a9: {  	v46 =	vor.u32 v11, v14;
	v34 =	vld.idx.msk [tilespmem:v59+s15+$0x0], $0xffff;
	[tilespmem:s30+$0x50] =	vst v25  }
0x2aa: {  	v37 =	vor.u32 v12, v18;
	v17 =	vld.idx.msk [tilespmem:v63+s15+$0x0], $0xffff;
	[tilespmem:s4+$0xFFFFFF20] =	vst v23  }
0x2ab: {  	v41 =	vor.u32 v9, v19;
	v42 =	vld.idx.msk [tilespmem:v35+s15+$0x0], $0xffff;
	[tilespmem:s4+$0xA0] =	vst v61  }
0x2ac: {  	v45 =	vor.u32 v9, v16;
	v38 =	vld.idx.msk [tilespmem:v62+s15+$0x0], $0xffff;
	[tilespmem:s4+$0x20] =	vst v24  }
0x2ad: {  	v39 =	vor.u32 v9, v21;
	[tilespmem:s30+$0xFFFFFF50] =	vst v44;
	v40 =	vld.idx.msk [tilespmem:v33+s15+$0x0], $0xffff  }
0x2ae: {  	v43 =	vor.u32 v9, v22;
	v52 =	vld.idx.msk [tilespmem:v46+s15+$0x0], $0xffff;
	[tilespmem:s30+$0xE0] =	vst v34  }
0x2af: {  	v47 =	vor.u32 v11, v15;
	v18 =	vld.idx.msk [tilespmem:v37+s15+$0x0], $0xffff;
	[tilespmem:s4+$0xFFFFFFB0] =	vst v17  }
0x2b0: {  	v14 =	vor.u32 v12, v14;
	v23 =	vld.idx.msk [tilespmem:v41+s15+$0x0], $0xffff;
	[tilespmem:s4+$0xFFFFFF30] =	vst v42  }
0x2b1: {  	v50 =	vor.u32 v10, v19;
	v25 =	vld.idx.msk [tilespmem:v45+s15+$0x0], $0xffff;
	[tilespmem:s4+$0xB0] =	vst v38  }
0x2b2: {  	v53 =	vor.u32 v10, v16;
	v48 =	vld.idx.msk [tilespmem:v39+s15+$0x0], $0xffff;
	[tilespmem:s4+$0x30] =	vst v40  }
0x2b3: {  	v49 =	vor.u32 v10, v21;
	[tilespmem:s30+$0xFFFFFFE0] =	vst v52;
	v26 =	vld.idx.msk [tilespmem:v43+s15+$0x0], $0xffff  }
0x2b4: {  	v51 =	vor.u32 v10, v22;
	v20 =	vld.idx.msk [tilespmem:v47+s15+$0x0], $0xffff;
	[tilespmem:s30+$0xF0] =	vst v18  }
0x2b5: {  	v14 =	vld.idx.msk [tilespmem:v14+s15+$0x0], $0xffff;
	[tilespmem:s4+$0xFFFFFFC0] =	vst v23  }
0x2b6: {  	v54 =	vor.u32 v11, v13;
	v23 =	vld.idx.msk [tilespmem:v50+s15+$0x0], $0xffff;
	[tilespmem:s4+$0xFFFFFF40] =	vst v25  }
0x2b7: {  	v56 =	vor.u32 v11, v19;
	v18 =	vld.idx.msk [tilespmem:v53+s15+$0x0], $0xffff;
	[tilespmem:s4+$0xC0] =	vst v48  }
0x2b8: {  	v59 =	vor.u32 v11, v16;
	v17 =	vld.idx.msk [tilespmem:v49+s15+$0x0], $0xffff;
	[tilespmem:s4+$0x40] =	vst v26  }
0x2b9: {  	v55 =	vor.u32 v11, v21;
	[tilespmem:s30+$0x60] =	vst v20;
	v26 =	vld.idx.msk [tilespmem:v51+s15+$0x0], $0xffff  }
0x2ba: {  	v57 =	vor.u32 v11, v22;
	[tilespmem:s30+$0xFFFFFFF0] =	vst v14  }
0x2bb: {  	v15 =	vor.u32 v12, v15;
	v58 =	vld.idx.msk [tilespmem:v54+s15+$0x0], $0xffff;
	[tilespmem:s4+$0xFFFFFFD0] =	vst v23  }
0x2bc: {  	v13 =	vor.u32 v12, v13;
	v23 =	vld.idx.msk [tilespmem:v56+s15+$0x0], $0xffff;
	[tilespmem:s4+$0xFFFFFF50] =	vst v18  }
0x2bd: {  	v61 =	vor.u32 v12, v19;
	v20 =	vld.idx.msk [tilespmem:v59+s15+$0x0], $0xffff;
	[tilespmem:s4+$0xD0] =	vst v17  }
0x2be: {  	v14 =	vor.u32 v12, v16;
	v17 =	vld.idx.msk [tilespmem:v55+s15+$0x0], $0xffff;
	[tilespmem:s4+$0x50] =	vst v26  }
0x2bf: {  	v21 =	vor.u32 v12, v21;
	v60 =	vld.idx.msk [tilespmem:v57+s15+$0x0], $0xffff  }
0x2c0: {  	v22 =	vor.u32 v12, v22;
	v15 =	vld.idx.msk [tilespmem:v15+s15+$0x0], $0xffff;
	[tilespmem:s30+$0xFFFFFF60] =	vst v58  }
0x2c1: {  	v13 =	vld.idx.msk [tilespmem:v13+s15+$0x0], $0xffff;
	[tilespmem:s4+$0xFFFFFFE0] =	vst v23  }
0x2c2: {  	v63 =	vld.idx.msk [tilespmem:v61+s15+$0x0], $0xffff;
	[tilespmem:s4+$0xFFFFFF60] =	vst v20  }
0x2c3: {  	v14 =	vld.idx.msk [tilespmem:v14+s15+$0x0], $0xffff;
	[tilespmem:s4+$0xE0] =	vst v17  }
0x2c4: {  	v62 =	vld.idx.msk [tilespmem:v21+s15+$0x0], $0xffff;
	[tilespmem:s4+$0x60] =	vst v60  }
0x2c5: {  	[tilespmem:s30+$0x70] =	vst v15;
	v18 =	vld.idx.msk [tilespmem:v22+s15+$0x0], $0xffff  }
0x2c6: {  	[tilespmem:s30+$0xFFFFFF70] =	vst v13  }
0x2c7: {  	[tilespmem:s4+$0xFFFFFFF0] =	vst v63  }
0x2c8: {  	[tilespmem:s4+$0xFFFFFF70] =	vst v14  }
0x2c9: {  	[tilespmem:s4+$0xF0] =	vst v62  }
0x2ca: {  	[tilespmem:s4+$0x70] =	vst v18  }
.LBB2_20:
0x2cb: {  	s1 =	sshll.u32 s29, $0x8  }
0x2cc: {  	s1 =	sand.u32 $0x3FFFFF00, s1  }
0x2cd: {  	s1 =	sadd.s32 $0x14280, s1  }
0x2ce: {  	p0 =	seq.s32 s29, $0x0;
	v13 =	vmov s1  }
0x2cf: {  	s0 =	simm.s32 @!p0 $0x4  }
0x2d0: {  	_ =	swait.ge @!p0 [sflag:s0], $0x2000  }
0x2d1: {  	s30 =	sshll.u32 s29, $0x1;
	[sflag:s0] =	ssyncset.done @!p0 $0x0  }
0x2d2: {  	s31 =	simm.s32 $0x0;
	p1 =	por $0x1, $0x1;
	[sflag:s0] =	ssyncadd.s32 @!p0 $0xFFFFE000  }
.LBB2_21:
0x2d3: {  	v14 =	vld.idx.msk [tilespmem:v13+s31+$0x0 ss:$0x1], $0xffff;
	_ =	sdelay $0x4  }
0x2d4: {  	vm0 =	vlt.s32 v14, $0x200  }
0x2d5: {  	v14 =	vnsel vm0, $0x200, v14  }
0x2d6: {  	v14 =	vmul.u32 $0x41, v14;
	_ =	sdelay $0x5  }
0x2d7: {  	v15 =	vld.idx.msk [tilespmem:v14+s18+$0x0], $0xffff  }
0x2d8: {  	v16 =	vadd.s32 $0x1, v14;
	_ =	sdelay $0x3  }
0x2d9: {  	[tilespmem:s31+$0x1A680] =	vst v15  }
0x2da: {  	v15 =	vld.idx.msk [tilespmem:v16+s18+$0x0], $0xffff  }
0x2db: {  	v34 =	vadd.s32 $0x2, v14;
	_ =	sdelay $0x3  }
0x2dc: {  	[tilespmem:s31+$0x1A700] =	vst v15  }
0x2dd: {  	v15 =	vld.idx.msk [tilespmem:v34+s18+$0x0], $0xffff  }
0x2de: {  	v35 =	vadd.s32 $0x3, v14;
	_ =	sdelay $0x3  }
0x2df: {  	[tilespmem:s31+$0x1A780] =	vst v15  }
0x2e0: {  	v15 =	vld.idx.msk [tilespmem:v35+s18+$0x0], $0xffff  }
0x2e1: {  	v36 =	vadd.s32 $0x4, v14;
	_ =	sdelay $0x3  }
0x2e2: {  	[tilespmem:s31+$0x1A800] =	vst v15  }
0x2e3: {  	v15 =	vld.idx.msk [tilespmem:v36+s18+$0x0], $0xffff  }
0x2e4: {  	v37 =	vadd.s32 $0x5, v14;
	_ =	sdelay $0x3  }
0x2e5: {  	[tilespmem:s31+$0x1A880] =	vst v15  }
0x2e6: {  	v15 =	vld.idx.msk [tilespmem:v37+s18+$0x0], $0xffff  }
0x2e7: {  	v38 =	vadd.s32 $0x6, v14;
	_ =	sdelay $0x3  }
0x2e8: {  	[tilespmem:s31+$0x1A900] =	vst v15  }
0x2e9: {  	v15 =	vld.idx.msk [tilespmem:v38+s18+$0x0], $0xffff  }
0x2ea: {  	v39 =	vadd.s32 $0x7, v14;
	_ =	sdelay $0x3  }
0x2eb: {  	[tilespmem:s31+$0x1A980] =	vst v15  }
0x2ec: {  	v15 =	vld.idx.msk [tilespmem:v39+s18+$0x0], $0xffff;
	_ =	sdelay $0x4  }
0x2ed: {  	[tilespmem:s31+$0x1AA00] =	vst v15  }
0x2ee: {  	v15 =	vld.idx.msk [tilespmem:v13+s31+$0x10 ss:$0x1], $0xffff  }
0x2ef: {  	v40 =	vld.idx.msk [tilespmem:v13+s31+$0x20 ss:$0x1], $0xffff  }
0x2f0: {  	v17 =	vld.idx.msk [tilespmem:v13+s31+$0x30 ss:$0x1], $0xffff;
	_ =	sdelay $0x2  }
0x2f1: {  	vm13 =	vlt.s32 v15, $0x200  }
0x2f2: {  	vm14 =	vlt.s32 v40, $0x200;
	v15 =	vnsel vm13, $0x200, v15  }
0x2f3: {  	vm15 =	vlt.s32 v17, $0x200;
	v16 =	vnsel vm14, $0x200, v40;
	v15 =	vmul.u32 $0x41, v15  }
0x2f4: {  	v17 =	vnsel vm15, $0x200, v17;
	v16 =	vmul.u32 $0x41, v16  }
0x2f5: {  	v17 =	vmul.u32 $0x41, v17;
	_ =	sdelay $0x3  }
0x2f6: {  	v18 =	vld.idx.msk [tilespmem:v15+s18+$0x0], $0xffff  }
0x2f7: {  	v19 =	vadd.s32 $0x1, v15;
	v20 =	vld.idx.msk [tilespmem:v16+s18+$0x0], $0xffff  }
0x2f8: {  	v21 =	vadd.s32 $0x1, v16;
	v22 =	vld.idx.msk [tilespmem:v17+s18+$0x0], $0xffff  }
0x2f9: {  	v23 =	vadd.s32 $0x1, v17;
	_ =	sdelay $0x1  }
0x2fa: {  	[tilespmem:s31+$0x1A690] =	vst v18  }
0x2fb: {  	[tilespmem:s31+$0x1A6A0] =	vst v20;
	v18 =	vld.idx.msk [tilespmem:v19+s18+$0x0], $0xffff  }
0x2fc: {  	v41 =	vadd.s32 $0x2, v15;
	[tilespmem:s31+$0x1A6B0] =	vst v22;
	v20 =	vld.idx.msk [tilespmem:v21+s18+$0x0], $0xffff  }
0x2fd: {  	v42 =	vadd.s32 $0x2, v16;
	v22 =	vld.idx.msk [tilespmem:v23+s18+$0x0], $0xffff  }
0x2fe: {  	v43 =	vadd.s32 $0x2, v17;
	_ =	sdelay $0x1  }
0x2ff: {  	[tilespmem:s31+$0x1A710] =	vst v18  }
0x300: {  	[tilespmem:s31+$0x1A720] =	vst v20;
	v18 =	vld.idx.msk [tilespmem:v41+s18+$0x0], $0xffff  }
0x301: {  	v44 =	vadd.s32 $0x3, v15;
	[tilespmem:s31+$0x1A730] =	vst v22;
	v20 =	vld.idx.msk [tilespmem:v42+s18+$0x0], $0xffff  }
0x302: {  	v45 =	vadd.s32 $0x3, v16;
	v22 =	vld.idx.msk [tilespmem:v43+s18+$0x0], $0xffff  }
0x303: {  	v46 =	vadd.s32 $0x3, v17;
	_ =	sdelay $0x1  }
0x304: {  	[tilespmem:s31+$0x1A790] =	vst v18  }
0x305: {  	[tilespmem:s31+$0x1A7A0] =	vst v20;
	v18 =	vld.idx.msk [tilespmem:v44+s18+$0x0], $0xffff  }
0x306: {  	v47 =	vadd.s32 $0x4, v15;
	[tilespmem:s31+$0x1A7B0] =	vst v22;
	v20 =	vld.idx.msk [tilespmem:v45+s18+$0x0], $0xffff  }
0x307: {  	v48 =	vadd.s32 $0x4, v16;
	v22 =	vld.idx.msk [tilespmem:v46+s18+$0x0], $0xffff  }
0x308: {  	v49 =	vadd.s32 $0x4, v17;
	_ =	sdelay $0x1  }
0x309: {  	[tilespmem:s31+$0x1A810] =	vst v18  }
0x30a: {  	[tilespmem:s31+$0x1A820] =	vst v20;
	v18 =	vld.idx.msk [tilespmem:v47+s18+$0x0], $0xffff  }
0x30b: {  	v50 =	vadd.s32 $0x5, v15;
	[tilespmem:s31+$0x1A830] =	vst v22;
	v20 =	vld.idx.msk [tilespmem:v48+s18+$0x0], $0xffff  }
0x30c: {  	v51 =	vadd.s32 $0x5, v16;
	v22 =	vld.idx.msk [tilespmem:v49+s18+$0x0], $0xffff  }
0x30d: {  	v52 =	vadd.s32 $0x5, v17;
	_ =	sdelay $0x1  }
0x30e: {  	[tilespmem:s31+$0x1A890] =	vst v18  }
0x30f: {  	[tilespmem:s31+$0x1A8A0] =	vst v20;
	v18 =	vld.idx.msk [tilespmem:v50+s18+$0x0], $0xffff  }
0x310: {  	v53 =	vadd.s32 $0x6, v15;
	[tilespmem:s31+$0x1A8B0] =	vst v22;
	v20 =	vld.idx.msk [tilespmem:v51+s18+$0x0], $0xffff  }
0x311: {  	v54 =	vadd.s32 $0x6, v16;
	v22 =	vld.idx.msk [tilespmem:v52+s18+$0x0], $0xffff  }
0x312: {  	v55 =	vadd.s32 $0x6, v17;
	_ =	sdelay $0x1  }
0x313: {  	[tilespmem:s31+$0x1A910] =	vst v18  }
0x314: {  	[tilespmem:s31+$0x1A920] =	vst v20;
	v18 =	vld.idx.msk [tilespmem:v53+s18+$0x0], $0xffff  }
0x315: {  	v56 =	vadd.s32 $0x7, v15;
	[tilespmem:s31+$0x1A930] =	vst v22;
	v20 =	vld.idx.msk [tilespmem:v54+s18+$0x0], $0xffff  }
0x316: {  	v57 =	vadd.s32 $0x7, v16;
	v22 =	vld.idx.msk [tilespmem:v55+s18+$0x0], $0xffff  }
0x317: {  	v58 =	vadd.s32 $0x7, v17;
	_ =	sdelay $0x1  }
0x318: {  	[tilespmem:s31+$0x1A990] =	vst v18  }
0x319: {  	v59 =	vadd.s32 $0x8, v14;
	[tilespmem:s31+$0x1A9A0] =	vst v20;
	v19 =	vld.idx.msk [tilespmem:v56+s18+$0x0], $0xffff  }
0x31a: {  	v60 =	vadd.s32 $0x8, v15;
	[tilespmem:s31+$0x1A9B0] =	vst v22;
	v21 =	vld.idx.msk [tilespmem:v57+s18+$0x0], $0xffff  }
0x31b: {  	v61 =	vadd.s32 $0x8, v16;
	v23 =	vld.idx.msk [tilespmem:v58+s18+$0x0], $0xffff  }
0x31c: {  	v24 =	vadd.s32 $0x8, v17;
	_ =	sdelay $0x1  }
0x31d: {  	v18 =	vld.idx.msk [tilespmem:v59+s18+$0x0], $0xffff;
	[tilespmem:s31+$0x1AA10] =	vst v19  }
0x31e: {  	v62 =	vadd.s32 $0x9, v14;
	[tilespmem:s31+$0x1AA20] =	vst v21;
	v20 =	vld.idx.msk [tilespmem:v60+s18+$0x0], $0xffff  }
0x31f: {  	v63 =	vadd.s32 $0x9, v15;
	[tilespmem:s31+$0x1AA30] =	vst v23;
	v22 =	vld.idx.msk [tilespmem:v61+s18+$0x0], $0xffff  }
0x320: {  	v28 =	vadd.s32 $0x9, v16;
	v24 =	vld.idx.msk [tilespmem:v24+s18+$0x0], $0xffff  }
0x321: {  	v25 =	vadd.s32 $0x9, v17  }
0x322: {  	[tilespmem:s31+$0x1AA80] =	vst v18  }
0x323: {  	v18 =	vld.idx.msk [tilespmem:v62+s18+$0x0], $0xffff;
	[tilespmem:s31+$0x1AA90] =	vst v20  }
0x324: {  	v29 =	vadd.s32 $0xA, v14;
	[tilespmem:s31+$0x1AAA0] =	vst v22;
	v20 =	vld.idx.msk [tilespmem:v63+s18+$0x0], $0xffff  }
0x325: {  	v30 =	vadd.s32 $0xA, v15;
	[tilespmem:s31+$0x1AAB0] =	vst v24;
	v22 =	vld.idx.msk [tilespmem:v28+s18+$0x0], $0xffff  }
0x326: {  	v31 =	vadd.s32 $0xA, v16;
	v24 =	vld.idx.msk [tilespmem:v25+s18+$0x0], $0xffff  }
0x327: {  	v32 =	vadd.s32 $0xA, v17  }
0x328: {  	[tilespmem:s31+$0x1AB00] =	vst v18  }
0x329: {  	v18 =	vld.idx.msk [tilespmem:v29+s18+$0x0], $0xffff;
	[tilespmem:s31+$0x1AB10] =	vst v20  }
0x32a: {  	v33 =	vadd.s32 $0xB, v14;
	[tilespmem:s31+$0x1AB20] =	vst v22;
	v20 =	vld.idx.msk [tilespmem:v30+s18+$0x0], $0xffff  }
0x32b: {  	v34 =	vadd.s32 $0xB, v15;
	[tilespmem:s31+$0x1AB30] =	vst v24;
	v22 =	vld.idx.msk [tilespmem:v31+s18+$0x0], $0xffff  }
0x32c: {  	v35 =	vadd.s32 $0xB, v16;
	v24 =	vld.idx.msk [tilespmem:v32+s18+$0x0], $0xffff  }
0x32d: {  	v36 =	vadd.s32 $0xB, v17  }
0x32e: {  	[tilespmem:s31+$0x1AB80] =	vst v18  }
0x32f: {  	v18 =	vld.idx.msk [tilespmem:v33+s18+$0x0], $0xffff;
	[tilespmem:s31+$0x1AB90] =	vst v20  }
0x330: {  	v37 =	vadd.s32 $0xC, v14;
	[tilespmem:s31+$0x1ABA0] =	vst v22;
	v20 =	vld.idx.msk [tilespmem:v34+s18+$0x0], $0xffff  }
0x331: {  	v38 =	vadd.s32 $0xC, v15;
	[tilespmem:s31+$0x1ABB0] =	vst v24;
	v22 =	vld.idx.msk [tilespmem:v35+s18+$0x0], $0xffff  }
0x332: {  	v39 =	vadd.s32 $0xC, v16;
	v24 =	vld.idx.msk [tilespmem:v36+s18+$0x0], $0xffff  }
0x333: {  	v40 =	vadd.s32 $0xC, v17  }
0x334: {  	[tilespmem:s31+$0x1AC00] =	vst v18  }
0x335: {  	v18 =	vld.idx.msk [tilespmem:v37+s18+$0x0], $0xffff;
	[tilespmem:s31+$0x1AC10] =	vst v20  }
0x336: {  	v41 =	vadd.s32 $0xD, v14;
	[tilespmem:s31+$0x1AC20] =	vst v22;
	v20 =	vld.idx.msk [tilespmem:v38+s18+$0x0], $0xffff  }
0x337: {  	v42 =	vadd.s32 $0xD, v15;
	[tilespmem:s31+$0x1AC30] =	vst v24;
	v22 =	vld.idx.msk [tilespmem:v39+s18+$0x0], $0xffff  }
0x338: {  	v43 =	vadd.s32 $0xD, v16;
	v24 =	vld.idx.msk [tilespmem:v40+s18+$0x0], $0xffff  }
0x339: {  	v44 =	vadd.s32 $0xD, v17  }
0x33a: {  	[tilespmem:s31+$0x1AC80] =	vst v18  }
0x33b: {  	v18 =	vld.idx.msk [tilespmem:v41+s18+$0x0], $0xffff;
	[tilespmem:s31+$0x1AC90] =	vst v20  }
0x33c: {  	v45 =	vadd.s32 $0xE, v14;
	[tilespmem:s31+$0x1ACA0] =	vst v22;
	v20 =	vld.idx.msk [tilespmem:v42+s18+$0x0], $0xffff  }
0x33d: {  	v46 =	vadd.s32 $0xE, v15;
	[tilespmem:s31+$0x1ACB0] =	vst v24;
	v22 =	vld.idx.msk [tilespmem:v43+s18+$0x0], $0xffff  }
0x33e: {  	v47 =	vadd.s32 $0xE, v16;
	v24 =	vld.idx.msk [tilespmem:v44+s18+$0x0], $0xffff  }
0x33f: {  	v48 =	vadd.s32 $0xE, v17  }
0x340: {  	[tilespmem:s31+$0x1AD00] =	vst v18  }
0x341: {  	v18 =	vld.idx.msk [tilespmem:v45+s18+$0x0], $0xffff;
	[tilespmem:s31+$0x1AD10] =	vst v20  }
0x342: {  	v49 =	vadd.s32 $0xF, v14;
	[tilespmem:s31+$0x1AD20] =	vst v22;
	v20 =	vld.idx.msk [tilespmem:v46+s18+$0x0], $0xffff  }
0x343: {  	v50 =	vadd.s32 $0xF, v15;
	[tilespmem:s31+$0x1AD30] =	vst v24;
	v22 =	vld.idx.msk [tilespmem:v47+s18+$0x0], $0xffff  }
0x344: {  	v51 =	vadd.s32 $0xF, v16;
	v24 =	vld.idx.msk [tilespmem:v48+s18+$0x0], $0xffff  }
0x345: {  	v52 =	vadd.s32 $0xF, v17  }
0x346: {  	[tilespmem:s31+$0x1AD80] =	vst v18  }
0x347: {  	v18 =	vld.idx.msk [tilespmem:v49+s18+$0x0], $0xffff;
	[tilespmem:s31+$0x1AD90] =	vst v20  }
0x348: {  	v53 =	vadd.s32 $0x10, v14;
	[tilespmem:s31+$0x1ADA0] =	vst v22;
	v20 =	vld.idx.msk [tilespmem:v50+s18+$0x0], $0xffff  }
0x349: {  	v54 =	vadd.s32 $0x10, v15;
	[tilespmem:s31+$0x1ADB0] =	vst v24;
	v22 =	vld.idx.msk [tilespmem:v51+s18+$0x0], $0xffff  }
0x34a: {  	v55 =	vadd.s32 $0x10, v16;
	v24 =	vld.idx.msk [tilespmem:v52+s18+$0x0], $0xffff  }
0x34b: {  	v56 =	vadd.s32 $0x10, v17  }
0x34c: {  	[tilespmem:s31+$0x1AE00] =	vst v18  }
0x34d: {  	v18 =	vld.idx.msk [tilespmem:v53+s18+$0x0], $0xffff;
	[tilespmem:s31+$0x1AE10] =	vst v20  }
0x34e: {  	v57 =	vadd.s32 $0x11, v14;
	[tilespmem:s31+$0x1AE20] =	vst v22;
	v20 =	vld.idx.msk [tilespmem:v54+s18+$0x0], $0xffff  }
0x34f: {  	v58 =	vadd.s32 $0x11, v15;
	[tilespmem:s31+$0x1AE30] =	vst v24;
	v22 =	vld.idx.msk [tilespmem:v55+s18+$0x0], $0xffff  }
0x350: {  	v59 =	vadd.s32 $0x11, v16;
	v24 =	vld.idx.msk [tilespmem:v56+s18+$0x0], $0xffff  }
0x351: {  	v60 =	vadd.s32 $0x11, v17  }
0x352: {  	[tilespmem:s31+$0x1AE80] =	vst v18  }
0x353: {  	v18 =	vld.idx.msk [tilespmem:v57+s18+$0x0], $0xffff;
	[tilespmem:s31+$0x1AE90] =	vst v20  }
0x354: {  	v61 =	vadd.s32 $0x12, v14;
	[tilespmem:s31+$0x1AEA0] =	vst v22;
	v20 =	vld.idx.msk [tilespmem:v58+s18+$0x0], $0xffff  }
0x355: {  	v62 =	vadd.s32 $0x12, v15;
	[tilespmem:s31+$0x1AEB0] =	vst v24;
	v22 =	vld.idx.msk [tilespmem:v59+s18+$0x0], $0xffff  }
0x356: {  	v63 =	vadd.s32 $0x12, v16;
	v24 =	vld.idx.msk [tilespmem:v60+s18+$0x0], $0xffff  }
0x357: {  	v28 =	vadd.s32 $0x12, v17  }
0x358: {  	[tilespmem:s31+$0x1AF00] =	vst v18  }
0x359: {  	v18 =	vld.idx.msk [tilespmem:v61+s18+$0x0], $0xffff;
	[tilespmem:s31+$0x1AF10] =	vst v20  }
0x35a: {  	v29 =	vadd.s32 $0x13, v14;
	[tilespmem:s31+$0x1AF20] =	vst v22;
	v20 =	vld.idx.msk [tilespmem:v62+s18+$0x0], $0xffff  }
0x35b: {  	v30 =	vadd.s32 $0x13, v15;
	[tilespmem:s31+$0x1AF30] =	vst v24;
	v22 =	vld.idx.msk [tilespmem:v63+s18+$0x0], $0xffff  }
0x35c: {  	v31 =	vadd.s32 $0x13, v16;
	v24 =	vld.idx.msk [tilespmem:v28+s18+$0x0], $0xffff  }
0x35d: {  	v32 =	vadd.s32 $0x13, v17  }
0x35e: {  	[tilespmem:s31+$0x1AF80] =	vst v18  }
0x35f: {  	v18 =	vld.idx.msk [tilespmem:v29+s18+$0x0], $0xffff;
	[tilespmem:s31+$0x1AF90] =	vst v20  }
0x360: {  	v33 =	vadd.s32 $0x14, v14;
	[tilespmem:s31+$0x1AFA0] =	vst v22;
	v20 =	vld.idx.msk [tilespmem:v30+s18+$0x0], $0xffff  }
0x361: {  	v34 =	vadd.s32 $0x14, v15;
	[tilespmem:s31+$0x1AFB0] =	vst v24;
	v22 =	vld.idx.msk [tilespmem:v31+s18+$0x0], $0xffff  }
0x362: {  	v35 =	vadd.s32 $0x14, v16;
	v24 =	vld.idx.msk [tilespmem:v32+s18+$0x0], $0xffff  }
0x363: {  	v36 =	vadd.s32 $0x14, v17  }
0x364: {  	[tilespmem:s31+$0x1B000] =	vst v18  }
0x365: {  	v18 =	vld.idx.msk [tilespmem:v33+s18+$0x0], $0xffff;
	[tilespmem:s31+$0x1B010] =	vst v20  }
0x366: {  	v37 =	vadd.s32 $0x15, v14;
	[tilespmem:s31+$0x1B020] =	vst v22;
	v20 =	vld.idx.msk [tilespmem:v34+s18+$0x0], $0xffff  }
0x367: {  	v38 =	vadd.s32 $0x15, v15;
	[tilespmem:s31+$0x1B030] =	vst v24;
	v22 =	vld.idx.msk [tilespmem:v35+s18+$0x0], $0xffff  }
0x368: {  	v39 =	vadd.s32 $0x15, v16;
	v24 =	vld.idx.msk [tilespmem:v36+s18+$0x0], $0xffff  }
0x369: {  	v40 =	vadd.s32 $0x15, v17  }
0x36a: {  	[tilespmem:s31+$0x1B080] =	vst v18  }
0x36b: {  	v18 =	vld.idx.msk [tilespmem:v37+s18+$0x0], $0xffff;
	[tilespmem:s31+$0x1B090] =	vst v20  }
0x36c: {  	v41 =	vadd.s32 $0x16, v14;
	[tilespmem:s31+$0x1B0A0] =	vst v22;
	v20 =	vld.idx.msk [tilespmem:v38+s18+$0x0], $0xffff  }
0x36d: {  	v42 =	vadd.s32 $0x16, v15;
	[tilespmem:s31+$0x1B0B0] =	vst v24;
	v22 =	vld.idx.msk [tilespmem:v39+s18+$0x0], $0xffff  }
0x36e: {  	v43 =	vadd.s32 $0x16, v16;
	v24 =	vld.idx.msk [tilespmem:v40+s18+$0x0], $0xffff  }
0x36f: {  	v44 =	vadd.s32 $0x16, v17  }
0x370: {  	[tilespmem:s31+$0x1B100] =	vst v18  }
0x371: {  	v18 =	vld.idx.msk [tilespmem:v41+s18+$0x0], $0xffff;
	[tilespmem:s31+$0x1B110] =	vst v20  }
0x372: {  	v45 =	vadd.s32 $0x17, v14;
	[tilespmem:s31+$0x1B120] =	vst v22;
	v20 =	vld.idx.msk [tilespmem:v42+s18+$0x0], $0xffff  }
0x373: {  	v46 =	vadd.s32 $0x17, v15;
	[tilespmem:s31+$0x1B130] =	vst v24;
	v22 =	vld.idx.msk [tilespmem:v43+s18+$0x0], $0xffff  }
0x374: {  	v47 =	vadd.s32 $0x17, v16;
	v24 =	vld.idx.msk [tilespmem:v44+s18+$0x0], $0xffff  }
0x375: {  	v48 =	vadd.s32 $0x17, v17  }
0x376: {  	[tilespmem:s31+$0x1B180] =	vst v18  }
0x377: {  	v18 =	vld.idx.msk [tilespmem:v45+s18+$0x0], $0xffff;
	[tilespmem:s31+$0x1B190] =	vst v20  }
0x378: {  	v49 =	vadd.s32 $0x18, v14;
	[tilespmem:s31+$0x1B1A0] =	vst v22;
	v20 =	vld.idx.msk [tilespmem:v46+s18+$0x0], $0xffff  }
0x379: {  	v50 =	vadd.s32 $0x18, v15;
	[tilespmem:s31+$0x1B1B0] =	vst v24;
	v22 =	vld.idx.msk [tilespmem:v47+s18+$0x0], $0xffff  }
0x37a: {  	v51 =	vadd.s32 $0x18, v16;
	v24 =	vld.idx.msk [tilespmem:v48+s18+$0x0], $0xffff  }
0x37b: {  	v52 =	vadd.s32 $0x18, v17  }
0x37c: {  	[tilespmem:s31+$0x1B200] =	vst v18  }
0x37d: {  	v18 =	vld.idx.msk [tilespmem:v49+s18+$0x0], $0xffff;
	[tilespmem:s31+$0x1B210] =	vst v20  }
0x37e: {  	v53 =	vadd.s32 $0x19, v14;
	[tilespmem:s31+$0x1B220] =	vst v22;
	v20 =	vld.idx.msk [tilespmem:v50+s18+$0x0], $0xffff  }
0x37f: {  	v54 =	vadd.s32 $0x19, v15;
	[tilespmem:s31+$0x1B230] =	vst v24;
	v22 =	vld.idx.msk [tilespmem:v51+s18+$0x0], $0xffff  }
0x380: {  	v55 =	vadd.s32 $0x19, v16;
	v24 =	vld.idx.msk [tilespmem:v52+s18+$0x0], $0xffff  }
0x381: {  	v56 =	vadd.s32 $0x19, v17  }
0x382: {  	[tilespmem:s31+$0x1B280] =	vst v18  }
0x383: {  	v18 =	vld.idx.msk [tilespmem:v53+s18+$0x0], $0xffff;
	[tilespmem:s31+$0x1B290] =	vst v20  }
0x384: {  	v57 =	vadd.s32 $0x1A, v14;
	[tilespmem:s31+$0x1B2A0] =	vst v22;
	v20 =	vld.idx.msk [tilespmem:v54+s18+$0x0], $0xffff  }
0x385: {  	v58 =	vadd.s32 $0x1A, v15;
	[tilespmem:s31+$0x1B2B0] =	vst v24;
	v22 =	vld.idx.msk [tilespmem:v55+s18+$0x0], $0xffff  }
0x386: {  	v59 =	vadd.s32 $0x1A, v16;
	v24 =	vld.idx.msk [tilespmem:v56+s18+$0x0], $0xffff  }
0x387: {  	v60 =	vadd.s32 $0x1A, v17  }
0x388: {  	[tilespmem:s31+$0x1B300] =	vst v18  }
0x389: {  	v18 =	vld.idx.msk [tilespmem:v57+s18+$0x0], $0xffff;
	[tilespmem:s31+$0x1B310] =	vst v20  }
0x38a: {  	v61 =	vadd.s32 $0x1B, v14;
	[tilespmem:s31+$0x1B320] =	vst v22;
	v20 =	vld.idx.msk [tilespmem:v58+s18+$0x0], $0xffff  }
0x38b: {  	v62 =	vadd.s32 $0x1B, v15;
	[tilespmem:s31+$0x1B330] =	vst v24;
	v22 =	vld.idx.msk [tilespmem:v59+s18+$0x0], $0xffff  }
0x38c: {  	v63 =	vadd.s32 $0x1B, v16;
	v24 =	vld.idx.msk [tilespmem:v60+s18+$0x0], $0xffff  }
0x38d: {  	v28 =	vadd.s32 $0x1B, v17  }
0x38e: {  	[tilespmem:s31+$0x1B380] =	vst v18  }
0x38f: {  	v18 =	vld.idx.msk [tilespmem:v61+s18+$0x0], $0xffff;
	[tilespmem:s31+$0x1B390] =	vst v20  }
0x390: {  	v29 =	vadd.s32 $0x1C, v14;
	[tilespmem:s31+$0x1B3A0] =	vst v22;
	v20 =	vld.idx.msk [tilespmem:v62+s18+$0x0], $0xffff  }
0x391: {  	v30 =	vadd.s32 $0x1C, v15;
	[tilespmem:s31+$0x1B3B0] =	vst v24;
	v22 =	vld.idx.msk [tilespmem:v63+s18+$0x0], $0xffff  }
0x392: {  	v31 =	vadd.s32 $0x1C, v16;
	v24 =	vld.idx.msk [tilespmem:v28+s18+$0x0], $0xffff  }
0x393: {  	v32 =	vadd.s32 $0x1C, v17  }
0x394: {  	[tilespmem:s31+$0x1B400] =	vst v18  }
0x395: {  	v18 =	vld.idx.msk [tilespmem:v29+s18+$0x0], $0xffff;
	[tilespmem:s31+$0x1B410] =	vst v20  }
0x396: {  	v33 =	vadd.s32 $0x1D, v14;
	[tilespmem:s31+$0x1B420] =	vst v22;
	v20 =	vld.idx.msk [tilespmem:v30+s18+$0x0], $0xffff  }
0x397: {  	v34 =	vadd.s32 $0x1D, v15;
	[tilespmem:s31+$0x1B430] =	vst v24;
	v22 =	vld.idx.msk [tilespmem:v31+s18+$0x0], $0xffff  }
0x398: {  	v35 =	vadd.s32 $0x1D, v16;
	v24 =	vld.idx.msk [tilespmem:v32+s18+$0x0], $0xffff  }
0x399: {  	v36 =	vadd.s32 $0x1D, v17  }
0x39a: {  	[tilespmem:s31+$0x1B480] =	vst v18  }
0x39b: {  	v18 =	vld.idx.msk [tilespmem:v33+s18+$0x0], $0xffff;
	[tilespmem:s31+$0x1B490] =	vst v20  }
0x39c: {  	v37 =	vadd.s32 $0x1E, v14;
	[tilespmem:s31+$0x1B4A0] =	vst v22;
	v20 =	vld.idx.msk [tilespmem:v34+s18+$0x0], $0xffff  }
0x39d: {  	v38 =	vadd.s32 $0x1E, v15;
	[tilespmem:s31+$0x1B4B0] =	vst v24;
	v22 =	vld.idx.msk [tilespmem:v35+s18+$0x0], $0xffff  }
0x39e: {  	v39 =	vadd.s32 $0x1E, v16;
	v24 =	vld.idx.msk [tilespmem:v36+s18+$0x0], $0xffff  }
0x39f: {  	v40 =	vadd.s32 $0x1E, v17  }
0x3a0: {  	[tilespmem:s31+$0x1B500] =	vst v18  }
0x3a1: {  	v18 =	vld.idx.msk [tilespmem:v37+s18+$0x0], $0xffff;
	[tilespmem:s31+$0x1B510] =	vst v20  }
0x3a2: {  	v41 =	vadd.s32 $0x1F, v14;
	[tilespmem:s31+$0x1B520] =	vst v22;
	v20 =	vld.idx.msk [tilespmem:v38+s18+$0x0], $0xffff  }
0x3a3: {  	v42 =	vadd.s32 $0x1F, v15;
	[tilespmem:s31+$0x1B530] =	vst v24;
	v22 =	vld.idx.msk [tilespmem:v39+s18+$0x0], $0xffff  }
0x3a4: {  	v43 =	vadd.s32 $0x1F, v16;
	v24 =	vld.idx.msk [tilespmem:v40+s18+$0x0], $0xffff  }
0x3a5: {  	v44 =	vadd.s32 $0x1F, v17  }
0x3a6: {  	[tilespmem:s31+$0x1B580] =	vst v18  }
0x3a7: {  	v18 =	vld.idx.msk [tilespmem:v41+s18+$0x0], $0xffff;
	[tilespmem:s31+$0x1B590] =	vst v20  }
0x3a8: {  	v45 =	vadd.s32 $0x20, v14;
	[tilespmem:s31+$0x1B5A0] =	vst v22;
	v20 =	vld.idx.msk [tilespmem:v42+s18+$0x0], $0xffff  }
0x3a9: {  	v46 =	vadd.s32 $0x20, v15;
	[tilespmem:s31+$0x1B5B0] =	vst v24;
	v22 =	vld.idx.msk [tilespmem:v43+s18+$0x0], $0xffff  }
0x3aa: {  	v47 =	vadd.s32 $0x20, v16;
	v24 =	vld.idx.msk [tilespmem:v44+s18+$0x0], $0xffff  }
0x3ab: {  	v48 =	vadd.s32 $0x20, v17  }
0x3ac: {  	[tilespmem:s31+$0x1B600] =	vst v18  }
0x3ad: {  	v18 =	vld.idx.msk [tilespmem:v45+s18+$0x0], $0xffff;
	[tilespmem:s31+$0x1B610] =	vst v20  }
0x3ae: {  	v49 =	vadd.s32 $0x21, v14;
	[tilespmem:s31+$0x1B620] =	vst v22;
	v20 =	vld.idx.msk [tilespmem:v46+s18+$0x0], $0xffff  }
0x3af: {  	v50 =	vadd.s32 $0x21, v15;
	[tilespmem:s31+$0x1B630] =	vst v24;
	v22 =	vld.idx.msk [tilespmem:v47+s18+$0x0], $0xffff  }
0x3b0: {  	v51 =	vadd.s32 $0x21, v16;
	v24 =	vld.idx.msk [tilespmem:v48+s18+$0x0], $0xffff  }
0x3b1: {  	v52 =	vadd.s32 $0x21, v17  }
0x3b2: {  	[tilespmem:s31+$0x1B680] =	vst v18  }
0x3b3: {  	v18 =	vld.idx.msk [tilespmem:v49+s18+$0x0], $0xffff;
	[tilespmem:s31+$0x1B690] =	vst v20  }
0x3b4: {  	v53 =	vadd.s32 $0x22, v14;
	[tilespmem:s31+$0x1B6A0] =	vst v22;
	v20 =	vld.idx.msk [tilespmem:v50+s18+$0x0], $0xffff  }
0x3b5: {  	v54 =	vadd.s32 $0x22, v15;
	[tilespmem:s31+$0x1B6B0] =	vst v24;
	v22 =	vld.idx.msk [tilespmem:v51+s18+$0x0], $0xffff  }
0x3b6: {  	v55 =	vadd.s32 $0x22, v16;
	v24 =	vld.idx.msk [tilespmem:v52+s18+$0x0], $0xffff  }
0x3b7: {  	v56 =	vadd.s32 $0x22, v17  }
0x3b8: {  	[tilespmem:s31+$0x1B700] =	vst v18  }
0x3b9: {  	v18 =	vld.idx.msk [tilespmem:v53+s18+$0x0], $0xffff;
	[tilespmem:s31+$0x1B710] =	vst v20  }
0x3ba: {  	v57 =	vadd.s32 $0x23, v14;
	[tilespmem:s31+$0x1B720] =	vst v22;
	v20 =	vld.idx.msk [tilespmem:v54+s18+$0x0], $0xffff  }
0x3bb: {  	v58 =	vadd.s32 $0x23, v15;
	[tilespmem:s31+$0x1B730] =	vst v24;
	v22 =	vld.idx.msk [tilespmem:v55+s18+$0x0], $0xffff  }
0x3bc: {  	v59 =	vadd.s32 $0x23, v16;
	v24 =	vld.idx.msk [tilespmem:v56+s18+$0x0], $0xffff  }
0x3bd: {  	v60 =	vadd.s32 $0x23, v17  }
0x3be: {  	[tilespmem:s31+$0x1B780] =	vst v18  }
0x3bf: {  	v18 =	vld.idx.msk [tilespmem:v57+s18+$0x0], $0xffff;
	[tilespmem:s31+$0x1B790] =	vst v20  }
0x3c0: {  	v61 =	vadd.s32 $0x24, v14;
	[tilespmem:s31+$0x1B7A0] =	vst v22;
	v20 =	vld.idx.msk [tilespmem:v58+s18+$0x0], $0xffff  }
0x3c1: {  	v62 =	vadd.s32 $0x24, v15;
	[tilespmem:s31+$0x1B7B0] =	vst v24;
	v22 =	vld.idx.msk [tilespmem:v59+s18+$0x0], $0xffff  }
0x3c2: {  	v63 =	vadd.s32 $0x24, v16;
	v24 =	vld.idx.msk [tilespmem:v60+s18+$0x0], $0xffff  }
0x3c3: {  	v28 =	vadd.s32 $0x24, v17  }
0x3c4: {  	[tilespmem:s31+$0x1B800] =	vst v18  }
0x3c5: {  	v18 =	vld.idx.msk [tilespmem:v61+s18+$0x0], $0xffff;
	[tilespmem:s31+$0x1B810] =	vst v20  }
0x3c6: {  	v29 =	vadd.s32 $0x25, v14;
	[tilespmem:s31+$0x1B820] =	vst v22;
	v20 =	vld.idx.msk [tilespmem:v62+s18+$0x0], $0xffff  }
0x3c7: {  	v30 =	vadd.s32 $0x25, v15;
	[tilespmem:s31+$0x1B830] =	vst v24;
	v22 =	vld.idx.msk [tilespmem:v63+s18+$0x0], $0xffff  }
0x3c8: {  	v31 =	vadd.s32 $0x25, v16;
	v24 =	vld.idx.msk [tilespmem:v28+s18+$0x0], $0xffff  }
0x3c9: {  	v32 =	vadd.s32 $0x25, v17  }
0x3ca: {  	[tilespmem:s31+$0x1B880] =	vst v18  }
0x3cb: {  	v18 =	vld.idx.msk [tilespmem:v29+s18+$0x0], $0xffff;
	[tilespmem:s31+$0x1B890] =	vst v20  }
0x3cc: {  	v33 =	vadd.s32 $0x26, v14;
	[tilespmem:s31+$0x1B8A0] =	vst v22;
	v20 =	vld.idx.msk [tilespmem:v30+s18+$0x0], $0xffff  }
0x3cd: {  	v34 =	vadd.s32 $0x26, v15;
	[tilespmem:s31+$0x1B8B0] =	vst v24;
	v22 =	vld.idx.msk [tilespmem:v31+s18+$0x0], $0xffff  }
0x3ce: {  	v35 =	vadd.s32 $0x26, v16;
	v24 =	vld.idx.msk [tilespmem:v32+s18+$0x0], $0xffff  }
0x3cf: {  	v36 =	vadd.s32 $0x26, v17  }
0x3d0: {  	[tilespmem:s31+$0x1B900] =	vst v18  }
0x3d1: {  	v18 =	vld.idx.msk [tilespmem:v33+s18+$0x0], $0xffff;
	[tilespmem:s31+$0x1B910] =	vst v20  }
0x3d2: {  	v37 =	vadd.s32 $0x27, v14;
	[tilespmem:s31+$0x1B920] =	vst v22;
	v20 =	vld.idx.msk [tilespmem:v34+s18+$0x0], $0xffff  }
0x3d3: {  	v38 =	vadd.s32 $0x27, v15;
	[tilespmem:s31+$0x1B930] =	vst v24;
	v22 =	vld.idx.msk [tilespmem:v35+s18+$0x0], $0xffff  }
0x3d4: {  	v39 =	vadd.s32 $0x27, v16;
	v24 =	vld.idx.msk [tilespmem:v36+s18+$0x0], $0xffff  }
0x3d5: {  	v40 =	vadd.s32 $0x27, v17  }
0x3d6: {  	[tilespmem:s31+$0x1B980] =	vst v18  }
0x3d7: {  	v18 =	vld.idx.msk [tilespmem:v37+s18+$0x0], $0xffff;
	[tilespmem:s31+$0x1B990] =	vst v20  }
0x3d8: {  	v41 =	vadd.s32 $0x28, v14;
	[tilespmem:s31+$0x1B9A0] =	vst v22;
	v20 =	vld.idx.msk [tilespmem:v38+s18+$0x0], $0xffff  }
0x3d9: {  	v42 =	vadd.s32 $0x28, v15;
	[tilespmem:s31+$0x1B9B0] =	vst v24;
	v22 =	vld.idx.msk [tilespmem:v39+s18+$0x0], $0xffff  }
0x3da: {  	v43 =	vadd.s32 $0x28, v16;
	v24 =	vld.idx.msk [tilespmem:v40+s18+$0x0], $0xffff  }
0x3db: {  	v44 =	vadd.s32 $0x28, v17  }
0x3dc: {  	[tilespmem:s31+$0x1BA00] =	vst v18  }
0x3dd: {  	v18 =	vld.idx.msk [tilespmem:v41+s18+$0x0], $0xffff;
	[tilespmem:s31+$0x1BA10] =	vst v20  }
0x3de: {  	v45 =	vadd.s32 $0x29, v14;
	[tilespmem:s31+$0x1BA20] =	vst v22;
	v20 =	vld.idx.msk [tilespmem:v42+s18+$0x0], $0xffff  }
0x3df: {  	v46 =	vadd.s32 $0x29, v15;
	[tilespmem:s31+$0x1BA30] =	vst v24;
	v22 =	vld.idx.msk [tilespmem:v43+s18+$0x0], $0xffff  }
0x3e0: {  	v47 =	vadd.s32 $0x29, v16;
	v24 =	vld.idx.msk [tilespmem:v44+s18+$0x0], $0xffff  }
0x3e1: {  	v48 =	vadd.s32 $0x29, v17  }
0x3e2: {  	[tilespmem:s31+$0x1BA80] =	vst v18  }
0x3e3: {  	v18 =	vld.idx.msk [tilespmem:v45+s18+$0x0], $0xffff;
	[tilespmem:s31+$0x1BA90] =	vst v20  }
0x3e4: {  	v49 =	vadd.s32 $0x2A, v14;
	[tilespmem:s31+$0x1BAA0] =	vst v22;
	v20 =	vld.idx.msk [tilespmem:v46+s18+$0x0], $0xffff  }
0x3e5: {  	v50 =	vadd.s32 $0x2A, v15;
	[tilespmem:s31+$0x1BAB0] =	vst v24;
	v22 =	vld.idx.msk [tilespmem:v47+s18+$0x0], $0xffff  }
0x3e6: {  	v51 =	vadd.s32 $0x2A, v16;
	v24 =	vld.idx.msk [tilespmem:v48+s18+$0x0], $0xffff  }
0x3e7: {  	v52 =	vadd.s32 $0x2A, v17  }
0x3e8: {  	[tilespmem:s31+$0x1BB00] =	vst v18  }
0x3e9: {  	v18 =	vld.idx.msk [tilespmem:v49+s18+$0x0], $0xffff;
	[tilespmem:s31+$0x1BB10] =	vst v20  }
0x3ea: {  	v53 =	vadd.s32 $0x2B, v14;
	[tilespmem:s31+$0x1BB20] =	vst v22;
	v20 =	vld.idx.msk [tilespmem:v50+s18+$0x0], $0xffff  }
0x3eb: {  	v54 =	vadd.s32 $0x2B, v15;
	[tilespmem:s31+$0x1BB30] =	vst v24;
	v22 =	vld.idx.msk [tilespmem:v51+s18+$0x0], $0xffff  }
0x3ec: {  	v55 =	vadd.s32 $0x2B, v16;
	v24 =	vld.idx.msk [tilespmem:v52+s18+$0x0], $0xffff  }
0x3ed: {  	v56 =	vadd.s32 $0x2B, v17  }
0x3ee: {  	[tilespmem:s31+$0x1BB80] =	vst v18  }
0x3ef: {  	v18 =	vld.idx.msk [tilespmem:v53+s18+$0x0], $0xffff;
	[tilespmem:s31+$0x1BB90] =	vst v20  }
0x3f0: {  	v57 =	vadd.s32 $0x2C, v14;
	[tilespmem:s31+$0x1BBA0] =	vst v22;
	v20 =	vld.idx.msk [tilespmem:v54+s18+$0x0], $0xffff  }
0x3f1: {  	v58 =	vadd.s32 $0x2C, v15;
	[tilespmem:s31+$0x1BBB0] =	vst v24;
	v22 =	vld.idx.msk [tilespmem:v55+s18+$0x0], $0xffff  }
0x3f2: {  	v59 =	vadd.s32 $0x2C, v16;
	v24 =	vld.idx.msk [tilespmem:v56+s18+$0x0], $0xffff  }
0x3f3: {  	v60 =	vadd.s32 $0x2C, v17  }
0x3f4: {  	[tilespmem:s31+$0x1BC00] =	vst v18  }
0x3f5: {  	v18 =	vld.idx.msk [tilespmem:v57+s18+$0x0], $0xffff;
	[tilespmem:s31+$0x1BC10] =	vst v20  }
0x3f6: {  	v61 =	vadd.s32 $0x2D, v14;
	[tilespmem:s31+$0x1BC20] =	vst v22;
	v20 =	vld.idx.msk [tilespmem:v58+s18+$0x0], $0xffff  }
0x3f7: {  	v62 =	vadd.s32 $0x2D, v15;
	[tilespmem:s31+$0x1BC30] =	vst v24;
	v22 =	vld.idx.msk [tilespmem:v59+s18+$0x0], $0xffff  }
0x3f8: {  	v63 =	vadd.s32 $0x2D, v16;
	v24 =	vld.idx.msk [tilespmem:v60+s18+$0x0], $0xffff  }
0x3f9: {  	v28 =	vadd.s32 $0x2D, v17  }
0x3fa: {  	[tilespmem:s31+$0x1BC80] =	vst v18  }
0x3fb: {  	v18 =	vld.idx.msk [tilespmem:v61+s18+$0x0], $0xffff;
	[tilespmem:s31+$0x1BC90] =	vst v20  }
0x3fc: {  	v29 =	vadd.s32 $0x2E, v14;
	[tilespmem:s31+$0x1BCA0] =	vst v22;
	v20 =	vld.idx.msk [tilespmem:v62+s18+$0x0], $0xffff  }
0x3fd: {  	v30 =	vadd.s32 $0x2E, v15;
	[tilespmem:s31+$0x1BCB0] =	vst v24;
	v22 =	vld.idx.msk [tilespmem:v63+s18+$0x0], $0xffff  }
0x3fe: {  	v31 =	vadd.s32 $0x2E, v16;
	v24 =	vld.idx.msk [tilespmem:v28+s18+$0x0], $0xffff  }
0x3ff: {  	v32 =	vadd.s32 $0x2E, v17  }
0x400: {  	[tilespmem:s31+$0x1BD00] =	vst v18  }
0x401: {  	v18 =	vld.idx.msk [tilespmem:v29+s18+$0x0], $0xffff;
	[tilespmem:s31+$0x1BD10] =	vst v20  }
0x402: {  	v33 =	vadd.s32 $0x2F, v14;
	[tilespmem:s31+$0x1BD20] =	vst v22;
	v20 =	vld.idx.msk [tilespmem:v30+s18+$0x0], $0xffff  }
0x403: {  	v34 =	vadd.s32 $0x2F, v15;
	[tilespmem:s31+$0x1BD30] =	vst v24;
	v22 =	vld.idx.msk [tilespmem:v31+s18+$0x0], $0xffff  }
0x404: {  	v35 =	vadd.s32 $0x2F, v16;
	v24 =	vld.idx.msk [tilespmem:v32+s18+$0x0], $0xffff  }
0x405: {  	v36 =	vadd.s32 $0x2F, v17  }
0x406: {  	[tilespmem:s31+$0x1BD80] =	vst v18  }
0x407: {  	v18 =	vld.idx.msk [tilespmem:v33+s18+$0x0], $0xffff;
	[tilespmem:s31+$0x1BD90] =	vst v20  }
0x408: {  	v37 =	vadd.s32 $0x30, v14;
	[tilespmem:s31+$0x1BDA0] =	vst v22;
	v20 =	vld.idx.msk [tilespmem:v34+s18+$0x0], $0xffff  }
0x409: {  	v38 =	vadd.s32 $0x30, v15;
	[tilespmem:s31+$0x1BDB0] =	vst v24;
	v22 =	vld.idx.msk [tilespmem:v35+s18+$0x0], $0xffff  }
0x40a: {  	v39 =	vadd.s32 $0x30, v16;
	v24 =	vld.idx.msk [tilespmem:v36+s18+$0x0], $0xffff  }
0x40b: {  	v40 =	vadd.s32 $0x30, v17  }
0x40c: {  	[tilespmem:s31+$0x1BE00] =	vst v18  }
0x40d: {  	v18 =	vld.idx.msk [tilespmem:v37+s18+$0x0], $0xffff;
	[tilespmem:s31+$0x1BE10] =	vst v20  }
0x40e: {  	v41 =	vadd.s32 $0x31, v14;
	[tilespmem:s31+$0x1BE20] =	vst v22;
	v20 =	vld.idx.msk [tilespmem:v38+s18+$0x0], $0xffff  }
0x40f: {  	v42 =	vadd.s32 $0x31, v15;
	[tilespmem:s31+$0x1BE30] =	vst v24;
	v22 =	vld.idx.msk [tilespmem:v39+s18+$0x0], $0xffff  }
0x410: {  	v43 =	vadd.s32 $0x31, v16;
	v24 =	vld.idx.msk [tilespmem:v40+s18+$0x0], $0xffff  }
0x411: {  	v44 =	vadd.s32 $0x31, v17  }
0x412: {  	[tilespmem:s31+$0x1BE80] =	vst v18  }
0x413: {  	v18 =	vld.idx.msk [tilespmem:v41+s18+$0x0], $0xffff;
	[tilespmem:s31+$0x1BE90] =	vst v20  }
0x414: {  	v45 =	vadd.s32 $0x32, v14;
	[tilespmem:s31+$0x1BEA0] =	vst v22;
	v20 =	vld.idx.msk [tilespmem:v42+s18+$0x0], $0xffff  }
0x415: {  	v46 =	vadd.s32 $0x32, v15;
	[tilespmem:s31+$0x1BEB0] =	vst v24;
	v22 =	vld.idx.msk [tilespmem:v43+s18+$0x0], $0xffff  }
0x416: {  	v47 =	vadd.s32 $0x32, v16;
	v24 =	vld.idx.msk [tilespmem:v44+s18+$0x0], $0xffff  }
0x417: {  	v48 =	vadd.s32 $0x32, v17  }
0x418: {  	[tilespmem:s31+$0x1BF00] =	vst v18  }
0x419: {  	v18 =	vld.idx.msk [tilespmem:v45+s18+$0x0], $0xffff;
	[tilespmem:s31+$0x1BF10] =	vst v20  }
0x41a: {  	v49 =	vadd.s32 $0x33, v14;
	[tilespmem:s31+$0x1BF20] =	vst v22;
	v20 =	vld.idx.msk [tilespmem:v46+s18+$0x0], $0xffff  }
0x41b: {  	v50 =	vadd.s32 $0x33, v15;
	[tilespmem:s31+$0x1BF30] =	vst v24;
	v22 =	vld.idx.msk [tilespmem:v47+s18+$0x0], $0xffff  }
0x41c: {  	v51 =	vadd.s32 $0x33, v16;
	v24 =	vld.idx.msk [tilespmem:v48+s18+$0x0], $0xffff  }
0x41d: {  	v52 =	vadd.s32 $0x33, v17  }
0x41e: {  	[tilespmem:s31+$0x1BF80] =	vst v18  }
0x41f: {  	v18 =	vld.idx.msk [tilespmem:v49+s18+$0x0], $0xffff;
	[tilespmem:s31+$0x1BF90] =	vst v20  }
0x420: {  	v53 =	vadd.s32 $0x34, v14;
	[tilespmem:s31+$0x1BFA0] =	vst v22;
	v20 =	vld.idx.msk [tilespmem:v50+s18+$0x0], $0xffff  }
0x421: {  	v54 =	vadd.s32 $0x34, v15;
	[tilespmem:s31+$0x1BFB0] =	vst v24;
	v22 =	vld.idx.msk [tilespmem:v51+s18+$0x0], $0xffff  }
0x422: {  	v55 =	vadd.s32 $0x34, v16;
	v24 =	vld.idx.msk [tilespmem:v52+s18+$0x0], $0xffff  }
0x423: {  	v56 =	vadd.s32 $0x34, v17  }
0x424: {  	[tilespmem:s31+$0x1C000] =	vst v18  }
0x425: {  	v18 =	vld.idx.msk [tilespmem:v53+s18+$0x0], $0xffff;
	[tilespmem:s31+$0x1C010] =	vst v20  }
0x426: {  	v57 =	vadd.s32 $0x35, v14;
	[tilespmem:s31+$0x1C020] =	vst v22;
	v20 =	vld.idx.msk [tilespmem:v54+s18+$0x0], $0xffff  }
0x427: {  	v58 =	vadd.s32 $0x35, v15;
	[tilespmem:s31+$0x1C030] =	vst v24;
	v22 =	vld.idx.msk [tilespmem:v55+s18+$0x0], $0xffff  }
0x428: {  	v59 =	vadd.s32 $0x35, v16;
	v24 =	vld.idx.msk [tilespmem:v56+s18+$0x0], $0xffff  }
0x429: {  	v60 =	vadd.s32 $0x35, v17  }
0x42a: {  	[tilespmem:s31+$0x1C080] =	vst v18  }
0x42b: {  	v18 =	vld.idx.msk [tilespmem:v57+s18+$0x0], $0xffff;
	[tilespmem:s31+$0x1C090] =	vst v20  }
0x42c: {  	v61 =	vadd.s32 $0x36, v14;
	[tilespmem:s31+$0x1C0A0] =	vst v22;
	v20 =	vld.idx.msk [tilespmem:v58+s18+$0x0], $0xffff  }
0x42d: {  	v62 =	vadd.s32 $0x36, v15;
	[tilespmem:s31+$0x1C0B0] =	vst v24;
	v22 =	vld.idx.msk [tilespmem:v59+s18+$0x0], $0xffff  }
0x42e: {  	v63 =	vadd.s32 $0x36, v16;
	v24 =	vld.idx.msk [tilespmem:v60+s18+$0x0], $0xffff  }
0x42f: {  	v28 =	vadd.s32 $0x36, v17  }
0x430: {  	[tilespmem:s31+$0x1C100] =	vst v18  }
0x431: {  	v18 =	vld.idx.msk [tilespmem:v61+s18+$0x0], $0xffff;
	[tilespmem:s31+$0x1C110] =	vst v20  }
0x432: {  	v29 =	vadd.s32 $0x37, v14;
	[tilespmem:s31+$0x1C120] =	vst v22;
	v20 =	vld.idx.msk [tilespmem:v62+s18+$0x0], $0xffff  }
0x433: {  	v30 =	vadd.s32 $0x37, v15;
	[tilespmem:s31+$0x1C130] =	vst v24;
	v22 =	vld.idx.msk [tilespmem:v63+s18+$0x0], $0xffff  }
0x434: {  	v31 =	vadd.s32 $0x37, v16;
	v24 =	vld.idx.msk [tilespmem:v28+s18+$0x0], $0xffff  }
0x435: {  	v32 =	vadd.s32 $0x37, v17  }
0x436: {  	[tilespmem:s31+$0x1C180] =	vst v18  }
0x437: {  	v18 =	vld.idx.msk [tilespmem:v29+s18+$0x0], $0xffff;
	[tilespmem:s31+$0x1C190] =	vst v20  }
0x438: {  	v33 =	vadd.s32 $0x38, v14;
	[tilespmem:s31+$0x1C1A0] =	vst v22;
	v20 =	vld.idx.msk [tilespmem:v30+s18+$0x0], $0xffff  }
0x439: {  	v34 =	vadd.s32 $0x38, v15;
	[tilespmem:s31+$0x1C1B0] =	vst v24;
	v22 =	vld.idx.msk [tilespmem:v31+s18+$0x0], $0xffff  }
0x43a: {  	v35 =	vadd.s32 $0x38, v16;
	v24 =	vld.idx.msk [tilespmem:v32+s18+$0x0], $0xffff  }
0x43b: {  	v36 =	vadd.s32 $0x38, v17  }
0x43c: {  	[tilespmem:s31+$0x1C200] =	vst v18  }
0x43d: {  	v18 =	vld.idx.msk [tilespmem:v33+s18+$0x0], $0xffff;
	[tilespmem:s31+$0x1C210] =	vst v20  }
0x43e: {  	v37 =	vadd.s32 $0x39, v14;
	[tilespmem:s31+$0x1C220] =	vst v22;
	v20 =	vld.idx.msk [tilespmem:v34+s18+$0x0], $0xffff  }
0x43f: {  	v38 =	vadd.s32 $0x39, v15;
	[tilespmem:s31+$0x1C230] =	vst v24;
	v22 =	vld.idx.msk [tilespmem:v35+s18+$0x0], $0xffff  }
0x440: {  	v39 =	vadd.s32 $0x39, v16;
	v24 =	vld.idx.msk [tilespmem:v36+s18+$0x0], $0xffff  }
0x441: {  	v40 =	vadd.s32 $0x39, v17  }
0x442: {  	[tilespmem:s31+$0x1C280] =	vst v18  }
0x443: {  	v18 =	vld.idx.msk [tilespmem:v37+s18+$0x0], $0xffff;
	[tilespmem:s31+$0x1C290] =	vst v20  }
0x444: {  	v41 =	vadd.s32 $0x3A, v14;
	[tilespmem:s31+$0x1C2A0] =	vst v22;
	v20 =	vld.idx.msk [tilespmem:v38+s18+$0x0], $0xffff  }
0x445: {  	v42 =	vadd.s32 $0x3A, v15;
	[tilespmem:s31+$0x1C2B0] =	vst v24;
	v22 =	vld.idx.msk [tilespmem:v39+s18+$0x0], $0xffff  }
0x446: {  	v43 =	vadd.s32 $0x3A, v16;
	v24 =	vld.idx.msk [tilespmem:v40+s18+$0x0], $0xffff  }
0x447: {  	v44 =	vadd.s32 $0x3A, v17  }
0x448: {  	[tilespmem:s31+$0x1C300] =	vst v18  }
0x449: {  	v18 =	vld.idx.msk [tilespmem:v41+s18+$0x0], $0xffff;
	[tilespmem:s31+$0x1C310] =	vst v20  }
0x44a: {  	v45 =	vadd.s32 $0x3B, v14;
	[tilespmem:s31+$0x1C320] =	vst v22;
	v20 =	vld.idx.msk [tilespmem:v42+s18+$0x0], $0xffff  }
0x44b: {  	v46 =	vadd.s32 $0x3B, v15;
	[tilespmem:s31+$0x1C330] =	vst v24;
	v22 =	vld.idx.msk [tilespmem:v43+s18+$0x0], $0xffff  }
0x44c: {  	v47 =	vadd.s32 $0x3B, v16;
	v24 =	vld.idx.msk [tilespmem:v44+s18+$0x0], $0xffff  }
0x44d: {  	v48 =	vadd.s32 $0x3B, v17  }
0x44e: {  	[tilespmem:s31+$0x1C380] =	vst v18  }
0x44f: {  	v18 =	vld.idx.msk [tilespmem:v45+s18+$0x0], $0xffff;
	[tilespmem:s31+$0x1C390] =	vst v20  }
0x450: {  	v49 =	vadd.s32 $0x3C, v14;
	[tilespmem:s31+$0x1C3A0] =	vst v22;
	v20 =	vld.idx.msk [tilespmem:v46+s18+$0x0], $0xffff  }
0x451: {  	v50 =	vadd.s32 $0x3C, v15;
	[tilespmem:s31+$0x1C3B0] =	vst v24;
	v22 =	vld.idx.msk [tilespmem:v47+s18+$0x0], $0xffff  }
0x452: {  	v51 =	vadd.s32 $0x3C, v16;
	v24 =	vld.idx.msk [tilespmem:v48+s18+$0x0], $0xffff  }
0x453: {  	v52 =	vadd.s32 $0x3C, v17  }
0x454: {  	[tilespmem:s31+$0x1C400] =	vst v18  }
0x455: {  	v18 =	vld.idx.msk [tilespmem:v49+s18+$0x0], $0xffff;
	[tilespmem:s31+$0x1C410] =	vst v20  }
0x456: {  	v53 =	vadd.s32 $0x3D, v14;
	[tilespmem:s31+$0x1C420] =	vst v22;
	v20 =	vld.idx.msk [tilespmem:v50+s18+$0x0], $0xffff  }
0x457: {  	v54 =	vadd.s32 $0x3D, v15;
	[tilespmem:s31+$0x1C430] =	vst v24;
	v22 =	vld.idx.msk [tilespmem:v51+s18+$0x0], $0xffff  }
0x458: {  	v55 =	vadd.s32 $0x3D, v16;
	v24 =	vld.idx.msk [tilespmem:v52+s18+$0x0], $0xffff  }
0x459: {  	v56 =	vadd.s32 $0x3D, v17  }
0x45a: {  	[tilespmem:s31+$0x1C480] =	vst v18  }
0x45b: {  	v18 =	vld.idx.msk [tilespmem:v53+s18+$0x0], $0xffff;
	[tilespmem:s31+$0x1C490] =	vst v20  }
0x45c: {  	v57 =	vadd.s32 $0x3E, v14;
	[tilespmem:s31+$0x1C4A0] =	vst v22;
	v20 =	vld.idx.msk [tilespmem:v54+s18+$0x0], $0xffff  }
0x45d: {  	v58 =	vadd.s32 $0x3E, v15;
	[tilespmem:s31+$0x1C4B0] =	vst v24;
	v22 =	vld.idx.msk [tilespmem:v55+s18+$0x0], $0xffff  }
0x45e: {  	v59 =	vadd.s32 $0x3E, v16;
	v24 =	vld.idx.msk [tilespmem:v56+s18+$0x0], $0xffff  }
0x45f: {  	v60 =	vadd.s32 $0x3E, v17  }
0x460: {  	[tilespmem:s31+$0x1C500] =	vst v18  }
0x461: {  	v18 =	vld.idx.msk [tilespmem:v57+s18+$0x0], $0xffff;
	[tilespmem:s31+$0x1C510] =	vst v20  }
0x462: {  	v14 =	vadd.s32 $0x3F, v14;
	[tilespmem:s31+$0x1C520] =	vst v22;
	v61 =	vld.idx.msk [tilespmem:v58+s18+$0x0], $0xffff  }
0x463: {  	v15 =	vadd.s32 $0x3F, v15;
	[tilespmem:s31+$0x1C530] =	vst v24;
	v62 =	vld.idx.msk [tilespmem:v59+s18+$0x0], $0xffff  }
0x464: {  	v16 =	vadd.s32 $0x3F, v16;
	v63 =	vld.idx.msk [tilespmem:v60+s18+$0x0], $0xffff  }
0x465: {  	v17 =	vadd.s32 $0x3F, v17  }
0x466: {  	[tilespmem:s31+$0x1C580] =	vst v18  }
0x467: {  	v14 =	vld.idx.msk [tilespmem:v14+s18+$0x0], $0xffff;
	[tilespmem:s31+$0x1C590] =	vst v61  }
0x468: {  	[tilespmem:s31+$0x1C5A0] =	vst v62;
	v15 =	vld.idx.msk [tilespmem:v15+s18+$0x0], $0xffff  }
0x469: {  	[tilespmem:s31+$0x1C5B0] =	vst v63;
	v16 =	vld.idx.msk [tilespmem:v16+s18+$0x0], $0xffff  }
0x46a: {  	p2 =	por p1, p1;
	v17 =	vld.idx.msk [tilespmem:v17+s18+$0x0], $0xffff  }
.Ltmp9:
0x46b: {  	_ = 	snop;
	(pc) =	sbr.rel @p2 .LBB2_21-.Ltmp9, $4  }
0x46c: {  	[tilespmem:s31+$0x1C600] =	vst v14  }
0x46d: {  	[tilespmem:s31+$0x1C610] =	vst v15  }
0x46e: {  	[tilespmem:s31+$0x1C620] =	vst v16  }
0x46f: {  	p1 =	por $0x0, $0x0;
	[tilespmem:s31+$0x1C630] =	vst v17;
	s31 =	simm.s32 $0x40  }
0x470: {  	s30 =	sor.u32 $0x1, s30  }
0x471: {  	s1 =	sshll.u32 s30, $0x7  }
0x472: {  	s0 =	sshll.u32 s29, $0x10;
	s1 =	sand.u32 $0x3FFFFF80, s1  }
0x473: {  	s0 =	sadd.s32 s0, s13;
	s1 =	sadd.s32 $0x14280, s1  }
0x474: {  	[hbm4b:s0+s21] =	stream.strided.scatter [tilespmem:s23], [sflag:$0x4], $0x2000, s22, s21, $0x38;
	v13 =	vmov s1;
	[tilespmem:$0x1E680] =	vst v63  }
0x475: {  	s0 =	simm.s32 @!p0 $0x5  }
0x476: {  	_ =	swait.ge @!p0 [sflag:s0], $0x2000  }
0x477: {  	[sflag:s0] =	ssyncset.done @!p0 $0x0  }
0x478: {  	s31 =	simm.s32 $0x0;
	[sflag:s0] =	ssyncadd.s32 @!p0 $0xFFFFE000;
	p0 =	por $0x1, $0x1  }
.LBB2_23:
0x479: {  	v14 =	vld.idx.msk [tilespmem:v13+s31+$0x0 ss:$0x1], $0xffff;
	_ =	sdelay $0x4  }
0x47a: {  	vm0 =	vlt.s32 v14, $0x200  }
0x47b: {  	v14 =	vnsel vm0, $0x200, v14  }
0x47c: {  	v14 =	vmul.u32 $0x41, v14;
	_ =	sdelay $0x5  }
0x47d: {  	v15 =	vld.idx.msk [tilespmem:v14+s18+$0x0], $0xffff  }
0x47e: {  	v16 =	vadd.s32 $0x1, v14;
	_ =	sdelay $0x3  }
0x47f: {  	[tilespmem:s31+$0x1C680] =	vst v15  }
0x480: {  	v15 =	vld.idx.msk [tilespmem:v16+s18+$0x0], $0xffff  }
0x481: {  	v34 =	vadd.s32 $0x2, v14;
	_ =	sdelay $0x3  }
0x482: {  	[tilespmem:s31+$0x1C700] =	vst v15  }
0x483: {  	v15 =	vld.idx.msk [tilespmem:v34+s18+$0x0], $0xffff  }
0x484: {  	v35 =	vadd.s32 $0x3, v14;
	_ =	sdelay $0x3  }
0x485: {  	[tilespmem:s31+$0x1C780] =	vst v15  }
0x486: {  	v15 =	vld.idx.msk [tilespmem:v35+s18+$0x0], $0xffff  }
0x487: {  	v36 =	vadd.s32 $0x4, v14;
	_ =	sdelay $0x3  }
0x488: {  	[tilespmem:s31+$0x1C800] =	vst v15  }
0x489: {  	v15 =	vld.idx.msk [tilespmem:v36+s18+$0x0], $0xffff  }
0x48a: {  	v37 =	vadd.s32 $0x5, v14;
	_ =	sdelay $0x3  }
0x48b: {  	[tilespmem:s31+$0x1C880] =	vst v15  }
0x48c: {  	v15 =	vld.idx.msk [tilespmem:v37+s18+$0x0], $0xffff  }
0x48d: {  	v38 =	vadd.s32 $0x6, v14;
	_ =	sdelay $0x3  }
0x48e: {  	[tilespmem:s31+$0x1C900] =	vst v15  }
0x48f: {  	v15 =	vld.idx.msk [tilespmem:v38+s18+$0x0], $0xffff  }
0x490: {  	v39 =	vadd.s32 $0x7, v14;
	_ =	sdelay $0x3  }
0x491: {  	[tilespmem:s31+$0x1C980] =	vst v15  }
0x492: {  	v15 =	vld.idx.msk [tilespmem:v39+s18+$0x0], $0xffff;
	_ =	sdelay $0x4  }
0x493: {  	[tilespmem:s31+$0x1CA00] =	vst v15  }
0x494: {  	v15 =	vld.idx.msk [tilespmem:v13+s31+$0x10 ss:$0x1], $0xffff  }
0x495: {  	v40 =	vld.idx.msk [tilespmem:v13+s31+$0x20 ss:$0x1], $0xffff  }
0x496: {  	v17 =	vld.idx.msk [tilespmem:v13+s31+$0x30 ss:$0x1], $0xffff;
	_ =	sdelay $0x2  }
0x497: {  	vm13 =	vlt.s32 v15, $0x200  }
0x498: {  	vm14 =	vlt.s32 v40, $0x200;
	v15 =	vnsel vm13, $0x200, v15  }
0x499: {  	vm15 =	vlt.s32 v17, $0x200;
	v16 =	vnsel vm14, $0x200, v40;
	v15 =	vmul.u32 $0x41, v15  }
0x49a: {  	v17 =	vnsel vm15, $0x200, v17;
	v16 =	vmul.u32 $0x41, v16  }
0x49b: {  	v17 =	vmul.u32 $0x41, v17;
	_ =	sdelay $0x3  }
0x49c: {  	v18 =	vld.idx.msk [tilespmem:v15+s18+$0x0], $0xffff  }
0x49d: {  	v19 =	vadd.s32 $0x1, v15;
	v20 =	vld.idx.msk [tilespmem:v16+s18+$0x0], $0xffff  }
0x49e: {  	v21 =	vadd.s32 $0x1, v16;
	v22 =	vld.idx.msk [tilespmem:v17+s18+$0x0], $0xffff  }
0x49f: {  	v23 =	vadd.s32 $0x1, v17;
	_ =	sdelay $0x1  }
0x4a0: {  	[tilespmem:s31+$0x1C690] =	vst v18  }
0x4a1: {  	[tilespmem:s31+$0x1C6A0] =	vst v20;
	v18 =	vld.idx.msk [tilespmem:v19+s18+$0x0], $0xffff  }
0x4a2: {  	v41 =	vadd.s32 $0x2, v15;
	[tilespmem:s31+$0x1C6B0] =	vst v22;
	v20 =	vld.idx.msk [tilespmem:v21+s18+$0x0], $0xffff  }
0x4a3: {  	v42 =	vadd.s32 $0x2, v16;
	v22 =	vld.idx.msk [tilespmem:v23+s18+$0x0], $0xffff  }
0x4a4: {  	v43 =	vadd.s32 $0x2, v17;
	_ =	sdelay $0x1  }
0x4a5: {  	[tilespmem:s31+$0x1C710] =	vst v18  }
0x4a6: {  	[tilespmem:s31+$0x1C720] =	vst v20;
	v18 =	vld.idx.msk [tilespmem:v41+s18+$0x0], $0xffff  }
0x4a7: {  	v44 =	vadd.s32 $0x3, v15;
	[tilespmem:s31+$0x1C730] =	vst v22;
	v20 =	vld.idx.msk [tilespmem:v42+s18+$0x0], $0xffff  }
0x4a8: {  	v45 =	vadd.s32 $0x3, v16;
	v22 =	vld.idx.msk [tilespmem:v43+s18+$0x0], $0xffff  }
0x4a9: {  	v46 =	vadd.s32 $0x3, v17;
	_ =	sdelay $0x1  }
0x4aa: {  	[tilespmem:s31+$0x1C790] =	vst v18  }
0x4ab: {  	[tilespmem:s31+$0x1C7A0] =	vst v20;
	v18 =	vld.idx.msk [tilespmem:v44+s18+$0x0], $0xffff  }
0x4ac: {  	v47 =	vadd.s32 $0x4, v15;
	[tilespmem:s31+$0x1C7B0] =	vst v22;
	v20 =	vld.idx.msk [tilespmem:v45+s18+$0x0], $0xffff  }
0x4ad: {  	v48 =	vadd.s32 $0x4, v16;
	v22 =	vld.idx.msk [tilespmem:v46+s18+$0x0], $0xffff  }
0x4ae: {  	v49 =	vadd.s32 $0x4, v17;
	_ =	sdelay $0x1  }
0x4af: {  	[tilespmem:s31+$0x1C810] =	vst v18  }
0x4b0: {  	[tilespmem:s31+$0x1C820] =	vst v20;
	v18 =	vld.idx.msk [tilespmem:v47+s18+$0x0], $0xffff  }
0x4b1: {  	v50 =	vadd.s32 $0x5, v15;
	[tilespmem:s31+$0x1C830] =	vst v22;
	v20 =	vld.idx.msk [tilespmem:v48+s18+$0x0], $0xffff  }
0x4b2: {  	v51 =	vadd.s32 $0x5, v16;
	v22 =	vld.idx.msk [tilespmem:v49+s18+$0x0], $0xffff  }
0x4b3: {  	v52 =	vadd.s32 $0x5, v17;
	_ =	sdelay $0x1  }
0x4b4: {  	[tilespmem:s31+$0x1C890] =	vst v18  }
0x4b5: {  	[tilespmem:s31+$0x1C8A0] =	vst v20;
	v18 =	vld.idx.msk [tilespmem:v50+s18+$0x0], $0xffff  }
0x4b6: {  	v53 =	vadd.s32 $0x6, v15;
	[tilespmem:s31+$0x1C8B0] =	vst v22;
	v20 =	vld.idx.msk [tilespmem:v51+s18+$0x0], $0xffff  }
0x4b7: {  	v54 =	vadd.s32 $0x6, v16;
	v22 =	vld.idx.msk [tilespmem:v52+s18+$0x0], $0xffff  }
0x4b8: {  	v55 =	vadd.s32 $0x6, v17;
	_ =	sdelay $0x1  }
0x4b9: {  	[tilespmem:s31+$0x1C910] =	vst v18  }
0x4ba: {  	[tilespmem:s31+$0x1C920] =	vst v20;
	v18 =	vld.idx.msk [tilespmem:v53+s18+$0x0], $0xffff  }
0x4bb: {  	v56 =	vadd.s32 $0x7, v15;
	[tilespmem:s31+$0x1C930] =	vst v22;
	v20 =	vld.idx.msk [tilespmem:v54+s18+$0x0], $0xffff  }
0x4bc: {  	v57 =	vadd.s32 $0x7, v16;
	v22 =	vld.idx.msk [tilespmem:v55+s18+$0x0], $0xffff  }
0x4bd: {  	v58 =	vadd.s32 $0x7, v17;
	_ =	sdelay $0x1  }
0x4be: {  	[tilespmem:s31+$0x1C990] =	vst v18  }
0x4bf: {  	v59 =	vadd.s32 $0x8, v14;
	[tilespmem:s31+$0x1C9A0] =	vst v20;
	v19 =	vld.idx.msk [tilespmem:v56+s18+$0x0], $0xffff  }
0x4c0: {  	v60 =	vadd.s32 $0x8, v15;
	[tilespmem:s31+$0x1C9B0] =	vst v22;
	v21 =	vld.idx.msk [tilespmem:v57+s18+$0x0], $0xffff  }
0x4c1: {  	v61 =	vadd.s32 $0x8, v16;
	v23 =	vld.idx.msk [tilespmem:v58+s18+$0x0], $0xffff  }
0x4c2: {  	v24 =	vadd.s32 $0x8, v17;
	_ =	sdelay $0x1  }
0x4c3: {  	v18 =	vld.idx.msk [tilespmem:v59+s18+$0x0], $0xffff;
	[tilespmem:s31+$0x1CA10] =	vst v19  }
0x4c4: {  	v62 =	vadd.s32 $0x9, v14;
	[tilespmem:s31+$0x1CA20] =	vst v21;
	v20 =	vld.idx.msk [tilespmem:v60+s18+$0x0], $0xffff  }
0x4c5: {  	v63 =	vadd.s32 $0x9, v15;
	[tilespmem:s31+$0x1CA30] =	vst v23;
	v22 =	vld.idx.msk [tilespmem:v61+s18+$0x0], $0xffff  }
0x4c6: {  	v28 =	vadd.s32 $0x9, v16;
	v24 =	vld.idx.msk [tilespmem:v24+s18+$0x0], $0xffff  }
0x4c7: {  	v25 =	vadd.s32 $0x9, v17  }
0x4c8: {  	[tilespmem:s31+$0x1CA80] =	vst v18  }
0x4c9: {  	v18 =	vld.idx.msk [tilespmem:v62+s18+$0x0], $0xffff;
	[tilespmem:s31+$0x1CA90] =	vst v20  }
0x4ca: {  	v29 =	vadd.s32 $0xA, v14;
	[tilespmem:s31+$0x1CAA0] =	vst v22;
	v20 =	vld.idx.msk [tilespmem:v63+s18+$0x0], $0xffff  }
0x4cb: {  	v30 =	vadd.s32 $0xA, v15;
	[tilespmem:s31+$0x1CAB0] =	vst v24;
	v22 =	vld.idx.msk [tilespmem:v28+s18+$0x0], $0xffff  }
0x4cc: {  	v31 =	vadd.s32 $0xA, v16;
	v24 =	vld.idx.msk [tilespmem:v25+s18+$0x0], $0xffff  }
0x4cd: {  	v32 =	vadd.s32 $0xA, v17  }
0x4ce: {  	[tilespmem:s31+$0x1CB00] =	vst v18  }
0x4cf: {  	v18 =	vld.idx.msk [tilespmem:v29+s18+$0x0], $0xffff;
	[tilespmem:s31+$0x1CB10] =	vst v20  }
0x4d0: {  	v33 =	vadd.s32 $0xB, v14;
	[tilespmem:s31+$0x1CB20] =	vst v22;
	v20 =	vld.idx.msk [tilespmem:v30+s18+$0x0], $0xffff  }
0x4d1: {  	v34 =	vadd.s32 $0xB, v15;
	[tilespmem:s31+$0x1CB30] =	vst v24;
	v22 =	vld.idx.msk [tilespmem:v31+s18+$0x0], $0xffff  }
0x4d2: {  	v35 =	vadd.s32 $0xB, v16;
	v24 =	vld.idx.msk [tilespmem:v32+s18+$0x0], $0xffff  }
0x4d3: {  	v36 =	vadd.s32 $0xB, v17  }
0x4d4: {  	[tilespmem:s31+$0x1CB80] =	vst v18  }
0x4d5: {  	v18 =	vld.idx.msk [tilespmem:v33+s18+$0x0], $0xffff;
	[tilespmem:s31+$0x1CB90] =	vst v20  }
0x4d6: {  	v37 =	vadd.s32 $0xC, v14;
	[tilespmem:s31+$0x1CBA0] =	vst v22;
	v20 =	vld.idx.msk [tilespmem:v34+s18+$0x0], $0xffff  }
0x4d7: {  	v38 =	vadd.s32 $0xC, v15;
	[tilespmem:s31+$0x1CBB0] =	vst v24;
	v22 =	vld.idx.msk [tilespmem:v35+s18+$0x0], $0xffff  }
0x4d8: {  	v39 =	vadd.s32 $0xC, v16;
	v24 =	vld.idx.msk [tilespmem:v36+s18+$0x0], $0xffff  }
0x4d9: {  	v40 =	vadd.s32 $0xC, v17  }
0x4da: {  	[tilespmem:s31+$0x1CC00] =	vst v18  }
0x4db: {  	v18 =	vld.idx.msk [tilespmem:v37+s18+$0x0], $0xffff;
	[tilespmem:s31+$0x1CC10] =	vst v20  }
0x4dc: {  	v41 =	vadd.s32 $0xD, v14;
	[tilespmem:s31+$0x1CC20] =	vst v22;
	v20 =	vld.idx.msk [tilespmem:v38+s18+$0x0], $0xffff  }
0x4dd: {  	v42 =	vadd.s32 $0xD, v15;
	[tilespmem:s31+$0x1CC30] =	vst v24;
	v22 =	vld.idx.msk [tilespmem:v39+s18+$0x0], $0xffff  }
0x4de: {  	v43 =	vadd.s32 $0xD, v16;
	v24 =	vld.idx.msk [tilespmem:v40+s18+$0x0], $0xffff  }
0x4df: {  	v44 =	vadd.s32 $0xD, v17  }
0x4e0: {  	[tilespmem:s31+$0x1CC80] =	vst v18  }
0x4e1: {  	v18 =	vld.idx.msk [tilespmem:v41+s18+$0x0], $0xffff;
	[tilespmem:s31+$0x1CC90] =	vst v20  }
0x4e2: {  	v45 =	vadd.s32 $0xE, v14;
	[tilespmem:s31+$0x1CCA0] =	vst v22;
	v20 =	vld.idx.msk [tilespmem:v42+s18+$0x0], $0xffff  }
0x4e3: {  	v46 =	vadd.s32 $0xE, v15;
	[tilespmem:s31+$0x1CCB0] =	vst v24;
	v22 =	vld.idx.msk [tilespmem:v43+s18+$0x0], $0xffff  }
0x4e4: {  	v47 =	vadd.s32 $0xE, v16;
	v24 =	vld.idx.msk [tilespmem:v44+s18+$0x0], $0xffff  }
0x4e5: {  	v48 =	vadd.s32 $0xE, v17  }
0x4e6: {  	[tilespmem:s31+$0x1CD00] =	vst v18  }
0x4e7: {  	v18 =	vld.idx.msk [tilespmem:v45+s18+$0x0], $0xffff;
	[tilespmem:s31+$0x1CD10] =	vst v20  }
0x4e8: {  	v49 =	vadd.s32 $0xF, v14;
	[tilespmem:s31+$0x1CD20] =	vst v22;
	v20 =	vld.idx.msk [tilespmem:v46+s18+$0x0], $0xffff  }
0x4e9: {  	v50 =	vadd.s32 $0xF, v15;
	[tilespmem:s31+$0x1CD30] =	vst v24;
	v22 =	vld.idx.msk [tilespmem:v47+s18+$0x0], $0xffff  }
0x4ea: {  	v51 =	vadd.s32 $0xF, v16;
	v24 =	vld.idx.msk [tilespmem:v48+s18+$0x0], $0xffff  }
0x4eb: {  	v52 =	vadd.s32 $0xF, v17  }
0x4ec: {  	[tilespmem:s31+$0x1CD80] =	vst v18  }
0x4ed: {  	v18 =	vld.idx.msk [tilespmem:v49+s18+$0x0], $0xffff;
	[tilespmem:s31+$0x1CD90] =	vst v20  }
0x4ee: {  	v53 =	vadd.s32 $0x10, v14;
	[tilespmem:s31+$0x1CDA0] =	vst v22;
	v20 =	vld.idx.msk [tilespmem:v50+s18+$0x0], $0xffff  }
0x4ef: {  	v54 =	vadd.s32 $0x10, v15;
	[tilespmem:s31+$0x1CDB0] =	vst v24;
	v22 =	vld.idx.msk [tilespmem:v51+s18+$0x0], $0xffff  }
0x4f0: {  	v55 =	vadd.s32 $0x10, v16;
	v24 =	vld.idx.msk [tilespmem:v52+s18+$0x0], $0xffff  }
0x4f1: {  	v56 =	vadd.s32 $0x10, v17  }
0x4f2: {  	[tilespmem:s31+$0x1CE00] =	vst v18  }
0x4f3: {  	v18 =	vld.idx.msk [tilespmem:v53+s18+$0x0], $0xffff;
	[tilespmem:s31+$0x1CE10] =	vst v20  }
0x4f4: {  	v57 =	vadd.s32 $0x11, v14;
	[tilespmem:s31+$0x1CE20] =	vst v22;
	v20 =	vld.idx.msk [tilespmem:v54+s18+$0x0], $0xffff  }
0x4f5: {  	v58 =	vadd.s32 $0x11, v15;
	[tilespmem:s31+$0x1CE30] =	vst v24;
	v22 =	vld.idx.msk [tilespmem:v55+s18+$0x0], $0xffff  }
0x4f6: {  	v59 =	vadd.s32 $0x11, v16;
	v24 =	vld.idx.msk [tilespmem:v56+s18+$0x0], $0xffff  }
0x4f7: {  	v60 =	vadd.s32 $0x11, v17  }
0x4f8: {  	[tilespmem:s31+$0x1CE80] =	vst v18  }
0x4f9: {  	v18 =	vld.idx.msk [tilespmem:v57+s18+$0x0], $0xffff;
	[tilespmem:s31+$0x1CE90] =	vst v20  }
0x4fa: {  	v61 =	vadd.s32 $0x12, v14;
	[tilespmem:s31+$0x1CEA0] =	vst v22;
	v20 =	vld.idx.msk [tilespmem:v58+s18+$0x0], $0xffff  }
0x4fb: {  	v62 =	vadd.s32 $0x12, v15;
	[tilespmem:s31+$0x1CEB0] =	vst v24;
	v22 =	vld.idx.msk [tilespmem:v59+s18+$0x0], $0xffff  }
0x4fc: {  	v63 =	vadd.s32 $0x12, v16;
	v24 =	vld.idx.msk [tilespmem:v60+s18+$0x0], $0xffff  }
0x4fd: {  	v28 =	vadd.s32 $0x12, v17  }
0x4fe: {  	[tilespmem:s31+$0x1CF00] =	vst v18  }
0x4ff: {  	v18 =	vld.idx.msk [tilespmem:v61+s18+$0x0], $0xffff;
	[tilespmem:s31+$0x1CF10] =	vst v20  }
0x500: {  	v29 =	vadd.s32 $0x13, v14;
	[tilespmem:s31+$0x1CF20] =	vst v22;
	v20 =	vld.idx.msk [tilespmem:v62+s18+$0x0], $0xffff  }
0x501: {  	v30 =	vadd.s32 $0x13, v15;
	[tilespmem:s31+$0x1CF30] =	vst v24;
	v22 =	vld.idx.msk [tilespmem:v63+s18+$0x0], $0xffff  }
0x502: {  	v31 =	vadd.s32 $0x13, v16;
	v24 =	vld.idx.msk [tilespmem:v28+s18+$0x0], $0xffff  }
0x503: {  	v32 =	vadd.s32 $0x13, v17  }
0x504: {  	[tilespmem:s31+$0x1CF80] =	vst v18  }
0x505: {  	v18 =	vld.idx.msk [tilespmem:v29+s18+$0x0], $0xffff;
	[tilespmem:s31+$0x1CF90] =	vst v20  }
0x506: {  	v33 =	vadd.s32 $0x14, v14;
	[tilespmem:s31+$0x1CFA0] =	vst v22;
	v20 =	vld.idx.msk [tilespmem:v30+s18+$0x0], $0xffff  }
0x507: {  	v34 =	vadd.s32 $0x14, v15;
	[tilespmem:s31+$0x1CFB0] =	vst v24;
	v22 =	vld.idx.msk [tilespmem:v31+s18+$0x0], $0xffff  }
0x508: {  	v35 =	vadd.s32 $0x14, v16;
	v24 =	vld.idx.msk [tilespmem:v32+s18+$0x0], $0xffff  }
0x509: {  	v36 =	vadd.s32 $0x14, v17  }
0x50a: {  	[tilespmem:s31+$0x1D000] =	vst v18  }
0x50b: {  	v18 =	vld.idx.msk [tilespmem:v33+s18+$0x0], $0xffff;
	[tilespmem:s31+$0x1D010] =	vst v20  }
0x50c: {  	v37 =	vadd.s32 $0x15, v14;
	[tilespmem:s31+$0x1D020] =	vst v22;
	v20 =	vld.idx.msk [tilespmem:v34+s18+$0x0], $0xffff  }
0x50d: {  	v38 =	vadd.s32 $0x15, v15;
	[tilespmem:s31+$0x1D030] =	vst v24;
	v22 =	vld.idx.msk [tilespmem:v35+s18+$0x0], $0xffff  }
0x50e: {  	v39 =	vadd.s32 $0x15, v16;
	v24 =	vld.idx.msk [tilespmem:v36+s18+$0x0], $0xffff  }
0x50f: {  	v40 =	vadd.s32 $0x15, v17  }
0x510: {  	[tilespmem:s31+$0x1D080] =	vst v18  }
0x511: {  	v18 =	vld.idx.msk [tilespmem:v37+s18+$0x0], $0xffff;
	[tilespmem:s31+$0x1D090] =	vst v20  }
0x512: {  	v41 =	vadd.s32 $0x16, v14;
	[tilespmem:s31+$0x1D0A0] =	vst v22;
	v20 =	vld.idx.msk [tilespmem:v38+s18+$0x0], $0xffff  }
0x513: {  	v42 =	vadd.s32 $0x16, v15;
	[tilespmem:s31+$0x1D0B0] =	vst v24;
	v22 =	vld.idx.msk [tilespmem:v39+s18+$0x0], $0xffff  }
0x514: {  	v43 =	vadd.s32 $0x16, v16;
	v24 =	vld.idx.msk [tilespmem:v40+s18+$0x0], $0xffff  }
0x515: {  	v44 =	vadd.s32 $0x16, v17  }
0x516: {  	[tilespmem:s31+$0x1D100] =	vst v18  }
0x517: {  	v18 =	vld.idx.msk [tilespmem:v41+s18+$0x0], $0xffff;
	[tilespmem:s31+$0x1D110] =	vst v20  }
0x518: {  	v45 =	vadd.s32 $0x17, v14;
	[tilespmem:s31+$0x1D120] =	vst v22;
	v20 =	vld.idx.msk [tilespmem:v42+s18+$0x0], $0xffff  }
0x519: {  	v46 =	vadd.s32 $0x17, v15;
	[tilespmem:s31+$0x1D130] =	vst v24;
	v22 =	vld.idx.msk [tilespmem:v43+s18+$0x0], $0xffff  }
0x51a: {  	v47 =	vadd.s32 $0x17, v16;
	v24 =	vld.idx.msk [tilespmem:v44+s18+$0x0], $0xffff  }
0x51b: {  	v48 =	vadd.s32 $0x17, v17  }
0x51c: {  	[tilespmem:s31+$0x1D180] =	vst v18  }
0x51d: {  	v18 =	vld.idx.msk [tilespmem:v45+s18+$0x0], $0xffff;
	[tilespmem:s31+$0x1D190] =	vst v20  }
0x51e: {  	v49 =	vadd.s32 $0x18, v14;
	[tilespmem:s31+$0x1D1A0] =	vst v22;
	v20 =	vld.idx.msk [tilespmem:v46+s18+$0x0], $0xffff  }
0x51f: {  	v50 =	vadd.s32 $0x18, v15;
	[tilespmem:s31+$0x1D1B0] =	vst v24;
	v22 =	vld.idx.msk [tilespmem:v47+s18+$0x0], $0xffff  }
0x520: {  	v51 =	vadd.s32 $0x18, v16;
	v24 =	vld.idx.msk [tilespmem:v48+s18+$0x0], $0xffff  }
0x521: {  	v52 =	vadd.s32 $0x18, v17  }
0x522: {  	[tilespmem:s31+$0x1D200] =	vst v18  }
0x523: {  	v18 =	vld.idx.msk [tilespmem:v49+s18+$0x0], $0xffff;
	[tilespmem:s31+$0x1D210] =	vst v20  }
0x524: {  	v53 =	vadd.s32 $0x19, v14;
	[tilespmem:s31+$0x1D220] =	vst v22;
	v20 =	vld.idx.msk [tilespmem:v50+s18+$0x0], $0xffff  }
0x525: {  	v54 =	vadd.s32 $0x19, v15;
	[tilespmem:s31+$0x1D230] =	vst v24;
	v22 =	vld.idx.msk [tilespmem:v51+s18+$0x0], $0xffff  }
0x526: {  	v55 =	vadd.s32 $0x19, v16;
	v24 =	vld.idx.msk [tilespmem:v52+s18+$0x0], $0xffff  }
0x527: {  	v56 =	vadd.s32 $0x19, v17  }
0x528: {  	[tilespmem:s31+$0x1D280] =	vst v18  }
0x529: {  	v18 =	vld.idx.msk [tilespmem:v53+s18+$0x0], $0xffff;
	[tilespmem:s31+$0x1D290] =	vst v20  }
0x52a: {  	v57 =	vadd.s32 $0x1A, v14;
	[tilespmem:s31+$0x1D2A0] =	vst v22;
	v20 =	vld.idx.msk [tilespmem:v54+s18+$0x0], $0xffff  }
0x52b: {  	v58 =	vadd.s32 $0x1A, v15;
	[tilespmem:s31+$0x1D2B0] =	vst v24;
	v22 =	vld.idx.msk [tilespmem:v55+s18+$0x0], $0xffff  }
0x52c: {  	v59 =	vadd.s32 $0x1A, v16;
	v24 =	vld.idx.msk [tilespmem:v56+s18+$0x0], $0xffff  }
0x52d: {  	v60 =	vadd.s32 $0x1A, v17  }
0x52e: {  	[tilespmem:s31+$0x1D300] =	vst v18  }
0x52f: {  	v18 =	vld.idx.msk [tilespmem:v57+s18+$0x0], $0xffff;
	[tilespmem:s31+$0x1D310] =	vst v20  }
0x530: {  	v61 =	vadd.s32 $0x1B, v14;
	[tilespmem:s31+$0x1D320] =	vst v22;
	v20 =	vld.idx.msk [tilespmem:v58+s18+$0x0], $0xffff  }
0x531: {  	v62 =	vadd.s32 $0x1B, v15;
	[tilespmem:s31+$0x1D330] =	vst v24;
	v22 =	vld.idx.msk [tilespmem:v59+s18+$0x0], $0xffff  }
0x532: {  	v63 =	vadd.s32 $0x1B, v16;
	v24 =	vld.idx.msk [tilespmem:v60+s18+$0x0], $0xffff  }
0x533: {  	v28 =	vadd.s32 $0x1B, v17  }
0x534: {  	[tilespmem:s31+$0x1D380] =	vst v18  }
0x535: {  	v18 =	vld.idx.msk [tilespmem:v61+s18+$0x0], $0xffff;
	[tilespmem:s31+$0x1D390] =	vst v20  }
0x536: {  	v29 =	vadd.s32 $0x1C, v14;
	[tilespmem:s31+$0x1D3A0] =	vst v22;
	v20 =	vld.idx.msk [tilespmem:v62+s18+$0x0], $0xffff  }
0x537: {  	v30 =	vadd.s32 $0x1C, v15;
	[tilespmem:s31+$0x1D3B0] =	vst v24;
	v22 =	vld.idx.msk [tilespmem:v63+s18+$0x0], $0xffff  }
0x538: {  	v31 =	vadd.s32 $0x1C, v16;
	v24 =	vld.idx.msk [tilespmem:v28+s18+$0x0], $0xffff  }
0x539: {  	v32 =	vadd.s32 $0x1C, v17  }
0x53a: {  	[tilespmem:s31+$0x1D400] =	vst v18  }
0x53b: {  	v18 =	vld.idx.msk [tilespmem:v29+s18+$0x0], $0xffff;
	[tilespmem:s31+$0x1D410] =	vst v20  }
0x53c: {  	v33 =	vadd.s32 $0x1D, v14;
	[tilespmem:s31+$0x1D420] =	vst v22;
	v20 =	vld.idx.msk [tilespmem:v30+s18+$0x0], $0xffff  }
0x53d: {  	v34 =	vadd.s32 $0x1D, v15;
	[tilespmem:s31+$0x1D430] =	vst v24;
	v22 =	vld.idx.msk [tilespmem:v31+s18+$0x0], $0xffff  }
0x53e: {  	v35 =	vadd.s32 $0x1D, v16;
	v24 =	vld.idx.msk [tilespmem:v32+s18+$0x0], $0xffff  }
0x53f: {  	v36 =	vadd.s32 $0x1D, v17  }
0x540: {  	[tilespmem:s31+$0x1D480] =	vst v18  }
0x541: {  	v18 =	vld.idx.msk [tilespmem:v33+s18+$0x0], $0xffff;
	[tilespmem:s31+$0x1D490] =	vst v20  }
0x542: {  	v37 =	vadd.s32 $0x1E, v14;
	[tilespmem:s31+$0x1D4A0] =	vst v22;
	v20 =	vld.idx.msk [tilespmem:v34+s18+$0x0], $0xffff  }
0x543: {  	v38 =	vadd.s32 $0x1E, v15;
	[tilespmem:s31+$0x1D4B0] =	vst v24;
	v22 =	vld.idx.msk [tilespmem:v35+s18+$0x0], $0xffff  }
0x544: {  	v39 =	vadd.s32 $0x1E, v16;
	v24 =	vld.idx.msk [tilespmem:v36+s18+$0x0], $0xffff  }
0x545: {  	v40 =	vadd.s32 $0x1E, v17  }
0x546: {  	[tilespmem:s31+$0x1D500] =	vst v18  }
0x547: {  	v18 =	vld.idx.msk [tilespmem:v37+s18+$0x0], $0xffff;
	[tilespmem:s31+$0x1D510] =	vst v20  }
0x548: {  	v41 =	vadd.s32 $0x1F, v14;
	[tilespmem:s31+$0x1D520] =	vst v22;
	v20 =	vld.idx.msk [tilespmem:v38+s18+$0x0], $0xffff  }
0x549: {  	v42 =	vadd.s32 $0x1F, v15;
	[tilespmem:s31+$0x1D530] =	vst v24;
	v22 =	vld.idx.msk [tilespmem:v39+s18+$0x0], $0xffff  }
0x54a: {  	v43 =	vadd.s32 $0x1F, v16;
	v24 =	vld.idx.msk [tilespmem:v40+s18+$0x0], $0xffff  }
0x54b: {  	v44 =	vadd.s32 $0x1F, v17  }
0x54c: {  	[tilespmem:s31+$0x1D580] =	vst v18  }
0x54d: {  	v18 =	vld.idx.msk [tilespmem:v41+s18+$0x0], $0xffff;
	[tilespmem:s31+$0x1D590] =	vst v20  }
0x54e: {  	v45 =	vadd.s32 $0x20, v14;
	[tilespmem:s31+$0x1D5A0] =	vst v22;
	v20 =	vld.idx.msk [tilespmem:v42+s18+$0x0], $0xffff  }
0x54f: {  	v46 =	vadd.s32 $0x20, v15;
	[tilespmem:s31+$0x1D5B0] =	vst v24;
	v22 =	vld.idx.msk [tilespmem:v43+s18+$0x0], $0xffff  }
0x550: {  	v47 =	vadd.s32 $0x20, v16;
	v24 =	vld.idx.msk [tilespmem:v44+s18+$0x0], $0xffff  }
0x551: {  	v48 =	vadd.s32 $0x20, v17  }
0x552: {  	[tilespmem:s31+$0x1D600] =	vst v18  }
0x553: {  	v18 =	vld.idx.msk [tilespmem:v45+s18+$0x0], $0xffff;
	[tilespmem:s31+$0x1D610] =	vst v20  }
0x554: {  	v49 =	vadd.s32 $0x21, v14;
	[tilespmem:s31+$0x1D620] =	vst v22;
	v20 =	vld.idx.msk [tilespmem:v46+s18+$0x0], $0xffff  }
0x555: {  	v50 =	vadd.s32 $0x21, v15;
	[tilespmem:s31+$0x1D630] =	vst v24;
	v22 =	vld.idx.msk [tilespmem:v47+s18+$0x0], $0xffff  }
0x556: {  	v51 =	vadd.s32 $0x21, v16;
	v24 =	vld.idx.msk [tilespmem:v48+s18+$0x0], $0xffff  }
0x557: {  	v52 =	vadd.s32 $0x21, v17  }
0x558: {  	[tilespmem:s31+$0x1D680] =	vst v18  }
0x559: {  	v18 =	vld.idx.msk [tilespmem:v49+s18+$0x0], $0xffff;
	[tilespmem:s31+$0x1D690] =	vst v20  }
0x55a: {  	v53 =	vadd.s32 $0x22, v14;
	[tilespmem:s31+$0x1D6A0] =	vst v22;
	v20 =	vld.idx.msk [tilespmem:v50+s18+$0x0], $0xffff  }
0x55b: {  	v54 =	vadd.s32 $0x22, v15;
	[tilespmem:s31+$0x1D6B0] =	vst v24;
	v22 =	vld.idx.msk [tilespmem:v51+s18+$0x0], $0xffff  }
0x55c: {  	v55 =	vadd.s32 $0x22, v16;
	v24 =	vld.idx.msk [tilespmem:v52+s18+$0x0], $0xffff  }
0x55d: {  	v56 =	vadd.s32 $0x22, v17  }
0x55e: {  	[tilespmem:s31+$0x1D700] =	vst v18  }
0x55f: {  	v18 =	vld.idx.msk [tilespmem:v53+s18+$0x0], $0xffff;
	[tilespmem:s31+$0x1D710] =	vst v20  }
0x560: {  	v57 =	vadd.s32 $0x23, v14;
	[tilespmem:s31+$0x1D720] =	vst v22;
	v20 =	vld.idx.msk [tilespmem:v54+s18+$0x0], $0xffff  }
0x561: {  	v58 =	vadd.s32 $0x23, v15;
	[tilespmem:s31+$0x1D730] =	vst v24;
	v22 =	vld.idx.msk [tilespmem:v55+s18+$0x0], $0xffff  }
0x562: {  	v59 =	vadd.s32 $0x23, v16;
	v24 =	vld.idx.msk [tilespmem:v56+s18+$0x0], $0xffff  }
0x563: {  	v60 =	vadd.s32 $0x23, v17  }
0x564: {  	[tilespmem:s31+$0x1D780] =	vst v18  }
0x565: {  	v18 =	vld.idx.msk [tilespmem:v57+s18+$0x0], $0xffff;
	[tilespmem:s31+$0x1D790] =	vst v20  }
0x566: {  	v61 =	vadd.s32 $0x24, v14;
	[tilespmem:s31+$0x1D7A0] =	vst v22;
	v20 =	vld.idx.msk [tilespmem:v58+s18+$0x0], $0xffff  }
0x567: {  	v62 =	vadd.s32 $0x24, v15;
	[tilespmem:s31+$0x1D7B0] =	vst v24;
	v22 =	vld.idx.msk [tilespmem:v59+s18+$0x0], $0xffff  }
0x568: {  	v63 =	vadd.s32 $0x24, v16;
	v24 =	vld.idx.msk [tilespmem:v60+s18+$0x0], $0xffff  }
0x569: {  	v28 =	vadd.s32 $0x24, v17  }
0x56a: {  	[tilespmem:s31+$0x1D800] =	vst v18  }
0x56b: {  	v18 =	vld.idx.msk [tilespmem:v61+s18+$0x0], $0xffff;
	[tilespmem:s31+$0x1D810] =	vst v20  }
0x56c: {  	v29 =	vadd.s32 $0x25, v14;
	[tilespmem:s31+$0x1D820] =	vst v22;
	v20 =	vld.idx.msk [tilespmem:v62+s18+$0x0], $0xffff  }
0x56d: {  	v30 =	vadd.s32 $0x25, v15;
	[tilespmem:s31+$0x1D830] =	vst v24;
	v22 =	vld.idx.msk [tilespmem:v63+s18+$0x0], $0xffff  }
0x56e: {  	v31 =	vadd.s32 $0x25, v16;
	v24 =	vld.idx.msk [tilespmem:v28+s18+$0x0], $0xffff  }
0x56f: {  	v32 =	vadd.s32 $0x25, v17  }
0x570: {  	[tilespmem:s31+$0x1D880] =	vst v18  }
0x571: {  	v18 =	vld.idx.msk [tilespmem:v29+s18+$0x0], $0xffff;
	[tilespmem:s31+$0x1D890] =	vst v20  }
0x572: {  	v33 =	vadd.s32 $0x26, v14;
	[tilespmem:s31+$0x1D8A0] =	vst v22;
	v20 =	vld.idx.msk [tilespmem:v30+s18+$0x0], $0xffff  }
0x573: {  	v34 =	vadd.s32 $0x26, v15;
	[tilespmem:s31+$0x1D8B0] =	vst v24;
	v22 =	vld.idx.msk [tilespmem:v31+s18+$0x0], $0xffff  }
0x574: {  	v35 =	vadd.s32 $0x26, v16;
	v24 =	vld.idx.msk [tilespmem:v32+s18+$0x0], $0xffff  }
0x575: {  	v36 =	vadd.s32 $0x26, v17  }
0x576: {  	[tilespmem:s31+$0x1D900] =	vst v18  }
0x577: {  	v18 =	vld.idx.msk [tilespmem:v33+s18+$0x0], $0xffff;
	[tilespmem:s31+$0x1D910] =	vst v20  }
0x578: {  	v37 =	vadd.s32 $0x27, v14;
	[tilespmem:s31+$0x1D920] =	vst v22;
	v20 =	vld.idx.msk [tilespmem:v34+s18+$0x0], $0xffff  }
0x579: {  	v38 =	vadd.s32 $0x27, v15;
	[tilespmem:s31+$0x1D930] =	vst v24;
	v22 =	vld.idx.msk [tilespmem:v35+s18+$0x0], $0xffff  }
0x57a: {  	v39 =	vadd.s32 $0x27, v16;
	v24 =	vld.idx.msk [tilespmem:v36+s18+$0x0], $0xffff  }
0x57b: {  	v40 =	vadd.s32 $0x27, v17  }
0x57c: {  	[tilespmem:s31+$0x1D980] =	vst v18  }
0x57d: {  	v18 =	vld.idx.msk [tilespmem:v37+s18+$0x0], $0xffff;
	[tilespmem:s31+$0x1D990] =	vst v20  }
0x57e: {  	v41 =	vadd.s32 $0x28, v14;
	[tilespmem:s31+$0x1D9A0] =	vst v22;
	v20 =	vld.idx.msk [tilespmem:v38+s18+$0x0], $0xffff  }
0x57f: {  	v42 =	vadd.s32 $0x28, v15;
	[tilespmem:s31+$0x1D9B0] =	vst v24;
	v22 =	vld.idx.msk [tilespmem:v39+s18+$0x0], $0xffff  }
0x580: {  	v43 =	vadd.s32 $0x28, v16;
	v24 =	vld.idx.msk [tilespmem:v40+s18+$0x0], $0xffff  }
0x581: {  	v44 =	vadd.s32 $0x28, v17  }
0x582: {  	[tilespmem:s31+$0x1DA00] =	vst v18  }
0x583: {  	v18 =	vld.idx.msk [tilespmem:v41+s18+$0x0], $0xffff;
	[tilespmem:s31+$0x1DA10] =	vst v20  }
0x584: {  	v45 =	vadd.s32 $0x29, v14;
	[tilespmem:s31+$0x1DA20] =	vst v22;
	v20 =	vld.idx.msk [tilespmem:v42+s18+$0x0], $0xffff  }
0x585: {  	v46 =	vadd.s32 $0x29, v15;
	[tilespmem:s31+$0x1DA30] =	vst v24;
	v22 =	vld.idx.msk [tilespmem:v43+s18+$0x0], $0xffff  }
0x586: {  	v47 =	vadd.s32 $0x29, v16;
	v24 =	vld.idx.msk [tilespmem:v44+s18+$0x0], $0xffff  }
0x587: {  	v48 =	vadd.s32 $0x29, v17  }
0x588: {  	[tilespmem:s31+$0x1DA80] =	vst v18  }
0x589: {  	v18 =	vld.idx.msk [tilespmem:v45+s18+$0x0], $0xffff;
	[tilespmem:s31+$0x1DA90] =	vst v20  }
0x58a: {  	v49 =	vadd.s32 $0x2A, v14;
	[tilespmem:s31+$0x1DAA0] =	vst v22;
	v20 =	vld.idx.msk [tilespmem:v46+s18+$0x0], $0xffff  }
0x58b: {  	v50 =	vadd.s32 $0x2A, v15;
	[tilespmem:s31+$0x1DAB0] =	vst v24;
	v22 =	vld.idx.msk [tilespmem:v47+s18+$0x0], $0xffff  }
0x58c: {  	v51 =	vadd.s32 $0x2A, v16;
	v24 =	vld.idx.msk [tilespmem:v48+s18+$0x0], $0xffff  }
0x58d: {  	v52 =	vadd.s32 $0x2A, v17  }
0x58e: {  	[tilespmem:s31+$0x1DB00] =	vst v18  }
0x58f: {  	v18 =	vld.idx.msk [tilespmem:v49+s18+$0x0], $0xffff;
	[tilespmem:s31+$0x1DB10] =	vst v20  }
0x590: {  	v53 =	vadd.s32 $0x2B, v14;
	[tilespmem:s31+$0x1DB20] =	vst v22;
	v20 =	vld.idx.msk [tilespmem:v50+s18+$0x0], $0xffff  }
0x591: {  	v54 =	vadd.s32 $0x2B, v15;
	[tilespmem:s31+$0x1DB30] =	vst v24;
	v22 =	vld.idx.msk [tilespmem:v51+s18+$0x0], $0xffff  }
0x592: {  	v55 =	vadd.s32 $0x2B, v16;
	v24 =	vld.idx.msk [tilespmem:v52+s18+$0x0], $0xffff  }
0x593: {  	v56 =	vadd.s32 $0x2B, v17  }
0x594: {  	[tilespmem:s31+$0x1DB80] =	vst v18  }
0x595: {  	v18 =	vld.idx.msk [tilespmem:v53+s18+$0x0], $0xffff;
	[tilespmem:s31+$0x1DB90] =	vst v20  }
0x596: {  	v57 =	vadd.s32 $0x2C, v14;
	[tilespmem:s31+$0x1DBA0] =	vst v22;
	v20 =	vld.idx.msk [tilespmem:v54+s18+$0x0], $0xffff  }
0x597: {  	v58 =	vadd.s32 $0x2C, v15;
	[tilespmem:s31+$0x1DBB0] =	vst v24;
	v22 =	vld.idx.msk [tilespmem:v55+s18+$0x0], $0xffff  }
0x598: {  	v59 =	vadd.s32 $0x2C, v16;
	v24 =	vld.idx.msk [tilespmem:v56+s18+$0x0], $0xffff  }
0x599: {  	v60 =	vadd.s32 $0x2C, v17  }
0x59a: {  	[tilespmem:s31+$0x1DC00] =	vst v18  }
0x59b: {  	v18 =	vld.idx.msk [tilespmem:v57+s18+$0x0], $0xffff;
	[tilespmem:s31+$0x1DC10] =	vst v20  }
0x59c: {  	v61 =	vadd.s32 $0x2D, v14;
	[tilespmem:s31+$0x1DC20] =	vst v22;
	v20 =	vld.idx.msk [tilespmem:v58+s18+$0x0], $0xffff  }
0x59d: {  	v62 =	vadd.s32 $0x2D, v15;
	[tilespmem:s31+$0x1DC30] =	vst v24;
	v22 =	vld.idx.msk [tilespmem:v59+s18+$0x0], $0xffff  }
0x59e: {  	v63 =	vadd.s32 $0x2D, v16;
	v24 =	vld.idx.msk [tilespmem:v60+s18+$0x0], $0xffff  }
0x59f: {  	v28 =	vadd.s32 $0x2D, v17  }
0x5a0: {  	[tilespmem:s31+$0x1DC80] =	vst v18  }
0x5a1: {  	v18 =	vld.idx.msk [tilespmem:v61+s18+$0x0], $0xffff;
	[tilespmem:s31+$0x1DC90] =	vst v20  }
0x5a2: {  	v29 =	vadd.s32 $0x2E, v14;
	[tilespmem:s31+$0x1DCA0] =	vst v22;
	v20 =	vld.idx.msk [tilespmem:v62+s18+$0x0], $0xffff  }
0x5a3: {  	v30 =	vadd.s32 $0x2E, v15;
	[tilespmem:s31+$0x1DCB0] =	vst v24;
	v22 =	vld.idx.msk [tilespmem:v63+s18+$0x0], $0xffff  }
0x5a4: {  	v31 =	vadd.s32 $0x2E, v16;
	v24 =	vld.idx.msk [tilespmem:v28+s18+$0x0], $0xffff  }
0x5a5: {  	v32 =	vadd.s32 $0x2E, v17  }
0x5a6: {  	[tilespmem:s31+$0x1DD00] =	vst v18  }
0x5a7: {  	v18 =	vld.idx.msk [tilespmem:v29+s18+$0x0], $0xffff;
	[tilespmem:s31+$0x1DD10] =	vst v20  }
0x5a8: {  	v33 =	vadd.s32 $0x2F, v14;
	[tilespmem:s31+$0x1DD20] =	vst v22;
	v20 =	vld.idx.msk [tilespmem:v30+s18+$0x0], $0xffff  }
0x5a9: {  	v34 =	vadd.s32 $0x2F, v15;
	[tilespmem:s31+$0x1DD30] =	vst v24;
	v22 =	vld.idx.msk [tilespmem:v31+s18+$0x0], $0xffff  }
0x5aa: {  	v35 =	vadd.s32 $0x2F, v16;
	v24 =	vld.idx.msk [tilespmem:v32+s18+$0x0], $0xffff  }
0x5ab: {  	v36 =	vadd.s32 $0x2F, v17  }
0x5ac: {  	[tilespmem:s31+$0x1DD80] =	vst v18  }
0x5ad: {  	v18 =	vld.idx.msk [tilespmem:v33+s18+$0x0], $0xffff;
	[tilespmem:s31+$0x1DD90] =	vst v20  }
0x5ae: {  	v37 =	vadd.s32 $0x30, v14;
	[tilespmem:s31+$0x1DDA0] =	vst v22;
	v20 =	vld.idx.msk [tilespmem:v34+s18+$0x0], $0xffff  }
0x5af: {  	v38 =	vadd.s32 $0x30, v15;
	[tilespmem:s31+$0x1DDB0] =	vst v24;
	v22 =	vld.idx.msk [tilespmem:v35+s18+$0x0], $0xffff  }
0x5b0: {  	v39 =	vadd.s32 $0x30, v16;
	v24 =	vld.idx.msk [tilespmem:v36+s18+$0x0], $0xffff  }
0x5b1: {  	v40 =	vadd.s32 $0x30, v17  }
0x5b2: {  	[tilespmem:s31+$0x1DE00] =	vst v18  }
0x5b3: {  	v18 =	vld.idx.msk [tilespmem:v37+s18+$0x0], $0xffff;
	[tilespmem:s31+$0x1DE10] =	vst v20  }
0x5b4: {  	v41 =	vadd.s32 $0x31, v14;
	[tilespmem:s31+$0x1DE20] =	vst v22;
	v20 =	vld.idx.msk [tilespmem:v38+s18+$0x0], $0xffff  }
0x5b5: {  	v42 =	vadd.s32 $0x31, v15;
	[tilespmem:s31+$0x1DE30] =	vst v24;
	v22 =	vld.idx.msk [tilespmem:v39+s18+$0x0], $0xffff  }
0x5b6: {  	v43 =	vadd.s32 $0x31, v16;
	v24 =	vld.idx.msk [tilespmem:v40+s18+$0x0], $0xffff  }
0x5b7: {  	v44 =	vadd.s32 $0x31, v17  }
0x5b8: {  	[tilespmem:s31+$0x1DE80] =	vst v18  }
0x5b9: {  	v18 =	vld.idx.msk [tilespmem:v41+s18+$0x0], $0xffff;
	[tilespmem:s31+$0x1DE90] =	vst v20  }
0x5ba: {  	v45 =	vadd.s32 $0x32, v14;
	[tilespmem:s31+$0x1DEA0] =	vst v22;
	v20 =	vld.idx.msk [tilespmem:v42+s18+$0x0], $0xffff  }
0x5bb: {  	v46 =	vadd.s32 $0x32, v15;
	[tilespmem:s31+$0x1DEB0] =	vst v24;
	v22 =	vld.idx.msk [tilespmem:v43+s18+$0x0], $0xffff  }
0x5bc: {  	v47 =	vadd.s32 $0x32, v16;
	v24 =	vld.idx.msk [tilespmem:v44+s18+$0x0], $0xffff  }
0x5bd: {  	v48 =	vadd.s32 $0x32, v17  }
0x5be: {  	[tilespmem:s31+$0x1DF00] =	vst v18  }
0x5bf: {  	v18 =	vld.idx.msk [tilespmem:v45+s18+$0x0], $0xffff;
	[tilespmem:s31+$0x1DF10] =	vst v20  }
0x5c0: {  	v49 =	vadd.s32 $0x33, v14;
	[tilespmem:s31+$0x1DF20] =	vst v22;
	v20 =	vld.idx.msk [tilespmem:v46+s18+$0x0], $0xffff  }
0x5c1: {  	v50 =	vadd.s32 $0x33, v15;
	[tilespmem:s31+$0x1DF30] =	vst v24;
	v22 =	vld.idx.msk [tilespmem:v47+s18+$0x0], $0xffff  }
0x5c2: {  	v51 =	vadd.s32 $0x33, v16;
	v24 =	vld.idx.msk [tilespmem:v48+s18+$0x0], $0xffff  }
0x5c3: {  	v52 =	vadd.s32 $0x33, v17  }
0x5c4: {  	[tilespmem:s31+$0x1DF80] =	vst v18  }
0x5c5: {  	v18 =	vld.idx.msk [tilespmem:v49+s18+$0x0], $0xffff;
	[tilespmem:s31+$0x1DF90] =	vst v20  }
0x5c6: {  	v53 =	vadd.s32 $0x34, v14;
	[tilespmem:s31+$0x1DFA0] =	vst v22;
	v20 =	vld.idx.msk [tilespmem:v50+s18+$0x0], $0xffff  }
0x5c7: {  	v54 =	vadd.s32 $0x34, v15;
	[tilespmem:s31+$0x1DFB0] =	vst v24;
	v22 =	vld.idx.msk [tilespmem:v51+s18+$0x0], $0xffff  }
0x5c8: {  	v55 =	vadd.s32 $0x34, v16;
	v24 =	vld.idx.msk [tilespmem:v52+s18+$0x0], $0xffff  }
0x5c9: {  	v56 =	vadd.s32 $0x34, v17  }
0x5ca: {  	[tilespmem:s31+$0x1E000] =	vst v18  }
0x5cb: {  	v18 =	vld.idx.msk [tilespmem:v53+s18+$0x0], $0xffff;
	[tilespmem:s31+$0x1E010] =	vst v20  }
0x5cc: {  	v57 =	vadd.s32 $0x35, v14;
	[tilespmem:s31+$0x1E020] =	vst v22;
	v20 =	vld.idx.msk [tilespmem:v54+s18+$0x0], $0xffff  }
0x5cd: {  	v58 =	vadd.s32 $0x35, v15;
	[tilespmem:s31+$0x1E030] =	vst v24;
	v22 =	vld.idx.msk [tilespmem:v55+s18+$0x0], $0xffff  }
0x5ce: {  	v59 =	vadd.s32 $0x35, v16;
	v24 =	vld.idx.msk [tilespmem:v56+s18+$0x0], $0xffff  }
0x5cf: {  	v60 =	vadd.s32 $0x35, v17  }
0x5d0: {  	[tilespmem:s31+$0x1E080] =	vst v18  }
0x5d1: {  	v18 =	vld.idx.msk [tilespmem:v57+s18+$0x0], $0xffff;
	[tilespmem:s31+$0x1E090] =	vst v20  }
0x5d2: {  	v61 =	vadd.s32 $0x36, v14;
	[tilespmem:s31+$0x1E0A0] =	vst v22;
	v20 =	vld.idx.msk [tilespmem:v58+s18+$0x0], $0xffff  }
0x5d3: {  	v62 =	vadd.s32 $0x36, v15;
	[tilespmem:s31+$0x1E0B0] =	vst v24;
	v22 =	vld.idx.msk [tilespmem:v59+s18+$0x0], $0xffff  }
0x5d4: {  	v63 =	vadd.s32 $0x36, v16;
	v24 =	vld.idx.msk [tilespmem:v60+s18+$0x0], $0xffff  }
0x5d5: {  	v28 =	vadd.s32 $0x36, v17  }
0x5d6: {  	[tilespmem:s31+$0x1E100] =	vst v18  }
0x5d7: {  	v18 =	vld.idx.msk [tilespmem:v61+s18+$0x0], $0xffff;
	[tilespmem:s31+$0x1E110] =	vst v20  }
0x5d8: {  	v29 =	vadd.s32 $0x37, v14;
	[tilespmem:s31+$0x1E120] =	vst v22;
	v20 =	vld.idx.msk [tilespmem:v62+s18+$0x0], $0xffff  }
0x5d9: {  	v30 =	vadd.s32 $0x37, v15;
	[tilespmem:s31+$0x1E130] =	vst v24;
	v22 =	vld.idx.msk [tilespmem:v63+s18+$0x0], $0xffff  }
0x5da: {  	v31 =	vadd.s32 $0x37, v16;
	v24 =	vld.idx.msk [tilespmem:v28+s18+$0x0], $0xffff  }
0x5db: {  	v32 =	vadd.s32 $0x37, v17  }
0x5dc: {  	[tilespmem:s31+$0x1E180] =	vst v18  }
0x5dd: {  	v18 =	vld.idx.msk [tilespmem:v29+s18+$0x0], $0xffff;
	[tilespmem:s31+$0x1E190] =	vst v20  }
0x5de: {  	v33 =	vadd.s32 $0x38, v14;
	[tilespmem:s31+$0x1E1A0] =	vst v22;
	v20 =	vld.idx.msk [tilespmem:v30+s18+$0x0], $0xffff  }
0x5df: {  	v34 =	vadd.s32 $0x38, v15;
	[tilespmem:s31+$0x1E1B0] =	vst v24;
	v22 =	vld.idx.msk [tilespmem:v31+s18+$0x0], $0xffff  }
0x5e0: {  	v35 =	vadd.s32 $0x38, v16;
	v24 =	vld.idx.msk [tilespmem:v32+s18+$0x0], $0xffff  }
0x5e1: {  	v36 =	vadd.s32 $0x38, v17  }
0x5e2: {  	[tilespmem:s31+$0x1E200] =	vst v18  }
0x5e3: {  	v18 =	vld.idx.msk [tilespmem:v33+s18+$0x0], $0xffff;
	[tilespmem:s31+$0x1E210] =	vst v20  }
0x5e4: {  	v37 =	vadd.s32 $0x39, v14;
	[tilespmem:s31+$0x1E220] =	vst v22;
	v20 =	vld.idx.msk [tilespmem:v34+s18+$0x0], $0xffff  }
0x5e5: {  	v38 =	vadd.s32 $0x39, v15;
	[tilespmem:s31+$0x1E230] =	vst v24;
	v22 =	vld.idx.msk [tilespmem:v35+s18+$0x0], $0xffff  }
0x5e6: {  	v39 =	vadd.s32 $0x39, v16;
	v24 =	vld.idx.msk [tilespmem:v36+s18+$0x0], $0xffff  }
0x5e7: {  	v40 =	vadd.s32 $0x39, v17  }
0x5e8: {  	[tilespmem:s31+$0x1E280] =	vst v18  }
0x5e9: {  	v18 =	vld.idx.msk [tilespmem:v37+s18+$0x0], $0xffff;
	[tilespmem:s31+$0x1E290] =	vst v20  }
0x5ea: {  	v41 =	vadd.s32 $0x3A, v14;
	[tilespmem:s31+$0x1E2A0] =	vst v22;
	v20 =	vld.idx.msk [tilespmem:v38+s18+$0x0], $0xffff  }
0x5eb: {  	v42 =	vadd.s32 $0x3A, v15;
	[tilespmem:s31+$0x1E2B0] =	vst v24;
	v22 =	vld.idx.msk [tilespmem:v39+s18+$0x0], $0xffff  }
0x5ec: {  	v43 =	vadd.s32 $0x3A, v16;
	v24 =	vld.idx.msk [tilespmem:v40+s18+$0x0], $0xffff  }
0x5ed: {  	v44 =	vadd.s32 $0x3A, v17  }
0x5ee: {  	[tilespmem:s31+$0x1E300] =	vst v18  }
0x5ef: {  	v18 =	vld.idx.msk [tilespmem:v41+s18+$0x0], $0xffff;
	[tilespmem:s31+$0x1E310] =	vst v20  }
0x5f0: {  	v45 =	vadd.s32 $0x3B, v14;
	[tilespmem:s31+$0x1E320] =	vst v22;
	v20 =	vld.idx.msk [tilespmem:v42+s18+$0x0], $0xffff  }
0x5f1: {  	v46 =	vadd.s32 $0x3B, v15;
	[tilespmem:s31+$0x1E330] =	vst v24;
	v22 =	vld.idx.msk [tilespmem:v43+s18+$0x0], $0xffff  }
0x5f2: {  	v47 =	vadd.s32 $0x3B, v16;
	v24 =	vld.idx.msk [tilespmem:v44+s18+$0x0], $0xffff  }
0x5f3: {  	v48 =	vadd.s32 $0x3B, v17  }
0x5f4: {  	[tilespmem:s31+$0x1E380] =	vst v18  }
0x5f5: {  	v18 =	vld.idx.msk [tilespmem:v45+s18+$0x0], $0xffff;
	[tilespmem:s31+$0x1E390] =	vst v20  }
0x5f6: {  	v49 =	vadd.s32 $0x3C, v14;
	[tilespmem:s31+$0x1E3A0] =	vst v22;
	v20 =	vld.idx.msk [tilespmem:v46+s18+$0x0], $0xffff  }
0x5f7: {  	v50 =	vadd.s32 $0x3C, v15;
	[tilespmem:s31+$0x1E3B0] =	vst v24;
	v22 =	vld.idx.msk [tilespmem:v47+s18+$0x0], $0xffff  }
0x5f8: {  	v51 =	vadd.s32 $0x3C, v16;
	v24 =	vld.idx.msk [tilespmem:v48+s18+$0x0], $0xffff  }
0x5f9: {  	v52 =	vadd.s32 $0x3C, v17  }
0x5fa: {  	[tilespmem:s31+$0x1E400] =	vst v18  }
0x5fb: {  	v18 =	vld.idx.msk [tilespmem:v49+s18+$0x0], $0xffff;
	[tilespmem:s31+$0x1E410] =	vst v20  }
0x5fc: {  	v53 =	vadd.s32 $0x3D, v14;
	[tilespmem:s31+$0x1E420] =	vst v22;
	v20 =	vld.idx.msk [tilespmem:v50+s18+$0x0], $0xffff  }
0x5fd: {  	v54 =	vadd.s32 $0x3D, v15;
	[tilespmem:s31+$0x1E430] =	vst v24;
	v22 =	vld.idx.msk [tilespmem:v51+s18+$0x0], $0xffff  }
0x5fe: {  	v55 =	vadd.s32 $0x3D, v16;
	v24 =	vld.idx.msk [tilespmem:v52+s18+$0x0], $0xffff  }
0x5ff: {  	v56 =	vadd.s32 $0x3D, v17  }
0x600: {  	[tilespmem:s31+$0x1E480] =	vst v18  }
0x601: {  	v18 =	vld.idx.msk [tilespmem:v53+s18+$0x0], $0xffff;
	[tilespmem:s31+$0x1E490] =	vst v20  }
0x602: {  	v57 =	vadd.s32 $0x3E, v14;
	[tilespmem:s31+$0x1E4A0] =	vst v22;
	v20 =	vld.idx.msk [tilespmem:v54+s18+$0x0], $0xffff  }
0x603: {  	v58 =	vadd.s32 $0x3E, v15;
	[tilespmem:s31+$0x1E4B0] =	vst v24;
	v22 =	vld.idx.msk [tilespmem:v55+s18+$0x0], $0xffff  }
0x604: {  	v59 =	vadd.s32 $0x3E, v16;
	v24 =	vld.idx.msk [tilespmem:v56+s18+$0x0], $0xffff  }
0x605: {  	v60 =	vadd.s32 $0x3E, v17  }
0x606: {  	[tilespmem:s31+$0x1E500] =	vst v18  }
0x607: {  	v18 =	vld.idx.msk [tilespmem:v57+s18+$0x0], $0xffff;
	[tilespmem:s31+$0x1E510] =	vst v20  }
0x608: {  	v14 =	vadd.s32 $0x3F, v14;
	[tilespmem:s31+$0x1E520] =	vst v22;
	v61 =	vld.idx.msk [tilespmem:v58+s18+$0x0], $0xffff  }
0x609: {  	v15 =	vadd.s32 $0x3F, v15;
	[tilespmem:s31+$0x1E530] =	vst v24;
	v62 =	vld.idx.msk [tilespmem:v59+s18+$0x0], $0xffff  }
0x60a: {  	v16 =	vadd.s32 $0x3F, v16;
	v63 =	vld.idx.msk [tilespmem:v60+s18+$0x0], $0xffff  }
0x60b: {  	v17 =	vadd.s32 $0x3F, v17  }
0x60c: {  	[tilespmem:s31+$0x1E580] =	vst v18  }
0x60d: {  	v14 =	vld.idx.msk [tilespmem:v14+s18+$0x0], $0xffff;
	[tilespmem:s31+$0x1E590] =	vst v61  }
0x60e: {  	[tilespmem:s31+$0x1E5A0] =	vst v62;
	v15 =	vld.idx.msk [tilespmem:v15+s18+$0x0], $0xffff  }
0x60f: {  	[tilespmem:s31+$0x1E5B0] =	vst v63;
	v16 =	vld.idx.msk [tilespmem:v16+s18+$0x0], $0xffff  }
0x610: {  	p1 =	por p0, p0;
	v17 =	vld.idx.msk [tilespmem:v17+s18+$0x0], $0xffff  }
.Ltmp10:
0x611: {  	_ = 	snop;
	(pc) =	sbr.rel @p1 .LBB2_23-.Ltmp10, $4  }
0x612: {  	[tilespmem:s31+$0x1E600] =	vst v14  }
0x613: {  	[tilespmem:s31+$0x1E610] =	vst v15  }
0x614: {  	[tilespmem:s31+$0x1E620] =	vst v16  }
0x615: {  	p0 =	por $0x0, $0x0;
	[tilespmem:s31+$0x1E630] =	vst v17;
	s31 =	simm.s32 $0x40  }
0x616: {  	s29 =	sadd.s32 $0x1, s29  }
0x617: {  	p0 =	sne.s32 s29, $0x64  }
.Ltmp11:
0x618: {  	_ = 	snop;
	(pc) =	sbr.rel @p0 .LBB2_20-.Ltmp11, $4  }
0x619: {  	_ = 	snop  }
0x61a: {  	s0 =	sshll.u32 s30, $0xF  }
0x61b: {  	s0 =	sadd.s32 s0, s13  }
0x61c: {  	[hbm4b:s0+s21] =	stream.strided.scatter [tilespmem:s24], [sflag:$0x5], $0x2000, s22, s21, $0x38;
	[tilespmem:$0x1E680] =	vst v63  }
0x61d: {  	s28 =	sadd.s32 $0x1, s28  }
0x61e: {  	_ =	swait.ge [sflag:s25], $0x2000;
	p0 =	sne.s32 s28, s14  }
.Ltmp12:
0x61f: {  	[sflag:s25] =	ssyncset.done $0x0;
	(pc) =	sbr.rel @p0 .LBB2_1-.Ltmp12, $4  }
0x620: {  	[sflag:s25] =	ssyncadd.s32 $0xFFFFE000  }
0x621: {  	_ =	swait.ge [sflag:s26], $0x2000  }
0x622: {  	[sflag:s26] =	ssyncset.done $0x0  }
0x623: {  	[sflag:s26] =	ssyncadd.s32 $0xFFFFE000  }
0x624: {  	_ =	sfence.sel $0x180000  }
0x625: {  	[bflag:$0x0] =	sbarrier.arrive $0xFFFF  }
0x626: {  	_ =	strace $0x90000047  }
0x627: {  	s0 =	stileid.u32;
	[bflag:$0x2] =	sbarrier.arrive $0xFFFF  }
0x628: {  	p0 =	sne.s32 s0, $0x0;
	s0 =	rddreg [dreg:$0x2]  }
0x629: {  	s0 =	sadd.s32 @!p0 $0x100000, s0  }
0x62a: {  	[sflag:s0] =	ssyncadd.tile.s32 @!p0 $0x1;
	_ =	shalt  }
.Lfunc_end2:
_tile_overlayer_lowered:
.L_overlay_start_2:
0x62b: {  	(tag) =	ssettag $0x2  }
0x62c: {  	s0 =	rddreg [dreg:$0x0];
	s2 =	stileid.u32  }
0x62d: {  	s1 =	rddreg [dreg:$0x1];
	p0 =	sne.s32 s2, $0x0  }
0x62e: {  	s3 =	rddreg [dreg:$0x2];
	[bflag:$0x3] =	sbarrier.arrive $0xFFFF;
	s2 =	simm.s32 @!p0 $0x1C06  }
0x62f: {  	[timem:s3], [sflag:s2] =	dma.local @!p0 [hbm:s0], s1  }
0x630: {  	s0 =	simm.s32 @!p0 $0x6  }
0x631: {  	_ =	swait.ge @!p0 [sflag:s0], s1  }
0x632: {  	s1 =	ssub.s32 @!p0 $0x0, s1;
	[sflag:s0] =	ssyncset.done @!p0 $0x0  }
0x633: {  	[sflag:s0] =	ssyncadd.s32 @!p0 s1  }
0x634: {  	[bflag:$0x3] =	sbarrier.arrive $0xFFFF  }
0x635: {  	_ =	shalt  }

</sc_bundles>
